<compile_context>
chip_gen: v7x
topology: tpu7x:2x2x1
jax: 0.10.2.dev20260603
libtpu: 0.0.44.dev20260713+nightly
codegen_flags: <defaults>
</compile_context>

<pallas_src>
import functools

import jax
import jax.numpy as jnp
from jax import lax
from jax.experimental import pallas as pl
from jax.experimental.pallas import tpu as pltpu
from jax.experimental.pallas import tpu_sc as plsc

L = 16
NC = 2
NS = 16
NW = NC * NS
G = 128
NB = 8


@functools.partial(jax.jit, static_argnums=(3, 4, 5))
def _lookup(idx, first_table, second_table, n_per_w, slice_rows, ns):
    dim = first_table.shape[1]
    n_total = idx.shape[0]
    nb = n_total // ns
    buf_n = n_per_w + G

    mesh = plsc.VectorSubcoreMesh(core_axis_name="c", subcore_axis_name="s")

    @functools.partial(
        pl.kernel,
        out_type=jax.ShapeDtypeStruct((n_total, dim), jnp.float32),
        mesh=mesh,
        compiler_params=pltpu.CompilerParams(
            use_tc_tiling_on_sc=False, needs_layout_passes=False),
        scratch_types=dict(
            idx_v=pltpu.VMEM((n_per_w,), jnp.int32),
            idx1_v=pltpu.VMEM((buf_n,), jnp.int32),
            pos1_v=pltpu.VMEM((buf_n,), jnp.int32),
            idx2_v=pltpu.VMEM((buf_n,), jnp.int32),
            pos2_v=pltpu.VMEM((buf_n,), jnp.int32),
            rows_v=pltpu.VMEM((NB, G, dim), jnp.float32),
            sem_g=pltpu.SemaphoreType.DMA((NB,)),
            sem_s=pltpu.SemaphoreType.DMA((NB,)),
        ),
    )
    def k(idx_hbm, ft_hbm, st_hbm, out_hbm, *, idx_v, idx1_v, pos1_v,
          idx2_v, pos2_v, rows_v, sem_g, sem_s):
        wid = lax.axis_index("s") * NC + lax.axis_index("c")
        base = wid * n_per_w
        pltpu.sync_copy(idx_hbm.at[pl.ds(base, n_per_w)], idx_v)
        lanes = lax.iota(jnp.int32, L)

        trash = jnp.full((L,), buf_n - 1, jnp.int32)

        def half(i, o1, k):
            v = idx_v[pl.ds(i * 2 * L + k * L, L)]
            m1 = v < slice_rows
            c1 = plsc.cumsum(m1.astype(jnp.int32))
            f = base + i * 2 * L + k * L + lanes
            fb = f // ns
            p = (f - fb * ns) * nb + fb
            off1 = jnp.where(m1, o1 + c1 - 1, trash)
            off2 = jnp.where(m1, trash, (i * 2 * L + k * L - o1)
                             + (lanes - c1))
            plsc.store_scatter(idx1_v, [off1], v)
            plsc.store_scatter(pos1_v, [off1], p)
            plsc.store_scatter(idx2_v, [off2], v - slice_rows)
            plsc.store_scatter(pos2_v, [off2], p)
            return o1 + c1[L - 1]

        def step(i, o1):
            o1 = half(i, o1, 0)
            return half(i, o1, 1)

        nsteps = n_per_w // (2 * L)
        k1 = nsteps // 3
        o1p = lax.fori_loop(0, k1, step, jnp.int32(0))
        for b in range(NB):
            @pl.when((b + 1) * G <= o1p)
            def _():
                pltpu.async_copy(
                    ft_hbm.at[idx1_v.at[pl.ds(b * G, G)]],
                    rows_v.at[b], sem_g.at[b])

        n1 = lax.fori_loop(k1, nsteps, step, o1p)
        n2 = n_per_w - n1

        def pad_dups(n, i_ref, p_ref):
            @pl.when(n > 0)
            def _():
                last = jnp.full((L,), n - 1, jnp.int32)
                li = plsc.load_gather(i_ref, [last])
                lp = plsc.load_gather(p_ref, [last])
                for t in range(G // L):
                    i_ref[pl.ds(n + t * L, L)] = li
                    p_ref[pl.ds(n + t * L, L)] = lp

        pad_dups(n1, idx1_v, pos1_v)
        pad_dups(n2, idx2_v, pos2_v)

        c1n = (n1 + G - 1) // G
        ct = c1n + (n2 + G - 1) // G

        def issue_gather(t, b):
            @pl.when(t < c1n)
            def _():
                pltpu.async_copy(
                    ft_hbm.at[idx1_v.at[pl.ds(t * G, G)]],
                    rows_v.at[b], sem_g.at[b])

            @pl.when(jnp.logical_and(t >= c1n, t < ct))
            def _():
                pltpu.async_copy(
                    st_hbm.at[idx2_v.at[pl.ds((t - c1n) * G, G)]],
                    rows_v.at[b], sem_g.at[b])

        def issue_scatter(t, b):
            @pl.when(t < c1n)
            def _():
                pltpu.async_copy(
                    rows_v.at[b], out_hbm.at[pos1_v.at[pl.ds(t * G, G)]],
                    sem_s.at[b])

            @pl.when(jnp.logical_and(t >= c1n, t < ct))
            def _():
                pltpu.async_copy(
                    rows_v.at[b],
                    out_hbm.at[pos2_v.at[pl.ds((t - c1n) * G, G)]],
                    sem_s.at[b])

        def drain(sem_b):
            pltpu.make_async_copy(
                ft_hbm.at[pl.ds(0, G)], rows_v.at[0], sem_b).wait()

        for b in range(NB):
            @pl.when((b + 1) * G > o1p)
            def _():
                issue_gather(jnp.int32(b), b)

        def round_body(r, _):
            t0 = r * NB
            for b in range(NB):
                t = t0 + b

                @pl.when(t < ct)
                def _():
                    drain(sem_g.at[b])
                issue_scatter(t, b)
            for b in range(NB):
                tn = t0 + b + NB

                @pl.when(tn < ct)
                def _():
                    drain(sem_s.at[b])
                issue_gather(tn, b)
            return 0

        rounds = (ct + NB - 1) // NB
        lax.fori_loop(0, rounds, round_body, 0)

        for b in range(NB):
            @pl.when(b < ct)
            def _():
                drain(sem_s.at[b])

    return k(idx, first_table, second_table)


def kernel(batch, first_table, second_table):
    idx = batch.reshape(-1).astype(jnp.int32)
    n_total = idx.shape[0]
    assert n_total % (NW * L) == 0
    ns = batch.shape[1]
    out = _lookup(idx, first_table, second_table, n_total // NW,
                  int(first_table.shape[0]), int(ns))
    x = out.reshape(ns, batch.shape[0], first_table.shape[1])
    return jnp.transpose(x, (1, 0, 2))

# --- scband reference (transcript-rebuilt; emitter-appended) ---
"""Pipeline reference for scband-sliced-embeddings-84817014161628 (READ-ONLY COPY).

The authoritative reference and input builder live on the scoring server;
editing this copy changes nothing except your own understanding.
"""

import jax, jax.numpy as jnp
import numpy as np

VOCAB = 100000
SLICE = 50000
DIM = 64

def setup_inputs(seed: int = 0) -> dict:
    key = jax.random.key(seed)
    k1, k2, k3 = jax.random.split(key, 3)
    batch = jax.random.randint(k1, (4096, 50), 0, VOCAB, dtype=jnp.int64) if jax.config.jax_enable_x64 else jax.random.randint(k1, (4096, 50), 0, VOCAB, dtype=jnp.int32)
    first_table = jax.random.normal(k2, (SLICE, DIM), dtype=jnp.float32)
    second_table = jax.random.normal(k3, (VOCAB - SLICE, DIM), dtype=jnp.float32)
    return {"batch": batch, "first_table": first_table, "second_table": second_table}

def reference(batch, first_table, second_table):
    # mask of ids belonging to the second slice
    num_first = first_table.shape[0]
    mask = batch >= num_first
    # ids into second table (0 where not masked)
    second_ids = jnp.where(mask, batch - num_first, 0)
    # ids into first table (0 where masked)
    first_ids = jnp.where(mask, 0, batch)
    emb_first = jnp.take(first_table, first_ids, axis=0)
    emb_second = jnp.take(second_table, second_ids, axis=0)
    embeddings = jnp.where(mask[..., None], emb_second, emb_first)
    return embeddings

if __name__ == "__main__":
    import jax
    _d = setup_inputs()
    print(jax.jit(kernel)(*tuple(_d.values())))

</pallas_src>

<mosaic_0001>
#map = affine_map<(d0, d1) -> (0)>
#map1 = affine_map<(d0, d1) -> (0, 0)>
module attributes {stable_mosaic.version = 14 : i64} {
  func.func @k(%arg0: i32, %arg1: i32, %arg2: memref<204800xi32, #tpu.memory_space<hbm>>, %arg3: memref<50000x64xf32, #tpu.memory_space<hbm>>, %arg4: memref<50000x64xf32, #tpu.memory_space<hbm>>, %arg5: memref<204800x64xf32, #tpu.memory_space<hbm>>, %arg6: memref<6528xi32, #tpu.memory_space<vmem>>, %arg7: memref<6528xi32, #tpu.memory_space<vmem>>, %arg8: memref<6400xi32, #tpu.memory_space<vmem>>, %arg9: memref<6528xi32, #tpu.memory_space<vmem>>, %arg10: memref<6528xi32, #tpu.memory_space<vmem>>, %arg11: memref<8x128x64xf32, #tpu.memory_space<vmem>>, %arg12: memref<8x!tpu.dma_semaphore, #tpu.memory_space<semaphore_mem>>, %arg13: memref<8x!tpu.dma_semaphore, #tpu.memory_space<semaphore_mem>>) attributes {dimension_semantics = [#tpu.dimension_semantics<core_parallel>, #tpu.dimension_semantics<subcore_parallel>], iteration_bounds = array<i64: 2, 16>, scalar_prefetch = 0 : i64, scratch_operands = 8 : i64, tpu.core_type = #tpu.core_type<sc_vector_subcore>, window_params = [{transform_indices = #map}, {transform_indices = #map1}, {transform_indices = #map1}, {transform_indices = #map1}]} {
    %mul3A = arith.constant 2 : i32
    %mul3A_0 = arith.muli %arg1, %mul3A : i32
    %add3A = arith.addi %mul3A_0, %arg0 : i32
    %mul3A_1 = arith.constant 6400 : i32
    %mul3A_2 = arith.muli %add3A, %mul3A_1 : i32
    "tpu.region"() ({
      %run_scoped3A = tpu.sem_alloc : memref<!tpu.dma_semaphore, #tpu.memory_space<semaphore_mem>>
      %dma_start3A = tpu.memref_slice %arg2[%mul3A_2] : memref<204800xi32, #tpu.memory_space<hbm>> -> memref<6400xi32, #tpu.memory_space<hbm>>
      %dma_start3A_231 = tpu.memref_slice %arg2[%mul3A_2] : memref<204800xi32, #tpu.memory_space<hbm>> -> memref<6400xi32, #tpu.memory_space<hbm>>
      tpu.enqueue_dma source(%dma_start3A_231 : memref<6400xi32, #tpu.memory_space<hbm>>) target(%arg8 : memref<6400xi32, #tpu.memory_space<vmem>>) target_semaphore(%run_scoped3A : memref<!tpu.dma_semaphore, #tpu.memory_space<semaphore_mem>>)
      %dma_wait3A = tpu.memref_slice %arg2[%mul3A_2] : memref<204800xi32, #tpu.memory_space<hbm>> -> memref<6400xi32, #tpu.memory_space<hbm>>
      %dma_wait3A_232 = tpu.memref_slice %arg2[%mul3A_2] : memref<204800xi32, #tpu.memory_space<hbm>> -> memref<6400xi32, #tpu.memory_space<hbm>>
      tpu.wait_dma2 semaphore(%run_scoped3A : memref<!tpu.dma_semaphore, #tpu.memory_space<semaphore_mem>>) src(%dma_wait3A_232 : memref<6400xi32, #tpu.memory_space<hbm>>) dst(%arg8 : memref<6400xi32, #tpu.memory_space<vmem>>)
      tpu.yield
    }) : () -> ()
    %iota3A = tpu.iota {dimensions = array<i32: 0>} : vector<16xi32>
    %broadcast_in_dim3A = arith.constant 6527 : i32
    %broadcast_in_dim3A_3 = vector.broadcast %broadcast_in_dim3A : i32 to vector<16xi32>
    %scan3A = arith.constant 0 : i32
    %scan3A_4 = arith.constant 0 : i32
    %scan3A_5 = arith.constant 66 : i32
    %scan3A_6 = arith.addi %scan3A_4, %scan3A_5 : i32
    %scan3A_7 = arith.constant 1 : i32
    %scan3A_8 = scf.for %scan3A_231 = %scan3A_4 to %scan3A_6 step %scan3A_7 iter_args(%scan3A_232 = %scan3A) -> (i32)  : i32 {
      %mul3A_233 = arith.constant 2 : i32
      %mul3A_234 = arith.muli %scan3A_231, %mul3A_233 : i32
      %mul3A_235 = arith.constant 16 : i32
      %mul3A_236 = arith.muli %mul3A_234, %mul3A_235 : i32
      %add3A_237 = arith.constant 0 : i32
      %add3A_238 = arith.addi %mul3A_236, %add3A_237 : i32
      %get3A = arith.index_cast %add3A_238 : i32 to index
      %get3A_239 = tpu.vector_load %arg8[%get3A] {strides = array<i32>} : memref<6400xi32, #tpu.memory_space<vmem>>, vector<16xi32>,
      %lt3A_240 = arith.constant 50000 : i32
      %lt3A_241 = vector.broadcast %lt3A_240 : i32 to vector<16xi32>
      %lt3A_242 = arith.cmpi slt, %get3A_239, %lt3A_241 : vector<16xi32>
      %convert_element_type3A_243 = arith.extui %lt3A_242 : vector<16xi1> to vector<16xi32>
      %broadcast_in_dim3A_244 = arith.constant true
      %broadcast_in_dim3A_245 = vector.broadcast %broadcast_in_dim3A_244 : i1 to vector<16xi1>
      %masked_cumsum3A = tpu.scan <sum>, %convert_element_type3A_243 masked %broadcast_in_dim3A_245 : vector<16xi32>, vector<16xi1> -> vector<16xi32>
      %mul3A_246 = arith.constant 2 : i32
      %mul3A_247 = arith.muli %scan3A_231, %mul3A_246 : i32
      %mul3A_248 = arith.constant 16 : i32
      %mul3A_249 = arith.muli %mul3A_247, %mul3A_248 : i32
      %add3A_250 = arith.addi %mul3A_2, %mul3A_249 : i32
      %add3A_251 = arith.constant 0 : i32
      %add3A_252 = arith.addi %add3A_250, %add3A_251 : i32
      %add3A_253 = vector.broadcast %add3A_252 : i32 to vector<16xi32>
      %add3A_254 = arith.addi %add3A_253, %iota3A : vector<16xi32>
      %jit3A_255 = arith.constant 50 : i32
      %div3A_256 = vector.broadcast %jit3A_255 : i32 to vector<16xi32>
      %div3A_257 = arith.divsi %add3A_254, %div3A_256 : vector<16xi32>
      %sign3A_258 = arith.constant 0 : i32
      %sign3A_259 = vector.broadcast %sign3A_258 : i32 to vector<16xi32>
      %sign3A_260 = arith.cmpi sgt, %add3A_254, %sign3A_259 : vector<16xi32>
      %sign3A_261 = arith.extui %sign3A_260 : vector<16xi1> to vector<16xi32>
      %sign3A_262 = arith.constant 0 : i32
      %sign3A_263 = vector.broadcast %sign3A_262 : i32 to vector<16xi32>
      %sign3A_264 = arith.cmpi slt, %add3A_254, %sign3A_263 : vector<16xi32>
      %sign3A_265 = arith.extui %sign3A_264 : vector<16xi1> to vector<16xi32>
      %sign3A_266 = arith.subi %sign3A_261, %sign3A_265 : vector<16xi32>
      %sign3A_267 = arith.constant 0 : i32
      %sign3A_268 = arith.cmpi sgt, %jit3A_255, %sign3A_267 : i32
      %sign3A_269 = arith.extui %sign3A_268 : i1 to i32
      %sign3A_270 = arith.constant 0 : i32
      %sign3A_271 = arith.cmpi slt, %jit3A_255, %sign3A_270 : i32
      %sign3A_272 = arith.extui %sign3A_271 : i1 to i32
      %sign3A_273 = arith.subi %sign3A_269, %sign3A_272 : i32
      %ne3A_274 = vector.broadcast %sign3A_273 : i32 to vector<16xi32>
      %ne3A_275 = arith.cmpi ne, %sign3A_266, %ne3A_274 : vector<16xi32>
      %rem3A_276 = vector.broadcast %jit3A_255 : i32 to vector<16xi32>
      %rem3A_277 = arith.remsi %add3A_254, %rem3A_276 : vector<16xi32>
      %ne3A_278 = arith.constant 0 : i32
      %ne3A_279 = vector.broadcast %ne3A_278 : i32 to vector<16xi32>
      %ne3A_280 = arith.cmpi ne, %rem3A_277, %ne3A_279 : vector<16xi32>
      %and3A_281 = arith.andi %ne3A_275, %ne3A_280 : vector<16xi1>
      %sub3A_282 = arith.constant 1 : i32
      %sub3A_283 = vector.broadcast %sub3A_282 : i32 to vector<16xi32>
      %sub3A_284 = arith.subi %div3A_257, %sub3A_283 : vector<16xi32>
      %select_n3A_285 = arith.select %and3A_281, %sub3A_284, %div3A_257 : vector<16xi1>, vector<16xi32>
      %mul3A_286 = arith.constant 50 : i32
      %mul3A_287 = vector.broadcast %mul3A_286 : i32 to vector<16xi32>
      %mul3A_288 = arith.muli %select_n3A_285, %mul3A_287 : vector<16xi32>
      %sub3A_289 = arith.subi %add3A_254, %mul3A_288 : vector<16xi32>
      %mul3A_290 = arith.constant 4096 : i32
      %mul3A_291 = vector.broadcast %mul3A_290 : i32 to vector<16xi32>
      %mul3A_292 = arith.muli %sub3A_289, %mul3A_291 : vector<16xi32>
      %add3A_293 = arith.addi %mul3A_292, %select_n3A_285 : vector<16xi32>
      %add3A_294 = vector.broadcast %scan3A_232 : i32 to vector<16xi32>
      %add3A_295 = arith.addi %add3A_294, %masked_cumsum3A : vector<16xi32>
      %sub3A_296 = arith.constant 1 : i32
      %sub3A_297 = vector.broadcast %sub3A_296 : i32 to vector<16xi32>
      %sub3A_298 = arith.subi %add3A_295, %sub3A_297 : vector<16xi32>
      %select_n3A_299 = arith.select %lt3A_242, %sub3A_298, %broadcast_in_dim3A_3 : vector<16xi1>, vector<16xi32>
      %mul3A_300 = arith.constant 2 : i32
      %mul3A_301 = arith.muli %scan3A_231, %mul3A_300 : i32
      %mul3A_302 = arith.constant 16 : i32
      %mul3A_303 = arith.muli %mul3A_301, %mul3A_302 : i32
      %add3A_304 = arith.constant 0 : i32
      %add3A_305 = arith.addi %mul3A_303, %add3A_304 : i32
      %sub3A_306 = arith.subi %add3A_305, %scan3A_232 : i32
      %sub3A_307 = arith.subi %iota3A, %masked_cumsum3A : vector<16xi32>
      %add3A_308 = vector.broadcast %sub3A_306 : i32 to vector<16xi32>
      %add3A_309 = arith.addi %add3A_308, %sub3A_307 : vector<16xi32>
      %select_n3A_310 = arith.select %lt3A_242, %broadcast_in_dim3A_3, %add3A_309 : vector<16xi1>, vector<16xi32>
      tpu.vector_store_idx %arg6[%select_n3A_299], %get3A_239 : memref<6528xi32, #tpu.memory_space<vmem>>[vector<16xi32>], vector<16xi32>,
      tpu.vector_store_idx %arg9[%select_n3A_299], %add3A_293 : memref<6528xi32, #tpu.memory_space<vmem>>[vector<16xi32>], vector<16xi32>,
      %sub3A_311 = arith.constant 50000 : i32
      %sub3A_312 = vector.broadcast %sub3A_311 : i32 to vector<16xi32>
      %sub3A_313 = arith.subi %get3A_239, %sub3A_312 : vector<16xi32>
      tpu.vector_store_idx %arg7[%select_n3A_310], %sub3A_313 : memref<6528xi32, #tpu.memory_space<vmem>>[vector<16xi32>], vector<16xi32>,
      tpu.vector_store_idx %arg10[%select_n3A_310], %add3A_293 : memref<6528xi32, #tpu.memory_space<vmem>>[vector<16xi32>], vector<16xi32>,
      %slice3A = vector.extract_strided_slice %masked_cumsum3A {offsets = [15], sizes = [1], strides = [1]} : vector<16xi32> to vector<1xi32>
      %squeeze3A = vector.extract %slice3A[0] : i32 from vector<1xi32>
      %add3A_314 = arith.addi %scan3A_232, %squeeze3A : i32
      %mul3A_315 = arith.constant 2 : i32
      %mul3A_316 = arith.muli %scan3A_231, %mul3A_315 : i32
      %mul3A_317 = arith.constant 16 : i32
      %mul3A_318 = arith.muli %mul3A_316, %mul3A_317 : i32
      %add3A_319 = arith.constant 16 : i32
      %add3A_320 = arith.addi %mul3A_318, %add3A_319 : i32
      %get3A_321 = arith.index_cast %add3A_320 : i32 to index
      %get3A_322 = tpu.vector_load %arg8[%get3A_321] {strides = array<i32>} : memref<6400xi32, #tpu.memory_space<vmem>>, vector<16xi32>,
      %lt3A_323 = arith.constant 50000 : i32
      %lt3A_324 = vector.broadcast %lt3A_323 : i32 to vector<16xi32>
      %lt3A_325 = arith.cmpi slt, %get3A_322, %lt3A_324 : vector<16xi32>
      %convert_element_type3A_326 = arith.extui %lt3A_325 : vector<16xi1> to vector<16xi32>
      %broadcast_in_dim3A_327 = arith.constant true
      %broadcast_in_dim3A_328 = vector.broadcast %broadcast_in_dim3A_327 : i1 to vector<16xi1>
      %masked_cumsum3A_329 = tpu.scan <sum>, %convert_element_type3A_326 masked %broadcast_in_dim3A_328 : vector<16xi32>, vector<16xi1> -> vector<16xi32>
      %mul3A_330 = arith.constant 2 : i32
      %mul3A_331 = arith.muli %scan3A_231, %mul3A_330 : i32
      %mul3A_332 = arith.constant 16 : i32
      %mul3A_333 = arith.muli %mul3A_331, %mul3A_332 : i32
      %add3A_334 = arith.addi %mul3A_2, %mul3A_333 : i32
      %add3A_335 = arith.constant 16 : i32
      %add3A_336 = arith.addi %add3A_334, %add3A_335 : i32
      %add3A_337 = vector.broadcast %add3A_336 : i32 to vector<16xi32>
      %add3A_338 = arith.addi %add3A_337, %iota3A : vector<16xi32>
      %jit3A_339 = arith.constant 50 : i32
      %div3A_340 = vector.broadcast %jit3A_339 : i32 to vector<16xi32>
      %div3A_341 = arith.divsi %add3A_338, %div3A_340 : vector<16xi32>
      %sign3A_342 = arith.constant 0 : i32
      %sign3A_343 = vector.broadcast %sign3A_342 : i32 to vector<16xi32>
      %sign3A_344 = arith.cmpi sgt, %add3A_338, %sign3A_343 : vector<16xi32>
      %sign3A_345 = arith.extui %sign3A_344 : vector<16xi1> to vector<16xi32>
      %sign3A_346 = arith.constant 0 : i32
      %sign3A_347 = vector.broadcast %sign3A_346 : i32 to vector<16xi32>
      %sign3A_348 = arith.cmpi slt, %add3A_338, %sign3A_347 : vector<16xi32>
      %sign3A_349 = arith.extui %sign3A_348 : vector<16xi1> to vector<16xi32>
      %sign3A_350 = arith.subi %sign3A_345, %sign3A_349 : vector<16xi32>
      %sign3A_351 = arith.constant 0 : i32
      %sign3A_352 = arith.cmpi sgt, %jit3A_339, %sign3A_351 : i32
      %sign3A_353 = arith.extui %sign3A_352 : i1 to i32
      %sign3A_354 = arith.constant 0 : i32
      %sign3A_355 = arith.cmpi slt, %jit3A_339, %sign3A_354 : i32
      %sign3A_356 = arith.extui %sign3A_355 : i1 to i32
      %sign3A_357 = arith.subi %sign3A_353, %sign3A_356 : i32
      %ne3A_358 = vector.broadcast %sign3A_357 : i32 to vector<16xi32>
      %ne3A_359 = arith.cmpi ne, %sign3A_350, %ne3A_358 : vector<16xi32>
      %rem3A_360 = vector.broadcast %jit3A_339 : i32 to vector<16xi32>
      %rem3A_361 = arith.remsi %add3A_338, %rem3A_360 : vector<16xi32>
      %ne3A_362 = arith.constant 0 : i32
      %ne3A_363 = vector.broadcast %ne3A_362 : i32 to vector<16xi32>
      %ne3A_364 = arith.cmpi ne, %rem3A_361, %ne3A_363 : vector<16xi32>
      %and3A_365 = arith.andi %ne3A_359, %ne3A_364 : vector<16xi1>
      %sub3A_366 = arith.constant 1 : i32
      %sub3A_367 = vector.broadcast %sub3A_366 : i32 to vector<16xi32>
      %sub3A_368 = arith.subi %div3A_341, %sub3A_367 : vector<16xi32>
      %select_n3A_369 = arith.select %and3A_365, %sub3A_368, %div3A_341 : vector<16xi1>, vector<16xi32>
      %mul3A_370 = arith.constant 50 : i32
      %mul3A_371 = vector.broadcast %mul3A_370 : i32 to vector<16xi32>
      %mul3A_372 = arith.muli %select_n3A_369, %mul3A_371 : vector<16xi32>
      %sub3A_373 = arith.subi %add3A_338, %mul3A_372 : vector<16xi32>
      %mul3A_374 = arith.constant 4096 : i32
      %mul3A_375 = vector.broadcast %mul3A_374 : i32 to vector<16xi32>
      %mul3A_376 = arith.muli %sub3A_373, %mul3A_375 : vector<16xi32>
      %add3A_377 = arith.addi %mul3A_376, %select_n3A_369 : vector<16xi32>
      %add3A_378 = vector.broadcast %add3A_314 : i32 to vector<16xi32>
      %add3A_379 = arith.addi %add3A_378, %masked_cumsum3A_329 : vector<16xi32>
      %sub3A_380 = arith.constant 1 : i32
      %sub3A_381 = vector.broadcast %sub3A_380 : i32 to vector<16xi32>
      %sub3A_382 = arith.subi %add3A_379, %sub3A_381 : vector<16xi32>
      %select_n3A_383 = arith.select %lt3A_325, %sub3A_382, %broadcast_in_dim3A_3 : vector<16xi1>, vector<16xi32>
      %mul3A_384 = arith.constant 2 : i32
      %mul3A_385 = arith.muli %scan3A_231, %mul3A_384 : i32
      %mul3A_386 = arith.constant 16 : i32
      %mul3A_387 = arith.muli %mul3A_385, %mul3A_386 : i32
      %add3A_388 = arith.constant 16 : i32
      %add3A_389 = arith.addi %mul3A_387, %add3A_388 : i32
      %sub3A_390 = arith.subi %add3A_389, %add3A_314 : i32
      %sub3A_391 = arith.subi %iota3A, %masked_cumsum3A_329 : vector<16xi32>
      %add3A_392 = vector.broadcast %sub3A_390 : i32 to vector<16xi32>
      %add3A_393 = arith.addi %add3A_392, %sub3A_391 : vector<16xi32>
      %select_n3A_394 = arith.select %lt3A_325, %broadcast_in_dim3A_3, %add3A_393 : vector<16xi1>, vector<16xi32>
      tpu.vector_store_idx %arg6[%select_n3A_383], %get3A_322 : memref<6528xi32, #tpu.memory_space<vmem>>[vector<16xi32>], vector<16xi32>,
      tpu.vector_store_idx %arg9[%select_n3A_383], %add3A_377 : memref<6528xi32, #tpu.memory_space<vmem>>[vector<16xi32>], vector<16xi32>,
      %sub3A_395 = arith.constant 50000 : i32
      %sub3A_396 = vector.broadcast %sub3A_395 : i32 to vector<16xi32>
      %sub3A_397 = arith.subi %get3A_322, %sub3A_396 : vector<16xi32>
      tpu.vector_store_idx %arg7[%select_n3A_394], %sub3A_397 : memref<6528xi32, #tpu.memory_space<vmem>>[vector<16xi32>], vector<16xi32>,
      tpu.vector_store_idx %arg10[%select_n3A_394], %add3A_377 : memref<6528xi32, #tpu.memory_space<vmem>>[vector<16xi32>], vector<16xi32>,
      %slice3A_398 = vector.extract_strided_slice %masked_cumsum3A_329 {offsets = [15], sizes = [1], strides = [1]} : vector<16xi32> to vector<1xi32>
      %squeeze3A_399 = vector.extract %slice3A_398[0] : i32 from vector<1xi32>
      %add3A_400 = arith.addi %add3A_314, %squeeze3A_399 : i32
      scf.yield %add3A_400 : i32
    }
    %scan3A_9 = arith.constant 66 : i32
    %ge3A = arith.constant 128 : i32
    %ge3A_10 = arith.cmpi sge, %scan3A_8, %ge3A : i32
    %convert_element_type3A = arith.extui %ge3A_10 : i1 to i32
    %cond3A = arith.constant 0 : i32
    %cond3A_11 = arith.cmpi ne, %convert_element_type3A, %cond3A : i32
    scf.if %cond3A_11 {
      %dma_start3A = arith.constant 0 : i32
      %dma_start3A_231 = arith.constant 0 : i32
      %dma_start3A_232 = arith.constant 0 : i32
      %dma_start3A_233 = arith.constant 0 : i32
      %dma_start3A_234 = tpu.memref_slice %arg11[%dma_start3A, %dma_start3A_232, %dma_start3A_233] : memref<8x128x64xf32, #tpu.memory_space<vmem>> -> memref<1x128x64xf32, #tpu.memory_space<vmem>>
      %dma_start3A_235 = tpu.memref_squeeze %dma_start3A_234 : memref<1x128x64xf32, #tpu.memory_space<vmem>> -> memref<128x64xf32, #tpu.memory_space<vmem>>
      %dma_start3A_236 = arith.constant 0 : i32
      %dma_start3A_237 = tpu.memref_slice %arg6[%dma_start3A_236] : memref<6528xi32, #tpu.memory_space<vmem>> -> memref<128xi32, #tpu.memory_space<vmem>>
      %dma_start3A_238 = arith.constant 0 : i32
      %dma_start3A_239 = arith.constant 0 : i32
      %dma_start3A_240 = tpu.memref_slice %arg3[%dma_start3A_238, %dma_start3A_239] : memref<50000x64xf32, #tpu.memory_space<hbm>> -> memref<50000x64xf32, #tpu.memory_space<hbm>>
      %dma_start3A_241 = tpu.memref_slice %arg12[%dma_start3A_231] : memref<8x!tpu.dma_semaphore, #tpu.memory_space<semaphore_mem>> -> memref<1x!tpu.dma_semaphore, #tpu.memory_space<semaphore_mem>>
      %dma_start3A_242 = tpu.memref_squeeze %dma_start3A_241 : memref<1x!tpu.dma_semaphore, #tpu.memory_space<semaphore_mem>> -> memref<!tpu.dma_semaphore, #tpu.memory_space<semaphore_mem>>
      tpu.enqueue_indirect_dma source(%dma_start3A_240 : memref<50000x64xf32, #tpu.memory_space<hbm>>) target(%dma_start3A_235 : memref<128x64xf32, #tpu.memory_space<vmem>>) offsets(%dma_start3A_237 : memref<128xi32, #tpu.memory_space<vmem>>) semaphore(%dma_start3A_242 : memref<!tpu.dma_semaphore, #tpu.memory_space<semaphore_mem>>)
    } else {
    }
    %ge3A_12 = arith.constant 256 : i32
    %ge3A_13 = arith.cmpi sge, %scan3A_8, %ge3A_12 : i32
    %convert_element_type3A_14 = arith.extui %ge3A_13 : i1 to i32
    %cond3A_15 = arith.constant 0 : i32
    %cond3A_16 = arith.cmpi ne, %convert_element_type3A_14, %cond3A_15 : i32
    scf.if %cond3A_16 {
      %dma_start3A = arith.constant 1 : i32
      %dma_start3A_231 = arith.constant 1 : i32
      %dma_start3A_232 = arith.constant 0 : i32
      %dma_start3A_233 = arith.constant 0 : i32
      %dma_start3A_234 = tpu.memref_slice %arg11[%dma_start3A, %dma_start3A_232, %dma_start3A_233] : memref<8x128x64xf32, #tpu.memory_space<vmem>> -> memref<1x128x64xf32, #tpu.memory_space<vmem>>
      %dma_start3A_235 = tpu.memref_squeeze %dma_start3A_234 : memref<1x128x64xf32, #tpu.memory_space<vmem>> -> memref<128x64xf32, #tpu.memory_space<vmem>>
      %dma_start3A_236 = arith.constant 128 : i32
      %dma_start3A_237 = tpu.memref_slice %arg6[%dma_start3A_236] : memref<6528xi32, #tpu.memory_space<vmem>> -> memref<128xi32, #tpu.memory_space<vmem>>
      %dma_start3A_238 = arith.constant 0 : i32
      %dma_start3A_239 = arith.constant 0 : i32
      %dma_start3A_240 = tpu.memref_slice %arg3[%dma_start3A_238, %dma_start3A_239] : memref<50000x64xf32, #tpu.memory_space<hbm>> -> memref<50000x64xf32, #tpu.memory_space<hbm>>
      %dma_start3A_241 = tpu.memref_slice %arg12[%dma_start3A_231] : memref<8x!tpu.dma_semaphore, #tpu.memory_space<semaphore_mem>> -> memref<1x!tpu.dma_semaphore, #tpu.memory_space<semaphore_mem>>
      %dma_start3A_242 = tpu.memref_squeeze %dma_start3A_241 : memref<1x!tpu.dma_semaphore, #tpu.memory_space<semaphore_mem>> -> memref<!tpu.dma_semaphore, #tpu.memory_space<semaphore_mem>>
      tpu.enqueue_indirect_dma source(%dma_start3A_240 : memref<50000x64xf32, #tpu.memory_space<hbm>>) target(%dma_start3A_235 : memref<128x64xf32, #tpu.memory_space<vmem>>) offsets(%dma_start3A_237 : memref<128xi32, #tpu.memory_space<vmem>>) semaphore(%dma_start3A_242 : memref<!tpu.dma_semaphore, #tpu.memory_space<semaphore_mem>>)
    } else {
    }
    %ge3A_17 = arith.constant 384 : i32
    %ge3A_18 = arith.cmpi sge, %scan3A_8, %ge3A_17 : i32
    %convert_element_type3A_19 = arith.extui %ge3A_18 : i1 to i32
    %cond3A_20 = arith.constant 0 : i32
    %cond3A_21 = arith.cmpi ne, %convert_element_type3A_19, %cond3A_20 : i32
    scf.if %cond3A_21 {
      %dma_start3A = arith.constant 2 : i32
      %dma_start3A_231 = arith.constant 2 : i32
      %dma_start3A_232 = arith.constant 0 : i32
      %dma_start3A_233 = arith.constant 0 : i32
      %dma_start3A_234 = tpu.memref_slice %arg11[%dma_start3A, %dma_start3A_232, %dma_start3A_233] : memref<8x128x64xf32, #tpu.memory_space<vmem>> -> memref<1x128x64xf32, #tpu.memory_space<vmem>>
      %dma_start3A_235 = tpu.memref_squeeze %dma_start3A_234 : memref<1x128x64xf32, #tpu.memory_space<vmem>> -> memref<128x64xf32, #tpu.memory_space<vmem>>
      %dma_start3A_236 = arith.constant 256 : i32
      %dma_start3A_237 = tpu.memref_slice %arg6[%dma_start3A_236] : memref<6528xi32, #tpu.memory_space<vmem>> -> memref<128xi32, #tpu.memory_space<vmem>>
      %dma_start3A_238 = arith.constant 0 : i32
      %dma_start3A_239 = arith.constant 0 : i32
      %dma_start3A_240 = tpu.memref_slice %arg3[%dma_start3A_238, %dma_start3A_239] : memref<50000x64xf32, #tpu.memory_space<hbm>> -> memref<50000x64xf32, #tpu.memory_space<hbm>>
      %dma_start3A_241 = tpu.memref_slice %arg12[%dma_start3A_231] : memref<8x!tpu.dma_semaphore, #tpu.memory_space<semaphore_mem>> -> memref<1x!tpu.dma_semaphore, #tpu.memory_space<semaphore_mem>>
      %dma_start3A_242 = tpu.memref_squeeze %dma_start3A_241 : memref<1x!tpu.dma_semaphore, #tpu.memory_space<semaphore_mem>> -> memref<!tpu.dma_semaphore, #tpu.memory_space<semaphore_mem>>
      tpu.enqueue_indirect_dma source(%dma_start3A_240 : memref<50000x64xf32, #tpu.memory_space<hbm>>) target(%dma_start3A_235 : memref<128x64xf32, #tpu.memory_space<vmem>>) offsets(%dma_start3A_237 : memref<128xi32, #tpu.memory_space<vmem>>) semaphore(%dma_start3A_242 : memref<!tpu.dma_semaphore, #tpu.memory_space<semaphore_mem>>)
    } else {
    }
    %ge3A_22 = arith.constant 512 : i32
    %ge3A_23 = arith.cmpi sge, %scan3A_8, %ge3A_22 : i32
    %convert_element_type3A_24 = arith.extui %ge3A_23 : i1 to i32
    %cond3A_25 = arith.constant 0 : i32
    %cond3A_26 = arith.cmpi ne, %convert_element_type3A_24, %cond3A_25 : i32
    scf.if %cond3A_26 {
      %dma_start3A = arith.constant 3 : i32
      %dma_start3A_231 = arith.constant 3 : i32
      %dma_start3A_232 = arith.constant 0 : i32
      %dma_start3A_233 = arith.constant 0 : i32
      %dma_start3A_234 = tpu.memref_slice %arg11[%dma_start3A, %dma_start3A_232, %dma_start3A_233] : memref<8x128x64xf32, #tpu.memory_space<vmem>> -> memref<1x128x64xf32, #tpu.memory_space<vmem>>
      %dma_start3A_235 = tpu.memref_squeeze %dma_start3A_234 : memref<1x128x64xf32, #tpu.memory_space<vmem>> -> memref<128x64xf32, #tpu.memory_space<vmem>>
      %dma_start3A_236 = arith.constant 384 : i32
      %dma_start3A_237 = tpu.memref_slice %arg6[%dma_start3A_236] : memref<6528xi32, #tpu.memory_space<vmem>> -> memref<128xi32, #tpu.memory_space<vmem>>
      %dma_start3A_238 = arith.constant 0 : i32
      %dma_start3A_239 = arith.constant 0 : i32
      %dma_start3A_240 = tpu.memref_slice %arg3[%dma_start3A_238, %dma_start3A_239] : memref<50000x64xf32, #tpu.memory_space<hbm>> -> memref<50000x64xf32, #tpu.memory_space<hbm>>
      %dma_start3A_241 = tpu.memref_slice %arg12[%dma_start3A_231] : memref<8x!tpu.dma_semaphore, #tpu.memory_space<semaphore_mem>> -> memref<1x!tpu.dma_semaphore, #tpu.memory_space<semaphore_mem>>
      %dma_start3A_242 = tpu.memref_squeeze %dma_start3A_241 : memref<1x!tpu.dma_semaphore, #tpu.memory_space<semaphore_mem>> -> memref<!tpu.dma_semaphore, #tpu.memory_space<semaphore_mem>>
      tpu.enqueue_indirect_dma source(%dma_start3A_240 : memref<50000x64xf32, #tpu.memory_space<hbm>>) target(%dma_start3A_235 : memref<128x64xf32, #tpu.memory_space<vmem>>) offsets(%dma_start3A_237 : memref<128xi32, #tpu.memory_space<vmem>>) semaphore(%dma_start3A_242 : memref<!tpu.dma_semaphore, #tpu.memory_space<semaphore_mem>>)
    } else {
    }
    %ge3A_27 = arith.constant 640 : i32
    %ge3A_28 = arith.cmpi sge, %scan3A_8, %ge3A_27 : i32
    %convert_element_type3A_29 = arith.extui %ge3A_28 : i1 to i32
    %cond3A_30 = arith.constant 0 : i32
    %cond3A_31 = arith.cmpi ne, %convert_element_type3A_29, %cond3A_30 : i32
    scf.if %cond3A_31 {
      %dma_start3A = arith.constant 4 : i32
      %dma_start3A_231 = arith.constant 4 : i32
      %dma_start3A_232 = arith.constant 0 : i32
      %dma_start3A_233 = arith.constant 0 : i32
      %dma_start3A_234 = tpu.memref_slice %arg11[%dma_start3A, %dma_start3A_232, %dma_start3A_233] : memref<8x128x64xf32, #tpu.memory_space<vmem>> -> memref<1x128x64xf32, #tpu.memory_space<vmem>>
      %dma_start3A_235 = tpu.memref_squeeze %dma_start3A_234 : memref<1x128x64xf32, #tpu.memory_space<vmem>> -> memref<128x64xf32, #tpu.memory_space<vmem>>
      %dma_start3A_236 = arith.constant 512 : i32
      %dma_start3A_237 = tpu.memref_slice %arg6[%dma_start3A_236] : memref<6528xi32, #tpu.memory_space<vmem>> -> memref<128xi32, #tpu.memory_space<vmem>>
      %dma_start3A_238 = arith.constant 0 : i32
      %dma_start3A_239 = arith.constant 0 : i32
      %dma_start3A_240 = tpu.memref_slice %arg3[%dma_start3A_238, %dma_start3A_239] : memref<50000x64xf32, #tpu.memory_space<hbm>> -> memref<50000x64xf32, #tpu.memory_space<hbm>>
      %dma_start3A_241 = tpu.memref_slice %arg12[%dma_start3A_231] : memref<8x!tpu.dma_semaphore, #tpu.memory_space<semaphore_mem>> -> memref<1x!tpu.dma_semaphore, #tpu.memory_space<semaphore_mem>>
      %dma_start3A_242 = tpu.memref_squeeze %dma_start3A_241 : memref<1x!tpu.dma_semaphore, #tpu.memory_space<semaphore_mem>> -> memref<!tpu.dma_semaphore, #tpu.memory_space<semaphore_mem>>
      tpu.enqueue_indirect_dma source(%dma_start3A_240 : memref<50000x64xf32, #tpu.memory_space<hbm>>) target(%dma_start3A_235 : memref<128x64xf32, #tpu.memory_space<vmem>>) offsets(%dma_start3A_237 : memref<128xi32, #tpu.memory_space<vmem>>) semaphore(%dma_start3A_242 : memref<!tpu.dma_semaphore, #tpu.memory_space<semaphore_mem>>)
    } else {
    }
    %ge3A_32 = arith.constant 768 : i32
    %ge3A_33 = arith.cmpi sge, %scan3A_8, %ge3A_32 : i32
    %convert_element_type3A_34 = arith.extui %ge3A_33 : i1 to i32
    %cond3A_35 = arith.constant 0 : i32
    %cond3A_36 = arith.cmpi ne, %convert_element_type3A_34, %cond3A_35 : i32
    scf.if %cond3A_36 {
      %dma_start3A = arith.constant 5 : i32
      %dma_start3A_231 = arith.constant 5 : i32
      %dma_start3A_232 = arith.constant 0 : i32
      %dma_start3A_233 = arith.constant 0 : i32
      %dma_start3A_234 = tpu.memref_slice %arg11[%dma_start3A, %dma_start3A_232, %dma_start3A_233] : memref<8x128x64xf32, #tpu.memory_space<vmem>> -> memref<1x128x64xf32, #tpu.memory_space<vmem>>
      %dma_start3A_235 = tpu.memref_squeeze %dma_start3A_234 : memref<1x128x64xf32, #tpu.memory_space<vmem>> -> memref<128x64xf32, #tpu.memory_space<vmem>>
      %dma_start3A_236 = arith.constant 640 : i32
      %dma_start3A_237 = tpu.memref_slice %arg6[%dma_start3A_236] : memref<6528xi32, #tpu.memory_space<vmem>> -> memref<128xi32, #tpu.memory_space<vmem>>
      %dma_start3A_238 = arith.constant 0 : i32
      %dma_start3A_239 = arith.constant 0 : i32
      %dma_start3A_240 = tpu.memref_slice %arg3[%dma_start3A_238, %dma_start3A_239] : memref<50000x64xf32, #tpu.memory_space<hbm>> -> memref<50000x64xf32, #tpu.memory_space<hbm>>
      %dma_start3A_241 = tpu.memref_slice %arg12[%dma_start3A_231] : memref<8x!tpu.dma_semaphore, #tpu.memory_space<semaphore_mem>> -> memref<1x!tpu.dma_semaphore, #tpu.memory_space<semaphore_mem>>
      %dma_start3A_242 = tpu.memref_squeeze %dma_start3A_241 : memref<1x!tpu.dma_semaphore, #tpu.memory_space<semaphore_mem>> -> memref<!tpu.dma_semaphore, #tpu.memory_space<semaphore_mem>>
      tpu.enqueue_indirect_dma source(%dma_start3A_240 : memref<50000x64xf32, #tpu.memory_space<hbm>>) target(%dma_start3A_235 : memref<128x64xf32, #tpu.memory_space<vmem>>) offsets(%dma_start3A_237 : memref<128xi32, #tpu.memory_space<vmem>>) semaphore(%dma_start3A_242 : memref<!tpu.dma_semaphore, #tpu.memory_space<semaphore_mem>>)
    } else {
    }
    %ge3A_37 = arith.constant 896 : i32
    %ge3A_38 = arith.cmpi sge, %scan3A_8, %ge3A_37 : i32
    %convert_element_type3A_39 = arith.extui %ge3A_38 : i1 to i32
    %cond3A_40 = arith.constant 0 : i32
    %cond3A_41 = arith.cmpi ne, %convert_element_type3A_39, %cond3A_40 : i32
    scf.if %cond3A_41 {
      %dma_start3A = arith.constant 6 : i32
      %dma_start3A_231 = arith.constant 6 : i32
      %dma_start3A_232 = arith.constant 0 : i32
      %dma_start3A_233 = arith.constant 0 : i32
      %dma_start3A_234 = tpu.memref_slice %arg11[%dma_start3A, %dma_start3A_232, %dma_start3A_233] : memref<8x128x64xf32, #tpu.memory_space<vmem>> -> memref<1x128x64xf32, #tpu.memory_space<vmem>>
      %dma_start3A_235 = tpu.memref_squeeze %dma_start3A_234 : memref<1x128x64xf32, #tpu.memory_space<vmem>> -> memref<128x64xf32, #tpu.memory_space<vmem>>
      %dma_start3A_236 = arith.constant 768 : i32
      %dma_start3A_237 = tpu.memref_slice %arg6[%dma_start3A_236] : memref<6528xi32, #tpu.memory_space<vmem>> -> memref<128xi32, #tpu.memory_space<vmem>>
      %dma_start3A_238 = arith.constant 0 : i32
      %dma_start3A_239 = arith.constant 0 : i32
      %dma_start3A_240 = tpu.memref_slice %arg3[%dma_start3A_238, %dma_start3A_239] : memref<50000x64xf32, #tpu.memory_space<hbm>> -> memref<50000x64xf32, #tpu.memory_space<hbm>>
      %dma_start3A_241 = tpu.memref_slice %arg12[%dma_start3A_231] : memref<8x!tpu.dma_semaphore, #tpu.memory_space<semaphore_mem>> -> memref<1x!tpu.dma_semaphore, #tpu.memory_space<semaphore_mem>>
      %dma_start3A_242 = tpu.memref_squeeze %dma_start3A_241 : memref<1x!tpu.dma_semaphore, #tpu.memory_space<semaphore_mem>> -> memref<!tpu.dma_semaphore, #tpu.memory_space<semaphore_mem>>
      tpu.enqueue_indirect_dma source(%dma_start3A_240 : memref<50000x64xf32, #tpu.memory_space<hbm>>) target(%dma_start3A_235 : memref<128x64xf32, #tpu.memory_space<vmem>>) offsets(%dma_start3A_237 : memref<128xi32, #tpu.memory_space<vmem>>) semaphore(%dma_start3A_242 : memref<!tpu.dma_semaphore, #tpu.memory_space<semaphore_mem>>)
    } else {
    }
    %ge3A_42 = arith.constant 1024 : i32
    %ge3A_43 = arith.cmpi sge, %scan3A_8, %ge3A_42 : i32
    %convert_element_type3A_44 = arith.extui %ge3A_43 : i1 to i32
    %cond3A_45 = arith.constant 0 : i32
    %cond3A_46 = arith.cmpi ne, %convert_element_type3A_44, %cond3A_45 : i32
    scf.if %cond3A_46 {
      %dma_start3A = arith.constant 7 : i32
      %dma_start3A_231 = arith.constant 7 : i32
      %dma_start3A_232 = arith.constant 0 : i32
      %dma_start3A_233 = arith.constant 0 : i32
      %dma_start3A_234 = tpu.memref_slice %arg11[%dma_start3A, %dma_start3A_232, %dma_start3A_233] : memref<8x128x64xf32, #tpu.memory_space<vmem>> -> memref<1x128x64xf32, #tpu.memory_space<vmem>>
      %dma_start3A_235 = tpu.memref_squeeze %dma_start3A_234 : memref<1x128x64xf32, #tpu.memory_space<vmem>> -> memref<128x64xf32, #tpu.memory_space<vmem>>
      %dma_start3A_236 = arith.constant 896 : i32
      %dma_start3A_237 = tpu.memref_slice %arg6[%dma_start3A_236] : memref<6528xi32, #tpu.memory_space<vmem>> -> memref<128xi32, #tpu.memory_space<vmem>>
      %dma_start3A_238 = arith.constant 0 : i32
      %dma_start3A_239 = arith.constant 0 : i32
      %dma_start3A_240 = tpu.memref_slice %arg3[%dma_start3A_238, %dma_start3A_239] : memref<50000x64xf32, #tpu.memory_space<hbm>> -> memref<50000x64xf32, #tpu.memory_space<hbm>>
      %dma_start3A_241 = tpu.memref_slice %arg12[%dma_start3A_231] : memref<8x!tpu.dma_semaphore, #tpu.memory_space<semaphore_mem>> -> memref<1x!tpu.dma_semaphore, #tpu.memory_space<semaphore_mem>>
      %dma_start3A_242 = tpu.memref_squeeze %dma_start3A_241 : memref<1x!tpu.dma_semaphore, #tpu.memory_space<semaphore_mem>> -> memref<!tpu.dma_semaphore, #tpu.memory_space<semaphore_mem>>
      tpu.enqueue_indirect_dma source(%dma_start3A_240 : memref<50000x64xf32, #tpu.memory_space<hbm>>) target(%dma_start3A_235 : memref<128x64xf32, #tpu.memory_space<vmem>>) offsets(%dma_start3A_237 : memref<128xi32, #tpu.memory_space<vmem>>) semaphore(%dma_start3A_242 : memref<!tpu.dma_semaphore, #tpu.memory_space<semaphore_mem>>)
    } else {
    }
    %scan3A_47 = arith.constant 66 : i32
    %scan3A_48 = arith.constant 134 : i32
    %scan3A_49 = arith.addi %scan3A_47, %scan3A_48 : i32
    %scan3A_50 = arith.constant 1 : i32
    %scan3A_51 = scf.for %scan3A_231 = %scan3A_47 to %scan3A_49 step %scan3A_50 iter_args(%scan3A_232 = %scan3A_8) -> (i32)  : i32 {
      %mul3A_233 = arith.constant 2 : i32
      %mul3A_234 = arith.muli %scan3A_231, %mul3A_233 : i32
      %mul3A_235 = arith.constant 16 : i32
      %mul3A_236 = arith.muli %mul3A_234, %mul3A_235 : i32
      %add3A_237 = arith.constant 0 : i32
      %add3A_238 = arith.addi %mul3A_236, %add3A_237 : i32
      %get3A = arith.index_cast %add3A_238 : i32 to index
      %get3A_239 = tpu.vector_load %arg8[%get3A] {strides = array<i32>} : memref<6400xi32, #tpu.memory_space<vmem>>, vector<16xi32>,
      %lt3A_240 = arith.constant 50000 : i32
      %lt3A_241 = vector.broadcast %lt3A_240 : i32 to vector<16xi32>
      %lt3A_242 = arith.cmpi slt, %get3A_239, %lt3A_241 : vector<16xi32>
      %convert_element_type3A_243 = arith.extui %lt3A_242 : vector<16xi1> to vector<16xi32>
      %broadcast_in_dim3A_244 = arith.constant true
      %broadcast_in_dim3A_245 = vector.broadcast %broadcast_in_dim3A_244 : i1 to vector<16xi1>
      %masked_cumsum3A = tpu.scan <sum>, %convert_element_type3A_243 masked %broadcast_in_dim3A_245 : vector<16xi32>, vector<16xi1> -> vector<16xi32>
      %mul3A_246 = arith.constant 2 : i32
      %mul3A_247 = arith.muli %scan3A_231, %mul3A_246 : i32
      %mul3A_248 = arith.constant 16 : i32
      %mul3A_249 = arith.muli %mul3A_247, %mul3A_248 : i32
      %add3A_250 = arith.addi %mul3A_2, %mul3A_249 : i32
      %add3A_251 = arith.constant 0 : i32
      %add3A_252 = arith.addi %add3A_250, %add3A_251 : i32
      %add3A_253 = vector.broadcast %add3A_252 : i32 to vector<16xi32>
      %add3A_254 = arith.addi %add3A_253, %iota3A : vector<16xi32>
      %jit3A_255 = arith.constant 50 : i32
      %div3A_256 = vector.broadcast %jit3A_255 : i32 to vector<16xi32>
      %div3A_257 = arith.divsi %add3A_254, %div3A_256 : vector<16xi32>
      %sign3A_258 = arith.constant 0 : i32
      %sign3A_259 = vector.broadcast %sign3A_258 : i32 to vector<16xi32>
      %sign3A_260 = arith.cmpi sgt, %add3A_254, %sign3A_259 : vector<16xi32>
      %sign3A_261 = arith.extui %sign3A_260 : vector<16xi1> to vector<16xi32>
      %sign3A_262 = arith.constant 0 : i32
      %sign3A_263 = vector.broadcast %sign3A_262 : i32 to vector<16xi32>
      %sign3A_264 = arith.cmpi slt, %add3A_254, %sign3A_263 : vector<16xi32>
      %sign3A_265 = arith.extui %sign3A_264 : vector<16xi1> to vector<16xi32>
      %sign3A_266 = arith.subi %sign3A_261, %sign3A_265 : vector<16xi32>
      %sign3A_267 = arith.constant 0 : i32
      %sign3A_268 = arith.cmpi sgt, %jit3A_255, %sign3A_267 : i32
      %sign3A_269 = arith.extui %sign3A_268 : i1 to i32
      %sign3A_270 = arith.constant 0 : i32
      %sign3A_271 = arith.cmpi slt, %jit3A_255, %sign3A_270 : i32
      %sign3A_272 = arith.extui %sign3A_271 : i1 to i32
      %sign3A_273 = arith.subi %sign3A_269, %sign3A_272 : i32
      %ne3A_274 = vector.broadcast %sign3A_273 : i32 to vector<16xi32>
      %ne3A_275 = arith.cmpi ne, %sign3A_266, %ne3A_274 : vector<16xi32>
      %rem3A_276 = vector.broadcast %jit3A_255 : i32 to vector<16xi32>
      %rem3A_277 = arith.remsi %add3A_254, %rem3A_276 : vector<16xi32>
      %ne3A_278 = arith.constant 0 : i32
      %ne3A_279 = vector.broadcast %ne3A_278 : i32 to vector<16xi32>
      %ne3A_280 = arith.cmpi ne, %rem3A_277, %ne3A_279 : vector<16xi32>
      %and3A_281 = arith.andi %ne3A_275, %ne3A_280 : vector<16xi1>
      %sub3A_282 = arith.constant 1 : i32
      %sub3A_283 = vector.broadcast %sub3A_282 : i32 to vector<16xi32>
      %sub3A_284 = arith.subi %div3A_257, %sub3A_283 : vector<16xi32>
      %select_n3A_285 = arith.select %and3A_281, %sub3A_284, %div3A_257 : vector<16xi1>, vector<16xi32>
      %mul3A_286 = arith.constant 50 : i32
      %mul3A_287 = vector.broadcast %mul3A_286 : i32 to vector<16xi32>
      %mul3A_288 = arith.muli %select_n3A_285, %mul3A_287 : vector<16xi32>
      %sub3A_289 = arith.subi %add3A_254, %mul3A_288 : vector<16xi32>
      %mul3A_290 = arith.constant 4096 : i32
      %mul3A_291 = vector.broadcast %mul3A_290 : i32 to vector<16xi32>
      %mul3A_292 = arith.muli %sub3A_289, %mul3A_291 : vector<16xi32>
      %add3A_293 = arith.addi %mul3A_292, %select_n3A_285 : vector<16xi32>
      %add3A_294 = vector.broadcast %scan3A_232 : i32 to vector<16xi32>
      %add3A_295 = arith.addi %add3A_294, %masked_cumsum3A : vector<16xi32>
      %sub3A_296 = arith.constant 1 : i32
      %sub3A_297 = vector.broadcast %sub3A_296 : i32 to vector<16xi32>
      %sub3A_298 = arith.subi %add3A_295, %sub3A_297 : vector<16xi32>
      %select_n3A_299 = arith.select %lt3A_242, %sub3A_298, %broadcast_in_dim3A_3 : vector<16xi1>, vector<16xi32>
      %mul3A_300 = arith.constant 2 : i32
      %mul3A_301 = arith.muli %scan3A_231, %mul3A_300 : i32
      %mul3A_302 = arith.constant 16 : i32
      %mul3A_303 = arith.muli %mul3A_301, %mul3A_302 : i32
      %add3A_304 = arith.constant 0 : i32
      %add3A_305 = arith.addi %mul3A_303, %add3A_304 : i32
      %sub3A_306 = arith.subi %add3A_305, %scan3A_232 : i32
      %sub3A_307 = arith.subi %iota3A, %masked_cumsum3A : vector<16xi32>
      %add3A_308 = vector.broadcast %sub3A_306 : i32 to vector<16xi32>
      %add3A_309 = arith.addi %add3A_308, %sub3A_307 : vector<16xi32>
      %select_n3A_310 = arith.select %lt3A_242, %broadcast_in_dim3A_3, %add3A_309 : vector<16xi1>, vector<16xi32>
      tpu.vector_store_idx %arg6[%select_n3A_299], %get3A_239 : memref<6528xi32, #tpu.memory_space<vmem>>[vector<16xi32>], vector<16xi32>,
      tpu.vector_store_idx %arg9[%select_n3A_299], %add3A_293 : memref<6528xi32, #tpu.memory_space<vmem>>[vector<16xi32>], vector<16xi32>,
      %sub3A_311 = arith.constant 50000 : i32
      %sub3A_312 = vector.broadcast %sub3A_311 : i32 to vector<16xi32>
      %sub3A_313 = arith.subi %get3A_239, %sub3A_312 : vector<16xi32>
      tpu.vector_store_idx %arg7[%select_n3A_310], %sub3A_313 : memref<6528xi32, #tpu.memory_space<vmem>>[vector<16xi32>], vector<16xi32>,
      tpu.vector_store_idx %arg10[%select_n3A_310], %add3A_293 : memref<6528xi32, #tpu.memory_space<vmem>>[vector<16xi32>], vector<16xi32>,
      %slice3A = vector.extract_strided_slice %masked_cumsum3A {offsets = [15], sizes = [1], strides = [1]} : vector<16xi32> to vector<1xi32>
      %squeeze3A = vector.extract %slice3A[0] : i32 from vector<1xi32>
      %add3A_314 = arith.addi %scan3A_232, %squeeze3A : i32
      %mul3A_315 = arith.constant 2 : i32
      %mul3A_316 = arith.muli %scan3A_231, %mul3A_315 : i32
      %mul3A_317 = arith.constant 16 : i32
      %mul3A_318 = arith.muli %mul3A_316, %mul3A_317 : i32
      %add3A_319 = arith.constant 16 : i32
      %add3A_320 = arith.addi %mul3A_318, %add3A_319 : i32
      %get3A_321 = arith.index_cast %add3A_320 : i32 to index
      %get3A_322 = tpu.vector_load %arg8[%get3A_321] {strides = array<i32>} : memref<6400xi32, #tpu.memory_space<vmem>>, vector<16xi32>,
      %lt3A_323 = arith.constant 50000 : i32
      %lt3A_324 = vector.broadcast %lt3A_323 : i32 to vector<16xi32>
      %lt3A_325 = arith.cmpi slt, %get3A_322, %lt3A_324 : vector<16xi32>
      %convert_element_type3A_326 = arith.extui %lt3A_325 : vector<16xi1> to vector<16xi32>
      %broadcast_in_dim3A_327 = arith.constant true
      %broadcast_in_dim3A_328 = vector.broadcast %broadcast_in_dim3A_327 : i1 to vector<16xi1>
      %masked_cumsum3A_329 = tpu.scan <sum>, %convert_element_type3A_326 masked %broadcast_in_dim3A_328 : vector<16xi32>, vector<16xi1> -> vector<16xi32>
      %mul3A_330 = arith.constant 2 : i32
      %mul3A_331 = arith.muli %scan3A_231, %mul3A_330 : i32
      %mul3A_332 = arith.constant 16 : i32
      %mul3A_333 = arith.muli %mul3A_331, %mul3A_332 : i32
      %add3A_334 = arith.addi %mul3A_2, %mul3A_333 : i32
      %add3A_335 = arith.constant 16 : i32
      %add3A_336 = arith.addi %add3A_334, %add3A_335 : i32
      %add3A_337 = vector.broadcast %add3A_336 : i32 to vector<16xi32>
      %add3A_338 = arith.addi %add3A_337, %iota3A : vector<16xi32>
      %jit3A_339 = arith.constant 50 : i32
      %div3A_340 = vector.broadcast %jit3A_339 : i32 to vector<16xi32>
      %div3A_341 = arith.divsi %add3A_338, %div3A_340 : vector<16xi32>
      %sign3A_342 = arith.constant 0 : i32
      %sign3A_343 = vector.broadcast %sign3A_342 : i32 to vector<16xi32>
      %sign3A_344 = arith.cmpi sgt, %add3A_338, %sign3A_343 : vector<16xi32>
      %sign3A_345 = arith.extui %sign3A_344 : vector<16xi1> to vector<16xi32>
      %sign3A_346 = arith.constant 0 : i32
      %sign3A_347 = vector.broadcast %sign3A_346 : i32 to vector<16xi32>
      %sign3A_348 = arith.cmpi slt, %add3A_338, %sign3A_347 : vector<16xi32>
      %sign3A_349 = arith.extui %sign3A_348 : vector<16xi1> to vector<16xi32>
      %sign3A_350 = arith.subi %sign3A_345, %sign3A_349 : vector<16xi32>
      %sign3A_351 = arith.constant 0 : i32
      %sign3A_352 = arith.cmpi sgt, %jit3A_339, %sign3A_351 : i32
      %sign3A_353 = arith.extui %sign3A_352 : i1 to i32
      %sign3A_354 = arith.constant 0 : i32
      %sign3A_355 = arith.cmpi slt, %jit3A_339, %sign3A_354 : i32
      %sign3A_356 = arith.extui %sign3A_355 : i1 to i32
      %sign3A_357 = arith.subi %sign3A_353, %sign3A_356 : i32
      %ne3A_358 = vector.broadcast %sign3A_357 : i32 to vector<16xi32>
      %ne3A_359 = arith.cmpi ne, %sign3A_350, %ne3A_358 : vector<16xi32>
      %rem3A_360 = vector.broadcast %jit3A_339 : i32 to vector<16xi32>
      %rem3A_361 = arith.remsi %add3A_338, %rem3A_360 : vector<16xi32>
      %ne3A_362 = arith.constant 0 : i32
      %ne3A_363 = vector.broadcast %ne3A_362 : i32 to vector<16xi32>
      %ne3A_364 = arith.cmpi ne, %rem3A_361, %ne3A_363 : vector<16xi32>
      %and3A_365 = arith.andi %ne3A_359, %ne3A_364 : vector<16xi1>
      %sub3A_366 = arith.constant 1 : i32
      %sub3A_367 = vector.broadcast %sub3A_366 : i32 to vector<16xi32>
      %sub3A_368 = arith.subi %div3A_341, %sub3A_367 : vector<16xi32>
      %select_n3A_369 = arith.select %and3A_365, %sub3A_368, %div3A_341 : vector<16xi1>, vector<16xi32>
      %mul3A_370 = arith.constant 50 : i32
      %mul3A_371 = vector.broadcast %mul3A_370 : i32 to vector<16xi32>
      %mul3A_372 = arith.muli %select_n3A_369, %mul3A_371 : vector<16xi32>
      %sub3A_373 = arith.subi %add3A_338, %mul3A_372 : vector<16xi32>
      %mul3A_374 = arith.constant 4096 : i32
      %mul3A_375 = vector.broadcast %mul3A_374 : i32 to vector<16xi32>
      %mul3A_376 = arith.muli %sub3A_373, %mul3A_375 : vector<16xi32>
      %add3A_377 = arith.addi %mul3A_376, %select_n3A_369 : vector<16xi32>
      %add3A_378 = vector.broadcast %add3A_314 : i32 to vector<16xi32>
      %add3A_379 = arith.addi %add3A_378, %masked_cumsum3A_329 : vector<16xi32>
      %sub3A_380 = arith.constant 1 : i32
      %sub3A_381 = vector.broadcast %sub3A_380 : i32 to vector<16xi32>
      %sub3A_382 = arith.subi %add3A_379, %sub3A_381 : vector<16xi32>
      %select_n3A_383 = arith.select %lt3A_325, %sub3A_382, %broadcast_in_dim3A_3 : vector<16xi1>, vector<16xi32>
      %mul3A_384 = arith.constant 2 : i32
      %mul3A_385 = arith.muli %scan3A_231, %mul3A_384 : i32
      %mul3A_386 = arith.constant 16 : i32
      %mul3A_387 = arith.muli %mul3A_385, %mul3A_386 : i32
      %add3A_388 = arith.constant 16 : i32
      %add3A_389 = arith.addi %mul3A_387, %add3A_388 : i32
      %sub3A_390 = arith.subi %add3A_389, %add3A_314 : i32
      %sub3A_391 = arith.subi %iota3A, %masked_cumsum3A_329 : vector<16xi32>
      %add3A_392 = vector.broadcast %sub3A_390 : i32 to vector<16xi32>
      %add3A_393 = arith.addi %add3A_392, %sub3A_391 : vector<16xi32>
      %select_n3A_394 = arith.select %lt3A_325, %broadcast_in_dim3A_3, %add3A_393 : vector<16xi1>, vector<16xi32>
      tpu.vector_store_idx %arg6[%select_n3A_383], %get3A_322 : memref<6528xi32, #tpu.memory_space<vmem>>[vector<16xi32>], vector<16xi32>,
      tpu.vector_store_idx %arg9[%select_n3A_383], %add3A_377 : memref<6528xi32, #tpu.memory_space<vmem>>[vector<16xi32>], vector<16xi32>,
      %sub3A_395 = arith.constant 50000 : i32
      %sub3A_396 = vector.broadcast %sub3A_395 : i32 to vector<16xi32>
      %sub3A_397 = arith.subi %get3A_322, %sub3A_396 : vector<16xi32>
      tpu.vector_store_idx %arg7[%select_n3A_394], %sub3A_397 : memref<6528xi32, #tpu.memory_space<vmem>>[vector<16xi32>], vector<16xi32>,
      tpu.vector_store_idx %arg10[%select_n3A_394], %add3A_377 : memref<6528xi32, #tpu.memory_space<vmem>>[vector<16xi32>], vector<16xi32>,
      %slice3A_398 = vector.extract_strided_slice %masked_cumsum3A_329 {offsets = [15], sizes = [1], strides = [1]} : vector<16xi32> to vector<1xi32>
      %squeeze3A_399 = vector.extract %slice3A_398[0] : i32 from vector<1xi32>
      %add3A_400 = arith.addi %add3A_314, %squeeze3A_399 : i32
      scf.yield %add3A_400 : i32
    }
    %scan3A_52 = arith.constant 134 : i32
    %sub3A = arith.constant 6400 : i32
    %sub3A_53 = arith.subi %sub3A, %scan3A_51 : i32
    %gt3A = arith.constant 0 : i32
    %gt3A_54 = arith.cmpi sgt, %scan3A_51, %gt3A : i32
    %convert_element_type3A_55 = arith.extui %gt3A_54 : i1 to i32
    %cond3A_56 = arith.constant 0 : i32
    %cond3A_57 = arith.cmpi ne, %convert_element_type3A_55, %cond3A_56 : i32
    scf.if %cond3A_57 {
      %sub3A_231 = arith.constant 1 : i32
      %sub3A_232 = arith.subi %scan3A_51, %sub3A_231 : i32
      %broadcast_in_dim3A_233 = vector.broadcast %sub3A_232 : i32 to vector<16xi32>
      %gather3A = tpu.vector_load_idx %arg6[%broadcast_in_dim3A_233] : memref<6528xi32, #tpu.memory_space<vmem>>[vector<16xi32>], vector<16xi32>,
      %gather3A_234 = tpu.vector_load_idx %arg9[%broadcast_in_dim3A_233] : memref<6528xi32, #tpu.memory_space<vmem>>[vector<16xi32>], vector<16xi32>,
      %add3A_235 = arith.constant 0 : i32
      %add3A_236 = arith.addi %scan3A_51, %add3A_235 : i32
      %swap3A = arith.index_cast %add3A_236 : i32 to index
      %swap3A_237 = tpu.vector_load %arg6[%swap3A] {strides = array<i32>} : memref<6528xi32, #tpu.memory_space<vmem>>, vector<16xi32>,
      tpu.vector_store %arg6[%swap3A], %gather3A {strides = array<i32>} : memref<6528xi32, #tpu.memory_space<vmem>>, vector<16xi32>,
      %add3A_238 = arith.constant 0 : i32
      %add3A_239 = arith.addi %scan3A_51, %add3A_238 : i32
      %swap3A_240 = arith.index_cast %add3A_239 : i32 to index
      %swap3A_241 = tpu.vector_load %arg9[%swap3A_240] {strides = array<i32>} : memref<6528xi32, #tpu.memory_space<vmem>>, vector<16xi32>,
      tpu.vector_store %arg9[%swap3A_240], %gather3A_234 {strides = array<i32>} : memref<6528xi32, #tpu.memory_space<vmem>>, vector<16xi32>,
      %add3A_242 = arith.constant 16 : i32
      %add3A_243 = arith.addi %scan3A_51, %add3A_242 : i32
      %swap3A_244 = arith.index_cast %add3A_243 : i32 to index
      %swap3A_245 = tpu.vector_load %arg6[%swap3A_244] {strides = array<i32>} : memref<6528xi32, #tpu.memory_space<vmem>>, vector<16xi32>,
      tpu.vector_store %arg6[%swap3A_244], %gather3A {strides = array<i32>} : memref<6528xi32, #tpu.memory_space<vmem>>, vector<16xi32>,
      %add3A_246 = arith.constant 16 : i32
      %add3A_247 = arith.addi %scan3A_51, %add3A_246 : i32
      %swap3A_248 = arith.index_cast %add3A_247 : i32 to index
      %swap3A_249 = tpu.vector_load %arg9[%swap3A_248] {strides = array<i32>} : memref<6528xi32, #tpu.memory_space<vmem>>, vector<16xi32>,
      tpu.vector_store %arg9[%swap3A_248], %gather3A_234 {strides = array<i32>} : memref<6528xi32, #tpu.memory_space<vmem>>, vector<16xi32>,
      %add3A_250 = arith.constant 32 : i32
      %add3A_251 = arith.addi %scan3A_51, %add3A_250 : i32
      %swap3A_252 = arith.index_cast %add3A_251 : i32 to index
      %swap3A_253 = tpu.vector_load %arg6[%swap3A_252] {strides = array<i32>} : memref<6528xi32, #tpu.memory_space<vmem>>, vector<16xi32>,
      tpu.vector_store %arg6[%swap3A_252], %gather3A {strides = array<i32>} : memref<6528xi32, #tpu.memory_space<vmem>>, vector<16xi32>,
      %add3A_254 = arith.constant 32 : i32
      %add3A_255 = arith.addi %scan3A_51, %add3A_254 : i32
      %swap3A_256 = arith.index_cast %add3A_255 : i32 to index
      %swap3A_257 = tpu.vector_load %arg9[%swap3A_256] {strides = array<i32>} : memref<6528xi32, #tpu.memory_space<vmem>>, vector<16xi32>,
      tpu.vector_store %arg9[%swap3A_256], %gather3A_234 {strides = array<i32>} : memref<6528xi32, #tpu.memory_space<vmem>>, vector<16xi32>,
      %add3A_258 = arith.constant 48 : i32
      %add3A_259 = arith.addi %scan3A_51, %add3A_258 : i32
      %swap3A_260 = arith.index_cast %add3A_259 : i32 to index
      %swap3A_261 = tpu.vector_load %arg6[%swap3A_260] {strides = array<i32>} : memref<6528xi32, #tpu.memory_space<vmem>>, vector<16xi32>,
      tpu.vector_store %arg6[%swap3A_260], %gather3A {strides = array<i32>} : memref<6528xi32, #tpu.memory_space<vmem>>, vector<16xi32>,
      %add3A_262 = arith.constant 48 : i32
      %add3A_263 = arith.addi %scan3A_51, %add3A_262 : i32
      %swap3A_264 = arith.index_cast %add3A_263 : i32 to index
      %swap3A_265 = tpu.vector_load %arg9[%swap3A_264] {strides = array<i32>} : memref<6528xi32, #tpu.memory_space<vmem>>, vector<16xi32>,
      tpu.vector_store %arg9[%swap3A_264], %gather3A_234 {strides = array<i32>} : memref<6528xi32, #tpu.memory_space<vmem>>, vector<16xi32>,
      %add3A_266 = arith.constant 64 : i32
      %add3A_267 = arith.addi %scan3A_51, %add3A_266 : i32
      %swap3A_268 = arith.index_cast %add3A_267 : i32 to index
      %swap3A_269 = tpu.vector_load %arg6[%swap3A_268] {strides = array<i32>} : memref<6528xi32, #tpu.memory_space<vmem>>, vector<16xi32>,
      tpu.vector_store %arg6[%swap3A_268], %gather3A {strides = array<i32>} : memref<6528xi32, #tpu.memory_space<vmem>>, vector<16xi32>,
      %add3A_270 = arith.constant 64 : i32
      %add3A_271 = arith.addi %scan3A_51, %add3A_270 : i32
      %swap3A_272 = arith.index_cast %add3A_271 : i32 to index
      %swap3A_273 = tpu.vector_load %arg9[%swap3A_272] {strides = array<i32>} : memref<6528xi32, #tpu.memory_space<vmem>>, vector<16xi32>,
      tpu.vector_store %arg9[%swap3A_272], %gather3A_234 {strides = array<i32>} : memref<6528xi32, #tpu.memory_space<vmem>>, vector<16xi32>,
      %add3A_274 = arith.constant 80 : i32
      %add3A_275 = arith.addi %scan3A_51, %add3A_274 : i32
      %swap3A_276 = arith.index_cast %add3A_275 : i32 to index
      %swap3A_277 = tpu.vector_load %arg6[%swap3A_276] {strides = array<i32>} : memref<6528xi32, #tpu.memory_space<vmem>>, vector<16xi32>,
      tpu.vector_store %arg6[%swap3A_276], %gather3A {strides = array<i32>} : memref<6528xi32, #tpu.memory_space<vmem>>, vector<16xi32>,
      %add3A_278 = arith.constant 80 : i32
      %add3A_279 = arith.addi %scan3A_51, %add3A_278 : i32
      %swap3A_280 = arith.index_cast %add3A_279 : i32 to index
      %swap3A_281 = tpu.vector_load %arg9[%swap3A_280] {strides = array<i32>} : memref<6528xi32, #tpu.memory_space<vmem>>, vector<16xi32>,
      tpu.vector_store %arg9[%swap3A_280], %gather3A_234 {strides = array<i32>} : memref<6528xi32, #tpu.memory_space<vmem>>, vector<16xi32>,
      %add3A_282 = arith.constant 96 : i32
      %add3A_283 = arith.addi %scan3A_51, %add3A_282 : i32
      %swap3A_284 = arith.index_cast %add3A_283 : i32 to index
      %swap3A_285 = tpu.vector_load %arg6[%swap3A_284] {strides = array<i32>} : memref<6528xi32, #tpu.memory_space<vmem>>, vector<16xi32>,
      tpu.vector_store %arg6[%swap3A_284], %gather3A {strides = array<i32>} : memref<6528xi32, #tpu.memory_space<vmem>>, vector<16xi32>,
      %add3A_286 = arith.constant 96 : i32
      %add3A_287 = arith.addi %scan3A_51, %add3A_286 : i32
      %swap3A_288 = arith.index_cast %add3A_287 : i32 to index
      %swap3A_289 = tpu.vector_load %arg9[%swap3A_288] {strides = array<i32>} : memref<6528xi32, #tpu.memory_space<vmem>>, vector<16xi32>,
      tpu.vector_store %arg9[%swap3A_288], %gather3A_234 {strides = array<i32>} : memref<6528xi32, #tpu.memory_space<vmem>>, vector<16xi32>,
      %add3A_290 = arith.constant 112 : i32
      %add3A_291 = arith.addi %scan3A_51, %add3A_290 : i32
      %swap3A_292 = arith.index_cast %add3A_291 : i32 to index
      %swap3A_293 = tpu.vector_load %arg6[%swap3A_292] {strides = array<i32>} : memref<6528xi32, #tpu.memory_space<vmem>>, vector<16xi32>,
      tpu.vector_store %arg6[%swap3A_292], %gather3A {strides = array<i32>} : memref<6528xi32, #tpu.memory_space<vmem>>, vector<16xi32>,
      %add3A_294 = arith.constant 112 : i32
      %add3A_295 = arith.addi %scan3A_51, %add3A_294 : i32
      %swap3A_296 = arith.index_cast %add3A_295 : i32 to index
      %swap3A_297 = tpu.vector_load %arg9[%swap3A_296] {strides = array<i32>} : memref<6528xi32, #tpu.memory_space<vmem>>, vector<16xi32>,
      tpu.vector_store %arg9[%swap3A_296], %gather3A_234 {strides = array<i32>} : memref<6528xi32, #tpu.memory_space<vmem>>, vector<16xi32>,
    } else {
    }
    %gt3A_58 = arith.constant 0 : i32
    %gt3A_59 = arith.cmpi sgt, %sub3A_53, %gt3A_58 : i32
    %convert_element_type3A_60 = arith.extui %gt3A_59 : i1 to i32
    %cond3A_61 = arith.constant 0 : i32
    %cond3A_62 = arith.cmpi ne, %convert_element_type3A_60, %cond3A_61 : i32
    scf.if %cond3A_62 {
      %sub3A_231 = arith.constant 1 : i32
      %sub3A_232 = arith.subi %sub3A_53, %sub3A_231 : i32
      %broadcast_in_dim3A_233 = vector.broadcast %sub3A_232 : i32 to vector<16xi32>
      %gather3A = tpu.vector_load_idx %arg7[%broadcast_in_dim3A_233] : memref<6528xi32, #tpu.memory_space<vmem>>[vector<16xi32>], vector<16xi32>,
      %gather3A_234 = tpu.vector_load_idx %arg10[%broadcast_in_dim3A_233] : memref<6528xi32, #tpu.memory_space<vmem>>[vector<16xi32>], vector<16xi32>,
      %add3A_235 = arith.constant 0 : i32
      %add3A_236 = arith.addi %sub3A_53, %add3A_235 : i32
      %swap3A = arith.index_cast %add3A_236 : i32 to index
      %swap3A_237 = tpu.vector_load %arg7[%swap3A] {strides = array<i32>} : memref<6528xi32, #tpu.memory_space<vmem>>, vector<16xi32>,
      tpu.vector_store %arg7[%swap3A], %gather3A {strides = array<i32>} : memref<6528xi32, #tpu.memory_space<vmem>>, vector<16xi32>,
      %add3A_238 = arith.constant 0 : i32
      %add3A_239 = arith.addi %sub3A_53, %add3A_238 : i32
      %swap3A_240 = arith.index_cast %add3A_239 : i32 to index
      %swap3A_241 = tpu.vector_load %arg10[%swap3A_240] {strides = array<i32>} : memref<6528xi32, #tpu.memory_space<vmem>>, vector<16xi32>,
      tpu.vector_store %arg10[%swap3A_240], %gather3A_234 {strides = array<i32>} : memref<6528xi32, #tpu.memory_space<vmem>>, vector<16xi32>,
      %add3A_242 = arith.constant 16 : i32
      %add3A_243 = arith.addi %sub3A_53, %add3A_242 : i32
      %swap3A_244 = arith.index_cast %add3A_243 : i32 to index
      %swap3A_245 = tpu.vector_load %arg7[%swap3A_244] {strides = array<i32>} : memref<6528xi32, #tpu.memory_space<vmem>>, vector<16xi32>,
      tpu.vector_store %arg7[%swap3A_244], %gather3A {strides = array<i32>} : memref<6528xi32, #tpu.memory_space<vmem>>, vector<16xi32>,
      %add3A_246 = arith.constant 16 : i32
      %add3A_247 = arith.addi %sub3A_53, %add3A_246 : i32
      %swap3A_248 = arith.index_cast %add3A_247 : i32 to index
      %swap3A_249 = tpu.vector_load %arg10[%swap3A_248] {strides = array<i32>} : memref<6528xi32, #tpu.memory_space<vmem>>, vector<16xi32>,
      tpu.vector_store %arg10[%swap3A_248], %gather3A_234 {strides = array<i32>} : memref<6528xi32, #tpu.memory_space<vmem>>, vector<16xi32>,
      %add3A_250 = arith.constant 32 : i32
      %add3A_251 = arith.addi %sub3A_53, %add3A_250 : i32
      %swap3A_252 = arith.index_cast %add3A_251 : i32 to index
      %swap3A_253 = tpu.vector_load %arg7[%swap3A_252] {strides = array<i32>} : memref<6528xi32, #tpu.memory_space<vmem>>, vector<16xi32>,
      tpu.vector_store %arg7[%swap3A_252], %gather3A {strides = array<i32>} : memref<6528xi32, #tpu.memory_space<vmem>>, vector<16xi32>,
      %add3A_254 = arith.constant 32 : i32
      %add3A_255 = arith.addi %sub3A_53, %add3A_254 : i32
      %swap3A_256 = arith.index_cast %add3A_255 : i32 to index
      %swap3A_257 = tpu.vector_load %arg10[%swap3A_256] {strides = array<i32>} : memref<6528xi32, #tpu.memory_space<vmem>>, vector<16xi32>,
      tpu.vector_store %arg10[%swap3A_256], %gather3A_234 {strides = array<i32>} : memref<6528xi32, #tpu.memory_space<vmem>>, vector<16xi32>,
      %add3A_258 = arith.constant 48 : i32
      %add3A_259 = arith.addi %sub3A_53, %add3A_258 : i32
      %swap3A_260 = arith.index_cast %add3A_259 : i32 to index
      %swap3A_261 = tpu.vector_load %arg7[%swap3A_260] {strides = array<i32>} : memref<6528xi32, #tpu.memory_space<vmem>>, vector<16xi32>,
      tpu.vector_store %arg7[%swap3A_260], %gather3A {strides = array<i32>} : memref<6528xi32, #tpu.memory_space<vmem>>, vector<16xi32>,
      %add3A_262 = arith.constant 48 : i32
      %add3A_263 = arith.addi %sub3A_53, %add3A_262 : i32
      %swap3A_264 = arith.index_cast %add3A_263 : i32 to index
      %swap3A_265 = tpu.vector_load %arg10[%swap3A_264] {strides = array<i32>} : memref<6528xi32, #tpu.memory_space<vmem>>, vector<16xi32>,
      tpu.vector_store %arg10[%swap3A_264], %gather3A_234 {strides = array<i32>} : memref<6528xi32, #tpu.memory_space<vmem>>, vector<16xi32>,
      %add3A_266 = arith.constant 64 : i32
      %add3A_267 = arith.addi %sub3A_53, %add3A_266 : i32
      %swap3A_268 = arith.index_cast %add3A_267 : i32 to index
      %swap3A_269 = tpu.vector_load %arg7[%swap3A_268] {strides = array<i32>} : memref<6528xi32, #tpu.memory_space<vmem>>, vector<16xi32>,
      tpu.vector_store %arg7[%swap3A_268], %gather3A {strides = array<i32>} : memref<6528xi32, #tpu.memory_space<vmem>>, vector<16xi32>,
      %add3A_270 = arith.constant 64 : i32
      %add3A_271 = arith.addi %sub3A_53, %add3A_270 : i32
      %swap3A_272 = arith.index_cast %add3A_271 : i32 to index
      %swap3A_273 = tpu.vector_load %arg10[%swap3A_272] {strides = array<i32>} : memref<6528xi32, #tpu.memory_space<vmem>>, vector<16xi32>,
      tpu.vector_store %arg10[%swap3A_272], %gather3A_234 {strides = array<i32>} : memref<6528xi32, #tpu.memory_space<vmem>>, vector<16xi32>,
      %add3A_274 = arith.constant 80 : i32
      %add3A_275 = arith.addi %sub3A_53, %add3A_274 : i32
      %swap3A_276 = arith.index_cast %add3A_275 : i32 to index
      %swap3A_277 = tpu.vector_load %arg7[%swap3A_276] {strides = array<i32>} : memref<6528xi32, #tpu.memory_space<vmem>>, vector<16xi32>,
      tpu.vector_store %arg7[%swap3A_276], %gather3A {strides = array<i32>} : memref<6528xi32, #tpu.memory_space<vmem>>, vector<16xi32>,
      %add3A_278 = arith.constant 80 : i32
      %add3A_279 = arith.addi %sub3A_53, %add3A_278 : i32
      %swap3A_280 = arith.index_cast %add3A_279 : i32 to index
      %swap3A_281 = tpu.vector_load %arg10[%swap3A_280] {strides = array<i32>} : memref<6528xi32, #tpu.memory_space<vmem>>, vector<16xi32>,
      tpu.vector_store %arg10[%swap3A_280], %gather3A_234 {strides = array<i32>} : memref<6528xi32, #tpu.memory_space<vmem>>, vector<16xi32>,
      %add3A_282 = arith.constant 96 : i32
      %add3A_283 = arith.addi %sub3A_53, %add3A_282 : i32
      %swap3A_284 = arith.index_cast %add3A_283 : i32 to index
      %swap3A_285 = tpu.vector_load %arg7[%swap3A_284] {strides = array<i32>} : memref<6528xi32, #tpu.memory_space<vmem>>, vector<16xi32>,
      tpu.vector_store %arg7[%swap3A_284], %gather3A {strides = array<i32>} : memref<6528xi32, #tpu.memory_space<vmem>>, vector<16xi32>,
      %add3A_286 = arith.constant 96 : i32
      %add3A_287 = arith.addi %sub3A_53, %add3A_286 : i32
      %swap3A_288 = arith.index_cast %add3A_287 : i32 to index
      %swap3A_289 = tpu.vector_load %arg10[%swap3A_288] {strides = array<i32>} : memref<6528xi32, #tpu.memory_space<vmem>>, vector<16xi32>,
      tpu.vector_store %arg10[%swap3A_288], %gather3A_234 {strides = array<i32>} : memref<6528xi32, #tpu.memory_space<vmem>>, vector<16xi32>,
      %add3A_290 = arith.constant 112 : i32
      %add3A_291 = arith.addi %sub3A_53, %add3A_290 : i32
      %swap3A_292 = arith.index_cast %add3A_291 : i32 to index
      %swap3A_293 = tpu.vector_load %arg7[%swap3A_292] {strides = array<i32>} : memref<6528xi32, #tpu.memory_space<vmem>>, vector<16xi32>,
      tpu.vector_store %arg7[%swap3A_292], %gather3A {strides = array<i32>} : memref<6528xi32, #tpu.memory_space<vmem>>, vector<16xi32>,
      %add3A_294 = arith.constant 112 : i32
      %add3A_295 = arith.addi %sub3A_53, %add3A_294 : i32
      %swap3A_296 = arith.index_cast %add3A_295 : i32 to index
      %swap3A_297 = tpu.vector_load %arg10[%swap3A_296] {strides = array<i32>} : memref<6528xi32, #tpu.memory_space<vmem>>, vector<16xi32>,
      tpu.vector_store %arg10[%swap3A_296], %gather3A_234 {strides = array<i32>} : memref<6528xi32, #tpu.memory_space<vmem>>, vector<16xi32>,
    } else {
    }
    %add3A_63 = arith.constant 128 : i32
    %add3A_64 = arith.addi %scan3A_51, %add3A_63 : i32
    %sub3A_65 = arith.constant 1 : i32
    %sub3A_66 = arith.subi %add3A_64, %sub3A_65 : i32
    %jit3A = arith.constant 128 : i32
    %div3A = arith.divsi %sub3A_66, %jit3A : i32
    %sign3A = arith.constant 0 : i32
    %sign3A_67 = arith.cmpi sgt, %sub3A_66, %sign3A : i32
    %sign3A_68 = arith.extui %sign3A_67 : i1 to i32
    %sign3A_69 = arith.constant 0 : i32
    %sign3A_70 = arith.cmpi slt, %sub3A_66, %sign3A_69 : i32
    %sign3A_71 = arith.extui %sign3A_70 : i1 to i32
    %sign3A_72 = arith.subi %sign3A_68, %sign3A_71 : i32
    %sign3A_73 = arith.constant 0 : i32
    %sign3A_74 = arith.cmpi sgt, %jit3A, %sign3A_73 : i32
    %sign3A_75 = arith.extui %sign3A_74 : i1 to i32
    %sign3A_76 = arith.constant 0 : i32
    %sign3A_77 = arith.cmpi slt, %jit3A, %sign3A_76 : i32
    %sign3A_78 = arith.extui %sign3A_77 : i1 to i32
    %sign3A_79 = arith.subi %sign3A_75, %sign3A_78 : i32
    %ne3A = arith.cmpi ne, %sign3A_72, %sign3A_79 : i32
    %rem3A = arith.remsi %sub3A_66, %jit3A : i32
    %ne3A_80 = arith.constant 0 : i32
    %ne3A_81 = arith.cmpi ne, %rem3A, %ne3A_80 : i32
    %and3A = arith.andi %ne3A, %ne3A_81 : i1
    %sub3A_82 = arith.constant 1 : i32
    %sub3A_83 = arith.subi %div3A, %sub3A_82 : i32
    %select_n3A = arith.select %and3A, %sub3A_83, %div3A : i32
    %add3A_84 = arith.constant 128 : i32
    %add3A_85 = arith.addi %sub3A_53, %add3A_84 : i32
    %sub3A_86 = arith.constant 1 : i32
    %sub3A_87 = arith.subi %add3A_85, %sub3A_86 : i32
    %jit3A_88 = arith.constant 128 : i32
    %div3A_89 = arith.divsi %sub3A_87, %jit3A_88 : i32
    %sign3A_90 = arith.constant 0 : i32
    %sign3A_91 = arith.cmpi sgt, %sub3A_87, %sign3A_90 : i32
    %sign3A_92 = arith.extui %sign3A_91 : i1 to i32
    %sign3A_93 = arith.constant 0 : i32
    %sign3A_94 = arith.cmpi slt, %sub3A_87, %sign3A_93 : i32
    %sign3A_95 = arith.extui %sign3A_94 : i1 to i32
    %sign3A_96 = arith.subi %sign3A_92, %sign3A_95 : i32
    %sign3A_97 = arith.constant 0 : i32
    %sign3A_98 = arith.cmpi sgt, %jit3A_88, %sign3A_97 : i32
    %sign3A_99 = arith.extui %sign3A_98 : i1 to i32
    %sign3A_100 = arith.constant 0 : i32
    %sign3A_101 = arith.cmpi slt, %jit3A_88, %sign3A_100 : i32
    %sign3A_102 = arith.extui %sign3A_101 : i1 to i32
    %sign3A_103 = arith.subi %sign3A_99, %sign3A_102 : i32
    %ne3A_104 = arith.cmpi ne, %sign3A_96, %sign3A_103 : i32
    %rem3A_105 = arith.remsi %sub3A_87, %jit3A_88 : i32
    %ne3A_106 = arith.constant 0 : i32
    %ne3A_107 = arith.cmpi ne, %rem3A_105, %ne3A_106 : i32
    %and3A_108 = arith.andi %ne3A_104, %ne3A_107 : i1
    %sub3A_109 = arith.constant 1 : i32
    %sub3A_110 = arith.subi %div3A_89, %sub3A_109 : i32
    %select_n3A_111 = arith.select %and3A_108, %sub3A_110, %div3A_89 : i32
    %add3A_112 = arith.addi %select_n3A, %select_n3A_111 : i32
    %lt3A = arith.constant 128 : i32
    %lt3A_113 = arith.cmpi slt, %scan3A_8, %lt3A : i32
    %convert_element_type3A_114 = arith.extui %lt3A_113 : i1 to i32
    %cond3A_115 = arith.constant 0 : i32
    %cond3A_116 = arith.cmpi ne, %convert_element_type3A_114, %cond3A_115 : i32
    scf.if %cond3A_116 {
      %lt3A_231 = arith.constant 0 : i32
      %lt3A_232 = arith.cmpi slt, %lt3A_231, %select_n3A : i32
      %convert_element_type3A_233 = arith.extui %lt3A_232 : i1 to i32
      %cond3A_234 = arith.constant 0 : i32
      %cond3A_235 = arith.constant 0 : i32
      %cond3A_236 = arith.cmpi ne, %convert_element_type3A_233, %cond3A_235 : i32
      scf.if %cond3A_236 {
        %mul3A_246 = arith.constant 128 : i32
        %mul3A_247 = arith.muli %cond3A_234, %mul3A_246 : i32
        %dma_start3A = arith.constant 0 : i32
        %dma_start3A_248 = arith.constant 0 : i32
        %dma_start3A_249 = arith.constant 0 : i32
        %dma_start3A_250 = arith.constant 0 : i32
        %dma_start3A_251 = tpu.memref_slice %arg11[%dma_start3A, %dma_start3A_249, %dma_start3A_250] : memref<8x128x64xf32, #tpu.memory_space<vmem>> -> memref<1x128x64xf32, #tpu.memory_space<vmem>>
        %dma_start3A_252 = tpu.memref_squeeze %dma_start3A_251 : memref<1x128x64xf32, #tpu.memory_space<vmem>> -> memref<128x64xf32, #tpu.memory_space<vmem>>
        %dma_start3A_253 = tpu.memref_slice %arg6[%mul3A_247] : memref<6528xi32, #tpu.memory_space<vmem>> -> memref<128xi32, #tpu.memory_space<vmem>>
        %dma_start3A_254 = arith.constant 0 : i32
        %dma_start3A_255 = arith.constant 0 : i32
        %dma_start3A_256 = tpu.memref_slice %arg3[%dma_start3A_254, %dma_start3A_255] : memref<50000x64xf32, #tpu.memory_space<hbm>> -> memref<50000x64xf32, #tpu.memory_space<hbm>>
        %dma_start3A_257 = tpu.memref_slice %arg12[%dma_start3A_248] : memref<8x!tpu.dma_semaphore, #tpu.memory_space<semaphore_mem>> -> memref<1x!tpu.dma_semaphore, #tpu.memory_space<semaphore_mem>>
        %dma_start3A_258 = tpu.memref_squeeze %dma_start3A_257 : memref<1x!tpu.dma_semaphore, #tpu.memory_space<semaphore_mem>> -> memref<!tpu.dma_semaphore, #tpu.memory_space<semaphore_mem>>
        tpu.enqueue_indirect_dma source(%dma_start3A_256 : memref<50000x64xf32, #tpu.memory_space<hbm>>) target(%dma_start3A_252 : memref<128x64xf32, #tpu.memory_space<vmem>>) offsets(%dma_start3A_253 : memref<128xi32, #tpu.memory_space<vmem>>) semaphore(%dma_start3A_258 : memref<!tpu.dma_semaphore, #tpu.memory_space<semaphore_mem>>)
      } else {
      }
      %ge3A_237 = arith.constant 0 : i32
      %ge3A_238 = arith.cmpi sge, %ge3A_237, %select_n3A : i32
      %lt3A_239 = arith.constant 0 : i32
      %lt3A_240 = arith.cmpi slt, %lt3A_239, %add3A_112 : i32
      %and3A_241 = arith.andi %ge3A_238, %lt3A_240 : i1
      %convert_element_type3A_242 = arith.extui %and3A_241 : i1 to i32
      %cond3A_243 = arith.constant 0 : i32
      %cond3A_244 = arith.constant 0 : i32
      %cond3A_245 = arith.cmpi ne, %convert_element_type3A_242, %cond3A_244 : i32
      scf.if %cond3A_245 {
        %sub3A_246 = arith.subi %cond3A_243, %select_n3A : i32
        %mul3A_247 = arith.constant 128 : i32
        %mul3A_248 = arith.muli %sub3A_246, %mul3A_247 : i32
        %dma_start3A = arith.constant 0 : i32
        %dma_start3A_249 = arith.constant 0 : i32
        %dma_start3A_250 = arith.constant 0 : i32
        %dma_start3A_251 = arith.constant 0 : i32
        %dma_start3A_252 = tpu.memref_slice %arg11[%dma_start3A, %dma_start3A_250, %dma_start3A_251] : memref<8x128x64xf32, #tpu.memory_space<vmem>> -> memref<1x128x64xf32, #tpu.memory_space<vmem>>
        %dma_start3A_253 = tpu.memref_squeeze %dma_start3A_252 : memref<1x128x64xf32, #tpu.memory_space<vmem>> -> memref<128x64xf32, #tpu.memory_space<vmem>>
        %dma_start3A_254 = tpu.memref_slice %arg7[%mul3A_248] : memref<6528xi32, #tpu.memory_space<vmem>> -> memref<128xi32, #tpu.memory_space<vmem>>
        %dma_start3A_255 = arith.constant 0 : i32
        %dma_start3A_256 = arith.constant 0 : i32
        %dma_start3A_257 = tpu.memref_slice %arg4[%dma_start3A_255, %dma_start3A_256] : memref<50000x64xf32, #tpu.memory_space<hbm>> -> memref<50000x64xf32, #tpu.memory_space<hbm>>
        %dma_start3A_258 = tpu.memref_slice %arg12[%dma_start3A_249] : memref<8x!tpu.dma_semaphore, #tpu.memory_space<semaphore_mem>> -> memref<1x!tpu.dma_semaphore, #tpu.memory_space<semaphore_mem>>
        %dma_start3A_259 = tpu.memref_squeeze %dma_start3A_258 : memref<1x!tpu.dma_semaphore, #tpu.memory_space<semaphore_mem>> -> memref<!tpu.dma_semaphore, #tpu.memory_space<semaphore_mem>>
        tpu.enqueue_indirect_dma source(%dma_start3A_257 : memref<50000x64xf32, #tpu.memory_space<hbm>>) target(%dma_start3A_253 : memref<128x64xf32, #tpu.memory_space<vmem>>) offsets(%dma_start3A_254 : memref<128xi32, #tpu.memory_space<vmem>>) semaphore(%dma_start3A_259 : memref<!tpu.dma_semaphore, #tpu.memory_space<semaphore_mem>>)
      } else {
      }
    } else {
    }
    %lt3A_117 = arith.constant 256 : i32
    %lt3A_118 = arith.cmpi slt, %scan3A_8, %lt3A_117 : i32
    %convert_element_type3A_119 = arith.extui %lt3A_118 : i1 to i32
    %cond3A_120 = arith.constant 0 : i32
    %cond3A_121 = arith.cmpi ne, %convert_element_type3A_119, %cond3A_120 : i32
    scf.if %cond3A_121 {
      %lt3A_231 = arith.constant 1 : i32
      %lt3A_232 = arith.cmpi slt, %lt3A_231, %select_n3A : i32
      %convert_element_type3A_233 = arith.extui %lt3A_232 : i1 to i32
      %cond3A_234 = arith.constant 1 : i32
      %cond3A_235 = arith.constant 0 : i32
      %cond3A_236 = arith.cmpi ne, %convert_element_type3A_233, %cond3A_235 : i32
      scf.if %cond3A_236 {
        %mul3A_246 = arith.constant 128 : i32
        %mul3A_247 = arith.muli %cond3A_234, %mul3A_246 : i32
        %dma_start3A = arith.constant 1 : i32
        %dma_start3A_248 = arith.constant 1 : i32
        %dma_start3A_249 = arith.constant 0 : i32
        %dma_start3A_250 = arith.constant 0 : i32
        %dma_start3A_251 = tpu.memref_slice %arg11[%dma_start3A, %dma_start3A_249, %dma_start3A_250] : memref<8x128x64xf32, #tpu.memory_space<vmem>> -> memref<1x128x64xf32, #tpu.memory_space<vmem>>
        %dma_start3A_252 = tpu.memref_squeeze %dma_start3A_251 : memref<1x128x64xf32, #tpu.memory_space<vmem>> -> memref<128x64xf32, #tpu.memory_space<vmem>>
        %dma_start3A_253 = tpu.memref_slice %arg6[%mul3A_247] : memref<6528xi32, #tpu.memory_space<vmem>> -> memref<128xi32, #tpu.memory_space<vmem>>
        %dma_start3A_254 = arith.constant 0 : i32
        %dma_start3A_255 = arith.constant 0 : i32
        %dma_start3A_256 = tpu.memref_slice %arg3[%dma_start3A_254, %dma_start3A_255] : memref<50000x64xf32, #tpu.memory_space<hbm>> -> memref<50000x64xf32, #tpu.memory_space<hbm>>
        %dma_start3A_257 = tpu.memref_slice %arg12[%dma_start3A_248] : memref<8x!tpu.dma_semaphore, #tpu.memory_space<semaphore_mem>> -> memref<1x!tpu.dma_semaphore, #tpu.memory_space<semaphore_mem>>
        %dma_start3A_258 = tpu.memref_squeeze %dma_start3A_257 : memref<1x!tpu.dma_semaphore, #tpu.memory_space<semaphore_mem>> -> memref<!tpu.dma_semaphore, #tpu.memory_space<semaphore_mem>>
        tpu.enqueue_indirect_dma source(%dma_start3A_256 : memref<50000x64xf32, #tpu.memory_space<hbm>>) target(%dma_start3A_252 : memref<128x64xf32, #tpu.memory_space<vmem>>) offsets(%dma_start3A_253 : memref<128xi32, #tpu.memory_space<vmem>>) semaphore(%dma_start3A_258 : memref<!tpu.dma_semaphore, #tpu.memory_space<semaphore_mem>>)
      } else {
      }
      %ge3A_237 = arith.constant 1 : i32
      %ge3A_238 = arith.cmpi sge, %ge3A_237, %select_n3A : i32
      %lt3A_239 = arith.constant 1 : i32
      %lt3A_240 = arith.cmpi slt, %lt3A_239, %add3A_112 : i32
      %and3A_241 = arith.andi %ge3A_238, %lt3A_240 : i1
      %convert_element_type3A_242 = arith.extui %and3A_241 : i1 to i32
      %cond3A_243 = arith.constant 1 : i32
      %cond3A_244 = arith.constant 0 : i32
      %cond3A_245 = arith.cmpi ne, %convert_element_type3A_242, %cond3A_244 : i32
      scf.if %cond3A_245 {
        %sub3A_246 = arith.subi %cond3A_243, %select_n3A : i32
        %mul3A_247 = arith.constant 128 : i32
        %mul3A_248 = arith.muli %sub3A_246, %mul3A_247 : i32
        %dma_start3A = arith.constant 1 : i32
        %dma_start3A_249 = arith.constant 1 : i32
        %dma_start3A_250 = arith.constant 0 : i32
        %dma_start3A_251 = arith.constant 0 : i32
        %dma_start3A_252 = tpu.memref_slice %arg11[%dma_start3A, %dma_start3A_250, %dma_start3A_251] : memref<8x128x64xf32, #tpu.memory_space<vmem>> -> memref<1x128x64xf32, #tpu.memory_space<vmem>>
        %dma_start3A_253 = tpu.memref_squeeze %dma_start3A_252 : memref<1x128x64xf32, #tpu.memory_space<vmem>> -> memref<128x64xf32, #tpu.memory_space<vmem>>
        %dma_start3A_254 = tpu.memref_slice %arg7[%mul3A_248] : memref<6528xi32, #tpu.memory_space<vmem>> -> memref<128xi32, #tpu.memory_space<vmem>>
        %dma_start3A_255 = arith.constant 0 : i32
        %dma_start3A_256 = arith.constant 0 : i32
        %dma_start3A_257 = tpu.memref_slice %arg4[%dma_start3A_255, %dma_start3A_256] : memref<50000x64xf32, #tpu.memory_space<hbm>> -> memref<50000x64xf32, #tpu.memory_space<hbm>>
        %dma_start3A_258 = tpu.memref_slice %arg12[%dma_start3A_249] : memref<8x!tpu.dma_semaphore, #tpu.memory_space<semaphore_mem>> -> memref<1x!tpu.dma_semaphore, #tpu.memory_space<semaphore_mem>>
        %dma_start3A_259 = tpu.memref_squeeze %dma_start3A_258 : memref<1x!tpu.dma_semaphore, #tpu.memory_space<semaphore_mem>> -> memref<!tpu.dma_semaphore, #tpu.memory_space<semaphore_mem>>
        tpu.enqueue_indirect_dma source(%dma_start3A_257 : memref<50000x64xf32, #tpu.memory_space<hbm>>) target(%dma_start3A_253 : memref<128x64xf32, #tpu.memory_space<vmem>>) offsets(%dma_start3A_254 : memref<128xi32, #tpu.memory_space<vmem>>) semaphore(%dma_start3A_259 : memref<!tpu.dma_semaphore, #tpu.memory_space<semaphore_mem>>)
      } else {
      }
    } else {
    }
    %lt3A_122 = arith.constant 384 : i32
    %lt3A_123 = arith.cmpi slt, %scan3A_8, %lt3A_122 : i32
    %convert_element_type3A_124 = arith.extui %lt3A_123 : i1 to i32
    %cond3A_125 = arith.constant 0 : i32
    %cond3A_126 = arith.cmpi ne, %convert_element_type3A_124, %cond3A_125 : i32
    scf.if %cond3A_126 {
      %lt3A_231 = arith.constant 2 : i32
      %lt3A_232 = arith.cmpi slt, %lt3A_231, %select_n3A : i32
      %convert_element_type3A_233 = arith.extui %lt3A_232 : i1 to i32
      %cond3A_234 = arith.constant 2 : i32
      %cond3A_235 = arith.constant 0 : i32
      %cond3A_236 = arith.cmpi ne, %convert_element_type3A_233, %cond3A_235 : i32
      scf.if %cond3A_236 {
        %mul3A_246 = arith.constant 128 : i32
        %mul3A_247 = arith.muli %cond3A_234, %mul3A_246 : i32
        %dma_start3A = arith.constant 2 : i32
        %dma_start3A_248 = arith.constant 2 : i32
        %dma_start3A_249 = arith.constant 0 : i32
        %dma_start3A_250 = arith.constant 0 : i32
        %dma_start3A_251 = tpu.memref_slice %arg11[%dma_start3A, %dma_start3A_249, %dma_start3A_250] : memref<8x128x64xf32, #tpu.memory_space<vmem>> -> memref<1x128x64xf32, #tpu.memory_space<vmem>>
        %dma_start3A_252 = tpu.memref_squeeze %dma_start3A_251 : memref<1x128x64xf32, #tpu.memory_space<vmem>> -> memref<128x64xf32, #tpu.memory_space<vmem>>
        %dma_start3A_253 = tpu.memref_slice %arg6[%mul3A_247] : memref<6528xi32, #tpu.memory_space<vmem>> -> memref<128xi32, #tpu.memory_space<vmem>>
        %dma_start3A_254 = arith.constant 0 : i32
        %dma_start3A_255 = arith.constant 0 : i32
        %dma_start3A_256 = tpu.memref_slice %arg3[%dma_start3A_254, %dma_start3A_255] : memref<50000x64xf32, #tpu.memory_space<hbm>> -> memref<50000x64xf32, #tpu.memory_space<hbm>>
        %dma_start3A_257 = tpu.memref_slice %arg12[%dma_start3A_248] : memref<8x!tpu.dma_semaphore, #tpu.memory_space<semaphore_mem>> -> memref<1x!tpu.dma_semaphore, #tpu.memory_space<semaphore_mem>>
        %dma_start3A_258 = tpu.memref_squeeze %dma_start3A_257 : memref<1x!tpu.dma_semaphore, #tpu.memory_space<semaphore_mem>> -> memref<!tpu.dma_semaphore, #tpu.memory_space<semaphore_mem>>
        tpu.enqueue_indirect_dma source(%dma_start3A_256 : memref<50000x64xf32, #tpu.memory_space<hbm>>) target(%dma_start3A_252 : memref<128x64xf32, #tpu.memory_space<vmem>>) offsets(%dma_start3A_253 : memref<128xi32, #tpu.memory_space<vmem>>) semaphore(%dma_start3A_258 : memref<!tpu.dma_semaphore, #tpu.memory_space<semaphore_mem>>)
      } else {
      }
      %ge3A_237 = arith.constant 2 : i32
      %ge3A_238 = arith.cmpi sge, %ge3A_237, %select_n3A : i32
      %lt3A_239 = arith.constant 2 : i32
      %lt3A_240 = arith.cmpi slt, %lt3A_239, %add3A_112 : i32
      %and3A_241 = arith.andi %ge3A_238, %lt3A_240 : i1
      %convert_element_type3A_242 = arith.extui %and3A_241 : i1 to i32
      %cond3A_243 = arith.constant 2 : i32
      %cond3A_244 = arith.constant 0 : i32
      %cond3A_245 = arith.cmpi ne, %convert_element_type3A_242, %cond3A_244 : i32
      scf.if %cond3A_245 {
        %sub3A_246 = arith.subi %cond3A_243, %select_n3A : i32
        %mul3A_247 = arith.constant 128 : i32
        %mul3A_248 = arith.muli %sub3A_246, %mul3A_247 : i32
        %dma_start3A = arith.constant 2 : i32
        %dma_start3A_249 = arith.constant 2 : i32
        %dma_start3A_250 = arith.constant 0 : i32
        %dma_start3A_251 = arith.constant 0 : i32
        %dma_start3A_252 = tpu.memref_slice %arg11[%dma_start3A, %dma_start3A_250, %dma_start3A_251] : memref<8x128x64xf32, #tpu.memory_space<vmem>> -> memref<1x128x64xf32, #tpu.memory_space<vmem>>
        %dma_start3A_253 = tpu.memref_squeeze %dma_start3A_252 : memref<1x128x64xf32, #tpu.memory_space<vmem>> -> memref<128x64xf32, #tpu.memory_space<vmem>>
        %dma_start3A_254 = tpu.memref_slice %arg7[%mul3A_248] : memref<6528xi32, #tpu.memory_space<vmem>> -> memref<128xi32, #tpu.memory_space<vmem>>
        %dma_start3A_255 = arith.constant 0 : i32
        %dma_start3A_256 = arith.constant 0 : i32
        %dma_start3A_257 = tpu.memref_slice %arg4[%dma_start3A_255, %dma_start3A_256] : memref<50000x64xf32, #tpu.memory_space<hbm>> -> memref<50000x64xf32, #tpu.memory_space<hbm>>
        %dma_start3A_258 = tpu.memref_slice %arg12[%dma_start3A_249] : memref<8x!tpu.dma_semaphore, #tpu.memory_space<semaphore_mem>> -> memref<1x!tpu.dma_semaphore, #tpu.memory_space<semaphore_mem>>
        %dma_start3A_259 = tpu.memref_squeeze %dma_start3A_258 : memref<1x!tpu.dma_semaphore, #tpu.memory_space<semaphore_mem>> -> memref<!tpu.dma_semaphore, #tpu.memory_space<semaphore_mem>>
        tpu.enqueue_indirect_dma source(%dma_start3A_257 : memref<50000x64xf32, #tpu.memory_space<hbm>>) target(%dma_start3A_253 : memref<128x64xf32, #tpu.memory_space<vmem>>) offsets(%dma_start3A_254 : memref<128xi32, #tpu.memory_space<vmem>>) semaphore(%dma_start3A_259 : memref<!tpu.dma_semaphore, #tpu.memory_space<semaphore_mem>>)
      } else {
      }
    } else {
    }
    %lt3A_127 = arith.constant 512 : i32
    %lt3A_128 = arith.cmpi slt, %scan3A_8, %lt3A_127 : i32
    %convert_element_type3A_129 = arith.extui %lt3A_128 : i1 to i32
    %cond3A_130 = arith.constant 0 : i32
    %cond3A_131 = arith.cmpi ne, %convert_element_type3A_129, %cond3A_130 : i32
    scf.if %cond3A_131 {
      %lt3A_231 = arith.constant 3 : i32
      %lt3A_232 = arith.cmpi slt, %lt3A_231, %select_n3A : i32
      %convert_element_type3A_233 = arith.extui %lt3A_232 : i1 to i32
      %cond3A_234 = arith.constant 3 : i32
      %cond3A_235 = arith.constant 0 : i32
      %cond3A_236 = arith.cmpi ne, %convert_element_type3A_233, %cond3A_235 : i32
      scf.if %cond3A_236 {
        %mul3A_246 = arith.constant 128 : i32
        %mul3A_247 = arith.muli %cond3A_234, %mul3A_246 : i32
        %dma_start3A = arith.constant 3 : i32
        %dma_start3A_248 = arith.constant 3 : i32
        %dma_start3A_249 = arith.constant 0 : i32
        %dma_start3A_250 = arith.constant 0 : i32
        %dma_start3A_251 = tpu.memref_slice %arg11[%dma_start3A, %dma_start3A_249, %dma_start3A_250] : memref<8x128x64xf32, #tpu.memory_space<vmem>> -> memref<1x128x64xf32, #tpu.memory_space<vmem>>
        %dma_start3A_252 = tpu.memref_squeeze %dma_start3A_251 : memref<1x128x64xf32, #tpu.memory_space<vmem>> -> memref<128x64xf32, #tpu.memory_space<vmem>>
        %dma_start3A_253 = tpu.memref_slice %arg6[%mul3A_247] : memref<6528xi32, #tpu.memory_space<vmem>> -> memref<128xi32, #tpu.memory_space<vmem>>
        %dma_start3A_254 = arith.constant 0 : i32
        %dma_start3A_255 = arith.constant 0 : i32
        %dma_start3A_256 = tpu.memref_slice %arg3[%dma_start3A_254, %dma_start3A_255] : memref<50000x64xf32, #tpu.memory_space<hbm>> -> memref<50000x64xf32, #tpu.memory_space<hbm>>
        %dma_start3A_257 = tpu.memref_slice %arg12[%dma_start3A_248] : memref<8x!tpu.dma_semaphore, #tpu.memory_space<semaphore_mem>> -> memref<1x!tpu.dma_semaphore, #tpu.memory_space<semaphore_mem>>
        %dma_start3A_258 = tpu.memref_squeeze %dma_start3A_257 : memref<1x!tpu.dma_semaphore, #tpu.memory_space<semaphore_mem>> -> memref<!tpu.dma_semaphore, #tpu.memory_space<semaphore_mem>>
        tpu.enqueue_indirect_dma source(%dma_start3A_256 : memref<50000x64xf32, #tpu.memory_space<hbm>>) target(%dma_start3A_252 : memref<128x64xf32, #tpu.memory_space<vmem>>) offsets(%dma_start3A_253 : memref<128xi32, #tpu.memory_space<vmem>>) semaphore(%dma_start3A_258 : memref<!tpu.dma_semaphore, #tpu.memory_space<semaphore_mem>>)
      } else {
      }
      %ge3A_237 = arith.constant 3 : i32
      %ge3A_238 = arith.cmpi sge, %ge3A_237, %select_n3A : i32
      %lt3A_239 = arith.constant 3 : i32
      %lt3A_240 = arith.cmpi slt, %lt3A_239, %add3A_112 : i32
      %and3A_241 = arith.andi %ge3A_238, %lt3A_240 : i1
      %convert_element_type3A_242 = arith.extui %and3A_241 : i1 to i32
      %cond3A_243 = arith.constant 3 : i32
      %cond3A_244 = arith.constant 0 : i32
      %cond3A_245 = arith.cmpi ne, %convert_element_type3A_242, %cond3A_244 : i32
      scf.if %cond3A_245 {
        %sub3A_246 = arith.subi %cond3A_243, %select_n3A : i32
        %mul3A_247 = arith.constant 128 : i32
        %mul3A_248 = arith.muli %sub3A_246, %mul3A_247 : i32
        %dma_start3A = arith.constant 3 : i32
        %dma_start3A_249 = arith.constant 3 : i32
        %dma_start3A_250 = arith.constant 0 : i32
        %dma_start3A_251 = arith.constant 0 : i32
        %dma_start3A_252 = tpu.memref_slice %arg11[%dma_start3A, %dma_start3A_250, %dma_start3A_251] : memref<8x128x64xf32, #tpu.memory_space<vmem>> -> memref<1x128x64xf32, #tpu.memory_space<vmem>>
        %dma_start3A_253 = tpu.memref_squeeze %dma_start3A_252 : memref<1x128x64xf32, #tpu.memory_space<vmem>> -> memref<128x64xf32, #tpu.memory_space<vmem>>
        %dma_start3A_254 = tpu.memref_slice %arg7[%mul3A_248] : memref<6528xi32, #tpu.memory_space<vmem>> -> memref<128xi32, #tpu.memory_space<vmem>>
        %dma_start3A_255 = arith.constant 0 : i32
        %dma_start3A_256 = arith.constant 0 : i32
        %dma_start3A_257 = tpu.memref_slice %arg4[%dma_start3A_255, %dma_start3A_256] : memref<50000x64xf32, #tpu.memory_space<hbm>> -> memref<50000x64xf32, #tpu.memory_space<hbm>>
        %dma_start3A_258 = tpu.memref_slice %arg12[%dma_start3A_249] : memref<8x!tpu.dma_semaphore, #tpu.memory_space<semaphore_mem>> -> memref<1x!tpu.dma_semaphore, #tpu.memory_space<semaphore_mem>>
        %dma_start3A_259 = tpu.memref_squeeze %dma_start3A_258 : memref<1x!tpu.dma_semaphore, #tpu.memory_space<semaphore_mem>> -> memref<!tpu.dma_semaphore, #tpu.memory_space<semaphore_mem>>
        tpu.enqueue_indirect_dma source(%dma_start3A_257 : memref<50000x64xf32, #tpu.memory_space<hbm>>) target(%dma_start3A_253 : memref<128x64xf32, #tpu.memory_space<vmem>>) offsets(%dma_start3A_254 : memref<128xi32, #tpu.memory_space<vmem>>) semaphore(%dma_start3A_259 : memref<!tpu.dma_semaphore, #tpu.memory_space<semaphore_mem>>)
      } else {
      }
    } else {
    }
    %lt3A_132 = arith.constant 640 : i32
    %lt3A_133 = arith.cmpi slt, %scan3A_8, %lt3A_132 : i32
    %convert_element_type3A_134 = arith.extui %lt3A_133 : i1 to i32
    %cond3A_135 = arith.constant 0 : i32
    %cond3A_136 = arith.cmpi ne, %convert_element_type3A_134, %cond3A_135 : i32
    scf.if %cond3A_136 {
      %lt3A_231 = arith.constant 4 : i32
      %lt3A_232 = arith.cmpi slt, %lt3A_231, %select_n3A : i32
      %convert_element_type3A_233 = arith.extui %lt3A_232 : i1 to i32
      %cond3A_234 = arith.constant 4 : i32
      %cond3A_235 = arith.constant 0 : i32
      %cond3A_236 = arith.cmpi ne, %convert_element_type3A_233, %cond3A_235 : i32
      scf.if %cond3A_236 {
        %mul3A_246 = arith.constant 128 : i32
        %mul3A_247 = arith.muli %cond3A_234, %mul3A_246 : i32
        %dma_start3A = arith.constant 4 : i32
        %dma_start3A_248 = arith.constant 4 : i32
        %dma_start3A_249 = arith.constant 0 : i32
        %dma_start3A_250 = arith.constant 0 : i32
        %dma_start3A_251 = tpu.memref_slice %arg11[%dma_start3A, %dma_start3A_249, %dma_start3A_250] : memref<8x128x64xf32, #tpu.memory_space<vmem>> -> memref<1x128x64xf32, #tpu.memory_space<vmem>>
        %dma_start3A_252 = tpu.memref_squeeze %dma_start3A_251 : memref<1x128x64xf32, #tpu.memory_space<vmem>> -> memref<128x64xf32, #tpu.memory_space<vmem>>
        %dma_start3A_253 = tpu.memref_slice %arg6[%mul3A_247] : memref<6528xi32, #tpu.memory_space<vmem>> -> memref<128xi32, #tpu.memory_space<vmem>>
        %dma_start3A_254 = arith.constant 0 : i32
        %dma_start3A_255 = arith.constant 0 : i32
        %dma_start3A_256 = tpu.memref_slice %arg3[%dma_start3A_254, %dma_start3A_255] : memref<50000x64xf32, #tpu.memory_space<hbm>> -> memref<50000x64xf32, #tpu.memory_space<hbm>>
        %dma_start3A_257 = tpu.memref_slice %arg12[%dma_start3A_248] : memref<8x!tpu.dma_semaphore, #tpu.memory_space<semaphore_mem>> -> memref<1x!tpu.dma_semaphore, #tpu.memory_space<semaphore_mem>>
        %dma_start3A_258 = tpu.memref_squeeze %dma_start3A_257 : memref<1x!tpu.dma_semaphore, #tpu.memory_space<semaphore_mem>> -> memref<!tpu.dma_semaphore, #tpu.memory_space<semaphore_mem>>
        tpu.enqueue_indirect_dma source(%dma_start3A_256 : memref<50000x64xf32, #tpu.memory_space<hbm>>) target(%dma_start3A_252 : memref<128x64xf32, #tpu.memory_space<vmem>>) offsets(%dma_start3A_253 : memref<128xi32, #tpu.memory_space<vmem>>) semaphore(%dma_start3A_258 : memref<!tpu.dma_semaphore, #tpu.memory_space<semaphore_mem>>)
      } else {
      }
      %ge3A_237 = arith.constant 4 : i32
      %ge3A_238 = arith.cmpi sge, %ge3A_237, %select_n3A : i32
      %lt3A_239 = arith.constant 4 : i32
      %lt3A_240 = arith.cmpi slt, %lt3A_239, %add3A_112 : i32
      %and3A_241 = arith.andi %ge3A_238, %lt3A_240 : i1
      %convert_element_type3A_242 = arith.extui %and3A_241 : i1 to i32
      %cond3A_243 = arith.constant 4 : i32
      %cond3A_244 = arith.constant 0 : i32
      %cond3A_245 = arith.cmpi ne, %convert_element_type3A_242, %cond3A_244 : i32
      scf.if %cond3A_245 {
        %sub3A_246 = arith.subi %cond3A_243, %select_n3A : i32
        %mul3A_247 = arith.constant 128 : i32
        %mul3A_248 = arith.muli %sub3A_246, %mul3A_247 : i32
        %dma_start3A = arith.constant 4 : i32
        %dma_start3A_249 = arith.constant 4 : i32
        %dma_start3A_250 = arith.constant 0 : i32
        %dma_start3A_251 = arith.constant 0 : i32
        %dma_start3A_252 = tpu.memref_slice %arg11[%dma_start3A, %dma_start3A_250, %dma_start3A_251] : memref<8x128x64xf32, #tpu.memory_space<vmem>> -> memref<1x128x64xf32, #tpu.memory_space<vmem>>
        %dma_start3A_253 = tpu.memref_squeeze %dma_start3A_252 : memref<1x128x64xf32, #tpu.memory_space<vmem>> -> memref<128x64xf32, #tpu.memory_space<vmem>>
        %dma_start3A_254 = tpu.memref_slice %arg7[%mul3A_248] : memref<6528xi32, #tpu.memory_space<vmem>> -> memref<128xi32, #tpu.memory_space<vmem>>
        %dma_start3A_255 = arith.constant 0 : i32
        %dma_start3A_256 = arith.constant 0 : i32
        %dma_start3A_257 = tpu.memref_slice %arg4[%dma_start3A_255, %dma_start3A_256] : memref<50000x64xf32, #tpu.memory_space<hbm>> -> memref<50000x64xf32, #tpu.memory_space<hbm>>
        %dma_start3A_258 = tpu.memref_slice %arg12[%dma_start3A_249] : memref<8x!tpu.dma_semaphore, #tpu.memory_space<semaphore_mem>> -> memref<1x!tpu.dma_semaphore, #tpu.memory_space<semaphore_mem>>
        %dma_start3A_259 = tpu.memref_squeeze %dma_start3A_258 : memref<1x!tpu.dma_semaphore, #tpu.memory_space<semaphore_mem>> -> memref<!tpu.dma_semaphore, #tpu.memory_space<semaphore_mem>>
        tpu.enqueue_indirect_dma source(%dma_start3A_257 : memref<50000x64xf32, #tpu.memory_space<hbm>>) target(%dma_start3A_253 : memref<128x64xf32, #tpu.memory_space<vmem>>) offsets(%dma_start3A_254 : memref<128xi32, #tpu.memory_space<vmem>>) semaphore(%dma_start3A_259 : memref<!tpu.dma_semaphore, #tpu.memory_space<semaphore_mem>>)
      } else {
      }
    } else {
    }
    %lt3A_137 = arith.constant 768 : i32
    %lt3A_138 = arith.cmpi slt, %scan3A_8, %lt3A_137 : i32
    %convert_element_type3A_139 = arith.extui %lt3A_138 : i1 to i32
    %cond3A_140 = arith.constant 0 : i32
    %cond3A_141 = arith.cmpi ne, %convert_element_type3A_139, %cond3A_140 : i32
    scf.if %cond3A_141 {
      %lt3A_231 = arith.constant 5 : i32
      %lt3A_232 = arith.cmpi slt, %lt3A_231, %select_n3A : i32
      %convert_element_type3A_233 = arith.extui %lt3A_232 : i1 to i32
      %cond3A_234 = arith.constant 5 : i32
      %cond3A_235 = arith.constant 0 : i32
      %cond3A_236 = arith.cmpi ne, %convert_element_type3A_233, %cond3A_235 : i32
      scf.if %cond3A_236 {
        %mul3A_246 = arith.constant 128 : i32
        %mul3A_247 = arith.muli %cond3A_234, %mul3A_246 : i32
        %dma_start3A = arith.constant 5 : i32
        %dma_start3A_248 = arith.constant 5 : i32
        %dma_start3A_249 = arith.constant 0 : i32
        %dma_start3A_250 = arith.constant 0 : i32
        %dma_start3A_251 = tpu.memref_slice %arg11[%dma_start3A, %dma_start3A_249, %dma_start3A_250] : memref<8x128x64xf32, #tpu.memory_space<vmem>> -> memref<1x128x64xf32, #tpu.memory_space<vmem>>
        %dma_start3A_252 = tpu.memref_squeeze %dma_start3A_251 : memref<1x128x64xf32, #tpu.memory_space<vmem>> -> memref<128x64xf32, #tpu.memory_space<vmem>>
        %dma_start3A_253 = tpu.memref_slice %arg6[%mul3A_247] : memref<6528xi32, #tpu.memory_space<vmem>> -> memref<128xi32, #tpu.memory_space<vmem>>
        %dma_start3A_254 = arith.constant 0 : i32
        %dma_start3A_255 = arith.constant 0 : i32
        %dma_start3A_256 = tpu.memref_slice %arg3[%dma_start3A_254, %dma_start3A_255] : memref<50000x64xf32, #tpu.memory_space<hbm>> -> memref<50000x64xf32, #tpu.memory_space<hbm>>
        %dma_start3A_257 = tpu.memref_slice %arg12[%dma_start3A_248] : memref<8x!tpu.dma_semaphore, #tpu.memory_space<semaphore_mem>> -> memref<1x!tpu.dma_semaphore, #tpu.memory_space<semaphore_mem>>
        %dma_start3A_258 = tpu.memref_squeeze %dma_start3A_257 : memref<1x!tpu.dma_semaphore, #tpu.memory_space<semaphore_mem>> -> memref<!tpu.dma_semaphore, #tpu.memory_space<semaphore_mem>>
        tpu.enqueue_indirect_dma source(%dma_start3A_256 : memref<50000x64xf32, #tpu.memory_space<hbm>>) target(%dma_start3A_252 : memref<128x64xf32, #tpu.memory_space<vmem>>) offsets(%dma_start3A_253 : memref<128xi32, #tpu.memory_space<vmem>>) semaphore(%dma_start3A_258 : memref<!tpu.dma_semaphore, #tpu.memory_space<semaphore_mem>>)
      } else {
      }
      %ge3A_237 = arith.constant 5 : i32
      %ge3A_238 = arith.cmpi sge, %ge3A_237, %select_n3A : i32
      %lt3A_239 = arith.constant 5 : i32
      %lt3A_240 = arith.cmpi slt, %lt3A_239, %add3A_112 : i32
      %and3A_241 = arith.andi %ge3A_238, %lt3A_240 : i1
      %convert_element_type3A_242 = arith.extui %and3A_241 : i1 to i32
      %cond3A_243 = arith.constant 5 : i32
      %cond3A_244 = arith.constant 0 : i32
      %cond3A_245 = arith.cmpi ne, %convert_element_type3A_242, %cond3A_244 : i32
      scf.if %cond3A_245 {
        %sub3A_246 = arith.subi %cond3A_243, %select_n3A : i32
        %mul3A_247 = arith.constant 128 : i32
        %mul3A_248 = arith.muli %sub3A_246, %mul3A_247 : i32
        %dma_start3A = arith.constant 5 : i32
        %dma_start3A_249 = arith.constant 5 : i32
        %dma_start3A_250 = arith.constant 0 : i32
        %dma_start3A_251 = arith.constant 0 : i32
        %dma_start3A_252 = tpu.memref_slice %arg11[%dma_start3A, %dma_start3A_250, %dma_start3A_251] : memref<8x128x64xf32, #tpu.memory_space<vmem>> -> memref<1x128x64xf32, #tpu.memory_space<vmem>>
        %dma_start3A_253 = tpu.memref_squeeze %dma_start3A_252 : memref<1x128x64xf32, #tpu.memory_space<vmem>> -> memref<128x64xf32, #tpu.memory_space<vmem>>
        %dma_start3A_254 = tpu.memref_slice %arg7[%mul3A_248] : memref<6528xi32, #tpu.memory_space<vmem>> -> memref<128xi32, #tpu.memory_space<vmem>>
        %dma_start3A_255 = arith.constant 0 : i32
        %dma_start3A_256 = arith.constant 0 : i32
        %dma_start3A_257 = tpu.memref_slice %arg4[%dma_start3A_255, %dma_start3A_256] : memref<50000x64xf32, #tpu.memory_space<hbm>> -> memref<50000x64xf32, #tpu.memory_space<hbm>>
        %dma_start3A_258 = tpu.memref_slice %arg12[%dma_start3A_249] : memref<8x!tpu.dma_semaphore, #tpu.memory_space<semaphore_mem>> -> memref<1x!tpu.dma_semaphore, #tpu.memory_space<semaphore_mem>>
        %dma_start3A_259 = tpu.memref_squeeze %dma_start3A_258 : memref<1x!tpu.dma_semaphore, #tpu.memory_space<semaphore_mem>> -> memref<!tpu.dma_semaphore, #tpu.memory_space<semaphore_mem>>
        tpu.enqueue_indirect_dma source(%dma_start3A_257 : memref<50000x64xf32, #tpu.memory_space<hbm>>) target(%dma_start3A_253 : memref<128x64xf32, #tpu.memory_space<vmem>>) offsets(%dma_start3A_254 : memref<128xi32, #tpu.memory_space<vmem>>) semaphore(%dma_start3A_259 : memref<!tpu.dma_semaphore, #tpu.memory_space<semaphore_mem>>)
      } else {
      }
    } else {
    }
    %lt3A_142 = arith.constant 896 : i32
    %lt3A_143 = arith.cmpi slt, %scan3A_8, %lt3A_142 : i32
    %convert_element_type3A_144 = arith.extui %lt3A_143 : i1 to i32
    %cond3A_145 = arith.constant 0 : i32
    %cond3A_146 = arith.cmpi ne, %convert_element_type3A_144, %cond3A_145 : i32
    scf.if %cond3A_146 {
      %lt3A_231 = arith.constant 6 : i32
      %lt3A_232 = arith.cmpi slt, %lt3A_231, %select_n3A : i32
      %convert_element_type3A_233 = arith.extui %lt3A_232 : i1 to i32
      %cond3A_234 = arith.constant 6 : i32
      %cond3A_235 = arith.constant 0 : i32
      %cond3A_236 = arith.cmpi ne, %convert_element_type3A_233, %cond3A_235 : i32
      scf.if %cond3A_236 {
        %mul3A_246 = arith.constant 128 : i32
        %mul3A_247 = arith.muli %cond3A_234, %mul3A_246 : i32
        %dma_start3A = arith.constant 6 : i32
        %dma_start3A_248 = arith.constant 6 : i32
        %dma_start3A_249 = arith.constant 0 : i32
        %dma_start3A_250 = arith.constant 0 : i32
        %dma_start3A_251 = tpu.memref_slice %arg11[%dma_start3A, %dma_start3A_249, %dma_start3A_250] : memref<8x128x64xf32, #tpu.memory_space<vmem>> -> memref<1x128x64xf32, #tpu.memory_space<vmem>>
        %dma_start3A_252 = tpu.memref_squeeze %dma_start3A_251 : memref<1x128x64xf32, #tpu.memory_space<vmem>> -> memref<128x64xf32, #tpu.memory_space<vmem>>
        %dma_start3A_253 = tpu.memref_slice %arg6[%mul3A_247] : memref<6528xi32, #tpu.memory_space<vmem>> -> memref<128xi32, #tpu.memory_space<vmem>>
        %dma_start3A_254 = arith.constant 0 : i32
        %dma_start3A_255 = arith.constant 0 : i32
        %dma_start3A_256 = tpu.memref_slice %arg3[%dma_start3A_254, %dma_start3A_255] : memref<50000x64xf32, #tpu.memory_space<hbm>> -> memref<50000x64xf32, #tpu.memory_space<hbm>>
        %dma_start3A_257 = tpu.memref_slice %arg12[%dma_start3A_248] : memref<8x!tpu.dma_semaphore, #tpu.memory_space<semaphore_mem>> -> memref<1x!tpu.dma_semaphore, #tpu.memory_space<semaphore_mem>>
        %dma_start3A_258 = tpu.memref_squeeze %dma_start3A_257 : memref<1x!tpu.dma_semaphore, #tpu.memory_space<semaphore_mem>> -> memref<!tpu.dma_semaphore, #tpu.memory_space<semaphore_mem>>
        tpu.enqueue_indirect_dma source(%dma_start3A_256 : memref<50000x64xf32, #tpu.memory_space<hbm>>) target(%dma_start3A_252 : memref<128x64xf32, #tpu.memory_space<vmem>>) offsets(%dma_start3A_253 : memref<128xi32, #tpu.memory_space<vmem>>) semaphore(%dma_start3A_258 : memref<!tpu.dma_semaphore, #tpu.memory_space<semaphore_mem>>)
      } else {
      }
      %ge3A_237 = arith.constant 6 : i32
      %ge3A_238 = arith.cmpi sge, %ge3A_237, %select_n3A : i32
      %lt3A_239 = arith.constant 6 : i32
      %lt3A_240 = arith.cmpi slt, %lt3A_239, %add3A_112 : i32
      %and3A_241 = arith.andi %ge3A_238, %lt3A_240 : i1
      %convert_element_type3A_242 = arith.extui %and3A_241 : i1 to i32
      %cond3A_243 = arith.constant 6 : i32
      %cond3A_244 = arith.constant 0 : i32
      %cond3A_245 = arith.cmpi ne, %convert_element_type3A_242, %cond3A_244 : i32
      scf.if %cond3A_245 {
        %sub3A_246 = arith.subi %cond3A_243, %select_n3A : i32
        %mul3A_247 = arith.constant 128 : i32
        %mul3A_248 = arith.muli %sub3A_246, %mul3A_247 : i32
        %dma_start3A = arith.constant 6 : i32
        %dma_start3A_249 = arith.constant 6 : i32
        %dma_start3A_250 = arith.constant 0 : i32
        %dma_start3A_251 = arith.constant 0 : i32
        %dma_start3A_252 = tpu.memref_slice %arg11[%dma_start3A, %dma_start3A_250, %dma_start3A_251] : memref<8x128x64xf32, #tpu.memory_space<vmem>> -> memref<1x128x64xf32, #tpu.memory_space<vmem>>
        %dma_start3A_253 = tpu.memref_squeeze %dma_start3A_252 : memref<1x128x64xf32, #tpu.memory_space<vmem>> -> memref<128x64xf32, #tpu.memory_space<vmem>>
        %dma_start3A_254 = tpu.memref_slice %arg7[%mul3A_248] : memref<6528xi32, #tpu.memory_space<vmem>> -> memref<128xi32, #tpu.memory_space<vmem>>
        %dma_start3A_255 = arith.constant 0 : i32
        %dma_start3A_256 = arith.constant 0 : i32
        %dma_start3A_257 = tpu.memref_slice %arg4[%dma_start3A_255, %dma_start3A_256] : memref<50000x64xf32, #tpu.memory_space<hbm>> -> memref<50000x64xf32, #tpu.memory_space<hbm>>
        %dma_start3A_258 = tpu.memref_slice %arg12[%dma_start3A_249] : memref<8x!tpu.dma_semaphore, #tpu.memory_space<semaphore_mem>> -> memref<1x!tpu.dma_semaphore, #tpu.memory_space<semaphore_mem>>
        %dma_start3A_259 = tpu.memref_squeeze %dma_start3A_258 : memref<1x!tpu.dma_semaphore, #tpu.memory_space<semaphore_mem>> -> memref<!tpu.dma_semaphore, #tpu.memory_space<semaphore_mem>>
        tpu.enqueue_indirect_dma source(%dma_start3A_257 : memref<50000x64xf32, #tpu.memory_space<hbm>>) target(%dma_start3A_253 : memref<128x64xf32, #tpu.memory_space<vmem>>) offsets(%dma_start3A_254 : memref<128xi32, #tpu.memory_space<vmem>>) semaphore(%dma_start3A_259 : memref<!tpu.dma_semaphore, #tpu.memory_space<semaphore_mem>>)
      } else {
      }
    } else {
    }
    %lt3A_147 = arith.constant 1024 : i32
    %lt3A_148 = arith.cmpi slt, %scan3A_8, %lt3A_147 : i32
    %convert_element_type3A_149 = arith.extui %lt3A_148 : i1 to i32
    %cond3A_150 = arith.constant 0 : i32
    %cond3A_151 = arith.cmpi ne, %convert_element_type3A_149, %cond3A_150 : i32
    scf.if %cond3A_151 {
      %lt3A_231 = arith.constant 7 : i32
      %lt3A_232 = arith.cmpi slt, %lt3A_231, %select_n3A : i32
      %convert_element_type3A_233 = arith.extui %lt3A_232 : i1 to i32
      %cond3A_234 = arith.constant 7 : i32
      %cond3A_235 = arith.constant 0 : i32
      %cond3A_236 = arith.cmpi ne, %convert_element_type3A_233, %cond3A_235 : i32
      scf.if %cond3A_236 {
        %mul3A_246 = arith.constant 128 : i32
        %mul3A_247 = arith.muli %cond3A_234, %mul3A_246 : i32
        %dma_start3A = arith.constant 7 : i32
        %dma_start3A_248 = arith.constant 7 : i32
        %dma_start3A_249 = arith.constant 0 : i32
        %dma_start3A_250 = arith.constant 0 : i32
        %dma_start3A_251 = tpu.memref_slice %arg11[%dma_start3A, %dma_start3A_249, %dma_start3A_250] : memref<8x128x64xf32, #tpu.memory_space<vmem>> -> memref<1x128x64xf32, #tpu.memory_space<vmem>>
        %dma_start3A_252 = tpu.memref_squeeze %dma_start3A_251 : memref<1x128x64xf32, #tpu.memory_space<vmem>> -> memref<128x64xf32, #tpu.memory_space<vmem>>
        %dma_start3A_253 = tpu.memref_slice %arg6[%mul3A_247] : memref<6528xi32, #tpu.memory_space<vmem>> -> memref<128xi32, #tpu.memory_space<vmem>>
        %dma_start3A_254 = arith.constant 0 : i32
        %dma_start3A_255 = arith.constant 0 : i32
        %dma_start3A_256 = tpu.memref_slice %arg3[%dma_start3A_254, %dma_start3A_255] : memref<50000x64xf32, #tpu.memory_space<hbm>> -> memref<50000x64xf32, #tpu.memory_space<hbm>>
        %dma_start3A_257 = tpu.memref_slice %arg12[%dma_start3A_248] : memref<8x!tpu.dma_semaphore, #tpu.memory_space<semaphore_mem>> -> memref<1x!tpu.dma_semaphore, #tpu.memory_space<semaphore_mem>>
        %dma_start3A_258 = tpu.memref_squeeze %dma_start3A_257 : memref<1x!tpu.dma_semaphore, #tpu.memory_space<semaphore_mem>> -> memref<!tpu.dma_semaphore, #tpu.memory_space<semaphore_mem>>
        tpu.enqueue_indirect_dma source(%dma_start3A_256 : memref<50000x64xf32, #tpu.memory_space<hbm>>) target(%dma_start3A_252 : memref<128x64xf32, #tpu.memory_space<vmem>>) offsets(%dma_start3A_253 : memref<128xi32, #tpu.memory_space<vmem>>) semaphore(%dma_start3A_258 : memref<!tpu.dma_semaphore, #tpu.memory_space<semaphore_mem>>)
      } else {
      }
      %ge3A_237 = arith.constant 7 : i32
      %ge3A_238 = arith.cmpi sge, %ge3A_237, %select_n3A : i32
      %lt3A_239 = arith.constant 7 : i32
      %lt3A_240 = arith.cmpi slt, %lt3A_239, %add3A_112 : i32
      %and3A_241 = arith.andi %ge3A_238, %lt3A_240 : i1
      %convert_element_type3A_242 = arith.extui %and3A_241 : i1 to i32
      %cond3A_243 = arith.constant 7 : i32
      %cond3A_244 = arith.constant 0 : i32
      %cond3A_245 = arith.cmpi ne, %convert_element_type3A_242, %cond3A_244 : i32
      scf.if %cond3A_245 {
        %sub3A_246 = arith.subi %cond3A_243, %select_n3A : i32
        %mul3A_247 = arith.constant 128 : i32
        %mul3A_248 = arith.muli %sub3A_246, %mul3A_247 : i32
        %dma_start3A = arith.constant 7 : i32
        %dma_start3A_249 = arith.constant 7 : i32
        %dma_start3A_250 = arith.constant 0 : i32
        %dma_start3A_251 = arith.constant 0 : i32
        %dma_start3A_252 = tpu.memref_slice %arg11[%dma_start3A, %dma_start3A_250, %dma_start3A_251] : memref<8x128x64xf32, #tpu.memory_space<vmem>> -> memref<1x128x64xf32, #tpu.memory_space<vmem>>
        %dma_start3A_253 = tpu.memref_squeeze %dma_start3A_252 : memref<1x128x64xf32, #tpu.memory_space<vmem>> -> memref<128x64xf32, #tpu.memory_space<vmem>>
        %dma_start3A_254 = tpu.memref_slice %arg7[%mul3A_248] : memref<6528xi32, #tpu.memory_space<vmem>> -> memref<128xi32, #tpu.memory_space<vmem>>
        %dma_start3A_255 = arith.constant 0 : i32
        %dma_start3A_256 = arith.constant 0 : i32
        %dma_start3A_257 = tpu.memref_slice %arg4[%dma_start3A_255, %dma_start3A_256] : memref<50000x64xf32, #tpu.memory_space<hbm>> -> memref<50000x64xf32, #tpu.memory_space<hbm>>
        %dma_start3A_258 = tpu.memref_slice %arg12[%dma_start3A_249] : memref<8x!tpu.dma_semaphore, #tpu.memory_space<semaphore_mem>> -> memref<1x!tpu.dma_semaphore, #tpu.memory_space<semaphore_mem>>
        %dma_start3A_259 = tpu.memref_squeeze %dma_start3A_258 : memref<1x!tpu.dma_semaphore, #tpu.memory_space<semaphore_mem>> -> memref<!tpu.dma_semaphore, #tpu.memory_space<semaphore_mem>>
        tpu.enqueue_indirect_dma source(%dma_start3A_257 : memref<50000x64xf32, #tpu.memory_space<hbm>>) target(%dma_start3A_253 : memref<128x64xf32, #tpu.memory_space<vmem>>) offsets(%dma_start3A_254 : memref<128xi32, #tpu.memory_space<vmem>>) semaphore(%dma_start3A_259 : memref<!tpu.dma_semaphore, #tpu.memory_space<semaphore_mem>>)
      } else {
      }
    } else {
    }
    %add3A_152 = arith.constant 8 : i32
    %add3A_153 = arith.addi %add3A_112, %add3A_152 : i32
    %sub3A_154 = arith.constant 1 : i32
    %sub3A_155 = arith.subi %add3A_153, %sub3A_154 : i32
    %jit3A_156 = arith.constant 8 : i32
    %div3A_157 = arith.divsi %sub3A_155, %jit3A_156 : i32
    %sign3A_158 = arith.constant 0 : i32
    %sign3A_159 = arith.cmpi sgt, %sub3A_155, %sign3A_158 : i32
    %sign3A_160 = arith.extui %sign3A_159 : i1 to i32
    %sign3A_161 = arith.constant 0 : i32
    %sign3A_162 = arith.cmpi slt, %sub3A_155, %sign3A_161 : i32
    %sign3A_163 = arith.extui %sign3A_162 : i1 to i32
    %sign3A_164 = arith.subi %sign3A_160, %sign3A_163 : i32
    %sign3A_165 = arith.constant 0 : i32
    %sign3A_166 = arith.cmpi sgt, %jit3A_156, %sign3A_165 : i32
    %sign3A_167 = arith.extui %sign3A_166 : i1 to i32
    %sign3A_168 = arith.constant 0 : i32
    %sign3A_169 = arith.cmpi slt, %jit3A_156, %sign3A_168 : i32
    %sign3A_170 = arith.extui %sign3A_169 : i1 to i32
    %sign3A_171 = arith.subi %sign3A_167, %sign3A_170 : i32
    %ne3A_172 = arith.cmpi ne, %sign3A_164, %sign3A_171 : i32
    %rem3A_173 = arith.remsi %sub3A_155, %jit3A_156 : i32
    %ne3A_174 = arith.constant 0 : i32
    %ne3A_175 = arith.cmpi ne, %rem3A_173, %ne3A_174 : i32
    %and3A_176 = arith.andi %ne3A_172, %ne3A_175 : i1
    %sub3A_177 = arith.constant 1 : i32
    %sub3A_178 = arith.subi %div3A_157, %sub3A_177 : i32
    %select_n3A_179 = arith.select %and3A_176, %sub3A_178, %div3A_157 : i32
    %while3A = arith.constant 0 : i32
    %while3A_180 = arith.constant 0 : i32
    %while3A_181 = arith.subi %select_n3A_179, %while3A : i32
    %while3A_182 = arith.addi %while3A, %while3A_181 : i32
    %while3A_183 = arith.constant 1 : i32
    %while3A_184 = arith.divsi %while3A_181, %while3A_183 : i32
    %while3A_185 = arith.muli %while3A_184, %while3A_183 : i32
    %while3A_186 = arith.addi %while3A, %while3A_185 : i32
    %while3A_187 = arith.constant 1 : i32
    %while3A_188 = scf.for %while3A_231 = %while3A to %while3A_186 step %while3A_187 iter_args(%while3A_232 = %while3A_180) -> (i32)  : i32 {
      %mul3A_233 = arith.constant 8 : i32
      %mul3A_234 = arith.muli %while3A_231, %mul3A_233 : i32
      %add3A_235 = arith.constant 0 : i32
      %add3A_236 = arith.addi %mul3A_234, %add3A_235 : i32
      %lt3A_237 = arith.cmpi slt, %add3A_236, %add3A_112 : i32
      %convert_element_type3A_238 = arith.extui %lt3A_237 : i1 to i32
      %cond3A_239 = arith.constant 0 : i32
      %cond3A_240 = arith.cmpi ne, %convert_element_type3A_238, %cond3A_239 : i32
      scf.if %cond3A_240 {
        %dma_wait3A = arith.constant 0 : i32
        %dma_wait3A_508 = arith.constant 0 : i32
        %dma_wait3A_509 = arith.constant 0 : i32
        %dma_wait3A_510 = arith.constant 0 : i32
        %dma_wait3A_511 = tpu.memref_slice %arg11[%dma_wait3A, %dma_wait3A_509, %dma_wait3A_510] : memref<8x128x64xf32, #tpu.memory_space<vmem>> -> memref<1x128x64xf32, #tpu.memory_space<vmem>>
        %dma_wait3A_512 = tpu.memref_squeeze %dma_wait3A_511 : memref<1x128x64xf32, #tpu.memory_space<vmem>> -> memref<128x64xf32, #tpu.memory_space<vmem>>
        %dma_wait3A_513 = arith.constant 0 : i32
        %dma_wait3A_514 = arith.constant 0 : i32
        %dma_wait3A_515 = tpu.memref_slice %arg3[%dma_wait3A_513, %dma_wait3A_514] : memref<50000x64xf32, #tpu.memory_space<hbm>> -> memref<128x64xf32, #tpu.memory_space<hbm>>
        %dma_wait3A_516 = tpu.memref_slice %arg12[%dma_wait3A_508] : memref<8x!tpu.dma_semaphore, #tpu.memory_space<semaphore_mem>> -> memref<1x!tpu.dma_semaphore, #tpu.memory_space<semaphore_mem>>
        %dma_wait3A_517 = tpu.memref_squeeze %dma_wait3A_516 : memref<1x!tpu.dma_semaphore, #tpu.memory_space<semaphore_mem>> -> memref<!tpu.dma_semaphore, #tpu.memory_space<semaphore_mem>>
        %dma_wait3A_518 = arith.constant 0 : i32
        %dma_wait3A_519 = arith.constant 0 : i32
        %dma_wait3A_520 = tpu.memref_slice %arg11[%dma_wait3A, %dma_wait3A_518, %dma_wait3A_519] : memref<8x128x64xf32, #tpu.memory_space<vmem>> -> memref<1x128x64xf32, #tpu.memory_space<vmem>>
        %dma_wait3A_521 = tpu.memref_squeeze %dma_wait3A_520 : memref<1x128x64xf32, #tpu.memory_space<vmem>> -> memref<128x64xf32, #tpu.memory_space<vmem>>
        %dma_wait3A_522 = arith.constant 0 : i32
        %dma_wait3A_523 = arith.constant 0 : i32
        %dma_wait3A_524 = tpu.memref_slice %arg3[%dma_wait3A_522, %dma_wait3A_523] : memref<50000x64xf32, #tpu.memory_space<hbm>> -> memref<128x64xf32, #tpu.memory_space<hbm>>
        tpu.wait_dma2 semaphore(%dma_wait3A_517 : memref<!tpu.dma_semaphore, #tpu.memory_space<semaphore_mem>>) src(%dma_wait3A_524 : memref<128x64xf32, #tpu.memory_space<hbm>>) dst(%dma_wait3A_521 : memref<128x64xf32, #tpu.memory_space<vmem>>)
      } else {
      }
      %lt3A_241 = arith.cmpi slt, %add3A_236, %select_n3A : i32
      %convert_element_type3A_242 = arith.extui %lt3A_241 : i1 to i32
      %cond3A_243 = arith.constant 0 : i32
      %cond3A_244 = arith.cmpi ne, %convert_element_type3A_242, %cond3A_243 : i32
      scf.if %cond3A_244 {
        %mul3A_508 = arith.constant 128 : i32
        %mul3A_509 = arith.muli %add3A_236, %mul3A_508 : i32
        %dma_start3A = arith.constant 0 : i32
        %dma_start3A_510 = arith.constant 0 : i32
        %dma_start3A_511 = arith.constant 0 : i32
        %dma_start3A_512 = arith.constant 0 : i32
        %dma_start3A_513 = tpu.memref_slice %arg11[%dma_start3A, %dma_start3A_511, %dma_start3A_512] : memref<8x128x64xf32, #tpu.memory_space<vmem>> -> memref<1x128x64xf32, #tpu.memory_space<vmem>>
        %dma_start3A_514 = tpu.memref_squeeze %dma_start3A_513 : memref<1x128x64xf32, #tpu.memory_space<vmem>> -> memref<128x64xf32, #tpu.memory_space<vmem>>
        %dma_start3A_515 = tpu.memref_slice %arg9[%mul3A_509] : memref<6528xi32, #tpu.memory_space<vmem>> -> memref<128xi32, #tpu.memory_space<vmem>>
        %dma_start3A_516 = arith.constant 0 : i32
        %dma_start3A_517 = arith.constant 0 : i32
        %dma_start3A_518 = tpu.memref_slice %arg5[%dma_start3A_516, %dma_start3A_517] : memref<204800x64xf32, #tpu.memory_space<hbm>> -> memref<204800x64xf32, #tpu.memory_space<hbm>>
        %dma_start3A_519 = tpu.memref_slice %arg13[%dma_start3A_510] : memref<8x!tpu.dma_semaphore, #tpu.memory_space<semaphore_mem>> -> memref<1x!tpu.dma_semaphore, #tpu.memory_space<semaphore_mem>>
        %dma_start3A_520 = tpu.memref_squeeze %dma_start3A_519 : memref<1x!tpu.dma_semaphore, #tpu.memory_space<semaphore_mem>> -> memref<!tpu.dma_semaphore, #tpu.memory_space<semaphore_mem>>
        tpu.enqueue_indirect_dma source(%dma_start3A_514 : memref<128x64xf32, #tpu.memory_space<vmem>>) target(%dma_start3A_518 : memref<204800x64xf32, #tpu.memory_space<hbm>>) offsets(%dma_start3A_515 : memref<128xi32, #tpu.memory_space<vmem>>) semaphore(%dma_start3A_520 : memref<!tpu.dma_semaphore, #tpu.memory_space<semaphore_mem>>)
      } else {
      }
      %ge3A_245 = arith.cmpi sge, %add3A_236, %select_n3A : i32
      %lt3A_246 = arith.cmpi slt, %add3A_236, %add3A_112 : i32
      %and3A_247 = arith.andi %ge3A_245, %lt3A_246 : i1
      %convert_element_type3A_248 = arith.extui %and3A_247 : i1 to i32
      %cond3A_249 = arith.constant 0 : i32
      %cond3A_250 = arith.cmpi ne, %convert_element_type3A_248, %cond3A_249 : i32
      scf.if %cond3A_250 {
        %sub3A_508 = arith.subi %add3A_236, %select_n3A : i32
        %mul3A_509 = arith.constant 128 : i32
        %mul3A_510 = arith.muli %sub3A_508, %mul3A_509 : i32
        %dma_start3A = arith.constant 0 : i32
        %dma_start3A_511 = arith.constant 0 : i32
        %dma_start3A_512 = arith.constant 0 : i32
        %dma_start3A_513 = arith.constant 0 : i32
        %dma_start3A_514 = tpu.memref_slice %arg11[%dma_start3A, %dma_start3A_512, %dma_start3A_513] : memref<8x128x64xf32, #tpu.memory_space<vmem>> -> memref<1x128x64xf32, #tpu.memory_space<vmem>>
        %dma_start3A_515 = tpu.memref_squeeze %dma_start3A_514 : memref<1x128x64xf32, #tpu.memory_space<vmem>> -> memref<128x64xf32, #tpu.memory_space<vmem>>
        %dma_start3A_516 = tpu.memref_slice %arg10[%mul3A_510] : memref<6528xi32, #tpu.memory_space<vmem>> -> memref<128xi32, #tpu.memory_space<vmem>>
        %dma_start3A_517 = arith.constant 0 : i32
        %dma_start3A_518 = arith.constant 0 : i32
        %dma_start3A_519 = tpu.memref_slice %arg5[%dma_start3A_517, %dma_start3A_518] : memref<204800x64xf32, #tpu.memory_space<hbm>> -> memref<204800x64xf32, #tpu.memory_space<hbm>>
        %dma_start3A_520 = tpu.memref_slice %arg13[%dma_start3A_511] : memref<8x!tpu.dma_semaphore, #tpu.memory_space<semaphore_mem>> -> memref<1x!tpu.dma_semaphore, #tpu.memory_space<semaphore_mem>>
        %dma_start3A_521 = tpu.memref_squeeze %dma_start3A_520 : memref<1x!tpu.dma_semaphore, #tpu.memory_space<semaphore_mem>> -> memref<!tpu.dma_semaphore, #tpu.memory_space<semaphore_mem>>
        tpu.enqueue_indirect_dma source(%dma_start3A_515 : memref<128x64xf32, #tpu.memory_space<vmem>>) target(%dma_start3A_519 : memref<204800x64xf32, #tpu.memory_space<hbm>>) offsets(%dma_start3A_516 : memref<128xi32, #tpu.memory_space<vmem>>) semaphore(%dma_start3A_521 : memref<!tpu.dma_semaphore, #tpu.memory_space<semaphore_mem>>)
      } else {
      }
      %add3A_251 = arith.constant 1 : i32
      %add3A_252 = arith.addi %mul3A_234, %add3A_251 : i32
      %lt3A_253 = arith.cmpi slt, %add3A_252, %add3A_112 : i32
      %convert_element_type3A_254 = arith.extui %lt3A_253 : i1 to i32
      %cond3A_255 = arith.constant 0 : i32
      %cond3A_256 = arith.cmpi ne, %convert_element_type3A_254, %cond3A_255 : i32
      scf.if %cond3A_256 {
        %dma_wait3A = arith.constant 0 : i32
        %dma_wait3A_508 = arith.constant 1 : i32
        %dma_wait3A_509 = arith.constant 0 : i32
        %dma_wait3A_510 = arith.constant 0 : i32
        %dma_wait3A_511 = tpu.memref_slice %arg11[%dma_wait3A, %dma_wait3A_509, %dma_wait3A_510] : memref<8x128x64xf32, #tpu.memory_space<vmem>> -> memref<1x128x64xf32, #tpu.memory_space<vmem>>
        %dma_wait3A_512 = tpu.memref_squeeze %dma_wait3A_511 : memref<1x128x64xf32, #tpu.memory_space<vmem>> -> memref<128x64xf32, #tpu.memory_space<vmem>>
        %dma_wait3A_513 = arith.constant 0 : i32
        %dma_wait3A_514 = arith.constant 0 : i32
        %dma_wait3A_515 = tpu.memref_slice %arg3[%dma_wait3A_513, %dma_wait3A_514] : memref<50000x64xf32, #tpu.memory_space<hbm>> -> memref<128x64xf32, #tpu.memory_space<hbm>>
        %dma_wait3A_516 = tpu.memref_slice %arg12[%dma_wait3A_508] : memref<8x!tpu.dma_semaphore, #tpu.memory_space<semaphore_mem>> -> memref<1x!tpu.dma_semaphore, #tpu.memory_space<semaphore_mem>>
        %dma_wait3A_517 = tpu.memref_squeeze %dma_wait3A_516 : memref<1x!tpu.dma_semaphore, #tpu.memory_space<semaphore_mem>> -> memref<!tpu.dma_semaphore, #tpu.memory_space<semaphore_mem>>
        %dma_wait3A_518 = arith.constant 0 : i32
        %dma_wait3A_519 = arith.constant 0 : i32
        %dma_wait3A_520 = tpu.memref_slice %arg11[%dma_wait3A, %dma_wait3A_518, %dma_wait3A_519] : memref<8x128x64xf32, #tpu.memory_space<vmem>> -> memref<1x128x64xf32, #tpu.memory_space<vmem>>
        %dma_wait3A_521 = tpu.memref_squeeze %dma_wait3A_520 : memref<1x128x64xf32, #tpu.memory_space<vmem>> -> memref<128x64xf32, #tpu.memory_space<vmem>>
        %dma_wait3A_522 = arith.constant 0 : i32
        %dma_wait3A_523 = arith.constant 0 : i32
        %dma_wait3A_524 = tpu.memref_slice %arg3[%dma_wait3A_522, %dma_wait3A_523] : memref<50000x64xf32, #tpu.memory_space<hbm>> -> memref<128x64xf32, #tpu.memory_space<hbm>>
        tpu.wait_dma2 semaphore(%dma_wait3A_517 : memref<!tpu.dma_semaphore, #tpu.memory_space<semaphore_mem>>) src(%dma_wait3A_524 : memref<128x64xf32, #tpu.memory_space<hbm>>) dst(%dma_wait3A_521 : memref<128x64xf32, #tpu.memory_space<vmem>>)
      } else {
      }
      %lt3A_257 = arith.cmpi slt, %add3A_252, %select_n3A : i32
      %convert_element_type3A_258 = arith.extui %lt3A_257 : i1 to i32
      %cond3A_259 = arith.constant 0 : i32
      %cond3A_260 = arith.cmpi ne, %convert_element_type3A_258, %cond3A_259 : i32
      scf.if %cond3A_260 {
        %mul3A_508 = arith.constant 128 : i32
        %mul3A_509 = arith.muli %add3A_252, %mul3A_508 : i32
        %dma_start3A = arith.constant 1 : i32
        %dma_start3A_510 = arith.constant 1 : i32
        %dma_start3A_511 = arith.constant 0 : i32
        %dma_start3A_512 = arith.constant 0 : i32
        %dma_start3A_513 = tpu.memref_slice %arg11[%dma_start3A, %dma_start3A_511, %dma_start3A_512] : memref<8x128x64xf32, #tpu.memory_space<vmem>> -> memref<1x128x64xf32, #tpu.memory_space<vmem>>
        %dma_start3A_514 = tpu.memref_squeeze %dma_start3A_513 : memref<1x128x64xf32, #tpu.memory_space<vmem>> -> memref<128x64xf32, #tpu.memory_space<vmem>>
        %dma_start3A_515 = tpu.memref_slice %arg9[%mul3A_509] : memref<6528xi32, #tpu.memory_space<vmem>> -> memref<128xi32, #tpu.memory_space<vmem>>
        %dma_start3A_516 = arith.constant 0 : i32
        %dma_start3A_517 = arith.constant 0 : i32
        %dma_start3A_518 = tpu.memref_slice %arg5[%dma_start3A_516, %dma_start3A_517] : memref<204800x64xf32, #tpu.memory_space<hbm>> -> memref<204800x64xf32, #tpu.memory_space<hbm>>
        %dma_start3A_519 = tpu.memref_slice %arg13[%dma_start3A_510] : memref<8x!tpu.dma_semaphore, #tpu.memory_space<semaphore_mem>> -> memref<1x!tpu.dma_semaphore, #tpu.memory_space<semaphore_mem>>
        %dma_start3A_520 = tpu.memref_squeeze %dma_start3A_519 : memref<1x!tpu.dma_semaphore, #tpu.memory_space<semaphore_mem>> -> memref<!tpu.dma_semaphore, #tpu.memory_space<semaphore_mem>>
        tpu.enqueue_indirect_dma source(%dma_start3A_514 : memref<128x64xf32, #tpu.memory_space<vmem>>) target(%dma_start3A_518 : memref<204800x64xf32, #tpu.memory_space<hbm>>) offsets(%dma_start3A_515 : memref<128xi32, #tpu.memory_space<vmem>>) semaphore(%dma_start3A_520 : memref<!tpu.dma_semaphore, #tpu.memory_space<semaphore_mem>>)
      } else {
      }
      %ge3A_261 = arith.cmpi sge, %add3A_252, %select_n3A : i32
      %lt3A_262 = arith.cmpi slt, %add3A_252, %add3A_112 : i32
      %and3A_263 = arith.andi %ge3A_261, %lt3A_262 : i1
      %convert_element_type3A_264 = arith.extui %and3A_263 : i1 to i32
      %cond3A_265 = arith.constant 0 : i32
      %cond3A_266 = arith.cmpi ne, %convert_element_type3A_264, %cond3A_265 : i32
      scf.if %cond3A_266 {
        %sub3A_508 = arith.subi %add3A_252, %select_n3A : i32
        %mul3A_509 = arith.constant 128 : i32
        %mul3A_510 = arith.muli %sub3A_508, %mul3A_509 : i32
        %dma_start3A = arith.constant 1 : i32
        %dma_start3A_511 = arith.constant 1 : i32
        %dma_start3A_512 = arith.constant 0 : i32
        %dma_start3A_513 = arith.constant 0 : i32
        %dma_start3A_514 = tpu.memref_slice %arg11[%dma_start3A, %dma_start3A_512, %dma_start3A_513] : memref<8x128x64xf32, #tpu.memory_space<vmem>> -> memref<1x128x64xf32, #tpu.memory_space<vmem>>
        %dma_start3A_515 = tpu.memref_squeeze %dma_start3A_514 : memref<1x128x64xf32, #tpu.memory_space<vmem>> -> memref<128x64xf32, #tpu.memory_space<vmem>>
        %dma_start3A_516 = tpu.memref_slice %arg10[%mul3A_510] : memref<6528xi32, #tpu.memory_space<vmem>> -> memref<128xi32, #tpu.memory_space<vmem>>
        %dma_start3A_517 = arith.constant 0 : i32
        %dma_start3A_518 = arith.constant 0 : i32
        %dma_start3A_519 = tpu.memref_slice %arg5[%dma_start3A_517, %dma_start3A_518] : memref<204800x64xf32, #tpu.memory_space<hbm>> -> memref<204800x64xf32, #tpu.memory_space<hbm>>
        %dma_start3A_520 = tpu.memref_slice %arg13[%dma_start3A_511] : memref<8x!tpu.dma_semaphore, #tpu.memory_space<semaphore_mem>> -> memref<1x!tpu.dma_semaphore, #tpu.memory_space<semaphore_mem>>
        %dma_start3A_521 = tpu.memref_squeeze %dma_start3A_520 : memref<1x!tpu.dma_semaphore, #tpu.memory_space<semaphore_mem>> -> memref<!tpu.dma_semaphore, #tpu.memory_space<semaphore_mem>>
        tpu.enqueue_indirect_dma source(%dma_start3A_515 : memref<128x64xf32, #tpu.memory_space<vmem>>) target(%dma_start3A_519 : memref<204800x64xf32, #tpu.memory_space<hbm>>) offsets(%dma_start3A_516 : memref<128xi32, #tpu.memory_space<vmem>>) semaphore(%dma_start3A_521 : memref<!tpu.dma_semaphore, #tpu.memory_space<semaphore_mem>>)
      } else {
      }
      %add3A_267 = arith.constant 2 : i32
      %add3A_268 = arith.addi %mul3A_234, %add3A_267 : i32
      %lt3A_269 = arith.cmpi slt, %add3A_268, %add3A_112 : i32
      %convert_element_type3A_270 = arith.extui %lt3A_269 : i1 to i32
      %cond3A_271 = arith.constant 0 : i32
      %cond3A_272 = arith.cmpi ne, %convert_element_type3A_270, %cond3A_271 : i32
      scf.if %cond3A_272 {
        %dma_wait3A = arith.constant 0 : i32
        %dma_wait3A_508 = arith.constant 2 : i32
        %dma_wait3A_509 = arith.constant 0 : i32
        %dma_wait3A_510 = arith.constant 0 : i32
        %dma_wait3A_511 = tpu.memref_slice %arg11[%dma_wait3A, %dma_wait3A_509, %dma_wait3A_510] : memref<8x128x64xf32, #tpu.memory_space<vmem>> -> memref<1x128x64xf32, #tpu.memory_space<vmem>>
        %dma_wait3A_512 = tpu.memref_squeeze %dma_wait3A_511 : memref<1x128x64xf32, #tpu.memory_space<vmem>> -> memref<128x64xf32, #tpu.memory_space<vmem>>
        %dma_wait3A_513 = arith.constant 0 : i32
        %dma_wait3A_514 = arith.constant 0 : i32
        %dma_wait3A_515 = tpu.memref_slice %arg3[%dma_wait3A_513, %dma_wait3A_514] : memref<50000x64xf32, #tpu.memory_space<hbm>> -> memref<128x64xf32, #tpu.memory_space<hbm>>
        %dma_wait3A_516 = tpu.memref_slice %arg12[%dma_wait3A_508] : memref<8x!tpu.dma_semaphore, #tpu.memory_space<semaphore_mem>> -> memref<1x!tpu.dma_semaphore, #tpu.memory_space<semaphore_mem>>
        %dma_wait3A_517 = tpu.memref_squeeze %dma_wait3A_516 : memref<1x!tpu.dma_semaphore, #tpu.memory_space<semaphore_mem>> -> memref<!tpu.dma_semaphore, #tpu.memory_space<semaphore_mem>>
        %dma_wait3A_518 = arith.constant 0 : i32
        %dma_wait3A_519 = arith.constant 0 : i32
        %dma_wait3A_520 = tpu.memref_slice %arg11[%dma_wait3A, %dma_wait3A_518, %dma_wait3A_519] : memref<8x128x64xf32, #tpu.memory_space<vmem>> -> memref<1x128x64xf32, #tpu.memory_space<vmem>>
        %dma_wait3A_521 = tpu.memref_squeeze %dma_wait3A_520 : memref<1x128x64xf32, #tpu.memory_space<vmem>> -> memref<128x64xf32, #tpu.memory_space<vmem>>
        %dma_wait3A_522 = arith.constant 0 : i32
        %dma_wait3A_523 = arith.constant 0 : i32
        %dma_wait3A_524 = tpu.memref_slice %arg3[%dma_wait3A_522, %dma_wait3A_523] : memref<50000x64xf32, #tpu.memory_space<hbm>> -> memref<128x64xf32, #tpu.memory_space<hbm>>
        tpu.wait_dma2 semaphore(%dma_wait3A_517 : memref<!tpu.dma_semaphore, #tpu.memory_space<semaphore_mem>>) src(%dma_wait3A_524 : memref<128x64xf32, #tpu.memory_space<hbm>>) dst(%dma_wait3A_521 : memref<128x64xf32, #tpu.memory_space<vmem>>)
      } else {
      }
      %lt3A_273 = arith.cmpi slt, %add3A_268, %select_n3A : i32
      %convert_element_type3A_274 = arith.extui %lt3A_273 : i1 to i32
      %cond3A_275 = arith.constant 0 : i32
      %cond3A_276 = arith.cmpi ne, %convert_element_type3A_274, %cond3A_275 : i32
      scf.if %cond3A_276 {
        %mul3A_508 = arith.constant 128 : i32
        %mul3A_509 = arith.muli %add3A_268, %mul3A_508 : i32
        %dma_start3A = arith.constant 2 : i32
        %dma_start3A_510 = arith.constant 2 : i32
        %dma_start3A_511 = arith.constant 0 : i32
        %dma_start3A_512 = arith.constant 0 : i32
        %dma_start3A_513 = tpu.memref_slice %arg11[%dma_start3A, %dma_start3A_511, %dma_start3A_512] : memref<8x128x64xf32, #tpu.memory_space<vmem>> -> memref<1x128x64xf32, #tpu.memory_space<vmem>>
        %dma_start3A_514 = tpu.memref_squeeze %dma_start3A_513 : memref<1x128x64xf32, #tpu.memory_space<vmem>> -> memref<128x64xf32, #tpu.memory_space<vmem>>
        %dma_start3A_515 = tpu.memref_slice %arg9[%mul3A_509] : memref<6528xi32, #tpu.memory_space<vmem>> -> memref<128xi32, #tpu.memory_space<vmem>>
        %dma_start3A_516 = arith.constant 0 : i32
        %dma_start3A_517 = arith.constant 0 : i32
        %dma_start3A_518 = tpu.memref_slice %arg5[%dma_start3A_516, %dma_start3A_517] : memref<204800x64xf32, #tpu.memory_space<hbm>> -> memref<204800x64xf32, #tpu.memory_space<hbm>>
        %dma_start3A_519 = tpu.memref_slice %arg13[%dma_start3A_510] : memref<8x!tpu.dma_semaphore, #tpu.memory_space<semaphore_mem>> -> memref<1x!tpu.dma_semaphore, #tpu.memory_space<semaphore_mem>>
        %dma_start3A_520 = tpu.memref_squeeze %dma_start3A_519 : memref<1x!tpu.dma_semaphore, #tpu.memory_space<semaphore_mem>> -> memref<!tpu.dma_semaphore, #tpu.memory_space<semaphore_mem>>
        tpu.enqueue_indirect_dma source(%dma_start3A_514 : memref<128x64xf32, #tpu.memory_space<vmem>>) target(%dma_start3A_518 : memref<204800x64xf32, #tpu.memory_space<hbm>>) offsets(%dma_start3A_515 : memref<128xi32, #tpu.memory_space<vmem>>) semaphore(%dma_start3A_520 : memref<!tpu.dma_semaphore, #tpu.memory_space<semaphore_mem>>)
      } else {
      }
      %ge3A_277 = arith.cmpi sge, %add3A_268, %select_n3A : i32
      %lt3A_278 = arith.cmpi slt, %add3A_268, %add3A_112 : i32
      %and3A_279 = arith.andi %ge3A_277, %lt3A_278 : i1
      %convert_element_type3A_280 = arith.extui %and3A_279 : i1 to i32
      %cond3A_281 = arith.constant 0 : i32
      %cond3A_282 = arith.cmpi ne, %convert_element_type3A_280, %cond3A_281 : i32
      scf.if %cond3A_282 {
        %sub3A_508 = arith.subi %add3A_268, %select_n3A : i32
        %mul3A_509 = arith.constant 128 : i32
        %mul3A_510 = arith.muli %sub3A_508, %mul3A_509 : i32
        %dma_start3A = arith.constant 2 : i32
        %dma_start3A_511 = arith.constant 2 : i32
        %dma_start3A_512 = arith.constant 0 : i32
        %dma_start3A_513 = arith.constant 0 : i32
        %dma_start3A_514 = tpu.memref_slice %arg11[%dma_start3A, %dma_start3A_512, %dma_start3A_513] : memref<8x128x64xf32, #tpu.memory_space<vmem>> -> memref<1x128x64xf32, #tpu.memory_space<vmem>>
        %dma_start3A_515 = tpu.memref_squeeze %dma_start3A_514 : memref<1x128x64xf32, #tpu.memory_space<vmem>> -> memref<128x64xf32, #tpu.memory_space<vmem>>
        %dma_start3A_516 = tpu.memref_slice %arg10[%mul3A_510] : memref<6528xi32, #tpu.memory_space<vmem>> -> memref<128xi32, #tpu.memory_space<vmem>>
        %dma_start3A_517 = arith.constant 0 : i32
        %dma_start3A_518 = arith.constant 0 : i32
        %dma_start3A_519 = tpu.memref_slice %arg5[%dma_start3A_517, %dma_start3A_518] : memref<204800x64xf32, #tpu.memory_space<hbm>> -> memref<204800x64xf32, #tpu.memory_space<hbm>>
        %dma_start3A_520 = tpu.memref_slice %arg13[%dma_start3A_511] : memref<8x!tpu.dma_semaphore, #tpu.memory_space<semaphore_mem>> -> memref<1x!tpu.dma_semaphore, #tpu.memory_space<semaphore_mem>>
        %dma_start3A_521 = tpu.memref_squeeze %dma_start3A_520 : memref<1x!tpu.dma_semaphore, #tpu.memory_space<semaphore_mem>> -> memref<!tpu.dma_semaphore, #tpu.memory_space<semaphore_mem>>
        tpu.enqueue_indirect_dma source(%dma_start3A_515 : memref<128x64xf32, #tpu.memory_space<vmem>>) target(%dma_start3A_519 : memref<204800x64xf32, #tpu.memory_space<hbm>>) offsets(%dma_start3A_516 : memref<128xi32, #tpu.memory_space<vmem>>) semaphore(%dma_start3A_521 : memref<!tpu.dma_semaphore, #tpu.memory_space<semaphore_mem>>)
      } else {
      }
      %add3A_283 = arith.constant 3 : i32
      %add3A_284 = arith.addi %mul3A_234, %add3A_283 : i32
      %lt3A_285 = arith.cmpi slt, %add3A_284, %add3A_112 : i32
      %convert_element_type3A_286 = arith.extui %lt3A_285 : i1 to i32
      %cond3A_287 = arith.constant 0 : i32
      %cond3A_288 = arith.cmpi ne, %convert_element_type3A_286, %cond3A_287 : i32
      scf.if %cond3A_288 {
        %dma_wait3A = arith.constant 0 : i32
        %dma_wait3A_508 = arith.constant 3 : i32
        %dma_wait3A_509 = arith.constant 0 : i32
        %dma_wait3A_510 = arith.constant 0 : i32
        %dma_wait3A_511 = tpu.memref_slice %arg11[%dma_wait3A, %dma_wait3A_509, %dma_wait3A_510] : memref<8x128x64xf32, #tpu.memory_space<vmem>> -> memref<1x128x64xf32, #tpu.memory_space<vmem>>
        %dma_wait3A_512 = tpu.memref_squeeze %dma_wait3A_511 : memref<1x128x64xf32, #tpu.memory_space<vmem>> -> memref<128x64xf32, #tpu.memory_space<vmem>>
        %dma_wait3A_513 = arith.constant 0 : i32
        %dma_wait3A_514 = arith.constant 0 : i32
        %dma_wait3A_515 = tpu.memref_slice %arg3[%dma_wait3A_513, %dma_wait3A_514] : memref<50000x64xf32, #tpu.memory_space<hbm>> -> memref<128x64xf32, #tpu.memory_space<hbm>>
        %dma_wait3A_516 = tpu.memref_slice %arg12[%dma_wait3A_508] : memref<8x!tpu.dma_semaphore, #tpu.memory_space<semaphore_mem>> -> memref<1x!tpu.dma_semaphore, #tpu.memory_space<semaphore_mem>>
        %dma_wait3A_517 = tpu.memref_squeeze %dma_wait3A_516 : memref<1x!tpu.dma_semaphore, #tpu.memory_space<semaphore_mem>> -> memref<!tpu.dma_semaphore, #tpu.memory_space<semaphore_mem>>
        %dma_wait3A_518 = arith.constant 0 : i32
        %dma_wait3A_519 = arith.constant 0 : i32
        %dma_wait3A_520 = tpu.memref_slice %arg11[%dma_wait3A, %dma_wait3A_518, %dma_wait3A_519] : memref<8x128x64xf32, #tpu.memory_space<vmem>> -> memref<1x128x64xf32, #tpu.memory_space<vmem>>
        %dma_wait3A_521 = tpu.memref_squeeze %dma_wait3A_520 : memref<1x128x64xf32, #tpu.memory_space<vmem>> -> memref<128x64xf32, #tpu.memory_space<vmem>>
        %dma_wait3A_522 = arith.constant 0 : i32
        %dma_wait3A_523 = arith.constant 0 : i32
        %dma_wait3A_524 = tpu.memref_slice %arg3[%dma_wait3A_522, %dma_wait3A_523] : memref<50000x64xf32, #tpu.memory_space<hbm>> -> memref<128x64xf32, #tpu.memory_space<hbm>>
        tpu.wait_dma2 semaphore(%dma_wait3A_517 : memref<!tpu.dma_semaphore, #tpu.memory_space<semaphore_mem>>) src(%dma_wait3A_524 : memref<128x64xf32, #tpu.memory_space<hbm>>) dst(%dma_wait3A_521 : memref<128x64xf32, #tpu.memory_space<vmem>>)
      } else {
      }
      %lt3A_289 = arith.cmpi slt, %add3A_284, %select_n3A : i32
      %convert_element_type3A_290 = arith.extui %lt3A_289 : i1 to i32
      %cond3A_291 = arith.constant 0 : i32
      %cond3A_292 = arith.cmpi ne, %convert_element_type3A_290, %cond3A_291 : i32
      scf.if %cond3A_292 {
        %mul3A_508 = arith.constant 128 : i32
        %mul3A_509 = arith.muli %add3A_284, %mul3A_508 : i32
        %dma_start3A = arith.constant 3 : i32
        %dma_start3A_510 = arith.constant 3 : i32
        %dma_start3A_511 = arith.constant 0 : i32
        %dma_start3A_512 = arith.constant 0 : i32
        %dma_start3A_513 = tpu.memref_slice %arg11[%dma_start3A, %dma_start3A_511, %dma_start3A_512] : memref<8x128x64xf32, #tpu.memory_space<vmem>> -> memref<1x128x64xf32, #tpu.memory_space<vmem>>
        %dma_start3A_514 = tpu.memref_squeeze %dma_start3A_513 : memref<1x128x64xf32, #tpu.memory_space<vmem>> -> memref<128x64xf32, #tpu.memory_space<vmem>>
        %dma_start3A_515 = tpu.memref_slice %arg9[%mul3A_509] : memref<6528xi32, #tpu.memory_space<vmem>> -> memref<128xi32, #tpu.memory_space<vmem>>
        %dma_start3A_516 = arith.constant 0 : i32
        %dma_start3A_517 = arith.constant 0 : i32
        %dma_start3A_518 = tpu.memref_slice %arg5[%dma_start3A_516, %dma_start3A_517] : memref<204800x64xf32, #tpu.memory_space<hbm>> -> memref<204800x64xf32, #tpu.memory_space<hbm>>
        %dma_start3A_519 = tpu.memref_slice %arg13[%dma_start3A_510] : memref<8x!tpu.dma_semaphore, #tpu.memory_space<semaphore_mem>> -> memref<1x!tpu.dma_semaphore, #tpu.memory_space<semaphore_mem>>
        %dma_start3A_520 = tpu.memref_squeeze %dma_start3A_519 : memref<1x!tpu.dma_semaphore, #tpu.memory_space<semaphore_mem>> -> memref<!tpu.dma_semaphore, #tpu.memory_space<semaphore_mem>>
        tpu.enqueue_indirect_dma source(%dma_start3A_514 : memref<128x64xf32, #tpu.memory_space<vmem>>) target(%dma_start3A_518 : memref<204800x64xf32, #tpu.memory_space<hbm>>) offsets(%dma_start3A_515 : memref<128xi32, #tpu.memory_space<vmem>>) semaphore(%dma_start3A_520 : memref<!tpu.dma_semaphore, #tpu.memory_space<semaphore_mem>>)
      } else {
      }
      %ge3A_293 = arith.cmpi sge, %add3A_284, %select_n3A : i32
      %lt3A_294 = arith.cmpi slt, %add3A_284, %add3A_112 : i32
      %and3A_295 = arith.andi %ge3A_293, %lt3A_294 : i1
      %convert_element_type3A_296 = arith.extui %and3A_295 : i1 to i32
      %cond3A_297 = arith.constant 0 : i32
      %cond3A_298 = arith.cmpi ne, %convert_element_type3A_296, %cond3A_297 : i32
      scf.if %cond3A_298 {
        %sub3A_508 = arith.subi %add3A_284, %select_n3A : i32
        %mul3A_509 = arith.constant 128 : i32
        %mul3A_510 = arith.muli %sub3A_508, %mul3A_509 : i32
        %dma_start3A = arith.constant 3 : i32
        %dma_start3A_511 = arith.constant 3 : i32
        %dma_start3A_512 = arith.constant 0 : i32
        %dma_start3A_513 = arith.constant 0 : i32
        %dma_start3A_514 = tpu.memref_slice %arg11[%dma_start3A, %dma_start3A_512, %dma_start3A_513] : memref<8x128x64xf32, #tpu.memory_space<vmem>> -> memref<1x128x64xf32, #tpu.memory_space<vmem>>
        %dma_start3A_515 = tpu.memref_squeeze %dma_start3A_514 : memref<1x128x64xf32, #tpu.memory_space<vmem>> -> memref<128x64xf32, #tpu.memory_space<vmem>>
        %dma_start3A_516 = tpu.memref_slice %arg10[%mul3A_510] : memref<6528xi32, #tpu.memory_space<vmem>> -> memref<128xi32, #tpu.memory_space<vmem>>
        %dma_start3A_517 = arith.constant 0 : i32
        %dma_start3A_518 = arith.constant 0 : i32
        %dma_start3A_519 = tpu.memref_slice %arg5[%dma_start3A_517, %dma_start3A_518] : memref<204800x64xf32, #tpu.memory_space<hbm>> -> memref<204800x64xf32, #tpu.memory_space<hbm>>
        %dma_start3A_520 = tpu.memref_slice %arg13[%dma_start3A_511] : memref<8x!tpu.dma_semaphore, #tpu.memory_space<semaphore_mem>> -> memref<1x!tpu.dma_semaphore, #tpu.memory_space<semaphore_mem>>
        %dma_start3A_521 = tpu.memref_squeeze %dma_start3A_520 : memref<1x!tpu.dma_semaphore, #tpu.memory_space<semaphore_mem>> -> memref<!tpu.dma_semaphore, #tpu.memory_space<semaphore_mem>>
        tpu.enqueue_indirect_dma source(%dma_start3A_515 : memref<128x64xf32, #tpu.memory_space<vmem>>) target(%dma_start3A_519 : memref<204800x64xf32, #tpu.memory_space<hbm>>) offsets(%dma_start3A_516 : memref<128xi32, #tpu.memory_space<vmem>>) semaphore(%dma_start3A_521 : memref<!tpu.dma_semaphore, #tpu.memory_space<semaphore_mem>>)
      } else {
      }
      %add3A_299 = arith.constant 4 : i32
      %add3A_300 = arith.addi %mul3A_234, %add3A_299 : i32
      %lt3A_301 = arith.cmpi slt, %add3A_300, %add3A_112 : i32
      %convert_element_type3A_302 = arith.extui %lt3A_301 : i1 to i32
      %cond3A_303 = arith.constant 0 : i32
      %cond3A_304 = arith.cmpi ne, %convert_element_type3A_302, %cond3A_303 : i32
      scf.if %cond3A_304 {
        %dma_wait3A = arith.constant 0 : i32
        %dma_wait3A_508 = arith.constant 4 : i32
        %dma_wait3A_509 = arith.constant 0 : i32
        %dma_wait3A_510 = arith.constant 0 : i32
        %dma_wait3A_511 = tpu.memref_slice %arg11[%dma_wait3A, %dma_wait3A_509, %dma_wait3A_510] : memref<8x128x64xf32, #tpu.memory_space<vmem>> -> memref<1x128x64xf32, #tpu.memory_space<vmem>>
        %dma_wait3A_512 = tpu.memref_squeeze %dma_wait3A_511 : memref<1x128x64xf32, #tpu.memory_space<vmem>> -> memref<128x64xf32, #tpu.memory_space<vmem>>
        %dma_wait3A_513 = arith.constant 0 : i32
        %dma_wait3A_514 = arith.constant 0 : i32
        %dma_wait3A_515 = tpu.memref_slice %arg3[%dma_wait3A_513, %dma_wait3A_514] : memref<50000x64xf32, #tpu.memory_space<hbm>> -> memref<128x64xf32, #tpu.memory_space<hbm>>
        %dma_wait3A_516 = tpu.memref_slice %arg12[%dma_wait3A_508] : memref<8x!tpu.dma_semaphore, #tpu.memory_space<semaphore_mem>> -> memref<1x!tpu.dma_semaphore, #tpu.memory_space<semaphore_mem>>
        %dma_wait3A_517 = tpu.memref_squeeze %dma_wait3A_516 : memref<1x!tpu.dma_semaphore, #tpu.memory_space<semaphore_mem>> -> memref<!tpu.dma_semaphore, #tpu.memory_space<semaphore_mem>>
        %dma_wait3A_518 = arith.constant 0 : i32
        %dma_wait3A_519 = arith.constant 0 : i32
        %dma_wait3A_520 = tpu.memref_slice %arg11[%dma_wait3A, %dma_wait3A_518, %dma_wait3A_519] : memref<8x128x64xf32, #tpu.memory_space<vmem>> -> memref<1x128x64xf32, #tpu.memory_space<vmem>>
        %dma_wait3A_521 = tpu.memref_squeeze %dma_wait3A_520 : memref<1x128x64xf32, #tpu.memory_space<vmem>> -> memref<128x64xf32, #tpu.memory_space<vmem>>
        %dma_wait3A_522 = arith.constant 0 : i32
        %dma_wait3A_523 = arith.constant 0 : i32
        %dma_wait3A_524 = tpu.memref_slice %arg3[%dma_wait3A_522, %dma_wait3A_523] : memref<50000x64xf32, #tpu.memory_space<hbm>> -> memref<128x64xf32, #tpu.memory_space<hbm>>
        tpu.wait_dma2 semaphore(%dma_wait3A_517 : memref<!tpu.dma_semaphore, #tpu.memory_space<semaphore_mem>>) src(%dma_wait3A_524 : memref<128x64xf32, #tpu.memory_space<hbm>>) dst(%dma_wait3A_521 : memref<128x64xf32, #tpu.memory_space<vmem>>)
      } else {
      }
      %lt3A_305 = arith.cmpi slt, %add3A_300, %select_n3A : i32
      %convert_element_type3A_306 = arith.extui %lt3A_305 : i1 to i32
      %cond3A_307 = arith.constant 0 : i32
      %cond3A_308 = arith.cmpi ne, %convert_element_type3A_306, %cond3A_307 : i32
      scf.if %cond3A_308 {
        %mul3A_508 = arith.constant 128 : i32
        %mul3A_509 = arith.muli %add3A_300, %mul3A_508 : i32
        %dma_start3A = arith.constant 4 : i32
        %dma_start3A_510 = arith.constant 4 : i32
        %dma_start3A_511 = arith.constant 0 : i32
        %dma_start3A_512 = arith.constant 0 : i32
        %dma_start3A_513 = tpu.memref_slice %arg11[%dma_start3A, %dma_start3A_511, %dma_start3A_512] : memref<8x128x64xf32, #tpu.memory_space<vmem>> -> memref<1x128x64xf32, #tpu.memory_space<vmem>>
        %dma_start3A_514 = tpu.memref_squeeze %dma_start3A_513 : memref<1x128x64xf32, #tpu.memory_space<vmem>> -> memref<128x64xf32, #tpu.memory_space<vmem>>
        %dma_start3A_515 = tpu.memref_slice %arg9[%mul3A_509] : memref<6528xi32, #tpu.memory_space<vmem>> -> memref<128xi32, #tpu.memory_space<vmem>>
        %dma_start3A_516 = arith.constant 0 : i32
        %dma_start3A_517 = arith.constant 0 : i32
        %dma_start3A_518 = tpu.memref_slice %arg5[%dma_start3A_516, %dma_start3A_517] : memref<204800x64xf32, #tpu.memory_space<hbm>> -> memref<204800x64xf32, #tpu.memory_space<hbm>>
        %dma_start3A_519 = tpu.memref_slice %arg13[%dma_start3A_510] : memref<8x!tpu.dma_semaphore, #tpu.memory_space<semaphore_mem>> -> memref<1x!tpu.dma_semaphore, #tpu.memory_space<semaphore_mem>>
        %dma_start3A_520 = tpu.memref_squeeze %dma_start3A_519 : memref<1x!tpu.dma_semaphore, #tpu.memory_space<semaphore_mem>> -> memref<!tpu.dma_semaphore, #tpu.memory_space<semaphore_mem>>
        tpu.enqueue_indirect_dma source(%dma_start3A_514 : memref<128x64xf32, #tpu.memory_space<vmem>>) target(%dma_start3A_518 : memref<204800x64xf32, #tpu.memory_space<hbm>>) offsets(%dma_start3A_515 : memref<128xi32, #tpu.memory_space<vmem>>) semaphore(%dma_start3A_520 : memref<!tpu.dma_semaphore, #tpu.memory_space<semaphore_mem>>)
      } else {
      }
      %ge3A_309 = arith.cmpi sge, %add3A_300, %select_n3A : i32
      %lt3A_310 = arith.cmpi slt, %add3A_300, %add3A_112 : i32
      %and3A_311 = arith.andi %ge3A_309, %lt3A_310 : i1
      %convert_element_type3A_312 = arith.extui %and3A_311 : i1 to i32
      %cond3A_313 = arith.constant 0 : i32
      %cond3A_314 = arith.cmpi ne, %convert_element_type3A_312, %cond3A_313 : i32
      scf.if %cond3A_314 {
        %sub3A_508 = arith.subi %add3A_300, %select_n3A : i32
        %mul3A_509 = arith.constant 128 : i32
        %mul3A_510 = arith.muli %sub3A_508, %mul3A_509 : i32
        %dma_start3A = arith.constant 4 : i32
        %dma_start3A_511 = arith.constant 4 : i32
        %dma_start3A_512 = arith.constant 0 : i32
        %dma_start3A_513 = arith.constant 0 : i32
        %dma_start3A_514 = tpu.memref_slice %arg11[%dma_start3A, %dma_start3A_512, %dma_start3A_513] : memref<8x128x64xf32, #tpu.memory_space<vmem>> -> memref<1x128x64xf32, #tpu.memory_space<vmem>>
        %dma_start3A_515 = tpu.memref_squeeze %dma_start3A_514 : memref<1x128x64xf32, #tpu.memory_space<vmem>> -> memref<128x64xf32, #tpu.memory_space<vmem>>
        %dma_start3A_516 = tpu.memref_slice %arg10[%mul3A_510] : memref<6528xi32, #tpu.memory_space<vmem>> -> memref<128xi32, #tpu.memory_space<vmem>>
        %dma_start3A_517 = arith.constant 0 : i32
        %dma_start3A_518 = arith.constant 0 : i32
        %dma_start3A_519 = tpu.memref_slice %arg5[%dma_start3A_517, %dma_start3A_518] : memref<204800x64xf32, #tpu.memory_space<hbm>> -> memref<204800x64xf32, #tpu.memory_space<hbm>>
        %dma_start3A_520 = tpu.memref_slice %arg13[%dma_start3A_511] : memref<8x!tpu.dma_semaphore, #tpu.memory_space<semaphore_mem>> -> memref<1x!tpu.dma_semaphore, #tpu.memory_space<semaphore_mem>>
        %dma_start3A_521 = tpu.memref_squeeze %dma_start3A_520 : memref<1x!tpu.dma_semaphore, #tpu.memory_space<semaphore_mem>> -> memref<!tpu.dma_semaphore, #tpu.memory_space<semaphore_mem>>
        tpu.enqueue_indirect_dma source(%dma_start3A_515 : memref<128x64xf32, #tpu.memory_space<vmem>>) target(%dma_start3A_519 : memref<204800x64xf32, #tpu.memory_space<hbm>>) offsets(%dma_start3A_516 : memref<128xi32, #tpu.memory_space<vmem>>) semaphore(%dma_start3A_521 : memref<!tpu.dma_semaphore, #tpu.memory_space<semaphore_mem>>)
      } else {
      }
      %add3A_315 = arith.constant 5 : i32
      %add3A_316 = arith.addi %mul3A_234, %add3A_315 : i32
      %lt3A_317 = arith.cmpi slt, %add3A_316, %add3A_112 : i32
      %convert_element_type3A_318 = arith.extui %lt3A_317 : i1 to i32
      %cond3A_319 = arith.constant 0 : i32
      %cond3A_320 = arith.cmpi ne, %convert_element_type3A_318, %cond3A_319 : i32
      scf.if %cond3A_320 {
        %dma_wait3A = arith.constant 0 : i32
        %dma_wait3A_508 = arith.constant 5 : i32
        %dma_wait3A_509 = arith.constant 0 : i32
        %dma_wait3A_510 = arith.constant 0 : i32
        %dma_wait3A_511 = tpu.memref_slice %arg11[%dma_wait3A, %dma_wait3A_509, %dma_wait3A_510] : memref<8x128x64xf32, #tpu.memory_space<vmem>> -> memref<1x128x64xf32, #tpu.memory_space<vmem>>
        %dma_wait3A_512 = tpu.memref_squeeze %dma_wait3A_511 : memref<1x128x64xf32, #tpu.memory_space<vmem>> -> memref<128x64xf32, #tpu.memory_space<vmem>>
        %dma_wait3A_513 = arith.constant 0 : i32
        %dma_wait3A_514 = arith.constant 0 : i32
        %dma_wait3A_515 = tpu.memref_slice %arg3[%dma_wait3A_513, %dma_wait3A_514] : memref<50000x64xf32, #tpu.memory_space<hbm>> -> memref<128x64xf32, #tpu.memory_space<hbm>>
        %dma_wait3A_516 = tpu.memref_slice %arg12[%dma_wait3A_508] : memref<8x!tpu.dma_semaphore, #tpu.memory_space<semaphore_mem>> -> memref<1x!tpu.dma_semaphore, #tpu.memory_space<semaphore_mem>>
        %dma_wait3A_517 = tpu.memref_squeeze %dma_wait3A_516 : memref<1x!tpu.dma_semaphore, #tpu.memory_space<semaphore_mem>> -> memref<!tpu.dma_semaphore, #tpu.memory_space<semaphore_mem>>
        %dma_wait3A_518 = arith.constant 0 : i32
        %dma_wait3A_519 = arith.constant 0 : i32
        %dma_wait3A_520 = tpu.memref_slice %arg11[%dma_wait3A, %dma_wait3A_518, %dma_wait3A_519] : memref<8x128x64xf32, #tpu.memory_space<vmem>> -> memref<1x128x64xf32, #tpu.memory_space<vmem>>
        %dma_wait3A_521 = tpu.memref_squeeze %dma_wait3A_520 : memref<1x128x64xf32, #tpu.memory_space<vmem>> -> memref<128x64xf32, #tpu.memory_space<vmem>>
        %dma_wait3A_522 = arith.constant 0 : i32
        %dma_wait3A_523 = arith.constant 0 : i32
        %dma_wait3A_524 = tpu.memref_slice %arg3[%dma_wait3A_522, %dma_wait3A_523] : memref<50000x64xf32, #tpu.memory_space<hbm>> -> memref<128x64xf32, #tpu.memory_space<hbm>>
        tpu.wait_dma2 semaphore(%dma_wait3A_517 : memref<!tpu.dma_semaphore, #tpu.memory_space<semaphore_mem>>) src(%dma_wait3A_524 : memref<128x64xf32, #tpu.memory_space<hbm>>) dst(%dma_wait3A_521 : memref<128x64xf32, #tpu.memory_space<vmem>>)
      } else {
      }
      %lt3A_321 = arith.cmpi slt, %add3A_316, %select_n3A : i32
      %convert_element_type3A_322 = arith.extui %lt3A_321 : i1 to i32
      %cond3A_323 = arith.constant 0 : i32
      %cond3A_324 = arith.cmpi ne, %convert_element_type3A_322, %cond3A_323 : i32
      scf.if %cond3A_324 {
        %mul3A_508 = arith.constant 128 : i32
        %mul3A_509 = arith.muli %add3A_316, %mul3A_508 : i32
        %dma_start3A = arith.constant 5 : i32
        %dma_start3A_510 = arith.constant 5 : i32
        %dma_start3A_511 = arith.constant 0 : i32
        %dma_start3A_512 = arith.constant 0 : i32
        %dma_start3A_513 = tpu.memref_slice %arg11[%dma_start3A, %dma_start3A_511, %dma_start3A_512] : memref<8x128x64xf32, #tpu.memory_space<vmem>> -> memref<1x128x64xf32, #tpu.memory_space<vmem>>
        %dma_start3A_514 = tpu.memref_squeeze %dma_start3A_513 : memref<1x128x64xf32, #tpu.memory_space<vmem>> -> memref<128x64xf32, #tpu.memory_space<vmem>>
        %dma_start3A_515 = tpu.memref_slice %arg9[%mul3A_509] : memref<6528xi32, #tpu.memory_space<vmem>> -> memref<128xi32, #tpu.memory_space<vmem>>
        %dma_start3A_516 = arith.constant 0 : i32
        %dma_start3A_517 = arith.constant 0 : i32
        %dma_start3A_518 = tpu.memref_slice %arg5[%dma_start3A_516, %dma_start3A_517] : memref<204800x64xf32, #tpu.memory_space<hbm>> -> memref<204800x64xf32, #tpu.memory_space<hbm>>
        %dma_start3A_519 = tpu.memref_slice %arg13[%dma_start3A_510] : memref<8x!tpu.dma_semaphore, #tpu.memory_space<semaphore_mem>> -> memref<1x!tpu.dma_semaphore, #tpu.memory_space<semaphore_mem>>
        %dma_start3A_520 = tpu.memref_squeeze %dma_start3A_519 : memref<1x!tpu.dma_semaphore, #tpu.memory_space<semaphore_mem>> -> memref<!tpu.dma_semaphore, #tpu.memory_space<semaphore_mem>>
        tpu.enqueue_indirect_dma source(%dma_start3A_514 : memref<128x64xf32, #tpu.memory_space<vmem>>) target(%dma_start3A_518 : memref<204800x64xf32, #tpu.memory_space<hbm>>) offsets(%dma_start3A_515 : memref<128xi32, #tpu.memory_space<vmem>>) semaphore(%dma_start3A_520 : memref<!tpu.dma_semaphore, #tpu.memory_space<semaphore_mem>>)
      } else {
      }
      %ge3A_325 = arith.cmpi sge, %add3A_316, %select_n3A : i32
      %lt3A_326 = arith.cmpi slt, %add3A_316, %add3A_112 : i32
      %and3A_327 = arith.andi %ge3A_325, %lt3A_326 : i1
      %convert_element_type3A_328 = arith.extui %and3A_327 : i1 to i32
      %cond3A_329 = arith.constant 0 : i32
      %cond3A_330 = arith.cmpi ne, %convert_element_type3A_328, %cond3A_329 : i32
      scf.if %cond3A_330 {
        %sub3A_508 = arith.subi %add3A_316, %select_n3A : i32
        %mul3A_509 = arith.constant 128 : i32
        %mul3A_510 = arith.muli %sub3A_508, %mul3A_509 : i32
        %dma_start3A = arith.constant 5 : i32
        %dma_start3A_511 = arith.constant 5 : i32
        %dma_start3A_512 = arith.constant 0 : i32
        %dma_start3A_513 = arith.constant 0 : i32
        %dma_start3A_514 = tpu.memref_slice %arg11[%dma_start3A, %dma_start3A_512, %dma_start3A_513] : memref<8x128x64xf32, #tpu.memory_space<vmem>> -> memref<1x128x64xf32, #tpu.memory_space<vmem>>
        %dma_start3A_515 = tpu.memref_squeeze %dma_start3A_514 : memref<1x128x64xf32, #tpu.memory_space<vmem>> -> memref<128x64xf32, #tpu.memory_space<vmem>>
        %dma_start3A_516 = tpu.memref_slice %arg10[%mul3A_510] : memref<6528xi32, #tpu.memory_space<vmem>> -> memref<128xi32, #tpu.memory_space<vmem>>
        %dma_start3A_517 = arith.constant 0 : i32
        %dma_start3A_518 = arith.constant 0 : i32
        %dma_start3A_519 = tpu.memref_slice %arg5[%dma_start3A_517, %dma_start3A_518] : memref<204800x64xf32, #tpu.memory_space<hbm>> -> memref<204800x64xf32, #tpu.memory_space<hbm>>
        %dma_start3A_520 = tpu.memref_slice %arg13[%dma_start3A_511] : memref<8x!tpu.dma_semaphore, #tpu.memory_space<semaphore_mem>> -> memref<1x!tpu.dma_semaphore, #tpu.memory_space<semaphore_mem>>
        %dma_start3A_521 = tpu.memref_squeeze %dma_start3A_520 : memref<1x!tpu.dma_semaphore, #tpu.memory_space<semaphore_mem>> -> memref<!tpu.dma_semaphore, #tpu.memory_space<semaphore_mem>>
        tpu.enqueue_indirect_dma source(%dma_start3A_515 : memref<128x64xf32, #tpu.memory_space<vmem>>) target(%dma_start3A_519 : memref<204800x64xf32, #tpu.memory_space<hbm>>) offsets(%dma_start3A_516 : memref<128xi32, #tpu.memory_space<vmem>>) semaphore(%dma_start3A_521 : memref<!tpu.dma_semaphore, #tpu.memory_space<semaphore_mem>>)
      } else {
      }
      %add3A_331 = arith.constant 6 : i32
      %add3A_332 = arith.addi %mul3A_234, %add3A_331 : i32
      %lt3A_333 = arith.cmpi slt, %add3A_332, %add3A_112 : i32
      %convert_element_type3A_334 = arith.extui %lt3A_333 : i1 to i32
      %cond3A_335 = arith.constant 0 : i32
      %cond3A_336 = arith.cmpi ne, %convert_element_type3A_334, %cond3A_335 : i32
      scf.if %cond3A_336 {
        %dma_wait3A = arith.constant 0 : i32
        %dma_wait3A_508 = arith.constant 6 : i32
        %dma_wait3A_509 = arith.constant 0 : i32
        %dma_wait3A_510 = arith.constant 0 : i32
        %dma_wait3A_511 = tpu.memref_slice %arg11[%dma_wait3A, %dma_wait3A_509, %dma_wait3A_510] : memref<8x128x64xf32, #tpu.memory_space<vmem>> -> memref<1x128x64xf32, #tpu.memory_space<vmem>>
        %dma_wait3A_512 = tpu.memref_squeeze %dma_wait3A_511 : memref<1x128x64xf32, #tpu.memory_space<vmem>> -> memref<128x64xf32, #tpu.memory_space<vmem>>
        %dma_wait3A_513 = arith.constant 0 : i32
        %dma_wait3A_514 = arith.constant 0 : i32
        %dma_wait3A_515 = tpu.memref_slice %arg3[%dma_wait3A_513, %dma_wait3A_514] : memref<50000x64xf32, #tpu.memory_space<hbm>> -> memref<128x64xf32, #tpu.memory_space<hbm>>
        %dma_wait3A_516 = tpu.memref_slice %arg12[%dma_wait3A_508] : memref<8x!tpu.dma_semaphore, #tpu.memory_space<semaphore_mem>> -> memref<1x!tpu.dma_semaphore, #tpu.memory_space<semaphore_mem>>
        %dma_wait3A_517 = tpu.memref_squeeze %dma_wait3A_516 : memref<1x!tpu.dma_semaphore, #tpu.memory_space<semaphore_mem>> -> memref<!tpu.dma_semaphore, #tpu.memory_space<semaphore_mem>>
        %dma_wait3A_518 = arith.constant 0 : i32
        %dma_wait3A_519 = arith.constant 0 : i32
        %dma_wait3A_520 = tpu.memref_slice %arg11[%dma_wait3A, %dma_wait3A_518, %dma_wait3A_519] : memref<8x128x64xf32, #tpu.memory_space<vmem>> -> memref<1x128x64xf32, #tpu.memory_space<vmem>>
        %dma_wait3A_521 = tpu.memref_squeeze %dma_wait3A_520 : memref<1x128x64xf32, #tpu.memory_space<vmem>> -> memref<128x64xf32, #tpu.memory_space<vmem>>
        %dma_wait3A_522 = arith.constant 0 : i32
        %dma_wait3A_523 = arith.constant 0 : i32
        %dma_wait3A_524 = tpu.memref_slice %arg3[%dma_wait3A_522, %dma_wait3A_523] : memref<50000x64xf32, #tpu.memory_space<hbm>> -> memref<128x64xf32, #tpu.memory_space<hbm>>
        tpu.wait_dma2 semaphore(%dma_wait3A_517 : memref<!tpu.dma_semaphore, #tpu.memory_space<semaphore_mem>>) src(%dma_wait3A_524 : memref<128x64xf32, #tpu.memory_space<hbm>>) dst(%dma_wait3A_521 : memref<128x64xf32, #tpu.memory_space<vmem>>)
      } else {
      }
      %lt3A_337 = arith.cmpi slt, %add3A_332, %select_n3A : i32
      %convert_element_type3A_338 = arith.extui %lt3A_337 : i1 to i32
      %cond3A_339 = arith.constant 0 : i32
      %cond3A_340 = arith.cmpi ne, %convert_element_type3A_338, %cond3A_339 : i32
      scf.if %cond3A_340 {
        %mul3A_508 = arith.constant 128 : i32
        %mul3A_509 = arith.muli %add3A_332, %mul3A_508 : i32
        %dma_start3A = arith.constant 6 : i32
        %dma_start3A_510 = arith.constant 6 : i32
        %dma_start3A_511 = arith.constant 0 : i32
        %dma_start3A_512 = arith.constant 0 : i32
        %dma_start3A_513 = tpu.memref_slice %arg11[%dma_start3A, %dma_start3A_511, %dma_start3A_512] : memref<8x128x64xf32, #tpu.memory_space<vmem>> -> memref<1x128x64xf32, #tpu.memory_space<vmem>>
        %dma_start3A_514 = tpu.memref_squeeze %dma_start3A_513 : memref<1x128x64xf32, #tpu.memory_space<vmem>> -> memref<128x64xf32, #tpu.memory_space<vmem>>
        %dma_start3A_515 = tpu.memref_slice %arg9[%mul3A_509] : memref<6528xi32, #tpu.memory_space<vmem>> -> memref<128xi32, #tpu.memory_space<vmem>>
        %dma_start3A_516 = arith.constant 0 : i32
        %dma_start3A_517 = arith.constant 0 : i32
        %dma_start3A_518 = tpu.memref_slice %arg5[%dma_start3A_516, %dma_start3A_517] : memref<204800x64xf32, #tpu.memory_space<hbm>> -> memref<204800x64xf32, #tpu.memory_space<hbm>>
        %dma_start3A_519 = tpu.memref_slice %arg13[%dma_start3A_510] : memref<8x!tpu.dma_semaphore, #tpu.memory_space<semaphore_mem>> -> memref<1x!tpu.dma_semaphore, #tpu.memory_space<semaphore_mem>>
        %dma_start3A_520 = tpu.memref_squeeze %dma_start3A_519 : memref<1x!tpu.dma_semaphore, #tpu.memory_space<semaphore_mem>> -> memref<!tpu.dma_semaphore, #tpu.memory_space<semaphore_mem>>
        tpu.enqueue_indirect_dma source(%dma_start3A_514 : memref<128x64xf32, #tpu.memory_space<vmem>>) target(%dma_start3A_518 : memref<204800x64xf32, #tpu.memory_space<hbm>>) offsets(%dma_start3A_515 : memref<128xi32, #tpu.memory_space<vmem>>) semaphore(%dma_start3A_520 : memref<!tpu.dma_semaphore, #tpu.memory_space<semaphore_mem>>)
      } else {
      }
      %ge3A_341 = arith.cmpi sge, %add3A_332, %select_n3A : i32
      %lt3A_342 = arith.cmpi slt, %add3A_332, %add3A_112 : i32
      %and3A_343 = arith.andi %ge3A_341, %lt3A_342 : i1
      %convert_element_type3A_344 = arith.extui %and3A_343 : i1 to i32
      %cond3A_345 = arith.constant 0 : i32
      %cond3A_346 = arith.cmpi ne, %convert_element_type3A_344, %cond3A_345 : i32
      scf.if %cond3A_346 {
        %sub3A_508 = arith.subi %add3A_332, %select_n3A : i32
        %mul3A_509 = arith.constant 128 : i32
        %mul3A_510 = arith.muli %sub3A_508, %mul3A_509 : i32
        %dma_start3A = arith.constant 6 : i32
        %dma_start3A_511 = arith.constant 6 : i32
        %dma_start3A_512 = arith.constant 0 : i32
        %dma_start3A_513 = arith.constant 0 : i32
        %dma_start3A_514 = tpu.memref_slice %arg11[%dma_start3A, %dma_start3A_512, %dma_start3A_513] : memref<8x128x64xf32, #tpu.memory_space<vmem>> -> memref<1x128x64xf32, #tpu.memory_space<vmem>>
        %dma_start3A_515 = tpu.memref_squeeze %dma_start3A_514 : memref<1x128x64xf32, #tpu.memory_space<vmem>> -> memref<128x64xf32, #tpu.memory_space<vmem>>
        %dma_start3A_516 = tpu.memref_slice %arg10[%mul3A_510] : memref<6528xi32, #tpu.memory_space<vmem>> -> memref<128xi32, #tpu.memory_space<vmem>>
        %dma_start3A_517 = arith.constant 0 : i32
        %dma_start3A_518 = arith.constant 0 : i32
        %dma_start3A_519 = tpu.memref_slice %arg5[%dma_start3A_517, %dma_start3A_518] : memref<204800x64xf32, #tpu.memory_space<hbm>> -> memref<204800x64xf32, #tpu.memory_space<hbm>>
        %dma_start3A_520 = tpu.memref_slice %arg13[%dma_start3A_511] : memref<8x!tpu.dma_semaphore, #tpu.memory_space<semaphore_mem>> -> memref<1x!tpu.dma_semaphore, #tpu.memory_space<semaphore_mem>>
        %dma_start3A_521 = tpu.memref_squeeze %dma_start3A_520 : memref<1x!tpu.dma_semaphore, #tpu.memory_space<semaphore_mem>> -> memref<!tpu.dma_semaphore, #tpu.memory_space<semaphore_mem>>
        tpu.enqueue_indirect_dma source(%dma_start3A_515 : memref<128x64xf32, #tpu.memory_space<vmem>>) target(%dma_start3A_519 : memref<204800x64xf32, #tpu.memory_space<hbm>>) offsets(%dma_start3A_516 : memref<128xi32, #tpu.memory_space<vmem>>) semaphore(%dma_start3A_521 : memref<!tpu.dma_semaphore, #tpu.memory_space<semaphore_mem>>)
      } else {
      }
      %add3A_347 = arith.constant 7 : i32
      %add3A_348 = arith.addi %mul3A_234, %add3A_347 : i32
      %lt3A_349 = arith.cmpi slt, %add3A_348, %add3A_112 : i32
      %convert_element_type3A_350 = arith.extui %lt3A_349 : i1 to i32
      %cond3A_351 = arith.constant 0 : i32
      %cond3A_352 = arith.cmpi ne, %convert_element_type3A_350, %cond3A_351 : i32
      scf.if %cond3A_352 {
        %dma_wait3A = arith.constant 0 : i32
        %dma_wait3A_508 = arith.constant 7 : i32
        %dma_wait3A_509 = arith.constant 0 : i32
        %dma_wait3A_510 = arith.constant 0 : i32
        %dma_wait3A_511 = tpu.memref_slice %arg11[%dma_wait3A, %dma_wait3A_509, %dma_wait3A_510] : memref<8x128x64xf32, #tpu.memory_space<vmem>> -> memref<1x128x64xf32, #tpu.memory_space<vmem>>
        %dma_wait3A_512 = tpu.memref_squeeze %dma_wait3A_511 : memref<1x128x64xf32, #tpu.memory_space<vmem>> -> memref<128x64xf32, #tpu.memory_space<vmem>>
        %dma_wait3A_513 = arith.constant 0 : i32
        %dma_wait3A_514 = arith.constant 0 : i32
        %dma_wait3A_515 = tpu.memref_slice %arg3[%dma_wait3A_513, %dma_wait3A_514] : memref<50000x64xf32, #tpu.memory_space<hbm>> -> memref<128x64xf32, #tpu.memory_space<hbm>>
        %dma_wait3A_516 = tpu.memref_slice %arg12[%dma_wait3A_508] : memref<8x!tpu.dma_semaphore, #tpu.memory_space<semaphore_mem>> -> memref<1x!tpu.dma_semaphore, #tpu.memory_space<semaphore_mem>>
        %dma_wait3A_517 = tpu.memref_squeeze %dma_wait3A_516 : memref<1x!tpu.dma_semaphore, #tpu.memory_space<semaphore_mem>> -> memref<!tpu.dma_semaphore, #tpu.memory_space<semaphore_mem>>
        %dma_wait3A_518 = arith.constant 0 : i32
        %dma_wait3A_519 = arith.constant 0 : i32
        %dma_wait3A_520 = tpu.memref_slice %arg11[%dma_wait3A, %dma_wait3A_518, %dma_wait3A_519] : memref<8x128x64xf32, #tpu.memory_space<vmem>> -> memref<1x128x64xf32, #tpu.memory_space<vmem>>
        %dma_wait3A_521 = tpu.memref_squeeze %dma_wait3A_520 : memref<1x128x64xf32, #tpu.memory_space<vmem>> -> memref<128x64xf32, #tpu.memory_space<vmem>>
        %dma_wait3A_522 = arith.constant 0 : i32
        %dma_wait3A_523 = arith.constant 0 : i32
        %dma_wait3A_524 = tpu.memref_slice %arg3[%dma_wait3A_522, %dma_wait3A_523] : memref<50000x64xf32, #tpu.memory_space<hbm>> -> memref<128x64xf32, #tpu.memory_space<hbm>>
        tpu.wait_dma2 semaphore(%dma_wait3A_517 : memref<!tpu.dma_semaphore, #tpu.memory_space<semaphore_mem>>) src(%dma_wait3A_524 : memref<128x64xf32, #tpu.memory_space<hbm>>) dst(%dma_wait3A_521 : memref<128x64xf32, #tpu.memory_space<vmem>>)
      } else {
      }
      %lt3A_353 = arith.cmpi slt, %add3A_348, %select_n3A : i32
      %convert_element_type3A_354 = arith.extui %lt3A_353 : i1 to i32
      %cond3A_355 = arith.constant 0 : i32
      %cond3A_356 = arith.cmpi ne, %convert_element_type3A_354, %cond3A_355 : i32
      scf.if %cond3A_356 {
        %mul3A_508 = arith.constant 128 : i32
        %mul3A_509 = arith.muli %add3A_348, %mul3A_508 : i32
        %dma_start3A = arith.constant 7 : i32
        %dma_start3A_510 = arith.constant 7 : i32
        %dma_start3A_511 = arith.constant 0 : i32
        %dma_start3A_512 = arith.constant 0 : i32
        %dma_start3A_513 = tpu.memref_slice %arg11[%dma_start3A, %dma_start3A_511, %dma_start3A_512] : memref<8x128x64xf32, #tpu.memory_space<vmem>> -> memref<1x128x64xf32, #tpu.memory_space<vmem>>
        %dma_start3A_514 = tpu.memref_squeeze %dma_start3A_513 : memref<1x128x64xf32, #tpu.memory_space<vmem>> -> memref<128x64xf32, #tpu.memory_space<vmem>>
        %dma_start3A_515 = tpu.memref_slice %arg9[%mul3A_509] : memref<6528xi32, #tpu.memory_space<vmem>> -> memref<128xi32, #tpu.memory_space<vmem>>
        %dma_start3A_516 = arith.constant 0 : i32
        %dma_start3A_517 = arith.constant 0 : i32
        %dma_start3A_518 = tpu.memref_slice %arg5[%dma_start3A_516, %dma_start3A_517] : memref<204800x64xf32, #tpu.memory_space<hbm>> -> memref<204800x64xf32, #tpu.memory_space<hbm>>
        %dma_start3A_519 = tpu.memref_slice %arg13[%dma_start3A_510] : memref<8x!tpu.dma_semaphore, #tpu.memory_space<semaphore_mem>> -> memref<1x!tpu.dma_semaphore, #tpu.memory_space<semaphore_mem>>
        %dma_start3A_520 = tpu.memref_squeeze %dma_start3A_519 : memref<1x!tpu.dma_semaphore, #tpu.memory_space<semaphore_mem>> -> memref<!tpu.dma_semaphore, #tpu.memory_space<semaphore_mem>>
        tpu.enqueue_indirect_dma source(%dma_start3A_514 : memref<128x64xf32, #tpu.memory_space<vmem>>) target(%dma_start3A_518 : memref<204800x64xf32, #tpu.memory_space<hbm>>) offsets(%dma_start3A_515 : memref<128xi32, #tpu.memory_space<vmem>>) semaphore(%dma_start3A_520 : memref<!tpu.dma_semaphore, #tpu.memory_space<semaphore_mem>>)
      } else {
      }
      %ge3A_357 = arith.cmpi sge, %add3A_348, %select_n3A : i32
      %lt3A_358 = arith.cmpi slt, %add3A_348, %add3A_112 : i32
      %and3A_359 = arith.andi %ge3A_357, %lt3A_358 : i1
      %convert_element_type3A_360 = arith.extui %and3A_359 : i1 to i32
      %cond3A_361 = arith.constant 0 : i32
      %cond3A_362 = arith.cmpi ne, %convert_element_type3A_360, %cond3A_361 : i32
      scf.if %cond3A_362 {
        %sub3A_508 = arith.subi %add3A_348, %select_n3A : i32
        %mul3A_509 = arith.constant 128 : i32
        %mul3A_510 = arith.muli %sub3A_508, %mul3A_509 : i32
        %dma_start3A = arith.constant 7 : i32
        %dma_start3A_511 = arith.constant 7 : i32
        %dma_start3A_512 = arith.constant 0 : i32
        %dma_start3A_513 = arith.constant 0 : i32
        %dma_start3A_514 = tpu.memref_slice %arg11[%dma_start3A, %dma_start3A_512, %dma_start3A_513] : memref<8x128x64xf32, #tpu.memory_space<vmem>> -> memref<1x128x64xf32, #tpu.memory_space<vmem>>
        %dma_start3A_515 = tpu.memref_squeeze %dma_start3A_514 : memref<1x128x64xf32, #tpu.memory_space<vmem>> -> memref<128x64xf32, #tpu.memory_space<vmem>>
        %dma_start3A_516 = tpu.memref_slice %arg10[%mul3A_510] : memref<6528xi32, #tpu.memory_space<vmem>> -> memref<128xi32, #tpu.memory_space<vmem>>
        %dma_start3A_517 = arith.constant 0 : i32
        %dma_start3A_518 = arith.constant 0 : i32
        %dma_start3A_519 = tpu.memref_slice %arg5[%dma_start3A_517, %dma_start3A_518] : memref<204800x64xf32, #tpu.memory_space<hbm>> -> memref<204800x64xf32, #tpu.memory_space<hbm>>
        %dma_start3A_520 = tpu.memref_slice %arg13[%dma_start3A_511] : memref<8x!tpu.dma_semaphore, #tpu.memory_space<semaphore_mem>> -> memref<1x!tpu.dma_semaphore, #tpu.memory_space<semaphore_mem>>
        %dma_start3A_521 = tpu.memref_squeeze %dma_start3A_520 : memref<1x!tpu.dma_semaphore, #tpu.memory_space<semaphore_mem>> -> memref<!tpu.dma_semaphore, #tpu.memory_space<semaphore_mem>>
        tpu.enqueue_indirect_dma source(%dma_start3A_515 : memref<128x64xf32, #tpu.memory_space<vmem>>) target(%dma_start3A_519 : memref<204800x64xf32, #tpu.memory_space<hbm>>) offsets(%dma_start3A_516 : memref<128xi32, #tpu.memory_space<vmem>>) semaphore(%dma_start3A_521 : memref<!tpu.dma_semaphore, #tpu.memory_space<semaphore_mem>>)
      } else {
      }
      %add3A_363 = arith.constant 0 : i32
      %add3A_364 = arith.addi %mul3A_234, %add3A_363 : i32
      %add3A_365 = arith.constant 8 : i32
      %add3A_366 = arith.addi %add3A_364, %add3A_365 : i32
      %lt3A_367 = arith.cmpi slt, %add3A_366, %add3A_112 : i32
      %convert_element_type3A_368 = arith.extui %lt3A_367 : i1 to i32
      %cond3A_369 = arith.constant 0 : i32
      %cond3A_370 = arith.cmpi ne, %convert_element_type3A_368, %cond3A_369 : i32
      scf.if %cond3A_370 {
        %dma_wait3A = arith.constant 0 : i32
        %dma_wait3A_508 = arith.constant 0 : i32
        %dma_wait3A_509 = arith.constant 0 : i32
        %dma_wait3A_510 = arith.constant 0 : i32
        %dma_wait3A_511 = tpu.memref_slice %arg11[%dma_wait3A, %dma_wait3A_509, %dma_wait3A_510] : memref<8x128x64xf32, #tpu.memory_space<vmem>> -> memref<1x128x64xf32, #tpu.memory_space<vmem>>
        %dma_wait3A_512 = tpu.memref_squeeze %dma_wait3A_511 : memref<1x128x64xf32, #tpu.memory_space<vmem>> -> memref<128x64xf32, #tpu.memory_space<vmem>>
        %dma_wait3A_513 = arith.constant 0 : i32
        %dma_wait3A_514 = arith.constant 0 : i32
        %dma_wait3A_515 = tpu.memref_slice %arg3[%dma_wait3A_513, %dma_wait3A_514] : memref<50000x64xf32, #tpu.memory_space<hbm>> -> memref<128x64xf32, #tpu.memory_space<hbm>>
        %dma_wait3A_516 = tpu.memref_slice %arg13[%dma_wait3A_508] : memref<8x!tpu.dma_semaphore, #tpu.memory_space<semaphore_mem>> -> memref<1x!tpu.dma_semaphore, #tpu.memory_space<semaphore_mem>>
        %dma_wait3A_517 = tpu.memref_squeeze %dma_wait3A_516 : memref<1x!tpu.dma_semaphore, #tpu.memory_space<semaphore_mem>> -> memref<!tpu.dma_semaphore, #tpu.memory_space<semaphore_mem>>
        %dma_wait3A_518 = arith.constant 0 : i32
        %dma_wait3A_519 = arith.constant 0 : i32
        %dma_wait3A_520 = tpu.memref_slice %arg11[%dma_wait3A, %dma_wait3A_518, %dma_wait3A_519] : memref<8x128x64xf32, #tpu.memory_space<vmem>> -> memref<1x128x64xf32, #tpu.memory_space<vmem>>
        %dma_wait3A_521 = tpu.memref_squeeze %dma_wait3A_520 : memref<1x128x64xf32, #tpu.memory_space<vmem>> -> memref<128x64xf32, #tpu.memory_space<vmem>>
        %dma_wait3A_522 = arith.constant 0 : i32
        %dma_wait3A_523 = arith.constant 0 : i32
        %dma_wait3A_524 = tpu.memref_slice %arg3[%dma_wait3A_522, %dma_wait3A_523] : memref<50000x64xf32, #tpu.memory_space<hbm>> -> memref<128x64xf32, #tpu.memory_space<hbm>>
        tpu.wait_dma2 semaphore(%dma_wait3A_517 : memref<!tpu.dma_semaphore, #tpu.memory_space<semaphore_mem>>) src(%dma_wait3A_524 : memref<128x64xf32, #tpu.memory_space<hbm>>) dst(%dma_wait3A_521 : memref<128x64xf32, #tpu.memory_space<vmem>>)
      } else {
      }
      %lt3A_371 = arith.cmpi slt, %add3A_366, %select_n3A : i32
      %convert_element_type3A_372 = arith.extui %lt3A_371 : i1 to i32
      %cond3A_373 = arith.constant 0 : i32
      %cond3A_374 = arith.cmpi ne, %convert_element_type3A_372, %cond3A_373 : i32
      scf.if %cond3A_374 {
        %mul3A_508 = arith.constant 128 : i32
        %mul3A_509 = arith.muli %add3A_366, %mul3A_508 : i32
        %dma_start3A = arith.constant 0 : i32
        %dma_start3A_510 = arith.constant 0 : i32
        %dma_start3A_511 = arith.constant 0 : i32
        %dma_start3A_512 = arith.constant 0 : i32
        %dma_start3A_513 = tpu.memref_slice %arg11[%dma_start3A, %dma_start3A_511, %dma_start3A_512] : memref<8x128x64xf32, #tpu.memory_space<vmem>> -> memref<1x128x64xf32, #tpu.memory_space<vmem>>
        %dma_start3A_514 = tpu.memref_squeeze %dma_start3A_513 : memref<1x128x64xf32, #tpu.memory_space<vmem>> -> memref<128x64xf32, #tpu.memory_space<vmem>>
        %dma_start3A_515 = tpu.memref_slice %arg6[%mul3A_509] : memref<6528xi32, #tpu.memory_space<vmem>> -> memref<128xi32, #tpu.memory_space<vmem>>
        %dma_start3A_516 = arith.constant 0 : i32
        %dma_start3A_517 = arith.constant 0 : i32
        %dma_start3A_518 = tpu.memref_slice %arg3[%dma_start3A_516, %dma_start3A_517] : memref<50000x64xf32, #tpu.memory_space<hbm>> -> memref<50000x64xf32, #tpu.memory_space<hbm>>
        %dma_start3A_519 = tpu.memref_slice %arg12[%dma_start3A_510] : memref<8x!tpu.dma_semaphore, #tpu.memory_space<semaphore_mem>> -> memref<1x!tpu.dma_semaphore, #tpu.memory_space<semaphore_mem>>
        %dma_start3A_520 = tpu.memref_squeeze %dma_start3A_519 : memref<1x!tpu.dma_semaphore, #tpu.memory_space<semaphore_mem>> -> memref<!tpu.dma_semaphore, #tpu.memory_space<semaphore_mem>>
        tpu.enqueue_indirect_dma source(%dma_start3A_518 : memref<50000x64xf32, #tpu.memory_space<hbm>>) target(%dma_start3A_514 : memref<128x64xf32, #tpu.memory_space<vmem>>) offsets(%dma_start3A_515 : memref<128xi32, #tpu.memory_space<vmem>>) semaphore(%dma_start3A_520 : memref<!tpu.dma_semaphore, #tpu.memory_space<semaphore_mem>>)
      } else {
      }
      %ge3A_375 = arith.cmpi sge, %add3A_366, %select_n3A : i32
      %lt3A_376 = arith.cmpi slt, %add3A_366, %add3A_112 : i32
      %and3A_377 = arith.andi %ge3A_375, %lt3A_376 : i1
      %convert_element_type3A_378 = arith.extui %and3A_377 : i1 to i32
      %cond3A_379 = arith.constant 0 : i32
      %cond3A_380 = arith.cmpi ne, %convert_element_type3A_378, %cond3A_379 : i32
      scf.if %cond3A_380 {
        %sub3A_508 = arith.subi %add3A_366, %select_n3A : i32
        %mul3A_509 = arith.constant 128 : i32
        %mul3A_510 = arith.muli %sub3A_508, %mul3A_509 : i32
        %dma_start3A = arith.constant 0 : i32
        %dma_start3A_511 = arith.constant 0 : i32
        %dma_start3A_512 = arith.constant 0 : i32
        %dma_start3A_513 = arith.constant 0 : i32
        %dma_start3A_514 = tpu.memref_slice %arg11[%dma_start3A, %dma_start3A_512, %dma_start3A_513] : memref<8x128x64xf32, #tpu.memory_space<vmem>> -> memref<1x128x64xf32, #tpu.memory_space<vmem>>
        %dma_start3A_515 = tpu.memref_squeeze %dma_start3A_514 : memref<1x128x64xf32, #tpu.memory_space<vmem>> -> memref<128x64xf32, #tpu.memory_space<vmem>>
        %dma_start3A_516 = tpu.memref_slice %arg7[%mul3A_510] : memref<6528xi32, #tpu.memory_space<vmem>> -> memref<128xi32, #tpu.memory_space<vmem>>
        %dma_start3A_517 = arith.constant 0 : i32
        %dma_start3A_518 = arith.constant 0 : i32
        %dma_start3A_519 = tpu.memref_slice %arg4[%dma_start3A_517, %dma_start3A_518] : memref<50000x64xf32, #tpu.memory_space<hbm>> -> memref<50000x64xf32, #tpu.memory_space<hbm>>
        %dma_start3A_520 = tpu.memref_slice %arg12[%dma_start3A_511] : memref<8x!tpu.dma_semaphore, #tpu.memory_space<semaphore_mem>> -> memref<1x!tpu.dma_semaphore, #tpu.memory_space<semaphore_mem>>
        %dma_start3A_521 = tpu.memref_squeeze %dma_start3A_520 : memref<1x!tpu.dma_semaphore, #tpu.memory_space<semaphore_mem>> -> memref<!tpu.dma_semaphore, #tpu.memory_space<semaphore_mem>>
        tpu.enqueue_indirect_dma source(%dma_start3A_519 : memref<50000x64xf32, #tpu.memory_space<hbm>>) target(%dma_start3A_515 : memref<128x64xf32, #tpu.memory_space<vmem>>) offsets(%dma_start3A_516 : memref<128xi32, #tpu.memory_space<vmem>>) semaphore(%dma_start3A_521 : memref<!tpu.dma_semaphore, #tpu.memory_space<semaphore_mem>>)
      } else {
      }
      %add3A_381 = arith.constant 1 : i32
      %add3A_382 = arith.addi %mul3A_234, %add3A_381 : i32
      %add3A_383 = arith.constant 8 : i32
      %add3A_384 = arith.addi %add3A_382, %add3A_383 : i32
      %lt3A_385 = arith.cmpi slt, %add3A_384, %add3A_112 : i32
      %convert_element_type3A_386 = arith.extui %lt3A_385 : i1 to i32
      %cond3A_387 = arith.constant 0 : i32
      %cond3A_388 = arith.cmpi ne, %convert_element_type3A_386, %cond3A_387 : i32
      scf.if %cond3A_388 {
        %dma_wait3A = arith.constant 0 : i32
        %dma_wait3A_508 = arith.constant 1 : i32
        %dma_wait3A_509 = arith.constant 0 : i32
        %dma_wait3A_510 = arith.constant 0 : i32
        %dma_wait3A_511 = tpu.memref_slice %arg11[%dma_wait3A, %dma_wait3A_509, %dma_wait3A_510] : memref<8x128x64xf32, #tpu.memory_space<vmem>> -> memref<1x128x64xf32, #tpu.memory_space<vmem>>
        %dma_wait3A_512 = tpu.memref_squeeze %dma_wait3A_511 : memref<1x128x64xf32, #tpu.memory_space<vmem>> -> memref<128x64xf32, #tpu.memory_space<vmem>>
        %dma_wait3A_513 = arith.constant 0 : i32
        %dma_wait3A_514 = arith.constant 0 : i32
        %dma_wait3A_515 = tpu.memref_slice %arg3[%dma_wait3A_513, %dma_wait3A_514] : memref<50000x64xf32, #tpu.memory_space<hbm>> -> memref<128x64xf32, #tpu.memory_space<hbm>>
        %dma_wait3A_516 = tpu.memref_slice %arg13[%dma_wait3A_508] : memref<8x!tpu.dma_semaphore, #tpu.memory_space<semaphore_mem>> -> memref<1x!tpu.dma_semaphore, #tpu.memory_space<semaphore_mem>>
        %dma_wait3A_517 = tpu.memref_squeeze %dma_wait3A_516 : memref<1x!tpu.dma_semaphore, #tpu.memory_space<semaphore_mem>> -> memref<!tpu.dma_semaphore, #tpu.memory_space<semaphore_mem>>
        %dma_wait3A_518 = arith.constant 0 : i32
        %dma_wait3A_519 = arith.constant 0 : i32
        %dma_wait3A_520 = tpu.memref_slice %arg11[%dma_wait3A, %dma_wait3A_518, %dma_wait3A_519] : memref<8x128x64xf32, #tpu.memory_space<vmem>> -> memref<1x128x64xf32, #tpu.memory_space<vmem>>
        %dma_wait3A_521 = tpu.memref_squeeze %dma_wait3A_520 : memref<1x128x64xf32, #tpu.memory_space<vmem>> -> memref<128x64xf32, #tpu.memory_space<vmem>>
        %dma_wait3A_522 = arith.constant 0 : i32
        %dma_wait3A_523 = arith.constant 0 : i32
        %dma_wait3A_524 = tpu.memref_slice %arg3[%dma_wait3A_522, %dma_wait3A_523] : memref<50000x64xf32, #tpu.memory_space<hbm>> -> memref<128x64xf32, #tpu.memory_space<hbm>>
        tpu.wait_dma2 semaphore(%dma_wait3A_517 : memref<!tpu.dma_semaphore, #tpu.memory_space<semaphore_mem>>) src(%dma_wait3A_524 : memref<128x64xf32, #tpu.memory_space<hbm>>) dst(%dma_wait3A_521 : memref<128x64xf32, #tpu.memory_space<vmem>>)
      } else {
      }
      %lt3A_389 = arith.cmpi slt, %add3A_384, %select_n3A : i32
      %convert_element_type3A_390 = arith.extui %lt3A_389 : i1 to i32
      %cond3A_391 = arith.constant 0 : i32
      %cond3A_392 = arith.cmpi ne, %convert_element_type3A_390, %cond3A_391 : i32
      scf.if %cond3A_392 {
        %mul3A_508 = arith.constant 128 : i32
        %mul3A_509 = arith.muli %add3A_384, %mul3A_508 : i32
        %dma_start3A = arith.constant 1 : i32
        %dma_start3A_510 = arith.constant 1 : i32
        %dma_start3A_511 = arith.constant 0 : i32
        %dma_start3A_512 = arith.constant 0 : i32
        %dma_start3A_513 = tpu.memref_slice %arg11[%dma_start3A, %dma_start3A_511, %dma_start3A_512] : memref<8x128x64xf32, #tpu.memory_space<vmem>> -> memref<1x128x64xf32, #tpu.memory_space<vmem>>
        %dma_start3A_514 = tpu.memref_squeeze %dma_start3A_513 : memref<1x128x64xf32, #tpu.memory_space<vmem>> -> memref<128x64xf32, #tpu.memory_space<vmem>>
        %dma_start3A_515 = tpu.memref_slice %arg6[%mul3A_509] : memref<6528xi32, #tpu.memory_space<vmem>> -> memref<128xi32, #tpu.memory_space<vmem>>
        %dma_start3A_516 = arith.constant 0 : i32
        %dma_start3A_517 = arith.constant 0 : i32
        %dma_start3A_518 = tpu.memref_slice %arg3[%dma_start3A_516, %dma_start3A_517] : memref<50000x64xf32, #tpu.memory_space<hbm>> -> memref<50000x64xf32, #tpu.memory_space<hbm>>
        %dma_start3A_519 = tpu.memref_slice %arg12[%dma_start3A_510] : memref<8x!tpu.dma_semaphore, #tpu.memory_space<semaphore_mem>> -> memref<1x!tpu.dma_semaphore, #tpu.memory_space<semaphore_mem>>
        %dma_start3A_520 = tpu.memref_squeeze %dma_start3A_519 : memref<1x!tpu.dma_semaphore, #tpu.memory_space<semaphore_mem>> -> memref<!tpu.dma_semaphore, #tpu.memory_space<semaphore_mem>>
        tpu.enqueue_indirect_dma source(%dma_start3A_518 : memref<50000x64xf32, #tpu.memory_space<hbm>>) target(%dma_start3A_514 : memref<128x64xf32, #tpu.memory_space<vmem>>) offsets(%dma_start3A_515 : memref<128xi32, #tpu.memory_space<vmem>>) semaphore(%dma_start3A_520 : memref<!tpu.dma_semaphore, #tpu.memory_space<semaphore_mem>>)
      } else {
      }
      %ge3A_393 = arith.cmpi sge, %add3A_384, %select_n3A : i32
      %lt3A_394 = arith.cmpi slt, %add3A_384, %add3A_112 : i32
      %and3A_395 = arith.andi %ge3A_393, %lt3A_394 : i1
      %convert_element_type3A_396 = arith.extui %and3A_395 : i1 to i32
      %cond3A_397 = arith.constant 0 : i32
      %cond3A_398 = arith.cmpi ne, %convert_element_type3A_396, %cond3A_397 : i32
      scf.if %cond3A_398 {
        %sub3A_508 = arith.subi %add3A_384, %select_n3A : i32
        %mul3A_509 = arith.constant 128 : i32
        %mul3A_510 = arith.muli %sub3A_508, %mul3A_509 : i32
        %dma_start3A = arith.constant 1 : i32
        %dma_start3A_511 = arith.constant 1 : i32
        %dma_start3A_512 = arith.constant 0 : i32
        %dma_start3A_513 = arith.constant 0 : i32
        %dma_start3A_514 = tpu.memref_slice %arg11[%dma_start3A, %dma_start3A_512, %dma_start3A_513] : memref<8x128x64xf32, #tpu.memory_space<vmem>> -> memref<1x128x64xf32, #tpu.memory_space<vmem>>
        %dma_start3A_515 = tpu.memref_squeeze %dma_start3A_514 : memref<1x128x64xf32, #tpu.memory_space<vmem>> -> memref<128x64xf32, #tpu.memory_space<vmem>>
        %dma_start3A_516 = tpu.memref_slice %arg7[%mul3A_510] : memref<6528xi32, #tpu.memory_space<vmem>> -> memref<128xi32, #tpu.memory_space<vmem>>
        %dma_start3A_517 = arith.constant 0 : i32
        %dma_start3A_518 = arith.constant 0 : i32
        %dma_start3A_519 = tpu.memref_slice %arg4[%dma_start3A_517, %dma_start3A_518] : memref<50000x64xf32, #tpu.memory_space<hbm>> -> memref<50000x64xf32, #tpu.memory_space<hbm>>
        %dma_start3A_520 = tpu.memref_slice %arg12[%dma_start3A_511] : memref<8x!tpu.dma_semaphore, #tpu.memory_space<semaphore_mem>> -> memref<1x!tpu.dma_semaphore, #tpu.memory_space<semaphore_mem>>
        %dma_start3A_521 = tpu.memref_squeeze %dma_start3A_520 : memref<1x!tpu.dma_semaphore, #tpu.memory_space<semaphore_mem>> -> memref<!tpu.dma_semaphore, #tpu.memory_space<semaphore_mem>>
        tpu.enqueue_indirect_dma source(%dma_start3A_519 : memref<50000x64xf32, #tpu.memory_space<hbm>>) target(%dma_start3A_515 : memref<128x64xf32, #tpu.memory_space<vmem>>) offsets(%dma_start3A_516 : memref<128xi32, #tpu.memory_space<vmem>>) semaphore(%dma_start3A_521 : memref<!tpu.dma_semaphore, #tpu.memory_space<semaphore_mem>>)
      } else {
      }
      %add3A_399 = arith.constant 2 : i32
      %add3A_400 = arith.addi %mul3A_234, %add3A_399 : i32
      %add3A_401 = arith.constant 8 : i32
      %add3A_402 = arith.addi %add3A_400, %add3A_401 : i32
      %lt3A_403 = arith.cmpi slt, %add3A_402, %add3A_112 : i32
      %convert_element_type3A_404 = arith.extui %lt3A_403 : i1 to i32
      %cond3A_405 = arith.constant 0 : i32
      %cond3A_406 = arith.cmpi ne, %convert_element_type3A_404, %cond3A_405 : i32
      scf.if %cond3A_406 {
        %dma_wait3A = arith.constant 0 : i32
        %dma_wait3A_508 = arith.constant 2 : i32
        %dma_wait3A_509 = arith.constant 0 : i32
        %dma_wait3A_510 = arith.constant 0 : i32
        %dma_wait3A_511 = tpu.memref_slice %arg11[%dma_wait3A, %dma_wait3A_509, %dma_wait3A_510] : memref<8x128x64xf32, #tpu.memory_space<vmem>> -> memref<1x128x64xf32, #tpu.memory_space<vmem>>
        %dma_wait3A_512 = tpu.memref_squeeze %dma_wait3A_511 : memref<1x128x64xf32, #tpu.memory_space<vmem>> -> memref<128x64xf32, #tpu.memory_space<vmem>>
        %dma_wait3A_513 = arith.constant 0 : i32
        %dma_wait3A_514 = arith.constant 0 : i32
        %dma_wait3A_515 = tpu.memref_slice %arg3[%dma_wait3A_513, %dma_wait3A_514] : memref<50000x64xf32, #tpu.memory_space<hbm>> -> memref<128x64xf32, #tpu.memory_space<hbm>>
        %dma_wait3A_516 = tpu.memref_slice %arg13[%dma_wait3A_508] : memref<8x!tpu.dma_semaphore, #tpu.memory_space<semaphore_mem>> -> memref<1x!tpu.dma_semaphore, #tpu.memory_space<semaphore_mem>>
        %dma_wait3A_517 = tpu.memref_squeeze %dma_wait3A_516 : memref<1x!tpu.dma_semaphore, #tpu.memory_space<semaphore_mem>> -> memref<!tpu.dma_semaphore, #tpu.memory_space<semaphore_mem>>
        %dma_wait3A_518 = arith.constant 0 : i32
        %dma_wait3A_519 = arith.constant 0 : i32
        %dma_wait3A_520 = tpu.memref_slice %arg11[%dma_wait3A, %dma_wait3A_518, %dma_wait3A_519] : memref<8x128x64xf32, #tpu.memory_space<vmem>> -> memref<1x128x64xf32, #tpu.memory_space<vmem>>
        %dma_wait3A_521 = tpu.memref_squeeze %dma_wait3A_520 : memref<1x128x64xf32, #tpu.memory_space<vmem>> -> memref<128x64xf32, #tpu.memory_space<vmem>>
        %dma_wait3A_522 = arith.constant 0 : i32
        %dma_wait3A_523 = arith.constant 0 : i32
        %dma_wait3A_524 = tpu.memref_slice %arg3[%dma_wait3A_522, %dma_wait3A_523] : memref<50000x64xf32, #tpu.memory_space<hbm>> -> memref<128x64xf32, #tpu.memory_space<hbm>>
        tpu.wait_dma2 semaphore(%dma_wait3A_517 : memref<!tpu.dma_semaphore, #tpu.memory_space<semaphore_mem>>) src(%dma_wait3A_524 : memref<128x64xf32, #tpu.memory_space<hbm>>) dst(%dma_wait3A_521 : memref<128x64xf32, #tpu.memory_space<vmem>>)
      } else {
      }
      %lt3A_407 = arith.cmpi slt, %add3A_402, %select_n3A : i32
      %convert_element_type3A_408 = arith.extui %lt3A_407 : i1 to i32
      %cond3A_409 = arith.constant 0 : i32
      %cond3A_410 = arith.cmpi ne, %convert_element_type3A_408, %cond3A_409 : i32
      scf.if %cond3A_410 {
        %mul3A_508 = arith.constant 128 : i32
        %mul3A_509 = arith.muli %add3A_402, %mul3A_508 : i32
        %dma_start3A = arith.constant 2 : i32
        %dma_start3A_510 = arith.constant 2 : i32
        %dma_start3A_511 = arith.constant 0 : i32
        %dma_start3A_512 = arith.constant 0 : i32
        %dma_start3A_513 = tpu.memref_slice %arg11[%dma_start3A, %dma_start3A_511, %dma_start3A_512] : memref<8x128x64xf32, #tpu.memory_space<vmem>> -> memref<1x128x64xf32, #tpu.memory_space<vmem>>
        %dma_start3A_514 = tpu.memref_squeeze %dma_start3A_513 : memref<1x128x64xf32, #tpu.memory_space<vmem>> -> memref<128x64xf32, #tpu.memory_space<vmem>>
        %dma_start3A_515 = tpu.memref_slice %arg6[%mul3A_509] : memref<6528xi32, #tpu.memory_space<vmem>> -> memref<128xi32, #tpu.memory_space<vmem>>
        %dma_start3A_516 = arith.constant 0 : i32
        %dma_start3A_517 = arith.constant 0 : i32
        %dma_start3A_518 = tpu.memref_slice %arg3[%dma_start3A_516, %dma_start3A_517] : memref<50000x64xf32, #tpu.memory_space<hbm>> -> memref<50000x64xf32, #tpu.memory_space<hbm>>
        %dma_start3A_519 = tpu.memref_slice %arg12[%dma_start3A_510] : memref<8x!tpu.dma_semaphore, #tpu.memory_space<semaphore_mem>> -> memref<1x!tpu.dma_semaphore, #tpu.memory_space<semaphore_mem>>
        %dma_start3A_520 = tpu.memref_squeeze %dma_start3A_519 : memref<1x!tpu.dma_semaphore, #tpu.memory_space<semaphore_mem>> -> memref<!tpu.dma_semaphore, #tpu.memory_space<semaphore_mem>>
        tpu.enqueue_indirect_dma source(%dma_start3A_518 : memref<50000x64xf32, #tpu.memory_space<hbm>>) target(%dma_start3A_514 : memref<128x64xf32, #tpu.memory_space<vmem>>) offsets(%dma_start3A_515 : memref<128xi32, #tpu.memory_space<vmem>>) semaphore(%dma_start3A_520 : memref<!tpu.dma_semaphore, #tpu.memory_space<semaphore_mem>>)
      } else {
      }
      %ge3A_411 = arith.cmpi sge, %add3A_402, %select_n3A : i32
      %lt3A_412 = arith.cmpi slt, %add3A_402, %add3A_112 : i32
      %and3A_413 = arith.andi %ge3A_411, %lt3A_412 : i1
      %convert_element_type3A_414 = arith.extui %and3A_413 : i1 to i32
      %cond3A_415 = arith.constant 0 : i32
      %cond3A_416 = arith.cmpi ne, %convert_element_type3A_414, %cond3A_415 : i32
      scf.if %cond3A_416 {
        %sub3A_508 = arith.subi %add3A_402, %select_n3A : i32
        %mul3A_509 = arith.constant 128 : i32
        %mul3A_510 = arith.muli %sub3A_508, %mul3A_509 : i32
        %dma_start3A = arith.constant 2 : i32
        %dma_start3A_511 = arith.constant 2 : i32
        %dma_start3A_512 = arith.constant 0 : i32
        %dma_start3A_513 = arith.constant 0 : i32
        %dma_start3A_514 = tpu.memref_slice %arg11[%dma_start3A, %dma_start3A_512, %dma_start3A_513] : memref<8x128x64xf32, #tpu.memory_space<vmem>> -> memref<1x128x64xf32, #tpu.memory_space<vmem>>
        %dma_start3A_515 = tpu.memref_squeeze %dma_start3A_514 : memref<1x128x64xf32, #tpu.memory_space<vmem>> -> memref<128x64xf32, #tpu.memory_space<vmem>>
        %dma_start3A_516 = tpu.memref_slice %arg7[%mul3A_510] : memref<6528xi32, #tpu.memory_space<vmem>> -> memref<128xi32, #tpu.memory_space<vmem>>
        %dma_start3A_517 = arith.constant 0 : i32
        %dma_start3A_518 = arith.constant 0 : i32
        %dma_start3A_519 = tpu.memref_slice %arg4[%dma_start3A_517, %dma_start3A_518] : memref<50000x64xf32, #tpu.memory_space<hbm>> -> memref<50000x64xf32, #tpu.memory_space<hbm>>
        %dma_start3A_520 = tpu.memref_slice %arg12[%dma_start3A_511] : memref<8x!tpu.dma_semaphore, #tpu.memory_space<semaphore_mem>> -> memref<1x!tpu.dma_semaphore, #tpu.memory_space<semaphore_mem>>
        %dma_start3A_521 = tpu.memref_squeeze %dma_start3A_520 : memref<1x!tpu.dma_semaphore, #tpu.memory_space<semaphore_mem>> -> memref<!tpu.dma_semaphore, #tpu.memory_space<semaphore_mem>>
        tpu.enqueue_indirect_dma source(%dma_start3A_519 : memref<50000x64xf32, #tpu.memory_space<hbm>>) target(%dma_start3A_515 : memref<128x64xf32, #tpu.memory_space<vmem>>) offsets(%dma_start3A_516 : memref<128xi32, #tpu.memory_space<vmem>>) semaphore(%dma_start3A_521 : memref<!tpu.dma_semaphore, #tpu.memory_space<semaphore_mem>>)
      } else {
      }
      %add3A_417 = arith.constant 3 : i32
      %add3A_418 = arith.addi %mul3A_234, %add3A_417 : i32
      %add3A_419 = arith.constant 8 : i32
      %add3A_420 = arith.addi %add3A_418, %add3A_419 : i32
      %lt3A_421 = arith.cmpi slt, %add3A_420, %add3A_112 : i32
      %convert_element_type3A_422 = arith.extui %lt3A_421 : i1 to i32
      %cond3A_423 = arith.constant 0 : i32
      %cond3A_424 = arith.cmpi ne, %convert_element_type3A_422, %cond3A_423 : i32
      scf.if %cond3A_424 {
        %dma_wait3A = arith.constant 0 : i32
        %dma_wait3A_508 = arith.constant 3 : i32
        %dma_wait3A_509 = arith.constant 0 : i32
        %dma_wait3A_510 = arith.constant 0 : i32
        %dma_wait3A_511 = tpu.memref_slice %arg11[%dma_wait3A, %dma_wait3A_509, %dma_wait3A_510] : memref<8x128x64xf32, #tpu.memory_space<vmem>> -> memref<1x128x64xf32, #tpu.memory_space<vmem>>
        %dma_wait3A_512 = tpu.memref_squeeze %dma_wait3A_511 : memref<1x128x64xf32, #tpu.memory_space<vmem>> -> memref<128x64xf32, #tpu.memory_space<vmem>>
        %dma_wait3A_513 = arith.constant 0 : i32
        %dma_wait3A_514 = arith.constant 0 : i32
        %dma_wait3A_515 = tpu.memref_slice %arg3[%dma_wait3A_513, %dma_wait3A_514] : memref<50000x64xf32, #tpu.memory_space<hbm>> -> memref<128x64xf32, #tpu.memory_space<hbm>>
        %dma_wait3A_516 = tpu.memref_slice %arg13[%dma_wait3A_508] : memref<8x!tpu.dma_semaphore, #tpu.memory_space<semaphore_mem>> -> memref<1x!tpu.dma_semaphore, #tpu.memory_space<semaphore_mem>>
        %dma_wait3A_517 = tpu.memref_squeeze %dma_wait3A_516 : memref<1x!tpu.dma_semaphore, #tpu.memory_space<semaphore_mem>> -> memref<!tpu.dma_semaphore, #tpu.memory_space<semaphore_mem>>
        %dma_wait3A_518 = arith.constant 0 : i32
        %dma_wait3A_519 = arith.constant 0 : i32
        %dma_wait3A_520 = tpu.memref_slice %arg11[%dma_wait3A, %dma_wait3A_518, %dma_wait3A_519] : memref<8x128x64xf32, #tpu.memory_space<vmem>> -> memref<1x128x64xf32, #tpu.memory_space<vmem>>
        %dma_wait3A_521 = tpu.memref_squeeze %dma_wait3A_520 : memref<1x128x64xf32, #tpu.memory_space<vmem>> -> memref<128x64xf32, #tpu.memory_space<vmem>>
        %dma_wait3A_522 = arith.constant 0 : i32
        %dma_wait3A_523 = arith.constant 0 : i32
        %dma_wait3A_524 = tpu.memref_slice %arg3[%dma_wait3A_522, %dma_wait3A_523] : memref<50000x64xf32, #tpu.memory_space<hbm>> -> memref<128x64xf32, #tpu.memory_space<hbm>>
        tpu.wait_dma2 semaphore(%dma_wait3A_517 : memref<!tpu.dma_semaphore, #tpu.memory_space<semaphore_mem>>) src(%dma_wait3A_524 : memref<128x64xf32, #tpu.memory_space<hbm>>) dst(%dma_wait3A_521 : memref<128x64xf32, #tpu.memory_space<vmem>>)
      } else {
      }
      %lt3A_425 = arith.cmpi slt, %add3A_420, %select_n3A : i32
      %convert_element_type3A_426 = arith.extui %lt3A_425 : i1 to i32
      %cond3A_427 = arith.constant 0 : i32
      %cond3A_428 = arith.cmpi ne, %convert_element_type3A_426, %cond3A_427 : i32
      scf.if %cond3A_428 {
        %mul3A_508 = arith.constant 128 : i32
        %mul3A_509 = arith.muli %add3A_420, %mul3A_508 : i32
        %dma_start3A = arith.constant 3 : i32
        %dma_start3A_510 = arith.constant 3 : i32
        %dma_start3A_511 = arith.constant 0 : i32
        %dma_start3A_512 = arith.constant 0 : i32
        %dma_start3A_513 = tpu.memref_slice %arg11[%dma_start3A, %dma_start3A_511, %dma_start3A_512] : memref<8x128x64xf32, #tpu.memory_space<vmem>> -> memref<1x128x64xf32, #tpu.memory_space<vmem>>
        %dma_start3A_514 = tpu.memref_squeeze %dma_start3A_513 : memref<1x128x64xf32, #tpu.memory_space<vmem>> -> memref<128x64xf32, #tpu.memory_space<vmem>>
        %dma_start3A_515 = tpu.memref_slice %arg6[%mul3A_509] : memref<6528xi32, #tpu.memory_space<vmem>> -> memref<128xi32, #tpu.memory_space<vmem>>
        %dma_start3A_516 = arith.constant 0 : i32
        %dma_start3A_517 = arith.constant 0 : i32
        %dma_start3A_518 = tpu.memref_slice %arg3[%dma_start3A_516, %dma_start3A_517] : memref<50000x64xf32, #tpu.memory_space<hbm>> -> memref<50000x64xf32, #tpu.memory_space<hbm>>
        %dma_start3A_519 = tpu.memref_slice %arg12[%dma_start3A_510] : memref<8x!tpu.dma_semaphore, #tpu.memory_space<semaphore_mem>> -> memref<1x!tpu.dma_semaphore, #tpu.memory_space<semaphore_mem>>
        %dma_start3A_520 = tpu.memref_squeeze %dma_start3A_519 : memref<1x!tpu.dma_semaphore, #tpu.memory_space<semaphore_mem>> -> memref<!tpu.dma_semaphore, #tpu.memory_space<semaphore_mem>>
        tpu.enqueue_indirect_dma source(%dma_start3A_518 : memref<50000x64xf32, #tpu.memory_space<hbm>>) target(%dma_start3A_514 : memref<128x64xf32, #tpu.memory_space<vmem>>) offsets(%dma_start3A_515 : memref<128xi32, #tpu.memory_space<vmem>>) semaphore(%dma_start3A_520 : memref<!tpu.dma_semaphore, #tpu.memory_space<semaphore_mem>>)
      } else {
      }
      %ge3A_429 = arith.cmpi sge, %add3A_420, %select_n3A : i32
      %lt3A_430 = arith.cmpi slt, %add3A_420, %add3A_112 : i32
      %and3A_431 = arith.andi %ge3A_429, %lt3A_430 : i1
      %convert_element_type3A_432 = arith.extui %and3A_431 : i1 to i32
      %cond3A_433 = arith.constant 0 : i32
      %cond3A_434 = arith.cmpi ne, %convert_element_type3A_432, %cond3A_433 : i32
      scf.if %cond3A_434 {
        %sub3A_508 = arith.subi %add3A_420, %select_n3A : i32
        %mul3A_509 = arith.constant 128 : i32
        %mul3A_510 = arith.muli %sub3A_508, %mul3A_509 : i32
        %dma_start3A = arith.constant 3 : i32
        %dma_start3A_511 = arith.constant 3 : i32
        %dma_start3A_512 = arith.constant 0 : i32
        %dma_start3A_513 = arith.constant 0 : i32
        %dma_start3A_514 = tpu.memref_slice %arg11[%dma_start3A, %dma_start3A_512, %dma_start3A_513] : memref<8x128x64xf32, #tpu.memory_space<vmem>> -> memref<1x128x64xf32, #tpu.memory_space<vmem>>
        %dma_start3A_515 = tpu.memref_squeeze %dma_start3A_514 : memref<1x128x64xf32, #tpu.memory_space<vmem>> -> memref<128x64xf32, #tpu.memory_space<vmem>>
        %dma_start3A_516 = tpu.memref_slice %arg7[%mul3A_510] : memref<6528xi32, #tpu.memory_space<vmem>> -> memref<128xi32, #tpu.memory_space<vmem>>
        %dma_start3A_517 = arith.constant 0 : i32
        %dma_start3A_518 = arith.constant 0 : i32
        %dma_start3A_519 = tpu.memref_slice %arg4[%dma_start3A_517, %dma_start3A_518] : memref<50000x64xf32, #tpu.memory_space<hbm>> -> memref<50000x64xf32, #tpu.memory_space<hbm>>
        %dma_start3A_520 = tpu.memref_slice %arg12[%dma_start3A_511] : memref<8x!tpu.dma_semaphore, #tpu.memory_space<semaphore_mem>> -> memref<1x!tpu.dma_semaphore, #tpu.memory_space<semaphore_mem>>
        %dma_start3A_521 = tpu.memref_squeeze %dma_start3A_520 : memref<1x!tpu.dma_semaphore, #tpu.memory_space<semaphore_mem>> -> memref<!tpu.dma_semaphore, #tpu.memory_space<semaphore_mem>>
        tpu.enqueue_indirect_dma source(%dma_start3A_519 : memref<50000x64xf32, #tpu.memory_space<hbm>>) target(%dma_start3A_515 : memref<128x64xf32, #tpu.memory_space<vmem>>) offsets(%dma_start3A_516 : memref<128xi32, #tpu.memory_space<vmem>>) semaphore(%dma_start3A_521 : memref<!tpu.dma_semaphore, #tpu.memory_space<semaphore_mem>>)
      } else {
      }
      %add3A_435 = arith.constant 4 : i32
      %add3A_436 = arith.addi %mul3A_234, %add3A_435 : i32
      %add3A_437 = arith.constant 8 : i32
      %add3A_438 = arith.addi %add3A_436, %add3A_437 : i32
      %lt3A_439 = arith.cmpi slt, %add3A_438, %add3A_112 : i32
      %convert_element_type3A_440 = arith.extui %lt3A_439 : i1 to i32
      %cond3A_441 = arith.constant 0 : i32
      %cond3A_442 = arith.cmpi ne, %convert_element_type3A_440, %cond3A_441 : i32
      scf.if %cond3A_442 {
        %dma_wait3A = arith.constant 0 : i32
        %dma_wait3A_508 = arith.constant 4 : i32
        %dma_wait3A_509 = arith.constant 0 : i32
        %dma_wait3A_510 = arith.constant 0 : i32
        %dma_wait3A_511 = tpu.memref_slice %arg11[%dma_wait3A, %dma_wait3A_509, %dma_wait3A_510] : memref<8x128x64xf32, #tpu.memory_space<vmem>> -> memref<1x128x64xf32, #tpu.memory_space<vmem>>
        %dma_wait3A_512 = tpu.memref_squeeze %dma_wait3A_511 : memref<1x128x64xf32, #tpu.memory_space<vmem>> -> memref<128x64xf32, #tpu.memory_space<vmem>>
        %dma_wait3A_513 = arith.constant 0 : i32
        %dma_wait3A_514 = arith.constant 0 : i32
        %dma_wait3A_515 = tpu.memref_slice %arg3[%dma_wait3A_513, %dma_wait3A_514] : memref<50000x64xf32, #tpu.memory_space<hbm>> -> memref<128x64xf32, #tpu.memory_space<hbm>>
        %dma_wait3A_516 = tpu.memref_slice %arg13[%dma_wait3A_508] : memref<8x!tpu.dma_semaphore, #tpu.memory_space<semaphore_mem>> -> memref<1x!tpu.dma_semaphore, #tpu.memory_space<semaphore_mem>>
        %dma_wait3A_517 = tpu.memref_squeeze %dma_wait3A_516 : memref<1x!tpu.dma_semaphore, #tpu.memory_space<semaphore_mem>> -> memref<!tpu.dma_semaphore, #tpu.memory_space<semaphore_mem>>
        %dma_wait3A_518 = arith.constant 0 : i32
        %dma_wait3A_519 = arith.constant 0 : i32
        %dma_wait3A_520 = tpu.memref_slice %arg11[%dma_wait3A, %dma_wait3A_518, %dma_wait3A_519] : memref<8x128x64xf32, #tpu.memory_space<vmem>> -> memref<1x128x64xf32, #tpu.memory_space<vmem>>
        %dma_wait3A_521 = tpu.memref_squeeze %dma_wait3A_520 : memref<1x128x64xf32, #tpu.memory_space<vmem>> -> memref<128x64xf32, #tpu.memory_space<vmem>>
        %dma_wait3A_522 = arith.constant 0 : i32
        %dma_wait3A_523 = arith.constant 0 : i32
        %dma_wait3A_524 = tpu.memref_slice %arg3[%dma_wait3A_522, %dma_wait3A_523] : memref<50000x64xf32, #tpu.memory_space<hbm>> -> memref<128x64xf32, #tpu.memory_space<hbm>>
        tpu.wait_dma2 semaphore(%dma_wait3A_517 : memref<!tpu.dma_semaphore, #tpu.memory_space<semaphore_mem>>) src(%dma_wait3A_524 : memref<128x64xf32, #tpu.memory_space<hbm>>) dst(%dma_wait3A_521 : memref<128x64xf32, #tpu.memory_space<vmem>>)
      } else {
      }
      %lt3A_443 = arith.cmpi slt, %add3A_438, %select_n3A : i32
      %convert_element_type3A_444 = arith.extui %lt3A_443 : i1 to i32
      %cond3A_445 = arith.constant 0 : i32
      %cond3A_446 = arith.cmpi ne, %convert_element_type3A_444, %cond3A_445 : i32
      scf.if %cond3A_446 {
        %mul3A_508 = arith.constant 128 : i32
        %mul3A_509 = arith.muli %add3A_438, %mul3A_508 : i32
        %dma_start3A = arith.constant 4 : i32
        %dma_start3A_510 = arith.constant 4 : i32
        %dma_start3A_511 = arith.constant 0 : i32
        %dma_start3A_512 = arith.constant 0 : i32
        %dma_start3A_513 = tpu.memref_slice %arg11[%dma_start3A, %dma_start3A_511, %dma_start3A_512] : memref<8x128x64xf32, #tpu.memory_space<vmem>> -> memref<1x128x64xf32, #tpu.memory_space<vmem>>
        %dma_start3A_514 = tpu.memref_squeeze %dma_start3A_513 : memref<1x128x64xf32, #tpu.memory_space<vmem>> -> memref<128x64xf32, #tpu.memory_space<vmem>>
        %dma_start3A_515 = tpu.memref_slice %arg6[%mul3A_509] : memref<6528xi32, #tpu.memory_space<vmem>> -> memref<128xi32, #tpu.memory_space<vmem>>
        %dma_start3A_516 = arith.constant 0 : i32
        %dma_start3A_517 = arith.constant 0 : i32
        %dma_start3A_518 = tpu.memref_slice %arg3[%dma_start3A_516, %dma_start3A_517] : memref<50000x64xf32, #tpu.memory_space<hbm>> -> memref<50000x64xf32, #tpu.memory_space<hbm>>
        %dma_start3A_519 = tpu.memref_slice %arg12[%dma_start3A_510] : memref<8x!tpu.dma_semaphore, #tpu.memory_space<semaphore_mem>> -> memref<1x!tpu.dma_semaphore, #tpu.memory_space<semaphore_mem>>
        %dma_start3A_520 = tpu.memref_squeeze %dma_start3A_519 : memref<1x!tpu.dma_semaphore, #tpu.memory_space<semaphore_mem>> -> memref<!tpu.dma_semaphore, #tpu.memory_space<semaphore_mem>>
        tpu.enqueue_indirect_dma source(%dma_start3A_518 : memref<50000x64xf32, #tpu.memory_space<hbm>>) target(%dma_start3A_514 : memref<128x64xf32, #tpu.memory_space<vmem>>) offsets(%dma_start3A_515 : memref<128xi32, #tpu.memory_space<vmem>>) semaphore(%dma_start3A_520 : memref<!tpu.dma_semaphore, #tpu.memory_space<semaphore_mem>>)
      } else {
      }
      %ge3A_447 = arith.cmpi sge, %add3A_438, %select_n3A : i32
      %lt3A_448 = arith.cmpi slt, %add3A_438, %add3A_112 : i32
      %and3A_449 = arith.andi %ge3A_447, %lt3A_448 : i1
      %convert_element_type3A_450 = arith.extui %and3A_449 : i1 to i32
      %cond3A_451 = arith.constant 0 : i32
      %cond3A_452 = arith.cmpi ne, %convert_element_type3A_450, %cond3A_451 : i32
      scf.if %cond3A_452 {
        %sub3A_508 = arith.subi %add3A_438, %select_n3A : i32
        %mul3A_509 = arith.constant 128 : i32
        %mul3A_510 = arith.muli %sub3A_508, %mul3A_509 : i32
        %dma_start3A = arith.constant 4 : i32
        %dma_start3A_511 = arith.constant 4 : i32
        %dma_start3A_512 = arith.constant 0 : i32
        %dma_start3A_513 = arith.constant 0 : i32
        %dma_start3A_514 = tpu.memref_slice %arg11[%dma_start3A, %dma_start3A_512, %dma_start3A_513] : memref<8x128x64xf32, #tpu.memory_space<vmem>> -> memref<1x128x64xf32, #tpu.memory_space<vmem>>
        %dma_start3A_515 = tpu.memref_squeeze %dma_start3A_514 : memref<1x128x64xf32, #tpu.memory_space<vmem>> -> memref<128x64xf32, #tpu.memory_space<vmem>>
        %dma_start3A_516 = tpu.memref_slice %arg7[%mul3A_510] : memref<6528xi32, #tpu.memory_space<vmem>> -> memref<128xi32, #tpu.memory_space<vmem>>
        %dma_start3A_517 = arith.constant 0 : i32
        %dma_start3A_518 = arith.constant 0 : i32
        %dma_start3A_519 = tpu.memref_slice %arg4[%dma_start3A_517, %dma_start3A_518] : memref<50000x64xf32, #tpu.memory_space<hbm>> -> memref<50000x64xf32, #tpu.memory_space<hbm>>
        %dma_start3A_520 = tpu.memref_slice %arg12[%dma_start3A_511] : memref<8x!tpu.dma_semaphore, #tpu.memory_space<semaphore_mem>> -> memref<1x!tpu.dma_semaphore, #tpu.memory_space<semaphore_mem>>
        %dma_start3A_521 = tpu.memref_squeeze %dma_start3A_520 : memref<1x!tpu.dma_semaphore, #tpu.memory_space<semaphore_mem>> -> memref<!tpu.dma_semaphore, #tpu.memory_space<semaphore_mem>>
        tpu.enqueue_indirect_dma source(%dma_start3A_519 : memref<50000x64xf32, #tpu.memory_space<hbm>>) target(%dma_start3A_515 : memref<128x64xf32, #tpu.memory_space<vmem>>) offsets(%dma_start3A_516 : memref<128xi32, #tpu.memory_space<vmem>>) semaphore(%dma_start3A_521 : memref<!tpu.dma_semaphore, #tpu.memory_space<semaphore_mem>>)
      } else {
      }
      %add3A_453 = arith.constant 5 : i32
      %add3A_454 = arith.addi %mul3A_234, %add3A_453 : i32
      %add3A_455 = arith.constant 8 : i32
      %add3A_456 = arith.addi %add3A_454, %add3A_455 : i32
      %lt3A_457 = arith.cmpi slt, %add3A_456, %add3A_112 : i32
      %convert_element_type3A_458 = arith.extui %lt3A_457 : i1 to i32
      %cond3A_459 = arith.constant 0 : i32
      %cond3A_460 = arith.cmpi ne, %convert_element_type3A_458, %cond3A_459 : i32
      scf.if %cond3A_460 {
        %dma_wait3A = arith.constant 0 : i32
        %dma_wait3A_508 = arith.constant 5 : i32
        %dma_wait3A_509 = arith.constant 0 : i32
        %dma_wait3A_510 = arith.constant 0 : i32
        %dma_wait3A_511 = tpu.memref_slice %arg11[%dma_wait3A, %dma_wait3A_509, %dma_wait3A_510] : memref<8x128x64xf32, #tpu.memory_space<vmem>> -> memref<1x128x64xf32, #tpu.memory_space<vmem>>
        %dma_wait3A_512 = tpu.memref_squeeze %dma_wait3A_511 : memref<1x128x64xf32, #tpu.memory_space<vmem>> -> memref<128x64xf32, #tpu.memory_space<vmem>>
        %dma_wait3A_513 = arith.constant 0 : i32
        %dma_wait3A_514 = arith.constant 0 : i32
        %dma_wait3A_515 = tpu.memref_slice %arg3[%dma_wait3A_513, %dma_wait3A_514] : memref<50000x64xf32, #tpu.memory_space<hbm>> -> memref<128x64xf32, #tpu.memory_space<hbm>>
        %dma_wait3A_516 = tpu.memref_slice %arg13[%dma_wait3A_508] : memref<8x!tpu.dma_semaphore, #tpu.memory_space<semaphore_mem>> -> memref<1x!tpu.dma_semaphore, #tpu.memory_space<semaphore_mem>>
        %dma_wait3A_517 = tpu.memref_squeeze %dma_wait3A_516 : memref<1x!tpu.dma_semaphore, #tpu.memory_space<semaphore_mem>> -> memref<!tpu.dma_semaphore, #tpu.memory_space<semaphore_mem>>
        %dma_wait3A_518 = arith.constant 0 : i32
        %dma_wait3A_519 = arith.constant 0 : i32
        %dma_wait3A_520 = tpu.memref_slice %arg11[%dma_wait3A, %dma_wait3A_518, %dma_wait3A_519] : memref<8x128x64xf32, #tpu.memory_space<vmem>> -> memref<1x128x64xf32, #tpu.memory_space<vmem>>
        %dma_wait3A_521 = tpu.memref_squeeze %dma_wait3A_520 : memref<1x128x64xf32, #tpu.memory_space<vmem>> -> memref<128x64xf32, #tpu.memory_space<vmem>>
        %dma_wait3A_522 = arith.constant 0 : i32
        %dma_wait3A_523 = arith.constant 0 : i32
        %dma_wait3A_524 = tpu.memref_slice %arg3[%dma_wait3A_522, %dma_wait3A_523] : memref<50000x64xf32, #tpu.memory_space<hbm>> -> memref<128x64xf32, #tpu.memory_space<hbm>>
        tpu.wait_dma2 semaphore(%dma_wait3A_517 : memref<!tpu.dma_semaphore, #tpu.memory_space<semaphore_mem>>) src(%dma_wait3A_524 : memref<128x64xf32, #tpu.memory_space<hbm>>) dst(%dma_wait3A_521 : memref<128x64xf32, #tpu.memory_space<vmem>>)
      } else {
      }
      %lt3A_461 = arith.cmpi slt, %add3A_456, %select_n3A : i32
      %convert_element_type3A_462 = arith.extui %lt3A_461 : i1 to i32
      %cond3A_463 = arith.constant 0 : i32
      %cond3A_464 = arith.cmpi ne, %convert_element_type3A_462, %cond3A_463 : i32
      scf.if %cond3A_464 {
        %mul3A_508 = arith.constant 128 : i32
        %mul3A_509 = arith.muli %add3A_456, %mul3A_508 : i32
        %dma_start3A = arith.constant 5 : i32
        %dma_start3A_510 = arith.constant 5 : i32
        %dma_start3A_511 = arith.constant 0 : i32
        %dma_start3A_512 = arith.constant 0 : i32
        %dma_start3A_513 = tpu.memref_slice %arg11[%dma_start3A, %dma_start3A_511, %dma_start3A_512] : memref<8x128x64xf32, #tpu.memory_space<vmem>> -> memref<1x128x64xf32, #tpu.memory_space<vmem>>
        %dma_start3A_514 = tpu.memref_squeeze %dma_start3A_513 : memref<1x128x64xf32, #tpu.memory_space<vmem>> -> memref<128x64xf32, #tpu.memory_space<vmem>>
        %dma_start3A_515 = tpu.memref_slice %arg6[%mul3A_509] : memref<6528xi32, #tpu.memory_space<vmem>> -> memref<128xi32, #tpu.memory_space<vmem>>
        %dma_start3A_516 = arith.constant 0 : i32
        %dma_start3A_517 = arith.constant 0 : i32
        %dma_start3A_518 = tpu.memref_slice %arg3[%dma_start3A_516, %dma_start3A_517] : memref<50000x64xf32, #tpu.memory_space<hbm>> -> memref<50000x64xf32, #tpu.memory_space<hbm>>
        %dma_start3A_519 = tpu.memref_slice %arg12[%dma_start3A_510] : memref<8x!tpu.dma_semaphore, #tpu.memory_space<semaphore_mem>> -> memref<1x!tpu.dma_semaphore, #tpu.memory_space<semaphore_mem>>
        %dma_start3A_520 = tpu.memref_squeeze %dma_start3A_519 : memref<1x!tpu.dma_semaphore, #tpu.memory_space<semaphore_mem>> -> memref<!tpu.dma_semaphore, #tpu.memory_space<semaphore_mem>>
        tpu.enqueue_indirect_dma source(%dma_start3A_518 : memref<50000x64xf32, #tpu.memory_space<hbm>>) target(%dma_start3A_514 : memref<128x64xf32, #tpu.memory_space<vmem>>) offsets(%dma_start3A_515 : memref<128xi32, #tpu.memory_space<vmem>>) semaphore(%dma_start3A_520 : memref<!tpu.dma_semaphore, #tpu.memory_space<semaphore_mem>>)
      } else {
      }
      %ge3A_465 = arith.cmpi sge, %add3A_456, %select_n3A : i32
      %lt3A_466 = arith.cmpi slt, %add3A_456, %add3A_112 : i32
      %and3A_467 = arith.andi %ge3A_465, %lt3A_466 : i1
      %convert_element_type3A_468 = arith.extui %and3A_467 : i1 to i32
      %cond3A_469 = arith.constant 0 : i32
      %cond3A_470 = arith.cmpi ne, %convert_element_type3A_468, %cond3A_469 : i32
      scf.if %cond3A_470 {
        %sub3A_508 = arith.subi %add3A_456, %select_n3A : i32
        %mul3A_509 = arith.constant 128 : i32
        %mul3A_510 = arith.muli %sub3A_508, %mul3A_509 : i32
        %dma_start3A = arith.constant 5 : i32
        %dma_start3A_511 = arith.constant 5 : i32
        %dma_start3A_512 = arith.constant 0 : i32
        %dma_start3A_513 = arith.constant 0 : i32
        %dma_start3A_514 = tpu.memref_slice %arg11[%dma_start3A, %dma_start3A_512, %dma_start3A_513] : memref<8x128x64xf32, #tpu.memory_space<vmem>> -> memref<1x128x64xf32, #tpu.memory_space<vmem>>
        %dma_start3A_515 = tpu.memref_squeeze %dma_start3A_514 : memref<1x128x64xf32, #tpu.memory_space<vmem>> -> memref<128x64xf32, #tpu.memory_space<vmem>>
        %dma_start3A_516 = tpu.memref_slice %arg7[%mul3A_510] : memref<6528xi32, #tpu.memory_space<vmem>> -> memref<128xi32, #tpu.memory_space<vmem>>
        %dma_start3A_517 = arith.constant 0 : i32
        %dma_start3A_518 = arith.constant 0 : i32
        %dma_start3A_519 = tpu.memref_slice %arg4[%dma_start3A_517, %dma_start3A_518] : memref<50000x64xf32, #tpu.memory_space<hbm>> -> memref<50000x64xf32, #tpu.memory_space<hbm>>
        %dma_start3A_520 = tpu.memref_slice %arg12[%dma_start3A_511] : memref<8x!tpu.dma_semaphore, #tpu.memory_space<semaphore_mem>> -> memref<1x!tpu.dma_semaphore, #tpu.memory_space<semaphore_mem>>
        %dma_start3A_521 = tpu.memref_squeeze %dma_start3A_520 : memref<1x!tpu.dma_semaphore, #tpu.memory_space<semaphore_mem>> -> memref<!tpu.dma_semaphore, #tpu.memory_space<semaphore_mem>>
        tpu.enqueue_indirect_dma source(%dma_start3A_519 : memref<50000x64xf32, #tpu.memory_space<hbm>>) target(%dma_start3A_515 : memref<128x64xf32, #tpu.memory_space<vmem>>) offsets(%dma_start3A_516 : memref<128xi32, #tpu.memory_space<vmem>>) semaphore(%dma_start3A_521 : memref<!tpu.dma_semaphore, #tpu.memory_space<semaphore_mem>>)
      } else {
      }
      %add3A_471 = arith.constant 6 : i32
      %add3A_472 = arith.addi %mul3A_234, %add3A_471 : i32
      %add3A_473 = arith.constant 8 : i32
      %add3A_474 = arith.addi %add3A_472, %add3A_473 : i32
      %lt3A_475 = arith.cmpi slt, %add3A_474, %add3A_112 : i32
      %convert_element_type3A_476 = arith.extui %lt3A_475 : i1 to i32
      %cond3A_477 = arith.constant 0 : i32
      %cond3A_478 = arith.cmpi ne, %convert_element_type3A_476, %cond3A_477 : i32
      scf.if %cond3A_478 {
        %dma_wait3A = arith.constant 0 : i32
        %dma_wait3A_508 = arith.constant 6 : i32
        %dma_wait3A_509 = arith.constant 0 : i32
        %dma_wait3A_510 = arith.constant 0 : i32
        %dma_wait3A_511 = tpu.memref_slice %arg11[%dma_wait3A, %dma_wait3A_509, %dma_wait3A_510] : memref<8x128x64xf32, #tpu.memory_space<vmem>> -> memref<1x128x64xf32, #tpu.memory_space<vmem>>
        %dma_wait3A_512 = tpu.memref_squeeze %dma_wait3A_511 : memref<1x128x64xf32, #tpu.memory_space<vmem>> -> memref<128x64xf32, #tpu.memory_space<vmem>>
        %dma_wait3A_513 = arith.constant 0 : i32
        %dma_wait3A_514 = arith.constant 0 : i32
        %dma_wait3A_515 = tpu.memref_slice %arg3[%dma_wait3A_513, %dma_wait3A_514] : memref<50000x64xf32, #tpu.memory_space<hbm>> -> memref<128x64xf32, #tpu.memory_space<hbm>>
        %dma_wait3A_516 = tpu.memref_slice %arg13[%dma_wait3A_508] : memref<8x!tpu.dma_semaphore, #tpu.memory_space<semaphore_mem>> -> memref<1x!tpu.dma_semaphore, #tpu.memory_space<semaphore_mem>>
        %dma_wait3A_517 = tpu.memref_squeeze %dma_wait3A_516 : memref<1x!tpu.dma_semaphore, #tpu.memory_space<semaphore_mem>> -> memref<!tpu.dma_semaphore, #tpu.memory_space<semaphore_mem>>
        %dma_wait3A_518 = arith.constant 0 : i32
        %dma_wait3A_519 = arith.constant 0 : i32
        %dma_wait3A_520 = tpu.memref_slice %arg11[%dma_wait3A, %dma_wait3A_518, %dma_wait3A_519] : memref<8x128x64xf32, #tpu.memory_space<vmem>> -> memref<1x128x64xf32, #tpu.memory_space<vmem>>
        %dma_wait3A_521 = tpu.memref_squeeze %dma_wait3A_520 : memref<1x128x64xf32, #tpu.memory_space<vmem>> -> memref<128x64xf32, #tpu.memory_space<vmem>>
        %dma_wait3A_522 = arith.constant 0 : i32
        %dma_wait3A_523 = arith.constant 0 : i32
        %dma_wait3A_524 = tpu.memref_slice %arg3[%dma_wait3A_522, %dma_wait3A_523] : memref<50000x64xf32, #tpu.memory_space<hbm>> -> memref<128x64xf32, #tpu.memory_space<hbm>>
        tpu.wait_dma2 semaphore(%dma_wait3A_517 : memref<!tpu.dma_semaphore, #tpu.memory_space<semaphore_mem>>) src(%dma_wait3A_524 : memref<128x64xf32, #tpu.memory_space<hbm>>) dst(%dma_wait3A_521 : memref<128x64xf32, #tpu.memory_space<vmem>>)
      } else {
      }
      %lt3A_479 = arith.cmpi slt, %add3A_474, %select_n3A : i32
      %convert_element_type3A_480 = arith.extui %lt3A_479 : i1 to i32
      %cond3A_481 = arith.constant 0 : i32
      %cond3A_482 = arith.cmpi ne, %convert_element_type3A_480, %cond3A_481 : i32
      scf.if %cond3A_482 {
        %mul3A_508 = arith.constant 128 : i32
        %mul3A_509 = arith.muli %add3A_474, %mul3A_508 : i32
        %dma_start3A = arith.constant 6 : i32
        %dma_start3A_510 = arith.constant 6 : i32
        %dma_start3A_511 = arith.constant 0 : i32
        %dma_start3A_512 = arith.constant 0 : i32
        %dma_start3A_513 = tpu.memref_slice %arg11[%dma_start3A, %dma_start3A_511, %dma_start3A_512] : memref<8x128x64xf32, #tpu.memory_space<vmem>> -> memref<1x128x64xf32, #tpu.memory_space<vmem>>
        %dma_start3A_514 = tpu.memref_squeeze %dma_start3A_513 : memref<1x128x64xf32, #tpu.memory_space<vmem>> -> memref<128x64xf32, #tpu.memory_space<vmem>>
        %dma_start3A_515 = tpu.memref_slice %arg6[%mul3A_509] : memref<6528xi32, #tpu.memory_space<vmem>> -> memref<128xi32, #tpu.memory_space<vmem>>
        %dma_start3A_516 = arith.constant 0 : i32
        %dma_start3A_517 = arith.constant 0 : i32
        %dma_start3A_518 = tpu.memref_slice %arg3[%dma_start3A_516, %dma_start3A_517] : memref<50000x64xf32, #tpu.memory_space<hbm>> -> memref<50000x64xf32, #tpu.memory_space<hbm>>
        %dma_start3A_519 = tpu.memref_slice %arg12[%dma_start3A_510] : memref<8x!tpu.dma_semaphore, #tpu.memory_space<semaphore_mem>> -> memref<1x!tpu.dma_semaphore, #tpu.memory_space<semaphore_mem>>
        %dma_start3A_520 = tpu.memref_squeeze %dma_start3A_519 : memref<1x!tpu.dma_semaphore, #tpu.memory_space<semaphore_mem>> -> memref<!tpu.dma_semaphore, #tpu.memory_space<semaphore_mem>>
        tpu.enqueue_indirect_dma source(%dma_start3A_518 : memref<50000x64xf32, #tpu.memory_space<hbm>>) target(%dma_start3A_514 : memref<128x64xf32, #tpu.memory_space<vmem>>) offsets(%dma_start3A_515 : memref<128xi32, #tpu.memory_space<vmem>>) semaphore(%dma_start3A_520 : memref<!tpu.dma_semaphore, #tpu.memory_space<semaphore_mem>>)
      } else {
      }
      %ge3A_483 = arith.cmpi sge, %add3A_474, %select_n3A : i32
      %lt3A_484 = arith.cmpi slt, %add3A_474, %add3A_112 : i32
      %and3A_485 = arith.andi %ge3A_483, %lt3A_484 : i1
      %convert_element_type3A_486 = arith.extui %and3A_485 : i1 to i32
      %cond3A_487 = arith.constant 0 : i32
      %cond3A_488 = arith.cmpi ne, %convert_element_type3A_486, %cond3A_487 : i32
      scf.if %cond3A_488 {
        %sub3A_508 = arith.subi %add3A_474, %select_n3A : i32
        %mul3A_509 = arith.constant 128 : i32
        %mul3A_510 = arith.muli %sub3A_508, %mul3A_509 : i32
        %dma_start3A = arith.constant 6 : i32
        %dma_start3A_511 = arith.constant 6 : i32
        %dma_start3A_512 = arith.constant 0 : i32
        %dma_start3A_513 = arith.constant 0 : i32
        %dma_start3A_514 = tpu.memref_slice %arg11[%dma_start3A, %dma_start3A_512, %dma_start3A_513] : memref<8x128x64xf32, #tpu.memory_space<vmem>> -> memref<1x128x64xf32, #tpu.memory_space<vmem>>
        %dma_start3A_515 = tpu.memref_squeeze %dma_start3A_514 : memref<1x128x64xf32, #tpu.memory_space<vmem>> -> memref<128x64xf32, #tpu.memory_space<vmem>>
        %dma_start3A_516 = tpu.memref_slice %arg7[%mul3A_510] : memref<6528xi32, #tpu.memory_space<vmem>> -> memref<128xi32, #tpu.memory_space<vmem>>
        %dma_start3A_517 = arith.constant 0 : i32
        %dma_start3A_518 = arith.constant 0 : i32
        %dma_start3A_519 = tpu.memref_slice %arg4[%dma_start3A_517, %dma_start3A_518] : memref<50000x64xf32, #tpu.memory_space<hbm>> -> memref<50000x64xf32, #tpu.memory_space<hbm>>
        %dma_start3A_520 = tpu.memref_slice %arg12[%dma_start3A_511] : memref<8x!tpu.dma_semaphore, #tpu.memory_space<semaphore_mem>> -> memref<1x!tpu.dma_semaphore, #tpu.memory_space<semaphore_mem>>
        %dma_start3A_521 = tpu.memref_squeeze %dma_start3A_520 : memref<1x!tpu.dma_semaphore, #tpu.memory_space<semaphore_mem>> -> memref<!tpu.dma_semaphore, #tpu.memory_space<semaphore_mem>>
        tpu.enqueue_indirect_dma source(%dma_start3A_519 : memref<50000x64xf32, #tpu.memory_space<hbm>>) target(%dma_start3A_515 : memref<128x64xf32, #tpu.memory_space<vmem>>) offsets(%dma_start3A_516 : memref<128xi32, #tpu.memory_space<vmem>>) semaphore(%dma_start3A_521 : memref<!tpu.dma_semaphore, #tpu.memory_space<semaphore_mem>>)
      } else {
      }
      %add3A_489 = arith.constant 7 : i32
      %add3A_490 = arith.addi %mul3A_234, %add3A_489 : i32
      %add3A_491 = arith.constant 8 : i32
      %add3A_492 = arith.addi %add3A_490, %add3A_491 : i32
      %lt3A_493 = arith.cmpi slt, %add3A_492, %add3A_112 : i32
      %convert_element_type3A_494 = arith.extui %lt3A_493 : i1 to i32
      %cond3A_495 = arith.constant 0 : i32
      %cond3A_496 = arith.cmpi ne, %convert_element_type3A_494, %cond3A_495 : i32
      scf.if %cond3A_496 {
        %dma_wait3A = arith.constant 0 : i32
        %dma_wait3A_508 = arith.constant 7 : i32
        %dma_wait3A_509 = arith.constant 0 : i32
        %dma_wait3A_510 = arith.constant 0 : i32
        %dma_wait3A_511 = tpu.memref_slice %arg11[%dma_wait3A, %dma_wait3A_509, %dma_wait3A_510] : memref<8x128x64xf32, #tpu.memory_space<vmem>> -> memref<1x128x64xf32, #tpu.memory_space<vmem>>
        %dma_wait3A_512 = tpu.memref_squeeze %dma_wait3A_511 : memref<1x128x64xf32, #tpu.memory_space<vmem>> -> memref<128x64xf32, #tpu.memory_space<vmem>>
        %dma_wait3A_513 = arith.constant 0 : i32
        %dma_wait3A_514 = arith.constant 0 : i32
        %dma_wait3A_515 = tpu.memref_slice %arg3[%dma_wait3A_513, %dma_wait3A_514] : memref<50000x64xf32, #tpu.memory_space<hbm>> -> memref<128x64xf32, #tpu.memory_space<hbm>>
        %dma_wait3A_516 = tpu.memref_slice %arg13[%dma_wait3A_508] : memref<8x!tpu.dma_semaphore, #tpu.memory_space<semaphore_mem>> -> memref<1x!tpu.dma_semaphore, #tpu.memory_space<semaphore_mem>>
        %dma_wait3A_517 = tpu.memref_squeeze %dma_wait3A_516 : memref<1x!tpu.dma_semaphore, #tpu.memory_space<semaphore_mem>> -> memref<!tpu.dma_semaphore, #tpu.memory_space<semaphore_mem>>
        %dma_wait3A_518 = arith.constant 0 : i32
        %dma_wait3A_519 = arith.constant 0 : i32
        %dma_wait3A_520 = tpu.memref_slice %arg11[%dma_wait3A, %dma_wait3A_518, %dma_wait3A_519] : memref<8x128x64xf32, #tpu.memory_space<vmem>> -> memref<1x128x64xf32, #tpu.memory_space<vmem>>
        %dma_wait3A_521 = tpu.memref_squeeze %dma_wait3A_520 : memref<1x128x64xf32, #tpu.memory_space<vmem>> -> memref<128x64xf32, #tpu.memory_space<vmem>>
        %dma_wait3A_522 = arith.constant 0 : i32
        %dma_wait3A_523 = arith.constant 0 : i32
        %dma_wait3A_524 = tpu.memref_slice %arg3[%dma_wait3A_522, %dma_wait3A_523] : memref<50000x64xf32, #tpu.memory_space<hbm>> -> memref<128x64xf32, #tpu.memory_space<hbm>>
        tpu.wait_dma2 semaphore(%dma_wait3A_517 : memref<!tpu.dma_semaphore, #tpu.memory_space<semaphore_mem>>) src(%dma_wait3A_524 : memref<128x64xf32, #tpu.memory_space<hbm>>) dst(%dma_wait3A_521 : memref<128x64xf32, #tpu.memory_space<vmem>>)
      } else {
      }
      %lt3A_497 = arith.cmpi slt, %add3A_492, %select_n3A : i32
      %convert_element_type3A_498 = arith.extui %lt3A_497 : i1 to i32
      %cond3A_499 = arith.constant 0 : i32
      %cond3A_500 = arith.cmpi ne, %convert_element_type3A_498, %cond3A_499 : i32
      scf.if %cond3A_500 {
        %mul3A_508 = arith.constant 128 : i32
        %mul3A_509 = arith.muli %add3A_492, %mul3A_508 : i32
        %dma_start3A = arith.constant 7 : i32
        %dma_start3A_510 = arith.constant 7 : i32
        %dma_start3A_511 = arith.constant 0 : i32
        %dma_start3A_512 = arith.constant 0 : i32
        %dma_start3A_513 = tpu.memref_slice %arg11[%dma_start3A, %dma_start3A_511, %dma_start3A_512] : memref<8x128x64xf32, #tpu.memory_space<vmem>> -> memref<1x128x64xf32, #tpu.memory_space<vmem>>
        %dma_start3A_514 = tpu.memref_squeeze %dma_start3A_513 : memref<1x128x64xf32, #tpu.memory_space<vmem>> -> memref<128x64xf32, #tpu.memory_space<vmem>>
        %dma_start3A_515 = tpu.memref_slice %arg6[%mul3A_509] : memref<6528xi32, #tpu.memory_space<vmem>> -> memref<128xi32, #tpu.memory_space<vmem>>
        %dma_start3A_516 = arith.constant 0 : i32
        %dma_start3A_517 = arith.constant 0 : i32
        %dma_start3A_518 = tpu.memref_slice %arg3[%dma_start3A_516, %dma_start3A_517] : memref<50000x64xf32, #tpu.memory_space<hbm>> -> memref<50000x64xf32, #tpu.memory_space<hbm>>
        %dma_start3A_519 = tpu.memref_slice %arg12[%dma_start3A_510] : memref<8x!tpu.dma_semaphore, #tpu.memory_space<semaphore_mem>> -> memref<1x!tpu.dma_semaphore, #tpu.memory_space<semaphore_mem>>
        %dma_start3A_520 = tpu.memref_squeeze %dma_start3A_519 : memref<1x!tpu.dma_semaphore, #tpu.memory_space<semaphore_mem>> -> memref<!tpu.dma_semaphore, #tpu.memory_space<semaphore_mem>>
        tpu.enqueue_indirect_dma source(%dma_start3A_518 : memref<50000x64xf32, #tpu.memory_space<hbm>>) target(%dma_start3A_514 : memref<128x64xf32, #tpu.memory_space<vmem>>) offsets(%dma_start3A_515 : memref<128xi32, #tpu.memory_space<vmem>>) semaphore(%dma_start3A_520 : memref<!tpu.dma_semaphore, #tpu.memory_space<semaphore_mem>>)
      } else {
      }
      %ge3A_501 = arith.cmpi sge, %add3A_492, %select_n3A : i32
      %lt3A_502 = arith.cmpi slt, %add3A_492, %add3A_112 : i32
      %and3A_503 = arith.andi %ge3A_501, %lt3A_502 : i1
      %convert_element_type3A_504 = arith.extui %and3A_503 : i1 to i32
      %cond3A_505 = arith.constant 0 : i32
      %cond3A_506 = arith.cmpi ne, %convert_element_type3A_504, %cond3A_505 : i32
      scf.if %cond3A_506 {
        %sub3A_508 = arith.subi %add3A_492, %select_n3A : i32
        %mul3A_509 = arith.constant 128 : i32
        %mul3A_510 = arith.muli %sub3A_508, %mul3A_509 : i32
        %dma_start3A = arith.constant 7 : i32
        %dma_start3A_511 = arith.constant 7 : i32
        %dma_start3A_512 = arith.constant 0 : i32
        %dma_start3A_513 = arith.constant 0 : i32
        %dma_start3A_514 = tpu.memref_slice %arg11[%dma_start3A, %dma_start3A_512, %dma_start3A_513] : memref<8x128x64xf32, #tpu.memory_space<vmem>> -> memref<1x128x64xf32, #tpu.memory_space<vmem>>
        %dma_start3A_515 = tpu.memref_squeeze %dma_start3A_514 : memref<1x128x64xf32, #tpu.memory_space<vmem>> -> memref<128x64xf32, #tpu.memory_space<vmem>>
        %dma_start3A_516 = tpu.memref_slice %arg7[%mul3A_510] : memref<6528xi32, #tpu.memory_space<vmem>> -> memref<128xi32, #tpu.memory_space<vmem>>
        %dma_start3A_517 = arith.constant 0 : i32
        %dma_start3A_518 = arith.constant 0 : i32
        %dma_start3A_519 = tpu.memref_slice %arg4[%dma_start3A_517, %dma_start3A_518] : memref<50000x64xf32, #tpu.memory_space<hbm>> -> memref<50000x64xf32, #tpu.memory_space<hbm>>
        %dma_start3A_520 = tpu.memref_slice %arg12[%dma_start3A_511] : memref<8x!tpu.dma_semaphore, #tpu.memory_space<semaphore_mem>> -> memref<1x!tpu.dma_semaphore, #tpu.memory_space<semaphore_mem>>
        %dma_start3A_521 = tpu.memref_squeeze %dma_start3A_520 : memref<1x!tpu.dma_semaphore, #tpu.memory_space<semaphore_mem>> -> memref<!tpu.dma_semaphore, #tpu.memory_space<semaphore_mem>>
        tpu.enqueue_indirect_dma source(%dma_start3A_519 : memref<50000x64xf32, #tpu.memory_space<hbm>>) target(%dma_start3A_515 : memref<128x64xf32, #tpu.memory_space<vmem>>) offsets(%dma_start3A_516 : memref<128xi32, #tpu.memory_space<vmem>>) semaphore(%dma_start3A_521 : memref<!tpu.dma_semaphore, #tpu.memory_space<semaphore_mem>>)
      } else {
      }
      %while3A_507 = arith.constant 0 : i32
      scf.yield %while3A_507 : i32
    }
    %while3A_189 = arith.constant 1 : i32
    %while3A_190 = scf.for %while3A_231 = %while3A_186 to %while3A_182 step %while3A_189 iter_args(%while3A_232 = %while3A_188) -> (i32)  : i32 {
      %mul3A_233 = arith.constant 8 : i32
      %mul3A_234 = arith.muli %while3A_231, %mul3A_233 : i32
      %add3A_235 = arith.constant 0 : i32
      %add3A_236 = arith.addi %mul3A_234, %add3A_235 : i32
      %lt3A_237 = arith.cmpi slt, %add3A_236, %add3A_112 : i32
      %convert_element_type3A_238 = arith.extui %lt3A_237 : i1 to i32
      %cond3A_239 = arith.constant 0 : i32
      %cond3A_240 = arith.cmpi ne, %convert_element_type3A_238, %cond3A_239 : i32
      scf.if %cond3A_240 {
        %dma_wait3A = arith.constant 0 : i32
        %dma_wait3A_508 = arith.constant 0 : i32
        %dma_wait3A_509 = arith.constant 0 : i32
        %dma_wait3A_510 = arith.constant 0 : i32
        %dma_wait3A_511 = tpu.memref_slice %arg11[%dma_wait3A, %dma_wait3A_509, %dma_wait3A_510] : memref<8x128x64xf32, #tpu.memory_space<vmem>> -> memref<1x128x64xf32, #tpu.memory_space<vmem>>
        %dma_wait3A_512 = tpu.memref_squeeze %dma_wait3A_511 : memref<1x128x64xf32, #tpu.memory_space<vmem>> -> memref<128x64xf32, #tpu.memory_space<vmem>>
        %dma_wait3A_513 = arith.constant 0 : i32
        %dma_wait3A_514 = arith.constant 0 : i32
        %dma_wait3A_515 = tpu.memref_slice %arg3[%dma_wait3A_513, %dma_wait3A_514] : memref<50000x64xf32, #tpu.memory_space<hbm>> -> memref<128x64xf32, #tpu.memory_space<hbm>>
        %dma_wait3A_516 = tpu.memref_slice %arg12[%dma_wait3A_508] : memref<8x!tpu.dma_semaphore, #tpu.memory_space<semaphore_mem>> -> memref<1x!tpu.dma_semaphore, #tpu.memory_space<semaphore_mem>>
        %dma_wait3A_517 = tpu.memref_squeeze %dma_wait3A_516 : memref<1x!tpu.dma_semaphore, #tpu.memory_space<semaphore_mem>> -> memref<!tpu.dma_semaphore, #tpu.memory_space<semaphore_mem>>
        %dma_wait3A_518 = arith.constant 0 : i32
        %dma_wait3A_519 = arith.constant 0 : i32
        %dma_wait3A_520 = tpu.memref_slice %arg11[%dma_wait3A, %dma_wait3A_518, %dma_wait3A_519] : memref<8x128x64xf32, #tpu.memory_space<vmem>> -> memref<1x128x64xf32, #tpu.memory_space<vmem>>
        %dma_wait3A_521 = tpu.memref_squeeze %dma_wait3A_520 : memref<1x128x64xf32, #tpu.memory_space<vmem>> -> memref<128x64xf32, #tpu.memory_space<vmem>>
        %dma_wait3A_522 = arith.constant 0 : i32
        %dma_wait3A_523 = arith.constant 0 : i32
        %dma_wait3A_524 = tpu.memref_slice %arg3[%dma_wait3A_522, %dma_wait3A_523] : memref<50000x64xf32, #tpu.memory_space<hbm>> -> memref<128x64xf32, #tpu.memory_space<hbm>>
        tpu.wait_dma2 semaphore(%dma_wait3A_517 : memref<!tpu.dma_semaphore, #tpu.memory_space<semaphore_mem>>) src(%dma_wait3A_524 : memref<128x64xf32, #tpu.memory_space<hbm>>) dst(%dma_wait3A_521 : memref<128x64xf32, #tpu.memory_space<vmem>>)
      } else {
      }
      %lt3A_241 = arith.cmpi slt, %add3A_236, %select_n3A : i32
      %convert_element_type3A_242 = arith.extui %lt3A_241 : i1 to i32
      %cond3A_243 = arith.constant 0 : i32
      %cond3A_244 = arith.cmpi ne, %convert_element_type3A_242, %cond3A_243 : i32
      scf.if %cond3A_244 {
        %mul3A_508 = arith.constant 128 : i32
        %mul3A_509 = arith.muli %add3A_236, %mul3A_508 : i32
        %dma_start3A = arith.constant 0 : i32
        %dma_start3A_510 = arith.constant 0 : i32
        %dma_start3A_511 = arith.constant 0 : i32
        %dma_start3A_512 = arith.constant 0 : i32
        %dma_start3A_513 = tpu.memref_slice %arg11[%dma_start3A, %dma_start3A_511, %dma_start3A_512] : memref<8x128x64xf32, #tpu.memory_space<vmem>> -> memref<1x128x64xf32, #tpu.memory_space<vmem>>
        %dma_start3A_514 = tpu.memref_squeeze %dma_start3A_513 : memref<1x128x64xf32, #tpu.memory_space<vmem>> -> memref<128x64xf32, #tpu.memory_space<vmem>>
        %dma_start3A_515 = tpu.memref_slice %arg9[%mul3A_509] : memref<6528xi32, #tpu.memory_space<vmem>> -> memref<128xi32, #tpu.memory_space<vmem>>
        %dma_start3A_516 = arith.constant 0 : i32
        %dma_start3A_517 = arith.constant 0 : i32
        %dma_start3A_518 = tpu.memref_slice %arg5[%dma_start3A_516, %dma_start3A_517] : memref<204800x64xf32, #tpu.memory_space<hbm>> -> memref<204800x64xf32, #tpu.memory_space<hbm>>
        %dma_start3A_519 = tpu.memref_slice %arg13[%dma_start3A_510] : memref<8x!tpu.dma_semaphore, #tpu.memory_space<semaphore_mem>> -> memref<1x!tpu.dma_semaphore, #tpu.memory_space<semaphore_mem>>
        %dma_start3A_520 = tpu.memref_squeeze %dma_start3A_519 : memref<1x!tpu.dma_semaphore, #tpu.memory_space<semaphore_mem>> -> memref<!tpu.dma_semaphore, #tpu.memory_space<semaphore_mem>>
        tpu.enqueue_indirect_dma source(%dma_start3A_514 : memref<128x64xf32, #tpu.memory_space<vmem>>) target(%dma_start3A_518 : memref<204800x64xf32, #tpu.memory_space<hbm>>) offsets(%dma_start3A_515 : memref<128xi32, #tpu.memory_space<vmem>>) semaphore(%dma_start3A_520 : memref<!tpu.dma_semaphore, #tpu.memory_space<semaphore_mem>>)
      } else {
      }
      %ge3A_245 = arith.cmpi sge, %add3A_236, %select_n3A : i32
      %lt3A_246 = arith.cmpi slt, %add3A_236, %add3A_112 : i32
      %and3A_247 = arith.andi %ge3A_245, %lt3A_246 : i1
      %convert_element_type3A_248 = arith.extui %and3A_247 : i1 to i32
      %cond3A_249 = arith.constant 0 : i32
      %cond3A_250 = arith.cmpi ne, %convert_element_type3A_248, %cond3A_249 : i32
      scf.if %cond3A_250 {
        %sub3A_508 = arith.subi %add3A_236, %select_n3A : i32
        %mul3A_509 = arith.constant 128 : i32
        %mul3A_510 = arith.muli %sub3A_508, %mul3A_509 : i32
        %dma_start3A = arith.constant 0 : i32
        %dma_start3A_511 = arith.constant 0 : i32
        %dma_start3A_512 = arith.constant 0 : i32
        %dma_start3A_513 = arith.constant 0 : i32
        %dma_start3A_514 = tpu.memref_slice %arg11[%dma_start3A, %dma_start3A_512, %dma_start3A_513] : memref<8x128x64xf32, #tpu.memory_space<vmem>> -> memref<1x128x64xf32, #tpu.memory_space<vmem>>
        %dma_start3A_515 = tpu.memref_squeeze %dma_start3A_514 : memref<1x128x64xf32, #tpu.memory_space<vmem>> -> memref<128x64xf32, #tpu.memory_space<vmem>>
        %dma_start3A_516 = tpu.memref_slice %arg10[%mul3A_510] : memref<6528xi32, #tpu.memory_space<vmem>> -> memref<128xi32, #tpu.memory_space<vmem>>
        %dma_start3A_517 = arith.constant 0 : i32
        %dma_start3A_518 = arith.constant 0 : i32
        %dma_start3A_519 = tpu.memref_slice %arg5[%dma_start3A_517, %dma_start3A_518] : memref<204800x64xf32, #tpu.memory_space<hbm>> -> memref<204800x64xf32, #tpu.memory_space<hbm>>
        %dma_start3A_520 = tpu.memref_slice %arg13[%dma_start3A_511] : memref<8x!tpu.dma_semaphore, #tpu.memory_space<semaphore_mem>> -> memref<1x!tpu.dma_semaphore, #tpu.memory_space<semaphore_mem>>
        %dma_start3A_521 = tpu.memref_squeeze %dma_start3A_520 : memref<1x!tpu.dma_semaphore, #tpu.memory_space<semaphore_mem>> -> memref<!tpu.dma_semaphore, #tpu.memory_space<semaphore_mem>>
        tpu.enqueue_indirect_dma source(%dma_start3A_515 : memref<128x64xf32, #tpu.memory_space<vmem>>) target(%dma_start3A_519 : memref<204800x64xf32, #tpu.memory_space<hbm>>) offsets(%dma_start3A_516 : memref<128xi32, #tpu.memory_space<vmem>>) semaphore(%dma_start3A_521 : memref<!tpu.dma_semaphore, #tpu.memory_space<semaphore_mem>>)
      } else {
      }
      %add3A_251 = arith.constant 1 : i32
      %add3A_252 = arith.addi %mul3A_234, %add3A_251 : i32
      %lt3A_253 = arith.cmpi slt, %add3A_252, %add3A_112 : i32
      %convert_element_type3A_254 = arith.extui %lt3A_253 : i1 to i32
      %cond3A_255 = arith.constant 0 : i32
      %cond3A_256 = arith.cmpi ne, %convert_element_type3A_254, %cond3A_255 : i32
      scf.if %cond3A_256 {
        %dma_wait3A = arith.constant 0 : i32
        %dma_wait3A_508 = arith.constant 1 : i32
        %dma_wait3A_509 = arith.constant 0 : i32
        %dma_wait3A_510 = arith.constant 0 : i32
        %dma_wait3A_511 = tpu.memref_slice %arg11[%dma_wait3A, %dma_wait3A_509, %dma_wait3A_510] : memref<8x128x64xf32, #tpu.memory_space<vmem>> -> memref<1x128x64xf32, #tpu.memory_space<vmem>>
        %dma_wait3A_512 = tpu.memref_squeeze %dma_wait3A_511 : memref<1x128x64xf32, #tpu.memory_space<vmem>> -> memref<128x64xf32, #tpu.memory_space<vmem>>
        %dma_wait3A_513 = arith.constant 0 : i32
        %dma_wait3A_514 = arith.constant 0 : i32
        %dma_wait3A_515 = tpu.memref_slice %arg3[%dma_wait3A_513, %dma_wait3A_514] : memref<50000x64xf32, #tpu.memory_space<hbm>> -> memref<128x64xf32, #tpu.memory_space<hbm>>
        %dma_wait3A_516 = tpu.memref_slice %arg12[%dma_wait3A_508] : memref<8x!tpu.dma_semaphore, #tpu.memory_space<semaphore_mem>> -> memref<1x!tpu.dma_semaphore, #tpu.memory_space<semaphore_mem>>
        %dma_wait3A_517 = tpu.memref_squeeze %dma_wait3A_516 : memref<1x!tpu.dma_semaphore, #tpu.memory_space<semaphore_mem>> -> memref<!tpu.dma_semaphore, #tpu.memory_space<semaphore_mem>>
        %dma_wait3A_518 = arith.constant 0 : i32
        %dma_wait3A_519 = arith.constant 0 : i32
        %dma_wait3A_520 = tpu.memref_slice %arg11[%dma_wait3A, %dma_wait3A_518, %dma_wait3A_519] : memref<8x128x64xf32, #tpu.memory_space<vmem>> -> memref<1x128x64xf32, #tpu.memory_space<vmem>>
        %dma_wait3A_521 = tpu.memref_squeeze %dma_wait3A_520 : memref<1x128x64xf32, #tpu.memory_space<vmem>> -> memref<128x64xf32, #tpu.memory_space<vmem>>
        %dma_wait3A_522 = arith.constant 0 : i32
        %dma_wait3A_523 = arith.constant 0 : i32
        %dma_wait3A_524 = tpu.memref_slice %arg3[%dma_wait3A_522, %dma_wait3A_523] : memref<50000x64xf32, #tpu.memory_space<hbm>> -> memref<128x64xf32, #tpu.memory_space<hbm>>
        tpu.wait_dma2 semaphore(%dma_wait3A_517 : memref<!tpu.dma_semaphore, #tpu.memory_space<semaphore_mem>>) src(%dma_wait3A_524 : memref<128x64xf32, #tpu.memory_space<hbm>>) dst(%dma_wait3A_521 : memref<128x64xf32, #tpu.memory_space<vmem>>)
      } else {
      }
      %lt3A_257 = arith.cmpi slt, %add3A_252, %select_n3A : i32
      %convert_element_type3A_258 = arith.extui %lt3A_257 : i1 to i32
      %cond3A_259 = arith.constant 0 : i32
      %cond3A_260 = arith.cmpi ne, %convert_element_type3A_258, %cond3A_259 : i32
      scf.if %cond3A_260 {
        %mul3A_508 = arith.constant 128 : i32
        %mul3A_509 = arith.muli %add3A_252, %mul3A_508 : i32
        %dma_start3A = arith.constant 1 : i32
        %dma_start3A_510 = arith.constant 1 : i32
        %dma_start3A_511 = arith.constant 0 : i32
        %dma_start3A_512 = arith.constant 0 : i32
        %dma_start3A_513 = tpu.memref_slice %arg11[%dma_start3A, %dma_start3A_511, %dma_start3A_512] : memref<8x128x64xf32, #tpu.memory_space<vmem>> -> memref<1x128x64xf32, #tpu.memory_space<vmem>>
        %dma_start3A_514 = tpu.memref_squeeze %dma_start3A_513 : memref<1x128x64xf32, #tpu.memory_space<vmem>> -> memref<128x64xf32, #tpu.memory_space<vmem>>
        %dma_start3A_515 = tpu.memref_slice %arg9[%mul3A_509] : memref<6528xi32, #tpu.memory_space<vmem>> -> memref<128xi32, #tpu.memory_space<vmem>>
        %dma_start3A_516 = arith.constant 0 : i32
        %dma_start3A_517 = arith.constant 0 : i32
        %dma_start3A_518 = tpu.memref_slice %arg5[%dma_start3A_516, %dma_start3A_517] : memref<204800x64xf32, #tpu.memory_space<hbm>> -> memref<204800x64xf32, #tpu.memory_space<hbm>>
        %dma_start3A_519 = tpu.memref_slice %arg13[%dma_start3A_510] : memref<8x!tpu.dma_semaphore, #tpu.memory_space<semaphore_mem>> -> memref<1x!tpu.dma_semaphore, #tpu.memory_space<semaphore_mem>>
        %dma_start3A_520 = tpu.memref_squeeze %dma_start3A_519 : memref<1x!tpu.dma_semaphore, #tpu.memory_space<semaphore_mem>> -> memref<!tpu.dma_semaphore, #tpu.memory_space<semaphore_mem>>
        tpu.enqueue_indirect_dma source(%dma_start3A_514 : memref<128x64xf32, #tpu.memory_space<vmem>>) target(%dma_start3A_518 : memref<204800x64xf32, #tpu.memory_space<hbm>>) offsets(%dma_start3A_515 : memref<128xi32, #tpu.memory_space<vmem>>) semaphore(%dma_start3A_520 : memref<!tpu.dma_semaphore, #tpu.memory_space<semaphore_mem>>)
      } else {
      }
      %ge3A_261 = arith.cmpi sge, %add3A_252, %select_n3A : i32
      %lt3A_262 = arith.cmpi slt, %add3A_252, %add3A_112 : i32
      %and3A_263 = arith.andi %ge3A_261, %lt3A_262 : i1
      %convert_element_type3A_264 = arith.extui %and3A_263 : i1 to i32
      %cond3A_265 = arith.constant 0 : i32
      %cond3A_266 = arith.cmpi ne, %convert_element_type3A_264, %cond3A_265 : i32
      scf.if %cond3A_266 {
        %sub3A_508 = arith.subi %add3A_252, %select_n3A : i32
        %mul3A_509 = arith.constant 128 : i32
        %mul3A_510 = arith.muli %sub3A_508, %mul3A_509 : i32
        %dma_start3A = arith.constant 1 : i32
        %dma_start3A_511 = arith.constant 1 : i32
        %dma_start3A_512 = arith.constant 0 : i32
        %dma_start3A_513 = arith.constant 0 : i32
        %dma_start3A_514 = tpu.memref_slice %arg11[%dma_start3A, %dma_start3A_512, %dma_start3A_513] : memref<8x128x64xf32, #tpu.memory_space<vmem>> -> memref<1x128x64xf32, #tpu.memory_space<vmem>>
        %dma_start3A_515 = tpu.memref_squeeze %dma_start3A_514 : memref<1x128x64xf32, #tpu.memory_space<vmem>> -> memref<128x64xf32, #tpu.memory_space<vmem>>
        %dma_start3A_516 = tpu.memref_slice %arg10[%mul3A_510] : memref<6528xi32, #tpu.memory_space<vmem>> -> memref<128xi32, #tpu.memory_space<vmem>>
        %dma_start3A_517 = arith.constant 0 : i32
        %dma_start3A_518 = arith.constant 0 : i32
        %dma_start3A_519 = tpu.memref_slice %arg5[%dma_start3A_517, %dma_start3A_518] : memref<204800x64xf32, #tpu.memory_space<hbm>> -> memref<204800x64xf32, #tpu.memory_space<hbm>>
        %dma_start3A_520 = tpu.memref_slice %arg13[%dma_start3A_511] : memref<8x!tpu.dma_semaphore, #tpu.memory_space<semaphore_mem>> -> memref<1x!tpu.dma_semaphore, #tpu.memory_space<semaphore_mem>>
        %dma_start3A_521 = tpu.memref_squeeze %dma_start3A_520 : memref<1x!tpu.dma_semaphore, #tpu.memory_space<semaphore_mem>> -> memref<!tpu.dma_semaphore, #tpu.memory_space<semaphore_mem>>
        tpu.enqueue_indirect_dma source(%dma_start3A_515 : memref<128x64xf32, #tpu.memory_space<vmem>>) target(%dma_start3A_519 : memref<204800x64xf32, #tpu.memory_space<hbm>>) offsets(%dma_start3A_516 : memref<128xi32, #tpu.memory_space<vmem>>) semaphore(%dma_start3A_521 : memref<!tpu.dma_semaphore, #tpu.memory_space<semaphore_mem>>)
      } else {
      }
      %add3A_267 = arith.constant 2 : i32
      %add3A_268 = arith.addi %mul3A_234, %add3A_267 : i32
      %lt3A_269 = arith.cmpi slt, %add3A_268, %add3A_112 : i32
      %convert_element_type3A_270 = arith.extui %lt3A_269 : i1 to i32
      %cond3A_271 = arith.constant 0 : i32
      %cond3A_272 = arith.cmpi ne, %convert_element_type3A_270, %cond3A_271 : i32
      scf.if %cond3A_272 {
        %dma_wait3A = arith.constant 0 : i32
        %dma_wait3A_508 = arith.constant 2 : i32
        %dma_wait3A_509 = arith.constant 0 : i32
        %dma_wait3A_510 = arith.constant 0 : i32
        %dma_wait3A_511 = tpu.memref_slice %arg11[%dma_wait3A, %dma_wait3A_509, %dma_wait3A_510] : memref<8x128x64xf32, #tpu.memory_space<vmem>> -> memref<1x128x64xf32, #tpu.memory_space<vmem>>
        %dma_wait3A_512 = tpu.memref_squeeze %dma_wait3A_511 : memref<1x128x64xf32, #tpu.memory_space<vmem>> -> memref<128x64xf32, #tpu.memory_space<vmem>>
        %dma_wait3A_513 = arith.constant 0 : i32
        %dma_wait3A_514 = arith.constant 0 : i32
        %dma_wait3A_515 = tpu.memref_slice %arg3[%dma_wait3A_513, %dma_wait3A_514] : memref<50000x64xf32, #tpu.memory_space<hbm>> -> memref<128x64xf32, #tpu.memory_space<hbm>>
        %dma_wait3A_516 = tpu.memref_slice %arg12[%dma_wait3A_508] : memref<8x!tpu.dma_semaphore, #tpu.memory_space<semaphore_mem>> -> memref<1x!tpu.dma_semaphore, #tpu.memory_space<semaphore_mem>>
        %dma_wait3A_517 = tpu.memref_squeeze %dma_wait3A_516 : memref<1x!tpu.dma_semaphore, #tpu.memory_space<semaphore_mem>> -> memref<!tpu.dma_semaphore, #tpu.memory_space<semaphore_mem>>
        %dma_wait3A_518 = arith.constant 0 : i32
        %dma_wait3A_519 = arith.constant 0 : i32
        %dma_wait3A_520 = tpu.memref_slice %arg11[%dma_wait3A, %dma_wait3A_518, %dma_wait3A_519] : memref<8x128x64xf32, #tpu.memory_space<vmem>> -> memref<1x128x64xf32, #tpu.memory_space<vmem>>
        %dma_wait3A_521 = tpu.memref_squeeze %dma_wait3A_520 : memref<1x128x64xf32, #tpu.memory_space<vmem>> -> memref<128x64xf32, #tpu.memory_space<vmem>>
        %dma_wait3A_522 = arith.constant 0 : i32
        %dma_wait3A_523 = arith.constant 0 : i32
        %dma_wait3A_524 = tpu.memref_slice %arg3[%dma_wait3A_522, %dma_wait3A_523] : memref<50000x64xf32, #tpu.memory_space<hbm>> -> memref<128x64xf32, #tpu.memory_space<hbm>>
        tpu.wait_dma2 semaphore(%dma_wait3A_517 : memref<!tpu.dma_semaphore, #tpu.memory_space<semaphore_mem>>) src(%dma_wait3A_524 : memref<128x64xf32, #tpu.memory_space<hbm>>) dst(%dma_wait3A_521 : memref<128x64xf32, #tpu.memory_space<vmem>>)
      } else {
      }
      %lt3A_273 = arith.cmpi slt, %add3A_268, %select_n3A : i32
      %convert_element_type3A_274 = arith.extui %lt3A_273 : i1 to i32
      %cond3A_275 = arith.constant 0 : i32
      %cond3A_276 = arith.cmpi ne, %convert_element_type3A_274, %cond3A_275 : i32
      scf.if %cond3A_276 {
        %mul3A_508 = arith.constant 128 : i32
        %mul3A_509 = arith.muli %add3A_268, %mul3A_508 : i32
        %dma_start3A = arith.constant 2 : i32
        %dma_start3A_510 = arith.constant 2 : i32
        %dma_start3A_511 = arith.constant 0 : i32
        %dma_start3A_512 = arith.constant 0 : i32
        %dma_start3A_513 = tpu.memref_slice %arg11[%dma_start3A, %dma_start3A_511, %dma_start3A_512] : memref<8x128x64xf32, #tpu.memory_space<vmem>> -> memref<1x128x64xf32, #tpu.memory_space<vmem>>
        %dma_start3A_514 = tpu.memref_squeeze %dma_start3A_513 : memref<1x128x64xf32, #tpu.memory_space<vmem>> -> memref<128x64xf32, #tpu.memory_space<vmem>>
        %dma_start3A_515 = tpu.memref_slice %arg9[%mul3A_509] : memref<6528xi32, #tpu.memory_space<vmem>> -> memref<128xi32, #tpu.memory_space<vmem>>
        %dma_start3A_516 = arith.constant 0 : i32
        %dma_start3A_517 = arith.constant 0 : i32
        %dma_start3A_518 = tpu.memref_slice %arg5[%dma_start3A_516, %dma_start3A_517] : memref<204800x64xf32, #tpu.memory_space<hbm>> -> memref<204800x64xf32, #tpu.memory_space<hbm>>
        %dma_start3A_519 = tpu.memref_slice %arg13[%dma_start3A_510] : memref<8x!tpu.dma_semaphore, #tpu.memory_space<semaphore_mem>> -> memref<1x!tpu.dma_semaphore, #tpu.memory_space<semaphore_mem>>
        %dma_start3A_520 = tpu.memref_squeeze %dma_start3A_519 : memref<1x!tpu.dma_semaphore, #tpu.memory_space<semaphore_mem>> -> memref<!tpu.dma_semaphore, #tpu.memory_space<semaphore_mem>>
        tpu.enqueue_indirect_dma source(%dma_start3A_514 : memref<128x64xf32, #tpu.memory_space<vmem>>) target(%dma_start3A_518 : memref<204800x64xf32, #tpu.memory_space<hbm>>) offsets(%dma_start3A_515 : memref<128xi32, #tpu.memory_space<vmem>>) semaphore(%dma_start3A_520 : memref<!tpu.dma_semaphore, #tpu.memory_space<semaphore_mem>>)
      } else {
      }
      %ge3A_277 = arith.cmpi sge, %add3A_268, %select_n3A : i32
      %lt3A_278 = arith.cmpi slt, %add3A_268, %add3A_112 : i32
      %and3A_279 = arith.andi %ge3A_277, %lt3A_278 : i1
      %convert_element_type3A_280 = arith.extui %and3A_279 : i1 to i32
      %cond3A_281 = arith.constant 0 : i32
      %cond3A_282 = arith.cmpi ne, %convert_element_type3A_280, %cond3A_281 : i32
      scf.if %cond3A_282 {
        %sub3A_508 = arith.subi %add3A_268, %select_n3A : i32
        %mul3A_509 = arith.constant 128 : i32
        %mul3A_510 = arith.muli %sub3A_508, %mul3A_509 : i32
        %dma_start3A = arith.constant 2 : i32
        %dma_start3A_511 = arith.constant 2 : i32
        %dma_start3A_512 = arith.constant 0 : i32
        %dma_start3A_513 = arith.constant 0 : i32
        %dma_start3A_514 = tpu.memref_slice %arg11[%dma_start3A, %dma_start3A_512, %dma_start3A_513] : memref<8x128x64xf32, #tpu.memory_space<vmem>> -> memref<1x128x64xf32, #tpu.memory_space<vmem>>
        %dma_start3A_515 = tpu.memref_squeeze %dma_start3A_514 : memref<1x128x64xf32, #tpu.memory_space<vmem>> -> memref<128x64xf32, #tpu.memory_space<vmem>>
        %dma_start3A_516 = tpu.memref_slice %arg10[%mul3A_510] : memref<6528xi32, #tpu.memory_space<vmem>> -> memref<128xi32, #tpu.memory_space<vmem>>
        %dma_start3A_517 = arith.constant 0 : i32
        %dma_start3A_518 = arith.constant 0 : i32
        %dma_start3A_519 = tpu.memref_slice %arg5[%dma_start3A_517, %dma_start3A_518] : memref<204800x64xf32, #tpu.memory_space<hbm>> -> memref<204800x64xf32, #tpu.memory_space<hbm>>
        %dma_start3A_520 = tpu.memref_slice %arg13[%dma_start3A_511] : memref<8x!tpu.dma_semaphore, #tpu.memory_space<semaphore_mem>> -> memref<1x!tpu.dma_semaphore, #tpu.memory_space<semaphore_mem>>
        %dma_start3A_521 = tpu.memref_squeeze %dma_start3A_520 : memref<1x!tpu.dma_semaphore, #tpu.memory_space<semaphore_mem>> -> memref<!tpu.dma_semaphore, #tpu.memory_space<semaphore_mem>>
        tpu.enqueue_indirect_dma source(%dma_start3A_515 : memref<128x64xf32, #tpu.memory_space<vmem>>) target(%dma_start3A_519 : memref<204800x64xf32, #tpu.memory_space<hbm>>) offsets(%dma_start3A_516 : memref<128xi32, #tpu.memory_space<vmem>>) semaphore(%dma_start3A_521 : memref<!tpu.dma_semaphore, #tpu.memory_space<semaphore_mem>>)
      } else {
      }
      %add3A_283 = arith.constant 3 : i32
      %add3A_284 = arith.addi %mul3A_234, %add3A_283 : i32
      %lt3A_285 = arith.cmpi slt, %add3A_284, %add3A_112 : i32
      %convert_element_type3A_286 = arith.extui %lt3A_285 : i1 to i32
      %cond3A_287 = arith.constant 0 : i32
      %cond3A_288 = arith.cmpi ne, %convert_element_type3A_286, %cond3A_287 : i32
      scf.if %cond3A_288 {
        %dma_wait3A = arith.constant 0 : i32
        %dma_wait3A_508 = arith.constant 3 : i32
        %dma_wait3A_509 = arith.constant 0 : i32
        %dma_wait3A_510 = arith.constant 0 : i32
        %dma_wait3A_511 = tpu.memref_slice %arg11[%dma_wait3A, %dma_wait3A_509, %dma_wait3A_510] : memref<8x128x64xf32, #tpu.memory_space<vmem>> -> memref<1x128x64xf32, #tpu.memory_space<vmem>>
        %dma_wait3A_512 = tpu.memref_squeeze %dma_wait3A_511 : memref<1x128x64xf32, #tpu.memory_space<vmem>> -> memref<128x64xf32, #tpu.memory_space<vmem>>
        %dma_wait3A_513 = arith.constant 0 : i32
        %dma_wait3A_514 = arith.constant 0 : i32
        %dma_wait3A_515 = tpu.memref_slice %arg3[%dma_wait3A_513, %dma_wait3A_514] : memref<50000x64xf32, #tpu.memory_space<hbm>> -> memref<128x64xf32, #tpu.memory_space<hbm>>
        %dma_wait3A_516 = tpu.memref_slice %arg12[%dma_wait3A_508] : memref<8x!tpu.dma_semaphore, #tpu.memory_space<semaphore_mem>> -> memref<1x!tpu.dma_semaphore, #tpu.memory_space<semaphore_mem>>
        %dma_wait3A_517 = tpu.memref_squeeze %dma_wait3A_516 : memref<1x!tpu.dma_semaphore, #tpu.memory_space<semaphore_mem>> -> memref<!tpu.dma_semaphore, #tpu.memory_space<semaphore_mem>>
        %dma_wait3A_518 = arith.constant 0 : i32
        %dma_wait3A_519 = arith.constant 0 : i32
        %dma_wait3A_520 = tpu.memref_slice %arg11[%dma_wait3A, %dma_wait3A_518, %dma_wait3A_519] : memref<8x128x64xf32, #tpu.memory_space<vmem>> -> memref<1x128x64xf32, #tpu.memory_space<vmem>>
        %dma_wait3A_521 = tpu.memref_squeeze %dma_wait3A_520 : memref<1x128x64xf32, #tpu.memory_space<vmem>> -> memref<128x64xf32, #tpu.memory_space<vmem>>
        %dma_wait3A_522 = arith.constant 0 : i32
        %dma_wait3A_523 = arith.constant 0 : i32
        %dma_wait3A_524 = tpu.memref_slice %arg3[%dma_wait3A_522, %dma_wait3A_523] : memref<50000x64xf32, #tpu.memory_space<hbm>> -> memref<128x64xf32, #tpu.memory_space<hbm>>
        tpu.wait_dma2 semaphore(%dma_wait3A_517 : memref<!tpu.dma_semaphore, #tpu.memory_space<semaphore_mem>>) src(%dma_wait3A_524 : memref<128x64xf32, #tpu.memory_space<hbm>>) dst(%dma_wait3A_521 : memref<128x64xf32, #tpu.memory_space<vmem>>)
      } else {
      }
      %lt3A_289 = arith.cmpi slt, %add3A_284, %select_n3A : i32
      %convert_element_type3A_290 = arith.extui %lt3A_289 : i1 to i32
      %cond3A_291 = arith.constant 0 : i32
      %cond3A_292 = arith.cmpi ne, %convert_element_type3A_290, %cond3A_291 : i32
      scf.if %cond3A_292 {
        %mul3A_508 = arith.constant 128 : i32
        %mul3A_509 = arith.muli %add3A_284, %mul3A_508 : i32
        %dma_start3A = arith.constant 3 : i32
        %dma_start3A_510 = arith.constant 3 : i32
        %dma_start3A_511 = arith.constant 0 : i32
        %dma_start3A_512 = arith.constant 0 : i32
        %dma_start3A_513 = tpu.memref_slice %arg11[%dma_start3A, %dma_start3A_511, %dma_start3A_512] : memref<8x128x64xf32, #tpu.memory_space<vmem>> -> memref<1x128x64xf32, #tpu.memory_space<vmem>>
        %dma_start3A_514 = tpu.memref_squeeze %dma_start3A_513 : memref<1x128x64xf32, #tpu.memory_space<vmem>> -> memref<128x64xf32, #tpu.memory_space<vmem>>
        %dma_start3A_515 = tpu.memref_slice %arg9[%mul3A_509] : memref<6528xi32, #tpu.memory_space<vmem>> -> memref<128xi32, #tpu.memory_space<vmem>>
        %dma_start3A_516 = arith.constant 0 : i32
        %dma_start3A_517 = arith.constant 0 : i32
        %dma_start3A_518 = tpu.memref_slice %arg5[%dma_start3A_516, %dma_start3A_517] : memref<204800x64xf32, #tpu.memory_space<hbm>> -> memref<204800x64xf32, #tpu.memory_space<hbm>>
        %dma_start3A_519 = tpu.memref_slice %arg13[%dma_start3A_510] : memref<8x!tpu.dma_semaphore, #tpu.memory_space<semaphore_mem>> -> memref<1x!tpu.dma_semaphore, #tpu.memory_space<semaphore_mem>>
        %dma_start3A_520 = tpu.memref_squeeze %dma_start3A_519 : memref<1x!tpu.dma_semaphore, #tpu.memory_space<semaphore_mem>> -> memref<!tpu.dma_semaphore, #tpu.memory_space<semaphore_mem>>
        tpu.enqueue_indirect_dma source(%dma_start3A_514 : memref<128x64xf32, #tpu.memory_space<vmem>>) target(%dma_start3A_518 : memref<204800x64xf32, #tpu.memory_space<hbm>>) offsets(%dma_start3A_515 : memref<128xi32, #tpu.memory_space<vmem>>) semaphore(%dma_start3A_520 : memref<!tpu.dma_semaphore, #tpu.memory_space<semaphore_mem>>)
      } else {
      }
      %ge3A_293 = arith.cmpi sge, %add3A_284, %select_n3A : i32
      %lt3A_294 = arith.cmpi slt, %add3A_284, %add3A_112 : i32
      %and3A_295 = arith.andi %ge3A_293, %lt3A_294 : i1
      %convert_element_type3A_296 = arith.extui %and3A_295 : i1 to i32
      %cond3A_297 = arith.constant 0 : i32
      %cond3A_298 = arith.cmpi ne, %convert_element_type3A_296, %cond3A_297 : i32
      scf.if %cond3A_298 {
        %sub3A_508 = arith.subi %add3A_284, %select_n3A : i32
        %mul3A_509 = arith.constant 128 : i32
        %mul3A_510 = arith.muli %sub3A_508, %mul3A_509 : i32
        %dma_start3A = arith.constant 3 : i32
        %dma_start3A_511 = arith.constant 3 : i32
        %dma_start3A_512 = arith.constant 0 : i32
        %dma_start3A_513 = arith.constant 0 : i32
        %dma_start3A_514 = tpu.memref_slice %arg11[%dma_start3A, %dma_start3A_512, %dma_start3A_513] : memref<8x128x64xf32, #tpu.memory_space<vmem>> -> memref<1x128x64xf32, #tpu.memory_space<vmem>>
        %dma_start3A_515 = tpu.memref_squeeze %dma_start3A_514 : memref<1x128x64xf32, #tpu.memory_space<vmem>> -> memref<128x64xf32, #tpu.memory_space<vmem>>
        %dma_start3A_516 = tpu.memref_slice %arg10[%mul3A_510] : memref<6528xi32, #tpu.memory_space<vmem>> -> memref<128xi32, #tpu.memory_space<vmem>>
        %dma_start3A_517 = arith.constant 0 : i32
        %dma_start3A_518 = arith.constant 0 : i32
        %dma_start3A_519 = tpu.memref_slice %arg5[%dma_start3A_517, %dma_start3A_518] : memref<204800x64xf32, #tpu.memory_space<hbm>> -> memref<204800x64xf32, #tpu.memory_space<hbm>>
        %dma_start3A_520 = tpu.memref_slice %arg13[%dma_start3A_511] : memref<8x!tpu.dma_semaphore, #tpu.memory_space<semaphore_mem>> -> memref<1x!tpu.dma_semaphore, #tpu.memory_space<semaphore_mem>>
        %dma_start3A_521 = tpu.memref_squeeze %dma_start3A_520 : memref<1x!tpu.dma_semaphore, #tpu.memory_space<semaphore_mem>> -> memref<!tpu.dma_semaphore, #tpu.memory_space<semaphore_mem>>
        tpu.enqueue_indirect_dma source(%dma_start3A_515 : memref<128x64xf32, #tpu.memory_space<vmem>>) target(%dma_start3A_519 : memref<204800x64xf32, #tpu.memory_space<hbm>>) offsets(%dma_start3A_516 : memref<128xi32, #tpu.memory_space<vmem>>) semaphore(%dma_start3A_521 : memref<!tpu.dma_semaphore, #tpu.memory_space<semaphore_mem>>)
      } else {
      }
      %add3A_299 = arith.constant 4 : i32
      %add3A_300 = arith.addi %mul3A_234, %add3A_299 : i32
      %lt3A_301 = arith.cmpi slt, %add3A_300, %add3A_112 : i32
      %convert_element_type3A_302 = arith.extui %lt3A_301 : i1 to i32
      %cond3A_303 = arith.constant 0 : i32
      %cond3A_304 = arith.cmpi ne, %convert_element_type3A_302, %cond3A_303 : i32
      scf.if %cond3A_304 {
        %dma_wait3A = arith.constant 0 : i32
        %dma_wait3A_508 = arith.constant 4 : i32
        %dma_wait3A_509 = arith.constant 0 : i32
        %dma_wait3A_510 = arith.constant 0 : i32
        %dma_wait3A_511 = tpu.memref_slice %arg11[%dma_wait3A, %dma_wait3A_509, %dma_wait3A_510] : memref<8x128x64xf32, #tpu.memory_space<vmem>> -> memref<1x128x64xf32, #tpu.memory_space<vmem>>
        %dma_wait3A_512 = tpu.memref_squeeze %dma_wait3A_511 : memref<1x128x64xf32, #tpu.memory_space<vmem>> -> memref<128x64xf32, #tpu.memory_space<vmem>>
        %dma_wait3A_513 = arith.constant 0 : i32
        %dma_wait3A_514 = arith.constant 0 : i32
        %dma_wait3A_515 = tpu.memref_slice %arg3[%dma_wait3A_513, %dma_wait3A_514] : memref<50000x64xf32, #tpu.memory_space<hbm>> -> memref<128x64xf32, #tpu.memory_space<hbm>>
        %dma_wait3A_516 = tpu.memref_slice %arg12[%dma_wait3A_508] : memref<8x!tpu.dma_semaphore, #tpu.memory_space<semaphore_mem>> -> memref<1x!tpu.dma_semaphore, #tpu.memory_space<semaphore_mem>>
        %dma_wait3A_517 = tpu.memref_squeeze %dma_wait3A_516 : memref<1x!tpu.dma_semaphore, #tpu.memory_space<semaphore_mem>> -> memref<!tpu.dma_semaphore, #tpu.memory_space<semaphore_mem>>
        %dma_wait3A_518 = arith.constant 0 : i32
        %dma_wait3A_519 = arith.constant 0 : i32
        %dma_wait3A_520 = tpu.memref_slice %arg11[%dma_wait3A, %dma_wait3A_518, %dma_wait3A_519] : memref<8x128x64xf32, #tpu.memory_space<vmem>> -> memref<1x128x64xf32, #tpu.memory_space<vmem>>
        %dma_wait3A_521 = tpu.memref_squeeze %dma_wait3A_520 : memref<1x128x64xf32, #tpu.memory_space<vmem>> -> memref<128x64xf32, #tpu.memory_space<vmem>>
        %dma_wait3A_522 = arith.constant 0 : i32
        %dma_wait3A_523 = arith.constant 0 : i32
        %dma_wait3A_524 = tpu.memref_slice %arg3[%dma_wait3A_522, %dma_wait3A_523] : memref<50000x64xf32, #tpu.memory_space<hbm>> -> memref<128x64xf32, #tpu.memory_space<hbm>>
        tpu.wait_dma2 semaphore(%dma_wait3A_517 : memref<!tpu.dma_semaphore, #tpu.memory_space<semaphore_mem>>) src(%dma_wait3A_524 : memref<128x64xf32, #tpu.memory_space<hbm>>) dst(%dma_wait3A_521 : memref<128x64xf32, #tpu.memory_space<vmem>>)
      } else {
      }
      %lt3A_305 = arith.cmpi slt, %add3A_300, %select_n3A : i32
      %convert_element_type3A_306 = arith.extui %lt3A_305 : i1 to i32
      %cond3A_307 = arith.constant 0 : i32
      %cond3A_308 = arith.cmpi ne, %convert_element_type3A_306, %cond3A_307 : i32
      scf.if %cond3A_308 {
        %mul3A_508 = arith.constant 128 : i32
        %mul3A_509 = arith.muli %add3A_300, %mul3A_508 : i32
        %dma_start3A = arith.constant 4 : i32
        %dma_start3A_510 = arith.constant 4 : i32
        %dma_start3A_511 = arith.constant 0 : i32
        %dma_start3A_512 = arith.constant 0 : i32
        %dma_start3A_513 = tpu.memref_slice %arg11[%dma_start3A, %dma_start3A_511, %dma_start3A_512] : memref<8x128x64xf32, #tpu.memory_space<vmem>> -> memref<1x128x64xf32, #tpu.memory_space<vmem>>
        %dma_start3A_514 = tpu.memref_squeeze %dma_start3A_513 : memref<1x128x64xf32, #tpu.memory_space<vmem>> -> memref<128x64xf32, #tpu.memory_space<vmem>>
        %dma_start3A_515 = tpu.memref_slice %arg9[%mul3A_509] : memref<6528xi32, #tpu.memory_space<vmem>> -> memref<128xi32, #tpu.memory_space<vmem>>
        %dma_start3A_516 = arith.constant 0 : i32
        %dma_start3A_517 = arith.constant 0 : i32
        %dma_start3A_518 = tpu.memref_slice %arg5[%dma_start3A_516, %dma_start3A_517] : memref<204800x64xf32, #tpu.memory_space<hbm>> -> memref<204800x64xf32, #tpu.memory_space<hbm>>
        %dma_start3A_519 = tpu.memref_slice %arg13[%dma_start3A_510] : memref<8x!tpu.dma_semaphore, #tpu.memory_space<semaphore_mem>> -> memref<1x!tpu.dma_semaphore, #tpu.memory_space<semaphore_mem>>
        %dma_start3A_520 = tpu.memref_squeeze %dma_start3A_519 : memref<1x!tpu.dma_semaphore, #tpu.memory_space<semaphore_mem>> -> memref<!tpu.dma_semaphore, #tpu.memory_space<semaphore_mem>>
        tpu.enqueue_indirect_dma source(%dma_start3A_514 : memref<128x64xf32, #tpu.memory_space<vmem>>) target(%dma_start3A_518 : memref<204800x64xf32, #tpu.memory_space<hbm>>) offsets(%dma_start3A_515 : memref<128xi32, #tpu.memory_space<vmem>>) semaphore(%dma_start3A_520 : memref<!tpu.dma_semaphore, #tpu.memory_space<semaphore_mem>>)
      } else {
      }
      %ge3A_309 = arith.cmpi sge, %add3A_300, %select_n3A : i32
      %lt3A_310 = arith.cmpi slt, %add3A_300, %add3A_112 : i32
      %and3A_311 = arith.andi %ge3A_309, %lt3A_310 : i1
      %convert_element_type3A_312 = arith.extui %and3A_311 : i1 to i32
      %cond3A_313 = arith.constant 0 : i32
      %cond3A_314 = arith.cmpi ne, %convert_element_type3A_312, %cond3A_313 : i32
      scf.if %cond3A_314 {
        %sub3A_508 = arith.subi %add3A_300, %select_n3A : i32
        %mul3A_509 = arith.constant 128 : i32
        %mul3A_510 = arith.muli %sub3A_508, %mul3A_509 : i32
        %dma_start3A = arith.constant 4 : i32
        %dma_start3A_511 = arith.constant 4 : i32
        %dma_start3A_512 = arith.constant 0 : i32
        %dma_start3A_513 = arith.constant 0 : i32
        %dma_start3A_514 = tpu.memref_slice %arg11[%dma_start3A, %dma_start3A_512, %dma_start3A_513] : memref<8x128x64xf32, #tpu.memory_space<vmem>> -> memref<1x128x64xf32, #tpu.memory_space<vmem>>
        %dma_start3A_515 = tpu.memref_squeeze %dma_start3A_514 : memref<1x128x64xf32, #tpu.memory_space<vmem>> -> memref<128x64xf32, #tpu.memory_space<vmem>>
        %dma_start3A_516 = tpu.memref_slice %arg10[%mul3A_510] : memref<6528xi32, #tpu.memory_space<vmem>> -> memref<128xi32, #tpu.memory_space<vmem>>
        %dma_start3A_517 = arith.constant 0 : i32
        %dma_start3A_518 = arith.constant 0 : i32
        %dma_start3A_519 = tpu.memref_slice %arg5[%dma_start3A_517, %dma_start3A_518] : memref<204800x64xf32, #tpu.memory_space<hbm>> -> memref<204800x64xf32, #tpu.memory_space<hbm>>
        %dma_start3A_520 = tpu.memref_slice %arg13[%dma_start3A_511] : memref<8x!tpu.dma_semaphore, #tpu.memory_space<semaphore_mem>> -> memref<1x!tpu.dma_semaphore, #tpu.memory_space<semaphore_mem>>
        %dma_start3A_521 = tpu.memref_squeeze %dma_start3A_520 : memref<1x!tpu.dma_semaphore, #tpu.memory_space<semaphore_mem>> -> memref<!tpu.dma_semaphore, #tpu.memory_space<semaphore_mem>>
        tpu.enqueue_indirect_dma source(%dma_start3A_515 : memref<128x64xf32, #tpu.memory_space<vmem>>) target(%dma_start3A_519 : memref<204800x64xf32, #tpu.memory_space<hbm>>) offsets(%dma_start3A_516 : memref<128xi32, #tpu.memory_space<vmem>>) semaphore(%dma_start3A_521 : memref<!tpu.dma_semaphore, #tpu.memory_space<semaphore_mem>>)
      } else {
      }
      %add3A_315 = arith.constant 5 : i32
      %add3A_316 = arith.addi %mul3A_234, %add3A_315 : i32
      %lt3A_317 = arith.cmpi slt, %add3A_316, %add3A_112 : i32
      %convert_element_type3A_318 = arith.extui %lt3A_317 : i1 to i32
      %cond3A_319 = arith.constant 0 : i32
      %cond3A_320 = arith.cmpi ne, %convert_element_type3A_318, %cond3A_319 : i32
      scf.if %cond3A_320 {
        %dma_wait3A = arith.constant 0 : i32
        %dma_wait3A_508 = arith.constant 5 : i32
        %dma_wait3A_509 = arith.constant 0 : i32
        %dma_wait3A_510 = arith.constant 0 : i32
        %dma_wait3A_511 = tpu.memref_slice %arg11[%dma_wait3A, %dma_wait3A_509, %dma_wait3A_510] : memref<8x128x64xf32, #tpu.memory_space<vmem>> -> memref<1x128x64xf32, #tpu.memory_space<vmem>>
        %dma_wait3A_512 = tpu.memref_squeeze %dma_wait3A_511 : memref<1x128x64xf32, #tpu.memory_space<vmem>> -> memref<128x64xf32, #tpu.memory_space<vmem>>
        %dma_wait3A_513 = arith.constant 0 : i32
        %dma_wait3A_514 = arith.constant 0 : i32
        %dma_wait3A_515 = tpu.memref_slice %arg3[%dma_wait3A_513, %dma_wait3A_514] : memref<50000x64xf32, #tpu.memory_space<hbm>> -> memref<128x64xf32, #tpu.memory_space<hbm>>
        %dma_wait3A_516 = tpu.memref_slice %arg12[%dma_wait3A_508] : memref<8x!tpu.dma_semaphore, #tpu.memory_space<semaphore_mem>> -> memref<1x!tpu.dma_semaphore, #tpu.memory_space<semaphore_mem>>
        %dma_wait3A_517 = tpu.memref_squeeze %dma_wait3A_516 : memref<1x!tpu.dma_semaphore, #tpu.memory_space<semaphore_mem>> -> memref<!tpu.dma_semaphore, #tpu.memory_space<semaphore_mem>>
        %dma_wait3A_518 = arith.constant 0 : i32
        %dma_wait3A_519 = arith.constant 0 : i32
        %dma_wait3A_520 = tpu.memref_slice %arg11[%dma_wait3A, %dma_wait3A_518, %dma_wait3A_519] : memref<8x128x64xf32, #tpu.memory_space<vmem>> -> memref<1x128x64xf32, #tpu.memory_space<vmem>>
        %dma_wait3A_521 = tpu.memref_squeeze %dma_wait3A_520 : memref<1x128x64xf32, #tpu.memory_space<vmem>> -> memref<128x64xf32, #tpu.memory_space<vmem>>
        %dma_wait3A_522 = arith.constant 0 : i32
        %dma_wait3A_523 = arith.constant 0 : i32
        %dma_wait3A_524 = tpu.memref_slice %arg3[%dma_wait3A_522, %dma_wait3A_523] : memref<50000x64xf32, #tpu.memory_space<hbm>> -> memref<128x64xf32, #tpu.memory_space<hbm>>
        tpu.wait_dma2 semaphore(%dma_wait3A_517 : memref<!tpu.dma_semaphore, #tpu.memory_space<semaphore_mem>>) src(%dma_wait3A_524 : memref<128x64xf32, #tpu.memory_space<hbm>>) dst(%dma_wait3A_521 : memref<128x64xf32, #tpu.memory_space<vmem>>)
      } else {
      }
      %lt3A_321 = arith.cmpi slt, %add3A_316, %select_n3A : i32
      %convert_element_type3A_322 = arith.extui %lt3A_321 : i1 to i32
      %cond3A_323 = arith.constant 0 : i32
      %cond3A_324 = arith.cmpi ne, %convert_element_type3A_322, %cond3A_323 : i32
      scf.if %cond3A_324 {
        %mul3A_508 = arith.constant 128 : i32
        %mul3A_509 = arith.muli %add3A_316, %mul3A_508 : i32
        %dma_start3A = arith.constant 5 : i32
        %dma_start3A_510 = arith.constant 5 : i32
        %dma_start3A_511 = arith.constant 0 : i32
        %dma_start3A_512 = arith.constant 0 : i32
        %dma_start3A_513 = tpu.memref_slice %arg11[%dma_start3A, %dma_start3A_511, %dma_start3A_512] : memref<8x128x64xf32, #tpu.memory_space<vmem>> -> memref<1x128x64xf32, #tpu.memory_space<vmem>>
        %dma_start3A_514 = tpu.memref_squeeze %dma_start3A_513 : memref<1x128x64xf32, #tpu.memory_space<vmem>> -> memref<128x64xf32, #tpu.memory_space<vmem>>
        %dma_start3A_515 = tpu.memref_slice %arg9[%mul3A_509] : memref<6528xi32, #tpu.memory_space<vmem>> -> memref<128xi32, #tpu.memory_space<vmem>>
        %dma_start3A_516 = arith.constant 0 : i32
        %dma_start3A_517 = arith.constant 0 : i32
        %dma_start3A_518 = tpu.memref_slice %arg5[%dma_start3A_516, %dma_start3A_517] : memref<204800x64xf32, #tpu.memory_space<hbm>> -> memref<204800x64xf32, #tpu.memory_space<hbm>>
        %dma_start3A_519 = tpu.memref_slice %arg13[%dma_start3A_510] : memref<8x!tpu.dma_semaphore, #tpu.memory_space<semaphore_mem>> -> memref<1x!tpu.dma_semaphore, #tpu.memory_space<semaphore_mem>>
        %dma_start3A_520 = tpu.memref_squeeze %dma_start3A_519 : memref<1x!tpu.dma_semaphore, #tpu.memory_space<semaphore_mem>> -> memref<!tpu.dma_semaphore, #tpu.memory_space<semaphore_mem>>
        tpu.enqueue_indirect_dma source(%dma_start3A_514 : memref<128x64xf32, #tpu.memory_space<vmem>>) target(%dma_start3A_518 : memref<204800x64xf32, #tpu.memory_space<hbm>>) offsets(%dma_start3A_515 : memref<128xi32, #tpu.memory_space<vmem>>) semaphore(%dma_start3A_520 : memref<!tpu.dma_semaphore, #tpu.memory_space<semaphore_mem>>)
      } else {
      }
      %ge3A_325 = arith.cmpi sge, %add3A_316, %select_n3A : i32
      %lt3A_326 = arith.cmpi slt, %add3A_316, %add3A_112 : i32
      %and3A_327 = arith.andi %ge3A_325, %lt3A_326 : i1
      %convert_element_type3A_328 = arith.extui %and3A_327 : i1 to i32
      %cond3A_329 = arith.constant 0 : i32
      %cond3A_330 = arith.cmpi ne, %convert_element_type3A_328, %cond3A_329 : i32
      scf.if %cond3A_330 {
        %sub3A_508 = arith.subi %add3A_316, %select_n3A : i32
        %mul3A_509 = arith.constant 128 : i32
        %mul3A_510 = arith.muli %sub3A_508, %mul3A_509 : i32
        %dma_start3A = arith.constant 5 : i32
        %dma_start3A_511 = arith.constant 5 : i32
        %dma_start3A_512 = arith.constant 0 : i32
        %dma_start3A_513 = arith.constant 0 : i32
        %dma_start3A_514 = tpu.memref_slice %arg11[%dma_start3A, %dma_start3A_512, %dma_start3A_513] : memref<8x128x64xf32, #tpu.memory_space<vmem>> -> memref<1x128x64xf32, #tpu.memory_space<vmem>>
        %dma_start3A_515 = tpu.memref_squeeze %dma_start3A_514 : memref<1x128x64xf32, #tpu.memory_space<vmem>> -> memref<128x64xf32, #tpu.memory_space<vmem>>
        %dma_start3A_516 = tpu.memref_slice %arg10[%mul3A_510] : memref<6528xi32, #tpu.memory_space<vmem>> -> memref<128xi32, #tpu.memory_space<vmem>>
        %dma_start3A_517 = arith.constant 0 : i32
        %dma_start3A_518 = arith.constant 0 : i32
        %dma_start3A_519 = tpu.memref_slice %arg5[%dma_start3A_517, %dma_start3A_518] : memref<204800x64xf32, #tpu.memory_space<hbm>> -> memref<204800x64xf32, #tpu.memory_space<hbm>>
        %dma_start3A_520 = tpu.memref_slice %arg13[%dma_start3A_511] : memref<8x!tpu.dma_semaphore, #tpu.memory_space<semaphore_mem>> -> memref<1x!tpu.dma_semaphore, #tpu.memory_space<semaphore_mem>>
        %dma_start3A_521 = tpu.memref_squeeze %dma_start3A_520 : memref<1x!tpu.dma_semaphore, #tpu.memory_space<semaphore_mem>> -> memref<!tpu.dma_semaphore, #tpu.memory_space<semaphore_mem>>
        tpu.enqueue_indirect_dma source(%dma_start3A_515 : memref<128x64xf32, #tpu.memory_space<vmem>>) target(%dma_start3A_519 : memref<204800x64xf32, #tpu.memory_space<hbm>>) offsets(%dma_start3A_516 : memref<128xi32, #tpu.memory_space<vmem>>) semaphore(%dma_start3A_521 : memref<!tpu.dma_semaphore, #tpu.memory_space<semaphore_mem>>)
      } else {
      }
      %add3A_331 = arith.constant 6 : i32
      %add3A_332 = arith.addi %mul3A_234, %add3A_331 : i32
      %lt3A_333 = arith.cmpi slt, %add3A_332, %add3A_112 : i32
      %convert_element_type3A_334 = arith.extui %lt3A_333 : i1 to i32
      %cond3A_335 = arith.constant 0 : i32
      %cond3A_336 = arith.cmpi ne, %convert_element_type3A_334, %cond3A_335 : i32
      scf.if %cond3A_336 {
        %dma_wait3A = arith.constant 0 : i32
        %dma_wait3A_508 = arith.constant 6 : i32
        %dma_wait3A_509 = arith.constant 0 : i32
        %dma_wait3A_510 = arith.constant 0 : i32
        %dma_wait3A_511 = tpu.memref_slice %arg11[%dma_wait3A, %dma_wait3A_509, %dma_wait3A_510] : memref<8x128x64xf32, #tpu.memory_space<vmem>> -> memref<1x128x64xf32, #tpu.memory_space<vmem>>
        %dma_wait3A_512 = tpu.memref_squeeze %dma_wait3A_511 : memref<1x128x64xf32, #tpu.memory_space<vmem>> -> memref<128x64xf32, #tpu.memory_space<vmem>>
        %dma_wait3A_513 = arith.constant 0 : i32
        %dma_wait3A_514 = arith.constant 0 : i32
        %dma_wait3A_515 = tpu.memref_slice %arg3[%dma_wait3A_513, %dma_wait3A_514] : memref<50000x64xf32, #tpu.memory_space<hbm>> -> memref<128x64xf32, #tpu.memory_space<hbm>>
        %dma_wait3A_516 = tpu.memref_slice %arg12[%dma_wait3A_508] : memref<8x!tpu.dma_semaphore, #tpu.memory_space<semaphore_mem>> -> memref<1x!tpu.dma_semaphore, #tpu.memory_space<semaphore_mem>>
        %dma_wait3A_517 = tpu.memref_squeeze %dma_wait3A_516 : memref<1x!tpu.dma_semaphore, #tpu.memory_space<semaphore_mem>> -> memref<!tpu.dma_semaphore, #tpu.memory_space<semaphore_mem>>
        %dma_wait3A_518 = arith.constant 0 : i32
        %dma_wait3A_519 = arith.constant 0 : i32
        %dma_wait3A_520 = tpu.memref_slice %arg11[%dma_wait3A, %dma_wait3A_518, %dma_wait3A_519] : memref<8x128x64xf32, #tpu.memory_space<vmem>> -> memref<1x128x64xf32, #tpu.memory_space<vmem>>
        %dma_wait3A_521 = tpu.memref_squeeze %dma_wait3A_520 : memref<1x128x64xf32, #tpu.memory_space<vmem>> -> memref<128x64xf32, #tpu.memory_space<vmem>>
        %dma_wait3A_522 = arith.constant 0 : i32
        %dma_wait3A_523 = arith.constant 0 : i32
        %dma_wait3A_524 = tpu.memref_slice %arg3[%dma_wait3A_522, %dma_wait3A_523] : memref<50000x64xf32, #tpu.memory_space<hbm>> -> memref<128x64xf32, #tpu.memory_space<hbm>>
        tpu.wait_dma2 semaphore(%dma_wait3A_517 : memref<!tpu.dma_semaphore, #tpu.memory_space<semaphore_mem>>) src(%dma_wait3A_524 : memref<128x64xf32, #tpu.memory_space<hbm>>) dst(%dma_wait3A_521 : memref<128x64xf32, #tpu.memory_space<vmem>>)
      } else {
      }
      %lt3A_337 = arith.cmpi slt, %add3A_332, %select_n3A : i32
      %convert_element_type3A_338 = arith.extui %lt3A_337 : i1 to i32
      %cond3A_339 = arith.constant 0 : i32
      %cond3A_340 = arith.cmpi ne, %convert_element_type3A_338, %cond3A_339 : i32
      scf.if %cond3A_340 {
        %mul3A_508 = arith.constant 128 : i32
        %mul3A_509 = arith.muli %add3A_332, %mul3A_508 : i32
        %dma_start3A = arith.constant 6 : i32
        %dma_start3A_510 = arith.constant 6 : i32
        %dma_start3A_511 = arith.constant 0 : i32
        %dma_start3A_512 = arith.constant 0 : i32
        %dma_start3A_513 = tpu.memref_slice %arg11[%dma_start3A, %dma_start3A_511, %dma_start3A_512] : memref<8x128x64xf32, #tpu.memory_space<vmem>> -> memref<1x128x64xf32, #tpu.memory_space<vmem>>
        %dma_start3A_514 = tpu.memref_squeeze %dma_start3A_513 : memref<1x128x64xf32, #tpu.memory_space<vmem>> -> memref<128x64xf32, #tpu.memory_space<vmem>>
        %dma_start3A_515 = tpu.memref_slice %arg9[%mul3A_509] : memref<6528xi32, #tpu.memory_space<vmem>> -> memref<128xi32, #tpu.memory_space<vmem>>
        %dma_start3A_516 = arith.constant 0 : i32
        %dma_start3A_517 = arith.constant 0 : i32
        %dma_start3A_518 = tpu.memref_slice %arg5[%dma_start3A_516, %dma_start3A_517] : memref<204800x64xf32, #tpu.memory_space<hbm>> -> memref<204800x64xf32, #tpu.memory_space<hbm>>
        %dma_start3A_519 = tpu.memref_slice %arg13[%dma_start3A_510] : memref<8x!tpu.dma_semaphore, #tpu.memory_space<semaphore_mem>> -> memref<1x!tpu.dma_semaphore, #tpu.memory_space<semaphore_mem>>
        %dma_start3A_520 = tpu.memref_squeeze %dma_start3A_519 : memref<1x!tpu.dma_semaphore, #tpu.memory_space<semaphore_mem>> -> memref<!tpu.dma_semaphore, #tpu.memory_space<semaphore_mem>>
        tpu.enqueue_indirect_dma source(%dma_start3A_514 : memref<128x64xf32, #tpu.memory_space<vmem>>) target(%dma_start3A_518 : memref<204800x64xf32, #tpu.memory_space<hbm>>) offsets(%dma_start3A_515 : memref<128xi32, #tpu.memory_space<vmem>>) semaphore(%dma_start3A_520 : memref<!tpu.dma_semaphore, #tpu.memory_space<semaphore_mem>>)
      } else {
      }
      %ge3A_341 = arith.cmpi sge, %add3A_332, %select_n3A : i32
      %lt3A_342 = arith.cmpi slt, %add3A_332, %add3A_112 : i32
      %and3A_343 = arith.andi %ge3A_341, %lt3A_342 : i1
      %convert_element_type3A_344 = arith.extui %and3A_343 : i1 to i32
      %cond3A_345 = arith.constant 0 : i32
      %cond3A_346 = arith.cmpi ne, %convert_element_type3A_344, %cond3A_345 : i32
      scf.if %cond3A_346 {
        %sub3A_508 = arith.subi %add3A_332, %select_n3A : i32
        %mul3A_509 = arith.constant 128 : i32
        %mul3A_510 = arith.muli %sub3A_508, %mul3A_509 : i32
        %dma_start3A = arith.constant 6 : i32
        %dma_start3A_511 = arith.constant 6 : i32
        %dma_start3A_512 = arith.constant 0 : i32
        %dma_start3A_513 = arith.constant 0 : i32
        %dma_start3A_514 = tpu.memref_slice %arg11[%dma_start3A, %dma_start3A_512, %dma_start3A_513] : memref<8x128x64xf32, #tpu.memory_space<vmem>> -> memref<1x128x64xf32, #tpu.memory_space<vmem>>
        %dma_start3A_515 = tpu.memref_squeeze %dma_start3A_514 : memref<1x128x64xf32, #tpu.memory_space<vmem>> -> memref<128x64xf32, #tpu.memory_space<vmem>>
        %dma_start3A_516 = tpu.memref_slice %arg10[%mul3A_510] : memref<6528xi32, #tpu.memory_space<vmem>> -> memref<128xi32, #tpu.memory_space<vmem>>
        %dma_start3A_517 = arith.constant 0 : i32
        %dma_start3A_518 = arith.constant 0 : i32
        %dma_start3A_519 = tpu.memref_slice %arg5[%dma_start3A_517, %dma_start3A_518] : memref<204800x64xf32, #tpu.memory_space<hbm>> -> memref<204800x64xf32, #tpu.memory_space<hbm>>
        %dma_start3A_520 = tpu.memref_slice %arg13[%dma_start3A_511] : memref<8x!tpu.dma_semaphore, #tpu.memory_space<semaphore_mem>> -> memref<1x!tpu.dma_semaphore, #tpu.memory_space<semaphore_mem>>
        %dma_start3A_521 = tpu.memref_squeeze %dma_start3A_520 : memref<1x!tpu.dma_semaphore, #tpu.memory_space<semaphore_mem>> -> memref<!tpu.dma_semaphore, #tpu.memory_space<semaphore_mem>>
        tpu.enqueue_indirect_dma source(%dma_start3A_515 : memref<128x64xf32, #tpu.memory_space<vmem>>) target(%dma_start3A_519 : memref<204800x64xf32, #tpu.memory_space<hbm>>) offsets(%dma_start3A_516 : memref<128xi32, #tpu.memory_space<vmem>>) semaphore(%dma_start3A_521 : memref<!tpu.dma_semaphore, #tpu.memory_space<semaphore_mem>>)
      } else {
      }
      %add3A_347 = arith.constant 7 : i32
      %add3A_348 = arith.addi %mul3A_234, %add3A_347 : i32
      %lt3A_349 = arith.cmpi slt, %add3A_348, %add3A_112 : i32
      %convert_element_type3A_350 = arith.extui %lt3A_349 : i1 to i32
      %cond3A_351 = arith.constant 0 : i32
      %cond3A_352 = arith.cmpi ne, %convert_element_type3A_350, %cond3A_351 : i32
      scf.if %cond3A_352 {
        %dma_wait3A = arith.constant 0 : i32
        %dma_wait3A_508 = arith.constant 7 : i32
        %dma_wait3A_509 = arith.constant 0 : i32
        %dma_wait3A_510 = arith.constant 0 : i32
        %dma_wait3A_511 = tpu.memref_slice %arg11[%dma_wait3A, %dma_wait3A_509, %dma_wait3A_510] : memref<8x128x64xf32, #tpu.memory_space<vmem>> -> memref<1x128x64xf32, #tpu.memory_space<vmem>>
        %dma_wait3A_512 = tpu.memref_squeeze %dma_wait3A_511 : memref<1x128x64xf32, #tpu.memory_space<vmem>> -> memref<128x64xf32, #tpu.memory_space<vmem>>
        %dma_wait3A_513 = arith.constant 0 : i32
        %dma_wait3A_514 = arith.constant 0 : i32
        %dma_wait3A_515 = tpu.memref_slice %arg3[%dma_wait3A_513, %dma_wait3A_514] : memref<50000x64xf32, #tpu.memory_space<hbm>> -> memref<128x64xf32, #tpu.memory_space<hbm>>
        %dma_wait3A_516 = tpu.memref_slice %arg12[%dma_wait3A_508] : memref<8x!tpu.dma_semaphore, #tpu.memory_space<semaphore_mem>> -> memref<1x!tpu.dma_semaphore, #tpu.memory_space<semaphore_mem>>
        %dma_wait3A_517 = tpu.memref_squeeze %dma_wait3A_516 : memref<1x!tpu.dma_semaphore, #tpu.memory_space<semaphore_mem>> -> memref<!tpu.dma_semaphore, #tpu.memory_space<semaphore_mem>>
        %dma_wait3A_518 = arith.constant 0 : i32
        %dma_wait3A_519 = arith.constant 0 : i32
        %dma_wait3A_520 = tpu.memref_slice %arg11[%dma_wait3A, %dma_wait3A_518, %dma_wait3A_519] : memref<8x128x64xf32, #tpu.memory_space<vmem>> -> memref<1x128x64xf32, #tpu.memory_space<vmem>>
        %dma_wait3A_521 = tpu.memref_squeeze %dma_wait3A_520 : memref<1x128x64xf32, #tpu.memory_space<vmem>> -> memref<128x64xf32, #tpu.memory_space<vmem>>
        %dma_wait3A_522 = arith.constant 0 : i32
        %dma_wait3A_523 = arith.constant 0 : i32
        %dma_wait3A_524 = tpu.memref_slice %arg3[%dma_wait3A_522, %dma_wait3A_523] : memref<50000x64xf32, #tpu.memory_space<hbm>> -> memref<128x64xf32, #tpu.memory_space<hbm>>
        tpu.wait_dma2 semaphore(%dma_wait3A_517 : memref<!tpu.dma_semaphore, #tpu.memory_space<semaphore_mem>>) src(%dma_wait3A_524 : memref<128x64xf32, #tpu.memory_space<hbm>>) dst(%dma_wait3A_521 : memref<128x64xf32, #tpu.memory_space<vmem>>)
      } else {
      }
      %lt3A_353 = arith.cmpi slt, %add3A_348, %select_n3A : i32
      %convert_element_type3A_354 = arith.extui %lt3A_353 : i1 to i32
      %cond3A_355 = arith.constant 0 : i32
      %cond3A_356 = arith.cmpi ne, %convert_element_type3A_354, %cond3A_355 : i32
      scf.if %cond3A_356 {
        %mul3A_508 = arith.constant 128 : i32
        %mul3A_509 = arith.muli %add3A_348, %mul3A_508 : i32
        %dma_start3A = arith.constant 7 : i32
        %dma_start3A_510 = arith.constant 7 : i32
        %dma_start3A_511 = arith.constant 0 : i32
        %dma_start3A_512 = arith.constant 0 : i32
        %dma_start3A_513 = tpu.memref_slice %arg11[%dma_start3A, %dma_start3A_511, %dma_start3A_512] : memref<8x128x64xf32, #tpu.memory_space<vmem>> -> memref<1x128x64xf32, #tpu.memory_space<vmem>>
        %dma_start3A_514 = tpu.memref_squeeze %dma_start3A_513 : memref<1x128x64xf32, #tpu.memory_space<vmem>> -> memref<128x64xf32, #tpu.memory_space<vmem>>
        %dma_start3A_515 = tpu.memref_slice %arg9[%mul3A_509] : memref<6528xi32, #tpu.memory_space<vmem>> -> memref<128xi32, #tpu.memory_space<vmem>>
        %dma_start3A_516 = arith.constant 0 : i32
        %dma_start3A_517 = arith.constant 0 : i32
        %dma_start3A_518 = tpu.memref_slice %arg5[%dma_start3A_516, %dma_start3A_517] : memref<204800x64xf32, #tpu.memory_space<hbm>> -> memref<204800x64xf32, #tpu.memory_space<hbm>>
        %dma_start3A_519 = tpu.memref_slice %arg13[%dma_start3A_510] : memref<8x!tpu.dma_semaphore, #tpu.memory_space<semaphore_mem>> -> memref<1x!tpu.dma_semaphore, #tpu.memory_space<semaphore_mem>>
        %dma_start3A_520 = tpu.memref_squeeze %dma_start3A_519 : memref<1x!tpu.dma_semaphore, #tpu.memory_space<semaphore_mem>> -> memref<!tpu.dma_semaphore, #tpu.memory_space<semaphore_mem>>
        tpu.enqueue_indirect_dma source(%dma_start3A_514 : memref<128x64xf32, #tpu.memory_space<vmem>>) target(%dma_start3A_518 : memref<204800x64xf32, #tpu.memory_space<hbm>>) offsets(%dma_start3A_515 : memref<128xi32, #tpu.memory_space<vmem>>) semaphore(%dma_start3A_520 : memref<!tpu.dma_semaphore, #tpu.memory_space<semaphore_mem>>)
      } else {
      }
      %ge3A_357 = arith.cmpi sge, %add3A_348, %select_n3A : i32
      %lt3A_358 = arith.cmpi slt, %add3A_348, %add3A_112 : i32
      %and3A_359 = arith.andi %ge3A_357, %lt3A_358 : i1
      %convert_element_type3A_360 = arith.extui %and3A_359 : i1 to i32
      %cond3A_361 = arith.constant 0 : i32
      %cond3A_362 = arith.cmpi ne, %convert_element_type3A_360, %cond3A_361 : i32
      scf.if %cond3A_362 {
        %sub3A_508 = arith.subi %add3A_348, %select_n3A : i32
        %mul3A_509 = arith.constant 128 : i32
        %mul3A_510 = arith.muli %sub3A_508, %mul3A_509 : i32
        %dma_start3A = arith.constant 7 : i32
        %dma_start3A_511 = arith.constant 7 : i32
        %dma_start3A_512 = arith.constant 0 : i32
        %dma_start3A_513 = arith.constant 0 : i32
        %dma_start3A_514 = tpu.memref_slice %arg11[%dma_start3A, %dma_start3A_512, %dma_start3A_513] : memref<8x128x64xf32, #tpu.memory_space<vmem>> -> memref<1x128x64xf32, #tpu.memory_space<vmem>>
        %dma_start3A_515 = tpu.memref_squeeze %dma_start3A_514 : memref<1x128x64xf32, #tpu.memory_space<vmem>> -> memref<128x64xf32, #tpu.memory_space<vmem>>
        %dma_start3A_516 = tpu.memref_slice %arg10[%mul3A_510] : memref<6528xi32, #tpu.memory_space<vmem>> -> memref<128xi32, #tpu.memory_space<vmem>>
        %dma_start3A_517 = arith.constant 0 : i32
        %dma_start3A_518 = arith.constant 0 : i32
        %dma_start3A_519 = tpu.memref_slice %arg5[%dma_start3A_517, %dma_start3A_518] : memref<204800x64xf32, #tpu.memory_space<hbm>> -> memref<204800x64xf32, #tpu.memory_space<hbm>>
        %dma_start3A_520 = tpu.memref_slice %arg13[%dma_start3A_511] : memref<8x!tpu.dma_semaphore, #tpu.memory_space<semaphore_mem>> -> memref<1x!tpu.dma_semaphore, #tpu.memory_space<semaphore_mem>>
        %dma_start3A_521 = tpu.memref_squeeze %dma_start3A_520 : memref<1x!tpu.dma_semaphore, #tpu.memory_space<semaphore_mem>> -> memref<!tpu.dma_semaphore, #tpu.memory_space<semaphore_mem>>
        tpu.enqueue_indirect_dma source(%dma_start3A_515 : memref<128x64xf32, #tpu.memory_space<vmem>>) target(%dma_start3A_519 : memref<204800x64xf32, #tpu.memory_space<hbm>>) offsets(%dma_start3A_516 : memref<128xi32, #tpu.memory_space<vmem>>) semaphore(%dma_start3A_521 : memref<!tpu.dma_semaphore, #tpu.memory_space<semaphore_mem>>)
      } else {
      }
      %add3A_363 = arith.constant 0 : i32
      %add3A_364 = arith.addi %mul3A_234, %add3A_363 : i32
      %add3A_365 = arith.constant 8 : i32
      %add3A_366 = arith.addi %add3A_364, %add3A_365 : i32
      %lt3A_367 = arith.cmpi slt, %add3A_366, %add3A_112 : i32
      %convert_element_type3A_368 = arith.extui %lt3A_367 : i1 to i32
      %cond3A_369 = arith.constant 0 : i32
      %cond3A_370 = arith.cmpi ne, %convert_element_type3A_368, %cond3A_369 : i32
      scf.if %cond3A_370 {
        %dma_wait3A = arith.constant 0 : i32
        %dma_wait3A_508 = arith.constant 0 : i32
        %dma_wait3A_509 = arith.constant 0 : i32
        %dma_wait3A_510 = arith.constant 0 : i32
        %dma_wait3A_511 = tpu.memref_slice %arg11[%dma_wait3A, %dma_wait3A_509, %dma_wait3A_510] : memref<8x128x64xf32, #tpu.memory_space<vmem>> -> memref<1x128x64xf32, #tpu.memory_space<vmem>>
        %dma_wait3A_512 = tpu.memref_squeeze %dma_wait3A_511 : memref<1x128x64xf32, #tpu.memory_space<vmem>> -> memref<128x64xf32, #tpu.memory_space<vmem>>
        %dma_wait3A_513 = arith.constant 0 : i32
        %dma_wait3A_514 = arith.constant 0 : i32
        %dma_wait3A_515 = tpu.memref_slice %arg3[%dma_wait3A_513, %dma_wait3A_514] : memref<50000x64xf32, #tpu.memory_space<hbm>> -> memref<128x64xf32, #tpu.memory_space<hbm>>
        %dma_wait3A_516 = tpu.memref_slice %arg13[%dma_wait3A_508] : memref<8x!tpu.dma_semaphore, #tpu.memory_space<semaphore_mem>> -> memref<1x!tpu.dma_semaphore, #tpu.memory_space<semaphore_mem>>
        %dma_wait3A_517 = tpu.memref_squeeze %dma_wait3A_516 : memref<1x!tpu.dma_semaphore, #tpu.memory_space<semaphore_mem>> -> memref<!tpu.dma_semaphore, #tpu.memory_space<semaphore_mem>>
        %dma_wait3A_518 = arith.constant 0 : i32
        %dma_wait3A_519 = arith.constant 0 : i32
        %dma_wait3A_520 = tpu.memref_slice %arg11[%dma_wait3A, %dma_wait3A_518, %dma_wait3A_519] : memref<8x128x64xf32, #tpu.memory_space<vmem>> -> memref<1x128x64xf32, #tpu.memory_space<vmem>>
        %dma_wait3A_521 = tpu.memref_squeeze %dma_wait3A_520 : memref<1x128x64xf32, #tpu.memory_space<vmem>> -> memref<128x64xf32, #tpu.memory_space<vmem>>
        %dma_wait3A_522 = arith.constant 0 : i32
        %dma_wait3A_523 = arith.constant 0 : i32
        %dma_wait3A_524 = tpu.memref_slice %arg3[%dma_wait3A_522, %dma_wait3A_523] : memref<50000x64xf32, #tpu.memory_space<hbm>> -> memref<128x64xf32, #tpu.memory_space<hbm>>
        tpu.wait_dma2 semaphore(%dma_wait3A_517 : memref<!tpu.dma_semaphore, #tpu.memory_space<semaphore_mem>>) src(%dma_wait3A_524 : memref<128x64xf32, #tpu.memory_space<hbm>>) dst(%dma_wait3A_521 : memref<128x64xf32, #tpu.memory_space<vmem>>)
      } else {
      }
      %lt3A_371 = arith.cmpi slt, %add3A_366, %select_n3A : i32
      %convert_element_type3A_372 = arith.extui %lt3A_371 : i1 to i32
      %cond3A_373 = arith.constant 0 : i32
      %cond3A_374 = arith.cmpi ne, %convert_element_type3A_372, %cond3A_373 : i32
      scf.if %cond3A_374 {
        %mul3A_508 = arith.constant 128 : i32
        %mul3A_509 = arith.muli %add3A_366, %mul3A_508 : i32
        %dma_start3A = arith.constant 0 : i32
        %dma_start3A_510 = arith.constant 0 : i32
        %dma_start3A_511 = arith.constant 0 : i32
        %dma_start3A_512 = arith.constant 0 : i32
        %dma_start3A_513 = tpu.memref_slice %arg11[%dma_start3A, %dma_start3A_511, %dma_start3A_512] : memref<8x128x64xf32, #tpu.memory_space<vmem>> -> memref<1x128x64xf32, #tpu.memory_space<vmem>>
        %dma_start3A_514 = tpu.memref_squeeze %dma_start3A_513 : memref<1x128x64xf32, #tpu.memory_space<vmem>> -> memref<128x64xf32, #tpu.memory_space<vmem>>
        %dma_start3A_515 = tpu.memref_slice %arg6[%mul3A_509] : memref<6528xi32, #tpu.memory_space<vmem>> -> memref<128xi32, #tpu.memory_space<vmem>>
        %dma_start3A_516 = arith.constant 0 : i32
        %dma_start3A_517 = arith.constant 0 : i32
        %dma_start3A_518 = tpu.memref_slice %arg3[%dma_start3A_516, %dma_start3A_517] : memref<50000x64xf32, #tpu.memory_space<hbm>> -> memref<50000x64xf32, #tpu.memory_space<hbm>>
        %dma_start3A_519 = tpu.memref_slice %arg12[%dma_start3A_510] : memref<8x!tpu.dma_semaphore, #tpu.memory_space<semaphore_mem>> -> memref<1x!tpu.dma_semaphore, #tpu.memory_space<semaphore_mem>>
        %dma_start3A_520 = tpu.memref_squeeze %dma_start3A_519 : memref<1x!tpu.dma_semaphore, #tpu.memory_space<semaphore_mem>> -> memref<!tpu.dma_semaphore, #tpu.memory_space<semaphore_mem>>
        tpu.enqueue_indirect_dma source(%dma_start3A_518 : memref<50000x64xf32, #tpu.memory_space<hbm>>) target(%dma_start3A_514 : memref<128x64xf32, #tpu.memory_space<vmem>>) offsets(%dma_start3A_515 : memref<128xi32, #tpu.memory_space<vmem>>) semaphore(%dma_start3A_520 : memref<!tpu.dma_semaphore, #tpu.memory_space<semaphore_mem>>)
      } else {
      }
      %ge3A_375 = arith.cmpi sge, %add3A_366, %select_n3A : i32
      %lt3A_376 = arith.cmpi slt, %add3A_366, %add3A_112 : i32
      %and3A_377 = arith.andi %ge3A_375, %lt3A_376 : i1
      %convert_element_type3A_378 = arith.extui %and3A_377 : i1 to i32
      %cond3A_379 = arith.constant 0 : i32
      %cond3A_380 = arith.cmpi ne, %convert_element_type3A_378, %cond3A_379 : i32
      scf.if %cond3A_380 {
        %sub3A_508 = arith.subi %add3A_366, %select_n3A : i32
        %mul3A_509 = arith.constant 128 : i32
        %mul3A_510 = arith.muli %sub3A_508, %mul3A_509 : i32
        %dma_start3A = arith.constant 0 : i32
        %dma_start3A_511 = arith.constant 0 : i32
        %dma_start3A_512 = arith.constant 0 : i32
        %dma_start3A_513 = arith.constant 0 : i32
        %dma_start3A_514 = tpu.memref_slice %arg11[%dma_start3A, %dma_start3A_512, %dma_start3A_513] : memref<8x128x64xf32, #tpu.memory_space<vmem>> -> memref<1x128x64xf32, #tpu.memory_space<vmem>>
        %dma_start3A_515 = tpu.memref_squeeze %dma_start3A_514 : memref<1x128x64xf32, #tpu.memory_space<vmem>> -> memref<128x64xf32, #tpu.memory_space<vmem>>
        %dma_start3A_516 = tpu.memref_slice %arg7[%mul3A_510] : memref<6528xi32, #tpu.memory_space<vmem>> -> memref<128xi32, #tpu.memory_space<vmem>>
        %dma_start3A_517 = arith.constant 0 : i32
        %dma_start3A_518 = arith.constant 0 : i32
        %dma_start3A_519 = tpu.memref_slice %arg4[%dma_start3A_517, %dma_start3A_518] : memref<50000x64xf32, #tpu.memory_space<hbm>> -> memref<50000x64xf32, #tpu.memory_space<hbm>>
        %dma_start3A_520 = tpu.memref_slice %arg12[%dma_start3A_511] : memref<8x!tpu.dma_semaphore, #tpu.memory_space<semaphore_mem>> -> memref<1x!tpu.dma_semaphore, #tpu.memory_space<semaphore_mem>>
        %dma_start3A_521 = tpu.memref_squeeze %dma_start3A_520 : memref<1x!tpu.dma_semaphore, #tpu.memory_space<semaphore_mem>> -> memref<!tpu.dma_semaphore, #tpu.memory_space<semaphore_mem>>
        tpu.enqueue_indirect_dma source(%dma_start3A_519 : memref<50000x64xf32, #tpu.memory_space<hbm>>) target(%dma_start3A_515 : memref<128x64xf32, #tpu.memory_space<vmem>>) offsets(%dma_start3A_516 : memref<128xi32, #tpu.memory_space<vmem>>) semaphore(%dma_start3A_521 : memref<!tpu.dma_semaphore, #tpu.memory_space<semaphore_mem>>)
      } else {
      }
      %add3A_381 = arith.constant 1 : i32
      %add3A_382 = arith.addi %mul3A_234, %add3A_381 : i32
      %add3A_383 = arith.constant 8 : i32
      %add3A_384 = arith.addi %add3A_382, %add3A_383 : i32
      %lt3A_385 = arith.cmpi slt, %add3A_384, %add3A_112 : i32
      %convert_element_type3A_386 = arith.extui %lt3A_385 : i1 to i32
      %cond3A_387 = arith.constant 0 : i32
      %cond3A_388 = arith.cmpi ne, %convert_element_type3A_386, %cond3A_387 : i32
      scf.if %cond3A_388 {
        %dma_wait3A = arith.constant 0 : i32
        %dma_wait3A_508 = arith.constant 1 : i32
        %dma_wait3A_509 = arith.constant 0 : i32
        %dma_wait3A_510 = arith.constant 0 : i32
        %dma_wait3A_511 = tpu.memref_slice %arg11[%dma_wait3A, %dma_wait3A_509, %dma_wait3A_510] : memref<8x128x64xf32, #tpu.memory_space<vmem>> -> memref<1x128x64xf32, #tpu.memory_space<vmem>>
        %dma_wait3A_512 = tpu.memref_squeeze %dma_wait3A_511 : memref<1x128x64xf32, #tpu.memory_space<vmem>> -> memref<128x64xf32, #tpu.memory_space<vmem>>
        %dma_wait3A_513 = arith.constant 0 : i32
        %dma_wait3A_514 = arith.constant 0 : i32
        %dma_wait3A_515 = tpu.memref_slice %arg3[%dma_wait3A_513, %dma_wait3A_514] : memref<50000x64xf32, #tpu.memory_space<hbm>> -> memref<128x64xf32, #tpu.memory_space<hbm>>
        %dma_wait3A_516 = tpu.memref_slice %arg13[%dma_wait3A_508] : memref<8x!tpu.dma_semaphore, #tpu.memory_space<semaphore_mem>> -> memref<1x!tpu.dma_semaphore, #tpu.memory_space<semaphore_mem>>
        %dma_wait3A_517 = tpu.memref_squeeze %dma_wait3A_516 : memref<1x!tpu.dma_semaphore, #tpu.memory_space<semaphore_mem>> -> memref<!tpu.dma_semaphore, #tpu.memory_space<semaphore_mem>>
        %dma_wait3A_518 = arith.constant 0 : i32
        %dma_wait3A_519 = arith.constant 0 : i32
        %dma_wait3A_520 = tpu.memref_slice %arg11[%dma_wait3A, %dma_wait3A_518, %dma_wait3A_519] : memref<8x128x64xf32, #tpu.memory_space<vmem>> -> memref<1x128x64xf32, #tpu.memory_space<vmem>>
        %dma_wait3A_521 = tpu.memref_squeeze %dma_wait3A_520 : memref<1x128x64xf32, #tpu.memory_space<vmem>> -> memref<128x64xf32, #tpu.memory_space<vmem>>
        %dma_wait3A_522 = arith.constant 0 : i32
        %dma_wait3A_523 = arith.constant 0 : i32
        %dma_wait3A_524 = tpu.memref_slice %arg3[%dma_wait3A_522, %dma_wait3A_523] : memref<50000x64xf32, #tpu.memory_space<hbm>> -> memref<128x64xf32, #tpu.memory_space<hbm>>
        tpu.wait_dma2 semaphore(%dma_wait3A_517 : memref<!tpu.dma_semaphore, #tpu.memory_space<semaphore_mem>>) src(%dma_wait3A_524 : memref<128x64xf32, #tpu.memory_space<hbm>>) dst(%dma_wait3A_521 : memref<128x64xf32, #tpu.memory_space<vmem>>)
      } else {
      }
      %lt3A_389 = arith.cmpi slt, %add3A_384, %select_n3A : i32
      %convert_element_type3A_390 = arith.extui %lt3A_389 : i1 to i32
      %cond3A_391 = arith.constant 0 : i32
      %cond3A_392 = arith.cmpi ne, %convert_element_type3A_390, %cond3A_391 : i32
      scf.if %cond3A_392 {
        %mul3A_508 = arith.constant 128 : i32
        %mul3A_509 = arith.muli %add3A_384, %mul3A_508 : i32
        %dma_start3A = arith.constant 1 : i32
        %dma_start3A_510 = arith.constant 1 : i32
        %dma_start3A_511 = arith.constant 0 : i32
        %dma_start3A_512 = arith.constant 0 : i32
        %dma_start3A_513 = tpu.memref_slice %arg11[%dma_start3A, %dma_start3A_511, %dma_start3A_512] : memref<8x128x64xf32, #tpu.memory_space<vmem>> -> memref<1x128x64xf32, #tpu.memory_space<vmem>>
        %dma_start3A_514 = tpu.memref_squeeze %dma_start3A_513 : memref<1x128x64xf32, #tpu.memory_space<vmem>> -> memref<128x64xf32, #tpu.memory_space<vmem>>
        %dma_start3A_515 = tpu.memref_slice %arg6[%mul3A_509] : memref<6528xi32, #tpu.memory_space<vmem>> -> memref<128xi32, #tpu.memory_space<vmem>>
        %dma_start3A_516 = arith.constant 0 : i32
        %dma_start3A_517 = arith.constant 0 : i32
        %dma_start3A_518 = tpu.memref_slice %arg3[%dma_start3A_516, %dma_start3A_517] : memref<50000x64xf32, #tpu.memory_space<hbm>> -> memref<50000x64xf32, #tpu.memory_space<hbm>>
        %dma_start3A_519 = tpu.memref_slice %arg12[%dma_start3A_510] : memref<8x!tpu.dma_semaphore, #tpu.memory_space<semaphore_mem>> -> memref<1x!tpu.dma_semaphore, #tpu.memory_space<semaphore_mem>>
        %dma_start3A_520 = tpu.memref_squeeze %dma_start3A_519 : memref<1x!tpu.dma_semaphore, #tpu.memory_space<semaphore_mem>> -> memref<!tpu.dma_semaphore, #tpu.memory_space<semaphore_mem>>
        tpu.enqueue_indirect_dma source(%dma_start3A_518 : memref<50000x64xf32, #tpu.memory_space<hbm>>) target(%dma_start3A_514 : memref<128x64xf32, #tpu.memory_space<vmem>>) offsets(%dma_start3A_515 : memref<128xi32, #tpu.memory_space<vmem>>) semaphore(%dma_start3A_520 : memref<!tpu.dma_semaphore, #tpu.memory_space<semaphore_mem>>)
      } else {
      }
      %ge3A_393 = arith.cmpi sge, %add3A_384, %select_n3A : i32
      %lt3A_394 = arith.cmpi slt, %add3A_384, %add3A_112 : i32
      %and3A_395 = arith.andi %ge3A_393, %lt3A_394 : i1
      %convert_element_type3A_396 = arith.extui %and3A_395 : i1 to i32
      %cond3A_397 = arith.constant 0 : i32
      %cond3A_398 = arith.cmpi ne, %convert_element_type3A_396, %cond3A_397 : i32
      scf.if %cond3A_398 {
        %sub3A_508 = arith.subi %add3A_384, %select_n3A : i32
        %mul3A_509 = arith.constant 128 : i32
        %mul3A_510 = arith.muli %sub3A_508, %mul3A_509 : i32
        %dma_start3A = arith.constant 1 : i32
        %dma_start3A_511 = arith.constant 1 : i32
        %dma_start3A_512 = arith.constant 0 : i32
        %dma_start3A_513 = arith.constant 0 : i32
        %dma_start3A_514 = tpu.memref_slice %arg11[%dma_start3A, %dma_start3A_512, %dma_start3A_513] : memref<8x128x64xf32, #tpu.memory_space<vmem>> -> memref<1x128x64xf32, #tpu.memory_space<vmem>>
        %dma_start3A_515 = tpu.memref_squeeze %dma_start3A_514 : memref<1x128x64xf32, #tpu.memory_space<vmem>> -> memref<128x64xf32, #tpu.memory_space<vmem>>
        %dma_start3A_516 = tpu.memref_slice %arg7[%mul3A_510] : memref<6528xi32, #tpu.memory_space<vmem>> -> memref<128xi32, #tpu.memory_space<vmem>>
        %dma_start3A_517 = arith.constant 0 : i32
        %dma_start3A_518 = arith.constant 0 : i32
        %dma_start3A_519 = tpu.memref_slice %arg4[%dma_start3A_517, %dma_start3A_518] : memref<50000x64xf32, #tpu.memory_space<hbm>> -> memref<50000x64xf32, #tpu.memory_space<hbm>>
        %dma_start3A_520 = tpu.memref_slice %arg12[%dma_start3A_511] : memref<8x!tpu.dma_semaphore, #tpu.memory_space<semaphore_mem>> -> memref<1x!tpu.dma_semaphore, #tpu.memory_space<semaphore_mem>>
        %dma_start3A_521 = tpu.memref_squeeze %dma_start3A_520 : memref<1x!tpu.dma_semaphore, #tpu.memory_space<semaphore_mem>> -> memref<!tpu.dma_semaphore, #tpu.memory_space<semaphore_mem>>
        tpu.enqueue_indirect_dma source(%dma_start3A_519 : memref<50000x64xf32, #tpu.memory_space<hbm>>) target(%dma_start3A_515 : memref<128x64xf32, #tpu.memory_space<vmem>>) offsets(%dma_start3A_516 : memref<128xi32, #tpu.memory_space<vmem>>) semaphore(%dma_start3A_521 : memref<!tpu.dma_semaphore, #tpu.memory_space<semaphore_mem>>)
      } else {
      }
      %add3A_399 = arith.constant 2 : i32
      %add3A_400 = arith.addi %mul3A_234, %add3A_399 : i32
      %add3A_401 = arith.constant 8 : i32
      %add3A_402 = arith.addi %add3A_400, %add3A_401 : i32
      %lt3A_403 = arith.cmpi slt, %add3A_402, %add3A_112 : i32
      %convert_element_type3A_404 = arith.extui %lt3A_403 : i1 to i32
      %cond3A_405 = arith.constant 0 : i32
      %cond3A_406 = arith.cmpi ne, %convert_element_type3A_404, %cond3A_405 : i32
      scf.if %cond3A_406 {
        %dma_wait3A = arith.constant 0 : i32
        %dma_wait3A_508 = arith.constant 2 : i32
        %dma_wait3A_509 = arith.constant 0 : i32
        %dma_wait3A_510 = arith.constant 0 : i32
        %dma_wait3A_511 = tpu.memref_slice %arg11[%dma_wait3A, %dma_wait3A_509, %dma_wait3A_510] : memref<8x128x64xf32, #tpu.memory_space<vmem>> -> memref<1x128x64xf32, #tpu.memory_space<vmem>>
        %dma_wait3A_512 = tpu.memref_squeeze %dma_wait3A_511 : memref<1x128x64xf32, #tpu.memory_space<vmem>> -> memref<128x64xf32, #tpu.memory_space<vmem>>
        %dma_wait3A_513 = arith.constant 0 : i32
        %dma_wait3A_514 = arith.constant 0 : i32
        %dma_wait3A_515 = tpu.memref_slice %arg3[%dma_wait3A_513, %dma_wait3A_514] : memref<50000x64xf32, #tpu.memory_space<hbm>> -> memref<128x64xf32, #tpu.memory_space<hbm>>
        %dma_wait3A_516 = tpu.memref_slice %arg13[%dma_wait3A_508] : memref<8x!tpu.dma_semaphore, #tpu.memory_space<semaphore_mem>> -> memref<1x!tpu.dma_semaphore, #tpu.memory_space<semaphore_mem>>
        %dma_wait3A_517 = tpu.memref_squeeze %dma_wait3A_516 : memref<1x!tpu.dma_semaphore, #tpu.memory_space<semaphore_mem>> -> memref<!tpu.dma_semaphore, #tpu.memory_space<semaphore_mem>>
        %dma_wait3A_518 = arith.constant 0 : i32
        %dma_wait3A_519 = arith.constant 0 : i32
        %dma_wait3A_520 = tpu.memref_slice %arg11[%dma_wait3A, %dma_wait3A_518, %dma_wait3A_519] : memref<8x128x64xf32, #tpu.memory_space<vmem>> -> memref<1x128x64xf32, #tpu.memory_space<vmem>>
        %dma_wait3A_521 = tpu.memref_squeeze %dma_wait3A_520 : memref<1x128x64xf32, #tpu.memory_space<vmem>> -> memref<128x64xf32, #tpu.memory_space<vmem>>
        %dma_wait3A_522 = arith.constant 0 : i32
        %dma_wait3A_523 = arith.constant 0 : i32
        %dma_wait3A_524 = tpu.memref_slice %arg3[%dma_wait3A_522, %dma_wait3A_523] : memref<50000x64xf32, #tpu.memory_space<hbm>> -> memref<128x64xf32, #tpu.memory_space<hbm>>
        tpu.wait_dma2 semaphore(%dma_wait3A_517 : memref<!tpu.dma_semaphore, #tpu.memory_space<semaphore_mem>>) src(%dma_wait3A_524 : memref<128x64xf32, #tpu.memory_space<hbm>>) dst(%dma_wait3A_521 : memref<128x64xf32, #tpu.memory_space<vmem>>)
      } else {
      }
      %lt3A_407 = arith.cmpi slt, %add3A_402, %select_n3A : i32
      %convert_element_type3A_408 = arith.extui %lt3A_407 : i1 to i32
      %cond3A_409 = arith.constant 0 : i32
      %cond3A_410 = arith.cmpi ne, %convert_element_type3A_408, %cond3A_409 : i32
      scf.if %cond3A_410 {
        %mul3A_508 = arith.constant 128 : i32
        %mul3A_509 = arith.muli %add3A_402, %mul3A_508 : i32
        %dma_start3A = arith.constant 2 : i32
        %dma_start3A_510 = arith.constant 2 : i32
        %dma_start3A_511 = arith.constant 0 : i32
        %dma_start3A_512 = arith.constant 0 : i32
        %dma_start3A_513 = tpu.memref_slice %arg11[%dma_start3A, %dma_start3A_511, %dma_start3A_512] : memref<8x128x64xf32, #tpu.memory_space<vmem>> -> memref<1x128x64xf32, #tpu.memory_space<vmem>>
        %dma_start3A_514 = tpu.memref_squeeze %dma_start3A_513 : memref<1x128x64xf32, #tpu.memory_space<vmem>> -> memref<128x64xf32, #tpu.memory_space<vmem>>
        %dma_start3A_515 = tpu.memref_slice %arg6[%mul3A_509] : memref<6528xi32, #tpu.memory_space<vmem>> -> memref<128xi32, #tpu.memory_space<vmem>>
        %dma_start3A_516 = arith.constant 0 : i32
        %dma_start3A_517 = arith.constant 0 : i32
        %dma_start3A_518 = tpu.memref_slice %arg3[%dma_start3A_516, %dma_start3A_517] : memref<50000x64xf32, #tpu.memory_space<hbm>> -> memref<50000x64xf32, #tpu.memory_space<hbm>>
        %dma_start3A_519 = tpu.memref_slice %arg12[%dma_start3A_510] : memref<8x!tpu.dma_semaphore, #tpu.memory_space<semaphore_mem>> -> memref<1x!tpu.dma_semaphore, #tpu.memory_space<semaphore_mem>>
        %dma_start3A_520 = tpu.memref_squeeze %dma_start3A_519 : memref<1x!tpu.dma_semaphore, #tpu.memory_space<semaphore_mem>> -> memref<!tpu.dma_semaphore, #tpu.memory_space<semaphore_mem>>
        tpu.enqueue_indirect_dma source(%dma_start3A_518 : memref<50000x64xf32, #tpu.memory_space<hbm>>) target(%dma_start3A_514 : memref<128x64xf32, #tpu.memory_space<vmem>>) offsets(%dma_start3A_515 : memref<128xi32, #tpu.memory_space<vmem>>) semaphore(%dma_start3A_520 : memref<!tpu.dma_semaphore, #tpu.memory_space<semaphore_mem>>)
      } else {
      }
      %ge3A_411 = arith.cmpi sge, %add3A_402, %select_n3A : i32
      %lt3A_412 = arith.cmpi slt, %add3A_402, %add3A_112 : i32
      %and3A_413 = arith.andi %ge3A_411, %lt3A_412 : i1
      %convert_element_type3A_414 = arith.extui %and3A_413 : i1 to i32
      %cond3A_415 = arith.constant 0 : i32
      %cond3A_416 = arith.cmpi ne, %convert_element_type3A_414, %cond3A_415 : i32
      scf.if %cond3A_416 {
        %sub3A_508 = arith.subi %add3A_402, %select_n3A : i32
        %mul3A_509 = arith.constant 128 : i32
        %mul3A_510 = arith.muli %sub3A_508, %mul3A_509 : i32
        %dma_start3A = arith.constant 2 : i32
        %dma_start3A_511 = arith.constant 2 : i32
        %dma_start3A_512 = arith.constant 0 : i32
        %dma_start3A_513 = arith.constant 0 : i32
        %dma_start3A_514 = tpu.memref_slice %arg11[%dma_start3A, %dma_start3A_512, %dma_start3A_513] : memref<8x128x64xf32, #tpu.memory_space<vmem>> -> memref<1x128x64xf32, #tpu.memory_space<vmem>>
        %dma_start3A_515 = tpu.memref_squeeze %dma_start3A_514 : memref<1x128x64xf32, #tpu.memory_space<vmem>> -> memref<128x64xf32, #tpu.memory_space<vmem>>
        %dma_start3A_516 = tpu.memref_slice %arg7[%mul3A_510] : memref<6528xi32, #tpu.memory_space<vmem>> -> memref<128xi32, #tpu.memory_space<vmem>>
        %dma_start3A_517 = arith.constant 0 : i32
        %dma_start3A_518 = arith.constant 0 : i32
        %dma_start3A_519 = tpu.memref_slice %arg4[%dma_start3A_517, %dma_start3A_518] : memref<50000x64xf32, #tpu.memory_space<hbm>> -> memref<50000x64xf32, #tpu.memory_space<hbm>>
        %dma_start3A_520 = tpu.memref_slice %arg12[%dma_start3A_511] : memref<8x!tpu.dma_semaphore, #tpu.memory_space<semaphore_mem>> -> memref<1x!tpu.dma_semaphore, #tpu.memory_space<semaphore_mem>>
        %dma_start3A_521 = tpu.memref_squeeze %dma_start3A_520 : memref<1x!tpu.dma_semaphore, #tpu.memory_space<semaphore_mem>> -> memref<!tpu.dma_semaphore, #tpu.memory_space<semaphore_mem>>
        tpu.enqueue_indirect_dma source(%dma_start3A_519 : memref<50000x64xf32, #tpu.memory_space<hbm>>) target(%dma_start3A_515 : memref<128x64xf32, #tpu.memory_space<vmem>>) offsets(%dma_start3A_516 : memref<128xi32, #tpu.memory_space<vmem>>) semaphore(%dma_start3A_521 : memref<!tpu.dma_semaphore, #tpu.memory_space<semaphore_mem>>)
      } else {
      }
      %add3A_417 = arith.constant 3 : i32
      %add3A_418 = arith.addi %mul3A_234, %add3A_417 : i32
      %add3A_419 = arith.constant 8 : i32
      %add3A_420 = arith.addi %add3A_418, %add3A_419 : i32
      %lt3A_421 = arith.cmpi slt, %add3A_420, %add3A_112 : i32
      %convert_element_type3A_422 = arith.extui %lt3A_421 : i1 to i32
      %cond3A_423 = arith.constant 0 : i32
      %cond3A_424 = arith.cmpi ne, %convert_element_type3A_422, %cond3A_423 : i32
      scf.if %cond3A_424 {
        %dma_wait3A = arith.constant 0 : i32
        %dma_wait3A_508 = arith.constant 3 : i32
        %dma_wait3A_509 = arith.constant 0 : i32
        %dma_wait3A_510 = arith.constant 0 : i32
        %dma_wait3A_511 = tpu.memref_slice %arg11[%dma_wait3A, %dma_wait3A_509, %dma_wait3A_510] : memref<8x128x64xf32, #tpu.memory_space<vmem>> -> memref<1x128x64xf32, #tpu.memory_space<vmem>>
        %dma_wait3A_512 = tpu.memref_squeeze %dma_wait3A_511 : memref<1x128x64xf32, #tpu.memory_space<vmem>> -> memref<128x64xf32, #tpu.memory_space<vmem>>
        %dma_wait3A_513 = arith.constant 0 : i32
        %dma_wait3A_514 = arith.constant 0 : i32
        %dma_wait3A_515 = tpu.memref_slice %arg3[%dma_wait3A_513, %dma_wait3A_514] : memref<50000x64xf32, #tpu.memory_space<hbm>> -> memref<128x64xf32, #tpu.memory_space<hbm>>
        %dma_wait3A_516 = tpu.memref_slice %arg13[%dma_wait3A_508] : memref<8x!tpu.dma_semaphore, #tpu.memory_space<semaphore_mem>> -> memref<1x!tpu.dma_semaphore, #tpu.memory_space<semaphore_mem>>
        %dma_wait3A_517 = tpu.memref_squeeze %dma_wait3A_516 : memref<1x!tpu.dma_semaphore, #tpu.memory_space<semaphore_mem>> -> memref<!tpu.dma_semaphore, #tpu.memory_space<semaphore_mem>>
        %dma_wait3A_518 = arith.constant 0 : i32
        %dma_wait3A_519 = arith.constant 0 : i32
        %dma_wait3A_520 = tpu.memref_slice %arg11[%dma_wait3A, %dma_wait3A_518, %dma_wait3A_519] : memref<8x128x64xf32, #tpu.memory_space<vmem>> -> memref<1x128x64xf32, #tpu.memory_space<vmem>>
        %dma_wait3A_521 = tpu.memref_squeeze %dma_wait3A_520 : memref<1x128x64xf32, #tpu.memory_space<vmem>> -> memref<128x64xf32, #tpu.memory_space<vmem>>
        %dma_wait3A_522 = arith.constant 0 : i32
        %dma_wait3A_523 = arith.constant 0 : i32
        %dma_wait3A_524 = tpu.memref_slice %arg3[%dma_wait3A_522, %dma_wait3A_523] : memref<50000x64xf32, #tpu.memory_space<hbm>> -> memref<128x64xf32, #tpu.memory_space<hbm>>
        tpu.wait_dma2 semaphore(%dma_wait3A_517 : memref<!tpu.dma_semaphore, #tpu.memory_space<semaphore_mem>>) src(%dma_wait3A_524 : memref<128x64xf32, #tpu.memory_space<hbm>>) dst(%dma_wait3A_521 : memref<128x64xf32, #tpu.memory_space<vmem>>)
      } else {
      }
      %lt3A_425 = arith.cmpi slt, %add3A_420, %select_n3A : i32
      %convert_element_type3A_426 = arith.extui %lt3A_425 : i1 to i32
      %cond3A_427 = arith.constant 0 : i32
      %cond3A_428 = arith.cmpi ne, %convert_element_type3A_426, %cond3A_427 : i32
      scf.if %cond3A_428 {
        %mul3A_508 = arith.constant 128 : i32
        %mul3A_509 = arith.muli %add3A_420, %mul3A_508 : i32
        %dma_start3A = arith.constant 3 : i32
        %dma_start3A_510 = arith.constant 3 : i32
        %dma_start3A_511 = arith.constant 0 : i32
        %dma_start3A_512 = arith.constant 0 : i32
        %dma_start3A_513 = tpu.memref_slice %arg11[%dma_start3A, %dma_start3A_511, %dma_start3A_512] : memref<8x128x64xf32, #tpu.memory_space<vmem>> -> memref<1x128x64xf32, #tpu.memory_space<vmem>>
        %dma_start3A_514 = tpu.memref_squeeze %dma_start3A_513 : memref<1x128x64xf32, #tpu.memory_space<vmem>> -> memref<128x64xf32, #tpu.memory_space<vmem>>
        %dma_start3A_515 = tpu.memref_slice %arg6[%mul3A_509] : memref<6528xi32, #tpu.memory_space<vmem>> -> memref<128xi32, #tpu.memory_space<vmem>>
        %dma_start3A_516 = arith.constant 0 : i32
        %dma_start3A_517 = arith.constant 0 : i32
        %dma_start3A_518 = tpu.memref_slice %arg3[%dma_start3A_516, %dma_start3A_517] : memref<50000x64xf32, #tpu.memory_space<hbm>> -> memref<50000x64xf32, #tpu.memory_space<hbm>>
        %dma_start3A_519 = tpu.memref_slice %arg12[%dma_start3A_510] : memref<8x!tpu.dma_semaphore, #tpu.memory_space<semaphore_mem>> -> memref<1x!tpu.dma_semaphore, #tpu.memory_space<semaphore_mem>>
        %dma_start3A_520 = tpu.memref_squeeze %dma_start3A_519 : memref<1x!tpu.dma_semaphore, #tpu.memory_space<semaphore_mem>> -> memref<!tpu.dma_semaphore, #tpu.memory_space<semaphore_mem>>
        tpu.enqueue_indirect_dma source(%dma_start3A_518 : memref<50000x64xf32, #tpu.memory_space<hbm>>) target(%dma_start3A_514 : memref<128x64xf32, #tpu.memory_space<vmem>>) offsets(%dma_start3A_515 : memref<128xi32, #tpu.memory_space<vmem>>) semaphore(%dma_start3A_520 : memref<!tpu.dma_semaphore, #tpu.memory_space<semaphore_mem>>)
      } else {
      }
      %ge3A_429 = arith.cmpi sge, %add3A_420, %select_n3A : i32
      %lt3A_430 = arith.cmpi slt, %add3A_420, %add3A_112 : i32
      %and3A_431 = arith.andi %ge3A_429, %lt3A_430 : i1
      %convert_element_type3A_432 = arith.extui %and3A_431 : i1 to i32
      %cond3A_433 = arith.constant 0 : i32
      %cond3A_434 = arith.cmpi ne, %convert_element_type3A_432, %cond3A_433 : i32
      scf.if %cond3A_434 {
        %sub3A_508 = arith.subi %add3A_420, %select_n3A : i32
        %mul3A_509 = arith.constant 128 : i32
        %mul3A_510 = arith.muli %sub3A_508, %mul3A_509 : i32
        %dma_start3A = arith.constant 3 : i32
        %dma_start3A_511 = arith.constant 3 : i32
        %dma_start3A_512 = arith.constant 0 : i32
        %dma_start3A_513 = arith.constant 0 : i32
        %dma_start3A_514 = tpu.memref_slice %arg11[%dma_start3A, %dma_start3A_512, %dma_start3A_513] : memref<8x128x64xf32, #tpu.memory_space<vmem>> -> memref<1x128x64xf32, #tpu.memory_space<vmem>>
        %dma_start3A_515 = tpu.memref_squeeze %dma_start3A_514 : memref<1x128x64xf32, #tpu.memory_space<vmem>> -> memref<128x64xf32, #tpu.memory_space<vmem>>
        %dma_start3A_516 = tpu.memref_slice %arg7[%mul3A_510] : memref<6528xi32, #tpu.memory_space<vmem>> -> memref<128xi32, #tpu.memory_space<vmem>>
        %dma_start3A_517 = arith.constant 0 : i32
        %dma_start3A_518 = arith.constant 0 : i32
        %dma_start3A_519 = tpu.memref_slice %arg4[%dma_start3A_517, %dma_start3A_518] : memref<50000x64xf32, #tpu.memory_space<hbm>> -> memref<50000x64xf32, #tpu.memory_space<hbm>>
        %dma_start3A_520 = tpu.memref_slice %arg12[%dma_start3A_511] : memref<8x!tpu.dma_semaphore, #tpu.memory_space<semaphore_mem>> -> memref<1x!tpu.dma_semaphore, #tpu.memory_space<semaphore_mem>>
        %dma_start3A_521 = tpu.memref_squeeze %dma_start3A_520 : memref<1x!tpu.dma_semaphore, #tpu.memory_space<semaphore_mem>> -> memref<!tpu.dma_semaphore, #tpu.memory_space<semaphore_mem>>
        tpu.enqueue_indirect_dma source(%dma_start3A_519 : memref<50000x64xf32, #tpu.memory_space<hbm>>) target(%dma_start3A_515 : memref<128x64xf32, #tpu.memory_space<vmem>>) offsets(%dma_start3A_516 : memref<128xi32, #tpu.memory_space<vmem>>) semaphore(%dma_start3A_521 : memref<!tpu.dma_semaphore, #tpu.memory_space<semaphore_mem>>)
      } else {
      }
      %add3A_435 = arith.constant 4 : i32
      %add3A_436 = arith.addi %mul3A_234, %add3A_435 : i32
      %add3A_437 = arith.constant 8 : i32
      %add3A_438 = arith.addi %add3A_436, %add3A_437 : i32
      %lt3A_439 = arith.cmpi slt, %add3A_438, %add3A_112 : i32
      %convert_element_type3A_440 = arith.extui %lt3A_439 : i1 to i32
      %cond3A_441 = arith.constant 0 : i32
      %cond3A_442 = arith.cmpi ne, %convert_element_type3A_440, %cond3A_441 : i32
      scf.if %cond3A_442 {
        %dma_wait3A = arith.constant 0 : i32
        %dma_wait3A_508 = arith.constant 4 : i32
        %dma_wait3A_509 = arith.constant 0 : i32
        %dma_wait3A_510 = arith.constant 0 : i32
        %dma_wait3A_511 = tpu.memref_slice %arg11[%dma_wait3A, %dma_wait3A_509, %dma_wait3A_510] : memref<8x128x64xf32, #tpu.memory_space<vmem>> -> memref<1x128x64xf32, #tpu.memory_space<vmem>>
        %dma_wait3A_512 = tpu.memref_squeeze %dma_wait3A_511 : memref<1x128x64xf32, #tpu.memory_space<vmem>> -> memref<128x64xf32, #tpu.memory_space<vmem>>
        %dma_wait3A_513 = arith.constant 0 : i32
        %dma_wait3A_514 = arith.constant 0 : i32
        %dma_wait3A_515 = tpu.memref_slice %arg3[%dma_wait3A_513, %dma_wait3A_514] : memref<50000x64xf32, #tpu.memory_space<hbm>> -> memref<128x64xf32, #tpu.memory_space<hbm>>
        %dma_wait3A_516 = tpu.memref_slice %arg13[%dma_wait3A_508] : memref<8x!tpu.dma_semaphore, #tpu.memory_space<semaphore_mem>> -> memref<1x!tpu.dma_semaphore, #tpu.memory_space<semaphore_mem>>
        %dma_wait3A_517 = tpu.memref_squeeze %dma_wait3A_516 : memref<1x!tpu.dma_semaphore, #tpu.memory_space<semaphore_mem>> -> memref<!tpu.dma_semaphore, #tpu.memory_space<semaphore_mem>>
        %dma_wait3A_518 = arith.constant 0 : i32
        %dma_wait3A_519 = arith.constant 0 : i32
        %dma_wait3A_520 = tpu.memref_slice %arg11[%dma_wait3A, %dma_wait3A_518, %dma_wait3A_519] : memref<8x128x64xf32, #tpu.memory_space<vmem>> -> memref<1x128x64xf32, #tpu.memory_space<vmem>>
        %dma_wait3A_521 = tpu.memref_squeeze %dma_wait3A_520 : memref<1x128x64xf32, #tpu.memory_space<vmem>> -> memref<128x64xf32, #tpu.memory_space<vmem>>
        %dma_wait3A_522 = arith.constant 0 : i32
        %dma_wait3A_523 = arith.constant 0 : i32
        %dma_wait3A_524 = tpu.memref_slice %arg3[%dma_wait3A_522, %dma_wait3A_523] : memref<50000x64xf32, #tpu.memory_space<hbm>> -> memref<128x64xf32, #tpu.memory_space<hbm>>
        tpu.wait_dma2 semaphore(%dma_wait3A_517 : memref<!tpu.dma_semaphore, #tpu.memory_space<semaphore_mem>>) src(%dma_wait3A_524 : memref<128x64xf32, #tpu.memory_space<hbm>>) dst(%dma_wait3A_521 : memref<128x64xf32, #tpu.memory_space<vmem>>)
      } else {
      }
      %lt3A_443 = arith.cmpi slt, %add3A_438, %select_n3A : i32
      %convert_element_type3A_444 = arith.extui %lt3A_443 : i1 to i32
      %cond3A_445 = arith.constant 0 : i32
      %cond3A_446 = arith.cmpi ne, %convert_element_type3A_444, %cond3A_445 : i32
      scf.if %cond3A_446 {
        %mul3A_508 = arith.constant 128 : i32
        %mul3A_509 = arith.muli %add3A_438, %mul3A_508 : i32
        %dma_start3A = arith.constant 4 : i32
        %dma_start3A_510 = arith.constant 4 : i32
        %dma_start3A_511 = arith.constant 0 : i32
        %dma_start3A_512 = arith.constant 0 : i32
        %dma_start3A_513 = tpu.memref_slice %arg11[%dma_start3A, %dma_start3A_511, %dma_start3A_512] : memref<8x128x64xf32, #tpu.memory_space<vmem>> -> memref<1x128x64xf32, #tpu.memory_space<vmem>>
        %dma_start3A_514 = tpu.memref_squeeze %dma_start3A_513 : memref<1x128x64xf32, #tpu.memory_space<vmem>> -> memref<128x64xf32, #tpu.memory_space<vmem>>
        %dma_start3A_515 = tpu.memref_slice %arg6[%mul3A_509] : memref<6528xi32, #tpu.memory_space<vmem>> -> memref<128xi32, #tpu.memory_space<vmem>>
        %dma_start3A_516 = arith.constant 0 : i32
        %dma_start3A_517 = arith.constant 0 : i32
        %dma_start3A_518 = tpu.memref_slice %arg3[%dma_start3A_516, %dma_start3A_517] : memref<50000x64xf32, #tpu.memory_space<hbm>> -> memref<50000x64xf32, #tpu.memory_space<hbm>>
        %dma_start3A_519 = tpu.memref_slice %arg12[%dma_start3A_510] : memref<8x!tpu.dma_semaphore, #tpu.memory_space<semaphore_mem>> -> memref<1x!tpu.dma_semaphore, #tpu.memory_space<semaphore_mem>>
        %dma_start3A_520 = tpu.memref_squeeze %dma_start3A_519 : memref<1x!tpu.dma_semaphore, #tpu.memory_space<semaphore_mem>> -> memref<!tpu.dma_semaphore, #tpu.memory_space<semaphore_mem>>
        tpu.enqueue_indirect_dma source(%dma_start3A_518 : memref<50000x64xf32, #tpu.memory_space<hbm>>) target(%dma_start3A_514 : memref<128x64xf32, #tpu.memory_space<vmem>>) offsets(%dma_start3A_515 : memref<128xi32, #tpu.memory_space<vmem>>) semaphore(%dma_start3A_520 : memref<!tpu.dma_semaphore, #tpu.memory_space<semaphore_mem>>)
      } else {
      }
      %ge3A_447 = arith.cmpi sge, %add3A_438, %select_n3A : i32
      %lt3A_448 = arith.cmpi slt, %add3A_438, %add3A_112 : i32
      %and3A_449 = arith.andi %ge3A_447, %lt3A_448 : i1
      %convert_element_type3A_450 = arith.extui %and3A_449 : i1 to i32
      %cond3A_451 = arith.constant 0 : i32
      %cond3A_452 = arith.cmpi ne, %convert_element_type3A_450, %cond3A_451 : i32
      scf.if %cond3A_452 {
        %sub3A_508 = arith.subi %add3A_438, %select_n3A : i32
        %mul3A_509 = arith.constant 128 : i32
        %mul3A_510 = arith.muli %sub3A_508, %mul3A_509 : i32
        %dma_start3A = arith.constant 4 : i32
        %dma_start3A_511 = arith.constant 4 : i32
        %dma_start3A_512 = arith.constant 0 : i32
        %dma_start3A_513 = arith.constant 0 : i32
        %dma_start3A_514 = tpu.memref_slice %arg11[%dma_start3A, %dma_start3A_512, %dma_start3A_513] : memref<8x128x64xf32, #tpu.memory_space<vmem>> -> memref<1x128x64xf32, #tpu.memory_space<vmem>>
        %dma_start3A_515 = tpu.memref_squeeze %dma_start3A_514 : memref<1x128x64xf32, #tpu.memory_space<vmem>> -> memref<128x64xf32, #tpu.memory_space<vmem>>
        %dma_start3A_516 = tpu.memref_slice %arg7[%mul3A_510] : memref<6528xi32, #tpu.memory_space<vmem>> -> memref<128xi32, #tpu.memory_space<vmem>>
        %dma_start3A_517 = arith.constant 0 : i32
        %dma_start3A_518 = arith.constant 0 : i32
        %dma_start3A_519 = tpu.memref_slice %arg4[%dma_start3A_517, %dma_start3A_518] : memref<50000x64xf32, #tpu.memory_space<hbm>> -> memref<50000x64xf32, #tpu.memory_space<hbm>>
        %dma_start3A_520 = tpu.memref_slice %arg12[%dma_start3A_511] : memref<8x!tpu.dma_semaphore, #tpu.memory_space<semaphore_mem>> -> memref<1x!tpu.dma_semaphore, #tpu.memory_space<semaphore_mem>>
        %dma_start3A_521 = tpu.memref_squeeze %dma_start3A_520 : memref<1x!tpu.dma_semaphore, #tpu.memory_space<semaphore_mem>> -> memref<!tpu.dma_semaphore, #tpu.memory_space<semaphore_mem>>
        tpu.enqueue_indirect_dma source(%dma_start3A_519 : memref<50000x64xf32, #tpu.memory_space<hbm>>) target(%dma_start3A_515 : memref<128x64xf32, #tpu.memory_space<vmem>>) offsets(%dma_start3A_516 : memref<128xi32, #tpu.memory_space<vmem>>) semaphore(%dma_start3A_521 : memref<!tpu.dma_semaphore, #tpu.memory_space<semaphore_mem>>)
      } else {
      }
      %add3A_453 = arith.constant 5 : i32
      %add3A_454 = arith.addi %mul3A_234, %add3A_453 : i32
      %add3A_455 = arith.constant 8 : i32
      %add3A_456 = arith.addi %add3A_454, %add3A_455 : i32
      %lt3A_457 = arith.cmpi slt, %add3A_456, %add3A_112 : i32
      %convert_element_type3A_458 = arith.extui %lt3A_457 : i1 to i32
      %cond3A_459 = arith.constant 0 : i32
      %cond3A_460 = arith.cmpi ne, %convert_element_type3A_458, %cond3A_459 : i32
      scf.if %cond3A_460 {
        %dma_wait3A = arith.constant 0 : i32
        %dma_wait3A_508 = arith.constant 5 : i32
        %dma_wait3A_509 = arith.constant 0 : i32
        %dma_wait3A_510 = arith.constant 0 : i32
        %dma_wait3A_511 = tpu.memref_slice %arg11[%dma_wait3A, %dma_wait3A_509, %dma_wait3A_510] : memref<8x128x64xf32, #tpu.memory_space<vmem>> -> memref<1x128x64xf32, #tpu.memory_space<vmem>>
        %dma_wait3A_512 = tpu.memref_squeeze %dma_wait3A_511 : memref<1x128x64xf32, #tpu.memory_space<vmem>> -> memref<128x64xf32, #tpu.memory_space<vmem>>
        %dma_wait3A_513 = arith.constant 0 : i32
        %dma_wait3A_514 = arith.constant 0 : i32
        %dma_wait3A_515 = tpu.memref_slice %arg3[%dma_wait3A_513, %dma_wait3A_514] : memref<50000x64xf32, #tpu.memory_space<hbm>> -> memref<128x64xf32, #tpu.memory_space<hbm>>
        %dma_wait3A_516 = tpu.memref_slice %arg13[%dma_wait3A_508] : memref<8x!tpu.dma_semaphore, #tpu.memory_space<semaphore_mem>> -> memref<1x!tpu.dma_semaphore, #tpu.memory_space<semaphore_mem>>
        %dma_wait3A_517 = tpu.memref_squeeze %dma_wait3A_516 : memref<1x!tpu.dma_semaphore, #tpu.memory_space<semaphore_mem>> -> memref<!tpu.dma_semaphore, #tpu.memory_space<semaphore_mem>>
        %dma_wait3A_518 = arith.constant 0 : i32
        %dma_wait3A_519 = arith.constant 0 : i32
        %dma_wait3A_520 = tpu.memref_slice %arg11[%dma_wait3A, %dma_wait3A_518, %dma_wait3A_519] : memref<8x128x64xf32, #tpu.memory_space<vmem>> -> memref<1x128x64xf32, #tpu.memory_space<vmem>>
        %dma_wait3A_521 = tpu.memref_squeeze %dma_wait3A_520 : memref<1x128x64xf32, #tpu.memory_space<vmem>> -> memref<128x64xf32, #tpu.memory_space<vmem>>
        %dma_wait3A_522 = arith.constant 0 : i32
        %dma_wait3A_523 = arith.constant 0 : i32
        %dma_wait3A_524 = tpu.memref_slice %arg3[%dma_wait3A_522, %dma_wait3A_523] : memref<50000x64xf32, #tpu.memory_space<hbm>> -> memref<128x64xf32, #tpu.memory_space<hbm>>
        tpu.wait_dma2 semaphore(%dma_wait3A_517 : memref<!tpu.dma_semaphore, #tpu.memory_space<semaphore_mem>>) src(%dma_wait3A_524 : memref<128x64xf32, #tpu.memory_space<hbm>>) dst(%dma_wait3A_521 : memref<128x64xf32, #tpu.memory_space<vmem>>)
      } else {
      }
      %lt3A_461 = arith.cmpi slt, %add3A_456, %select_n3A : i32
      %convert_element_type3A_462 = arith.extui %lt3A_461 : i1 to i32
      %cond3A_463 = arith.constant 0 : i32
      %cond3A_464 = arith.cmpi ne, %convert_element_type3A_462, %cond3A_463 : i32
      scf.if %cond3A_464 {
        %mul3A_508 = arith.constant 128 : i32
        %mul3A_509 = arith.muli %add3A_456, %mul3A_508 : i32
        %dma_start3A = arith.constant 5 : i32
        %dma_start3A_510 = arith.constant 5 : i32
        %dma_start3A_511 = arith.constant 0 : i32
        %dma_start3A_512 = arith.constant 0 : i32
        %dma_start3A_513 = tpu.memref_slice %arg11[%dma_start3A, %dma_start3A_511, %dma_start3A_512] : memref<8x128x64xf32, #tpu.memory_space<vmem>> -> memref<1x128x64xf32, #tpu.memory_space<vmem>>
        %dma_start3A_514 = tpu.memref_squeeze %dma_start3A_513 : memref<1x128x64xf32, #tpu.memory_space<vmem>> -> memref<128x64xf32, #tpu.memory_space<vmem>>
        %dma_start3A_515 = tpu.memref_slice %arg6[%mul3A_509] : memref<6528xi32, #tpu.memory_space<vmem>> -> memref<128xi32, #tpu.memory_space<vmem>>
        %dma_start3A_516 = arith.constant 0 : i32
        %dma_start3A_517 = arith.constant 0 : i32
        %dma_start3A_518 = tpu.memref_slice %arg3[%dma_start3A_516, %dma_start3A_517] : memref<50000x64xf32, #tpu.memory_space<hbm>> -> memref<50000x64xf32, #tpu.memory_space<hbm>>
        %dma_start3A_519 = tpu.memref_slice %arg12[%dma_start3A_510] : memref<8x!tpu.dma_semaphore, #tpu.memory_space<semaphore_mem>> -> memref<1x!tpu.dma_semaphore, #tpu.memory_space<semaphore_mem>>
        %dma_start3A_520 = tpu.memref_squeeze %dma_start3A_519 : memref<1x!tpu.dma_semaphore, #tpu.memory_space<semaphore_mem>> -> memref<!tpu.dma_semaphore, #tpu.memory_space<semaphore_mem>>
        tpu.enqueue_indirect_dma source(%dma_start3A_518 : memref<50000x64xf32, #tpu.memory_space<hbm>>) target(%dma_start3A_514 : memref<128x64xf32, #tpu.memory_space<vmem>>) offsets(%dma_start3A_515 : memref<128xi32, #tpu.memory_space<vmem>>) semaphore(%dma_start3A_520 : memref<!tpu.dma_semaphore, #tpu.memory_space<semaphore_mem>>)
      } else {
      }
      %ge3A_465 = arith.cmpi sge, %add3A_456, %select_n3A : i32
      %lt3A_466 = arith.cmpi slt, %add3A_456, %add3A_112 : i32
      %and3A_467 = arith.andi %ge3A_465, %lt3A_466 : i1
      %convert_element_type3A_468 = arith.extui %and3A_467 : i1 to i32
      %cond3A_469 = arith.constant 0 : i32
      %cond3A_470 = arith.cmpi ne, %convert_element_type3A_468, %cond3A_469 : i32
      scf.if %cond3A_470 {
        %sub3A_508 = arith.subi %add3A_456, %select_n3A : i32
        %mul3A_509 = arith.constant 128 : i32
        %mul3A_510 = arith.muli %sub3A_508, %mul3A_509 : i32
        %dma_start3A = arith.constant 5 : i32
        %dma_start3A_511 = arith.constant 5 : i32
        %dma_start3A_512 = arith.constant 0 : i32
        %dma_start3A_513 = arith.constant 0 : i32
        %dma_start3A_514 = tpu.memref_slice %arg11[%dma_start3A, %dma_start3A_512, %dma_start3A_513] : memref<8x128x64xf32, #tpu.memory_space<vmem>> -> memref<1x128x64xf32, #tpu.memory_space<vmem>>
        %dma_start3A_515 = tpu.memref_squeeze %dma_start3A_514 : memref<1x128x64xf32, #tpu.memory_space<vmem>> -> memref<128x64xf32, #tpu.memory_space<vmem>>
        %dma_start3A_516 = tpu.memref_slice %arg7[%mul3A_510] : memref<6528xi32, #tpu.memory_space<vmem>> -> memref<128xi32, #tpu.memory_space<vmem>>
        %dma_start3A_517 = arith.constant 0 : i32
        %dma_start3A_518 = arith.constant 0 : i32
        %dma_start3A_519 = tpu.memref_slice %arg4[%dma_start3A_517, %dma_start3A_518] : memref<50000x64xf32, #tpu.memory_space<hbm>> -> memref<50000x64xf32, #tpu.memory_space<hbm>>
        %dma_start3A_520 = tpu.memref_slice %arg12[%dma_start3A_511] : memref<8x!tpu.dma_semaphore, #tpu.memory_space<semaphore_mem>> -> memref<1x!tpu.dma_semaphore, #tpu.memory_space<semaphore_mem>>
        %dma_start3A_521 = tpu.memref_squeeze %dma_start3A_520 : memref<1x!tpu.dma_semaphore, #tpu.memory_space<semaphore_mem>> -> memref<!tpu.dma_semaphore, #tpu.memory_space<semaphore_mem>>
        tpu.enqueue_indirect_dma source(%dma_start3A_519 : memref<50000x64xf32, #tpu.memory_space<hbm>>) target(%dma_start3A_515 : memref<128x64xf32, #tpu.memory_space<vmem>>) offsets(%dma_start3A_516 : memref<128xi32, #tpu.memory_space<vmem>>) semaphore(%dma_start3A_521 : memref<!tpu.dma_semaphore, #tpu.memory_space<semaphore_mem>>)
      } else {
      }
      %add3A_471 = arith.constant 6 : i32
      %add3A_472 = arith.addi %mul3A_234, %add3A_471 : i32
      %add3A_473 = arith.constant 8 : i32
      %add3A_474 = arith.addi %add3A_472, %add3A_473 : i32
      %lt3A_475 = arith.cmpi slt, %add3A_474, %add3A_112 : i32
      %convert_element_type3A_476 = arith.extui %lt3A_475 : i1 to i32
      %cond3A_477 = arith.constant 0 : i32
      %cond3A_478 = arith.cmpi ne, %convert_element_type3A_476, %cond3A_477 : i32
      scf.if %cond3A_478 {
        %dma_wait3A = arith.constant 0 : i32
        %dma_wait3A_508 = arith.constant 6 : i32
        %dma_wait3A_509 = arith.constant 0 : i32
        %dma_wait3A_510 = arith.constant 0 : i32
        %dma_wait3A_511 = tpu.memref_slice %arg11[%dma_wait3A, %dma_wait3A_509, %dma_wait3A_510] : memref<8x128x64xf32, #tpu.memory_space<vmem>> -> memref<1x128x64xf32, #tpu.memory_space<vmem>>
        %dma_wait3A_512 = tpu.memref_squeeze %dma_wait3A_511 : memref<1x128x64xf32, #tpu.memory_space<vmem>> -> memref<128x64xf32, #tpu.memory_space<vmem>>
        %dma_wait3A_513 = arith.constant 0 : i32
        %dma_wait3A_514 = arith.constant 0 : i32
        %dma_wait3A_515 = tpu.memref_slice %arg3[%dma_wait3A_513, %dma_wait3A_514] : memref<50000x64xf32, #tpu.memory_space<hbm>> -> memref<128x64xf32, #tpu.memory_space<hbm>>
        %dma_wait3A_516 = tpu.memref_slice %arg13[%dma_wait3A_508] : memref<8x!tpu.dma_semaphore, #tpu.memory_space<semaphore_mem>> -> memref<1x!tpu.dma_semaphore, #tpu.memory_space<semaphore_mem>>
        %dma_wait3A_517 = tpu.memref_squeeze %dma_wait3A_516 : memref<1x!tpu.dma_semaphore, #tpu.memory_space<semaphore_mem>> -> memref<!tpu.dma_semaphore, #tpu.memory_space<semaphore_mem>>
        %dma_wait3A_518 = arith.constant 0 : i32
        %dma_wait3A_519 = arith.constant 0 : i32
        %dma_wait3A_520 = tpu.memref_slice %arg11[%dma_wait3A, %dma_wait3A_518, %dma_wait3A_519] : memref<8x128x64xf32, #tpu.memory_space<vmem>> -> memref<1x128x64xf32, #tpu.memory_space<vmem>>
        %dma_wait3A_521 = tpu.memref_squeeze %dma_wait3A_520 : memref<1x128x64xf32, #tpu.memory_space<vmem>> -> memref<128x64xf32, #tpu.memory_space<vmem>>
        %dma_wait3A_522 = arith.constant 0 : i32
        %dma_wait3A_523 = arith.constant 0 : i32
        %dma_wait3A_524 = tpu.memref_slice %arg3[%dma_wait3A_522, %dma_wait3A_523] : memref<50000x64xf32, #tpu.memory_space<hbm>> -> memref<128x64xf32, #tpu.memory_space<hbm>>
        tpu.wait_dma2 semaphore(%dma_wait3A_517 : memref<!tpu.dma_semaphore, #tpu.memory_space<semaphore_mem>>) src(%dma_wait3A_524 : memref<128x64xf32, #tpu.memory_space<hbm>>) dst(%dma_wait3A_521 : memref<128x64xf32, #tpu.memory_space<vmem>>)
      } else {
      }
      %lt3A_479 = arith.cmpi slt, %add3A_474, %select_n3A : i32
      %convert_element_type3A_480 = arith.extui %lt3A_479 : i1 to i32
      %cond3A_481 = arith.constant 0 : i32
      %cond3A_482 = arith.cmpi ne, %convert_element_type3A_480, %cond3A_481 : i32
      scf.if %cond3A_482 {
        %mul3A_508 = arith.constant 128 : i32
        %mul3A_509 = arith.muli %add3A_474, %mul3A_508 : i32
        %dma_start3A = arith.constant 6 : i32
        %dma_start3A_510 = arith.constant 6 : i32
        %dma_start3A_511 = arith.constant 0 : i32
        %dma_start3A_512 = arith.constant 0 : i32
        %dma_start3A_513 = tpu.memref_slice %arg11[%dma_start3A, %dma_start3A_511, %dma_start3A_512] : memref<8x128x64xf32, #tpu.memory_space<vmem>> -> memref<1x128x64xf32, #tpu.memory_space<vmem>>
        %dma_start3A_514 = tpu.memref_squeeze %dma_start3A_513 : memref<1x128x64xf32, #tpu.memory_space<vmem>> -> memref<128x64xf32, #tpu.memory_space<vmem>>
        %dma_start3A_515 = tpu.memref_slice %arg6[%mul3A_509] : memref<6528xi32, #tpu.memory_space<vmem>> -> memref<128xi32, #tpu.memory_space<vmem>>
        %dma_start3A_516 = arith.constant 0 : i32
        %dma_start3A_517 = arith.constant 0 : i32
        %dma_start3A_518 = tpu.memref_slice %arg3[%dma_start3A_516, %dma_start3A_517] : memref<50000x64xf32, #tpu.memory_space<hbm>> -> memref<50000x64xf32, #tpu.memory_space<hbm>>
        %dma_start3A_519 = tpu.memref_slice %arg12[%dma_start3A_510] : memref<8x!tpu.dma_semaphore, #tpu.memory_space<semaphore_mem>> -> memref<1x!tpu.dma_semaphore, #tpu.memory_space<semaphore_mem>>
        %dma_start3A_520 = tpu.memref_squeeze %dma_start3A_519 : memref<1x!tpu.dma_semaphore, #tpu.memory_space<semaphore_mem>> -> memref<!tpu.dma_semaphore, #tpu.memory_space<semaphore_mem>>
        tpu.enqueue_indirect_dma source(%dma_start3A_518 : memref<50000x64xf32, #tpu.memory_space<hbm>>) target(%dma_start3A_514 : memref<128x64xf32, #tpu.memory_space<vmem>>) offsets(%dma_start3A_515 : memref<128xi32, #tpu.memory_space<vmem>>) semaphore(%dma_start3A_520 : memref<!tpu.dma_semaphore, #tpu.memory_space<semaphore_mem>>)
      } else {
      }
      %ge3A_483 = arith.cmpi sge, %add3A_474, %select_n3A : i32
      %lt3A_484 = arith.cmpi slt, %add3A_474, %add3A_112 : i32
      %and3A_485 = arith.andi %ge3A_483, %lt3A_484 : i1
      %convert_element_type3A_486 = arith.extui %and3A_485 : i1 to i32
      %cond3A_487 = arith.constant 0 : i32
      %cond3A_488 = arith.cmpi ne, %convert_element_type3A_486, %cond3A_487 : i32
      scf.if %cond3A_488 {
        %sub3A_508 = arith.subi %add3A_474, %select_n3A : i32
        %mul3A_509 = arith.constant 128 : i32
        %mul3A_510 = arith.muli %sub3A_508, %mul3A_509 : i32
        %dma_start3A = arith.constant 6 : i32
        %dma_start3A_511 = arith.constant 6 : i32
        %dma_start3A_512 = arith.constant 0 : i32
        %dma_start3A_513 = arith.constant 0 : i32
        %dma_start3A_514 = tpu.memref_slice %arg11[%dma_start3A, %dma_start3A_512, %dma_start3A_513] : memref<8x128x64xf32, #tpu.memory_space<vmem>> -> memref<1x128x64xf32, #tpu.memory_space<vmem>>
        %dma_start3A_515 = tpu.memref_squeeze %dma_start3A_514 : memref<1x128x64xf32, #tpu.memory_space<vmem>> -> memref<128x64xf32, #tpu.memory_space<vmem>>
        %dma_start3A_516 = tpu.memref_slice %arg7[%mul3A_510] : memref<6528xi32, #tpu.memory_space<vmem>> -> memref<128xi32, #tpu.memory_space<vmem>>
        %dma_start3A_517 = arith.constant 0 : i32
        %dma_start3A_518 = arith.constant 0 : i32
        %dma_start3A_519 = tpu.memref_slice %arg4[%dma_start3A_517, %dma_start3A_518] : memref<50000x64xf32, #tpu.memory_space<hbm>> -> memref<50000x64xf32, #tpu.memory_space<hbm>>
        %dma_start3A_520 = tpu.memref_slice %arg12[%dma_start3A_511] : memref<8x!tpu.dma_semaphore, #tpu.memory_space<semaphore_mem>> -> memref<1x!tpu.dma_semaphore, #tpu.memory_space<semaphore_mem>>
        %dma_start3A_521 = tpu.memref_squeeze %dma_start3A_520 : memref<1x!tpu.dma_semaphore, #tpu.memory_space<semaphore_mem>> -> memref<!tpu.dma_semaphore, #tpu.memory_space<semaphore_mem>>
        tpu.enqueue_indirect_dma source(%dma_start3A_519 : memref<50000x64xf32, #tpu.memory_space<hbm>>) target(%dma_start3A_515 : memref<128x64xf32, #tpu.memory_space<vmem>>) offsets(%dma_start3A_516 : memref<128xi32, #tpu.memory_space<vmem>>) semaphore(%dma_start3A_521 : memref<!tpu.dma_semaphore, #tpu.memory_space<semaphore_mem>>)
      } else {
      }
      %add3A_489 = arith.constant 7 : i32
      %add3A_490 = arith.addi %mul3A_234, %add3A_489 : i32
      %add3A_491 = arith.constant 8 : i32
      %add3A_492 = arith.addi %add3A_490, %add3A_491 : i32
      %lt3A_493 = arith.cmpi slt, %add3A_492, %add3A_112 : i32
      %convert_element_type3A_494 = arith.extui %lt3A_493 : i1 to i32
      %cond3A_495 = arith.constant 0 : i32
      %cond3A_496 = arith.cmpi ne, %convert_element_type3A_494, %cond3A_495 : i32
      scf.if %cond3A_496 {
        %dma_wait3A = arith.constant 0 : i32
        %dma_wait3A_508 = arith.constant 7 : i32
        %dma_wait3A_509 = arith.constant 0 : i32
        %dma_wait3A_510 = arith.constant 0 : i32
        %dma_wait3A_511 = tpu.memref_slice %arg11[%dma_wait3A, %dma_wait3A_509, %dma_wait3A_510] : memref<8x128x64xf32, #tpu.memory_space<vmem>> -> memref<1x128x64xf32, #tpu.memory_space<vmem>>
        %dma_wait3A_512 = tpu.memref_squeeze %dma_wait3A_511 : memref<1x128x64xf32, #tpu.memory_space<vmem>> -> memref<128x64xf32, #tpu.memory_space<vmem>>
        %dma_wait3A_513 = arith.constant 0 : i32
        %dma_wait3A_514 = arith.constant 0 : i32
        %dma_wait3A_515 = tpu.memref_slice %arg3[%dma_wait3A_513, %dma_wait3A_514] : memref<50000x64xf32, #tpu.memory_space<hbm>> -> memref<128x64xf32, #tpu.memory_space<hbm>>
        %dma_wait3A_516 = tpu.memref_slice %arg13[%dma_wait3A_508] : memref<8x!tpu.dma_semaphore, #tpu.memory_space<semaphore_mem>> -> memref<1x!tpu.dma_semaphore, #tpu.memory_space<semaphore_mem>>
        %dma_wait3A_517 = tpu.memref_squeeze %dma_wait3A_516 : memref<1x!tpu.dma_semaphore, #tpu.memory_space<semaphore_mem>> -> memref<!tpu.dma_semaphore, #tpu.memory_space<semaphore_mem>>
        %dma_wait3A_518 = arith.constant 0 : i32
        %dma_wait3A_519 = arith.constant 0 : i32
        %dma_wait3A_520 = tpu.memref_slice %arg11[%dma_wait3A, %dma_wait3A_518, %dma_wait3A_519] : memref<8x128x64xf32, #tpu.memory_space<vmem>> -> memref<1x128x64xf32, #tpu.memory_space<vmem>>
        %dma_wait3A_521 = tpu.memref_squeeze %dma_wait3A_520 : memref<1x128x64xf32, #tpu.memory_space<vmem>> -> memref<128x64xf32, #tpu.memory_space<vmem>>
        %dma_wait3A_522 = arith.constant 0 : i32
        %dma_wait3A_523 = arith.constant 0 : i32
        %dma_wait3A_524 = tpu.memref_slice %arg3[%dma_wait3A_522, %dma_wait3A_523] : memref<50000x64xf32, #tpu.memory_space<hbm>> -> memref<128x64xf32, #tpu.memory_space<hbm>>
        tpu.wait_dma2 semaphore(%dma_wait3A_517 : memref<!tpu.dma_semaphore, #tpu.memory_space<semaphore_mem>>) src(%dma_wait3A_524 : memref<128x64xf32, #tpu.memory_space<hbm>>) dst(%dma_wait3A_521 : memref<128x64xf32, #tpu.memory_space<vmem>>)
      } else {
      }
      %lt3A_497 = arith.cmpi slt, %add3A_492, %select_n3A : i32
      %convert_element_type3A_498 = arith.extui %lt3A_497 : i1 to i32
      %cond3A_499 = arith.constant 0 : i32
      %cond3A_500 = arith.cmpi ne, %convert_element_type3A_498, %cond3A_499 : i32
      scf.if %cond3A_500 {
        %mul3A_508 = arith.constant 128 : i32
        %mul3A_509 = arith.muli %add3A_492, %mul3A_508 : i32
        %dma_start3A = arith.constant 7 : i32
        %dma_start3A_510 = arith.constant 7 : i32
        %dma_start3A_511 = arith.constant 0 : i32
        %dma_start3A_512 = arith.constant 0 : i32
        %dma_start3A_513 = tpu.memref_slice %arg11[%dma_start3A, %dma_start3A_511, %dma_start3A_512] : memref<8x128x64xf32, #tpu.memory_space<vmem>> -> memref<1x128x64xf32, #tpu.memory_space<vmem>>
        %dma_start3A_514 = tpu.memref_squeeze %dma_start3A_513 : memref<1x128x64xf32, #tpu.memory_space<vmem>> -> memref<128x64xf32, #tpu.memory_space<vmem>>
        %dma_start3A_515 = tpu.memref_slice %arg6[%mul3A_509] : memref<6528xi32, #tpu.memory_space<vmem>> -> memref<128xi32, #tpu.memory_space<vmem>>
        %dma_start3A_516 = arith.constant 0 : i32
        %dma_start3A_517 = arith.constant 0 : i32
        %dma_start3A_518 = tpu.memref_slice %arg3[%dma_start3A_516, %dma_start3A_517] : memref<50000x64xf32, #tpu.memory_space<hbm>> -> memref<50000x64xf32, #tpu.memory_space<hbm>>
        %dma_start3A_519 = tpu.memref_slice %arg12[%dma_start3A_510] : memref<8x!tpu.dma_semaphore, #tpu.memory_space<semaphore_mem>> -> memref<1x!tpu.dma_semaphore, #tpu.memory_space<semaphore_mem>>
        %dma_start3A_520 = tpu.memref_squeeze %dma_start3A_519 : memref<1x!tpu.dma_semaphore, #tpu.memory_space<semaphore_mem>> -> memref<!tpu.dma_semaphore, #tpu.memory_space<semaphore_mem>>
        tpu.enqueue_indirect_dma source(%dma_start3A_518 : memref<50000x64xf32, #tpu.memory_space<hbm>>) target(%dma_start3A_514 : memref<128x64xf32, #tpu.memory_space<vmem>>) offsets(%dma_start3A_515 : memref<128xi32, #tpu.memory_space<vmem>>) semaphore(%dma_start3A_520 : memref<!tpu.dma_semaphore, #tpu.memory_space<semaphore_mem>>)
      } else {
      }
      %ge3A_501 = arith.cmpi sge, %add3A_492, %select_n3A : i32
      %lt3A_502 = arith.cmpi slt, %add3A_492, %add3A_112 : i32
      %and3A_503 = arith.andi %ge3A_501, %lt3A_502 : i1
      %convert_element_type3A_504 = arith.extui %and3A_503 : i1 to i32
      %cond3A_505 = arith.constant 0 : i32
      %cond3A_506 = arith.cmpi ne, %convert_element_type3A_504, %cond3A_505 : i32
      scf.if %cond3A_506 {
        %sub3A_508 = arith.subi %add3A_492, %select_n3A : i32
        %mul3A_509 = arith.constant 128 : i32
        %mul3A_510 = arith.muli %sub3A_508, %mul3A_509 : i32
        %dma_start3A = arith.constant 7 : i32
        %dma_start3A_511 = arith.constant 7 : i32
        %dma_start3A_512 = arith.constant 0 : i32
        %dma_start3A_513 = arith.constant 0 : i32
        %dma_start3A_514 = tpu.memref_slice %arg11[%dma_start3A, %dma_start3A_512, %dma_start3A_513] : memref<8x128x64xf32, #tpu.memory_space<vmem>> -> memref<1x128x64xf32, #tpu.memory_space<vmem>>
        %dma_start3A_515 = tpu.memref_squeeze %dma_start3A_514 : memref<1x128x64xf32, #tpu.memory_space<vmem>> -> memref<128x64xf32, #tpu.memory_space<vmem>>
        %dma_start3A_516 = tpu.memref_slice %arg7[%mul3A_510] : memref<6528xi32, #tpu.memory_space<vmem>> -> memref<128xi32, #tpu.memory_space<vmem>>
        %dma_start3A_517 = arith.constant 0 : i32
        %dma_start3A_518 = arith.constant 0 : i32
        %dma_start3A_519 = tpu.memref_slice %arg4[%dma_start3A_517, %dma_start3A_518] : memref<50000x64xf32, #tpu.memory_space<hbm>> -> memref<50000x64xf32, #tpu.memory_space<hbm>>
        %dma_start3A_520 = tpu.memref_slice %arg12[%dma_start3A_511] : memref<8x!tpu.dma_semaphore, #tpu.memory_space<semaphore_mem>> -> memref<1x!tpu.dma_semaphore, #tpu.memory_space<semaphore_mem>>
        %dma_start3A_521 = tpu.memref_squeeze %dma_start3A_520 : memref<1x!tpu.dma_semaphore, #tpu.memory_space<semaphore_mem>> -> memref<!tpu.dma_semaphore, #tpu.memory_space<semaphore_mem>>
        tpu.enqueue_indirect_dma source(%dma_start3A_519 : memref<50000x64xf32, #tpu.memory_space<hbm>>) target(%dma_start3A_515 : memref<128x64xf32, #tpu.memory_space<vmem>>) offsets(%dma_start3A_516 : memref<128xi32, #tpu.memory_space<vmem>>) semaphore(%dma_start3A_521 : memref<!tpu.dma_semaphore, #tpu.memory_space<semaphore_mem>>)
      } else {
      }
      %while3A_507 = arith.constant 0 : i32
      scf.yield %while3A_507 : i32
    }
    %gt3A_191 = arith.constant 0 : i32
    %gt3A_192 = arith.cmpi sgt, %add3A_112, %gt3A_191 : i32
    %convert_element_type3A_193 = arith.extui %gt3A_192 : i1 to i32
    %cond3A_194 = arith.constant 0 : i32
    %cond3A_195 = arith.cmpi ne, %convert_element_type3A_193, %cond3A_194 : i32
    scf.if %cond3A_195 {
      %dma_wait3A = arith.constant 0 : i32
      %dma_wait3A_231 = arith.constant 0 : i32
      %dma_wait3A_232 = arith.constant 0 : i32
      %dma_wait3A_233 = arith.constant 0 : i32
      %dma_wait3A_234 = tpu.memref_slice %arg11[%dma_wait3A, %dma_wait3A_232, %dma_wait3A_233] : memref<8x128x64xf32, #tpu.memory_space<vmem>> -> memref<1x128x64xf32, #tpu.memory_space<vmem>>
      %dma_wait3A_235 = tpu.memref_squeeze %dma_wait3A_234 : memref<1x128x64xf32, #tpu.memory_space<vmem>> -> memref<128x64xf32, #tpu.memory_space<vmem>>
      %dma_wait3A_236 = arith.constant 0 : i32
      %dma_wait3A_237 = arith.constant 0 : i32
      %dma_wait3A_238 = tpu.memref_slice %arg3[%dma_wait3A_236, %dma_wait3A_237] : memref<50000x64xf32, #tpu.memory_space<hbm>> -> memref<128x64xf32, #tpu.memory_space<hbm>>
      %dma_wait3A_239 = tpu.memref_slice %arg13[%dma_wait3A_231] : memref<8x!tpu.dma_semaphore, #tpu.memory_space<semaphore_mem>> -> memref<1x!tpu.dma_semaphore, #tpu.memory_space<semaphore_mem>>
      %dma_wait3A_240 = tpu.memref_squeeze %dma_wait3A_239 : memref<1x!tpu.dma_semaphore, #tpu.memory_space<semaphore_mem>> -> memref<!tpu.dma_semaphore, #tpu.memory_space<semaphore_mem>>
      %dma_wait3A_241 = arith.constant 0 : i32
      %dma_wait3A_242 = arith.constant 0 : i32
      %dma_wait3A_243 = tpu.memref_slice %arg11[%dma_wait3A, %dma_wait3A_241, %dma_wait3A_242] : memref<8x128x64xf32, #tpu.memory_space<vmem>> -> memref<1x128x64xf32, #tpu.memory_space<vmem>>
      %dma_wait3A_244 = tpu.memref_squeeze %dma_wait3A_243 : memref<1x128x64xf32, #tpu.memory_space<vmem>> -> memref<128x64xf32, #tpu.memory_space<vmem>>
      %dma_wait3A_245 = arith.constant 0 : i32
      %dma_wait3A_246 = arith.constant 0 : i32
      %dma_wait3A_247 = tpu.memref_slice %arg3[%dma_wait3A_245, %dma_wait3A_246] : memref<50000x64xf32, #tpu.memory_space<hbm>> -> memref<128x64xf32, #tpu.memory_space<hbm>>
      tpu.wait_dma2 semaphore(%dma_wait3A_240 : memref<!tpu.dma_semaphore, #tpu.memory_space<semaphore_mem>>) src(%dma_wait3A_247 : memref<128x64xf32, #tpu.memory_space<hbm>>) dst(%dma_wait3A_244 : memref<128x64xf32, #tpu.memory_space<vmem>>)
    } else {
    }
    %gt3A_196 = arith.constant 1 : i32
    %gt3A_197 = arith.cmpi sgt, %add3A_112, %gt3A_196 : i32
    %convert_element_type3A_198 = arith.extui %gt3A_197 : i1 to i32
    %cond3A_199 = arith.constant 0 : i32
    %cond3A_200 = arith.cmpi ne, %convert_element_type3A_198, %cond3A_199 : i32
    scf.if %cond3A_200 {
      %dma_wait3A = arith.constant 0 : i32
      %dma_wait3A_231 = arith.constant 1 : i32
      %dma_wait3A_232 = arith.constant 0 : i32
      %dma_wait3A_233 = arith.constant 0 : i32
      %dma_wait3A_234 = tpu.memref_slice %arg11[%dma_wait3A, %dma_wait3A_232, %dma_wait3A_233] : memref<8x128x64xf32, #tpu.memory_space<vmem>> -> memref<1x128x64xf32, #tpu.memory_space<vmem>>
      %dma_wait3A_235 = tpu.memref_squeeze %dma_wait3A_234 : memref<1x128x64xf32, #tpu.memory_space<vmem>> -> memref<128x64xf32, #tpu.memory_space<vmem>>
      %dma_wait3A_236 = arith.constant 0 : i32
      %dma_wait3A_237 = arith.constant 0 : i32
      %dma_wait3A_238 = tpu.memref_slice %arg3[%dma_wait3A_236, %dma_wait3A_237] : memref<50000x64xf32, #tpu.memory_space<hbm>> -> memref<128x64xf32, #tpu.memory_space<hbm>>
      %dma_wait3A_239 = tpu.memref_slice %arg13[%dma_wait3A_231] : memref<8x!tpu.dma_semaphore, #tpu.memory_space<semaphore_mem>> -> memref<1x!tpu.dma_semaphore, #tpu.memory_space<semaphore_mem>>
      %dma_wait3A_240 = tpu.memref_squeeze %dma_wait3A_239 : memref<1x!tpu.dma_semaphore, #tpu.memory_space<semaphore_mem>> -> memref<!tpu.dma_semaphore, #tpu.memory_space<semaphore_mem>>
      %dma_wait3A_241 = arith.constant 0 : i32
      %dma_wait3A_242 = arith.constant 0 : i32
      %dma_wait3A_243 = tpu.memref_slice %arg11[%dma_wait3A, %dma_wait3A_241, %dma_wait3A_242] : memref<8x128x64xf32, #tpu.memory_space<vmem>> -> memref<1x128x64xf32, #tpu.memory_space<vmem>>
      %dma_wait3A_244 = tpu.memref_squeeze %dma_wait3A_243 : memref<1x128x64xf32, #tpu.memory_space<vmem>> -> memref<128x64xf32, #tpu.memory_space<vmem>>
      %dma_wait3A_245 = arith.constant 0 : i32
      %dma_wait3A_246 = arith.constant 0 : i32
      %dma_wait3A_247 = tpu.memref_slice %arg3[%dma_wait3A_245, %dma_wait3A_246] : memref<50000x64xf32, #tpu.memory_space<hbm>> -> memref<128x64xf32, #tpu.memory_space<hbm>>
      tpu.wait_dma2 semaphore(%dma_wait3A_240 : memref<!tpu.dma_semaphore, #tpu.memory_space<semaphore_mem>>) src(%dma_wait3A_247 : memref<128x64xf32, #tpu.memory_space<hbm>>) dst(%dma_wait3A_244 : memref<128x64xf32, #tpu.memory_space<vmem>>)
    } else {
    }
    %gt3A_201 = arith.constant 2 : i32
    %gt3A_202 = arith.cmpi sgt, %add3A_112, %gt3A_201 : i32
    %convert_element_type3A_203 = arith.extui %gt3A_202 : i1 to i32
    %cond3A_204 = arith.constant 0 : i32
    %cond3A_205 = arith.cmpi ne, %convert_element_type3A_203, %cond3A_204 : i32
    scf.if %cond3A_205 {
      %dma_wait3A = arith.constant 0 : i32
      %dma_wait3A_231 = arith.constant 2 : i32
      %dma_wait3A_232 = arith.constant 0 : i32
      %dma_wait3A_233 = arith.constant 0 : i32
      %dma_wait3A_234 = tpu.memref_slice %arg11[%dma_wait3A, %dma_wait3A_232, %dma_wait3A_233] : memref<8x128x64xf32, #tpu.memory_space<vmem>> -> memref<1x128x64xf32, #tpu.memory_space<vmem>>
      %dma_wait3A_235 = tpu.memref_squeeze %dma_wait3A_234 : memref<1x128x64xf32, #tpu.memory_space<vmem>> -> memref<128x64xf32, #tpu.memory_space<vmem>>
      %dma_wait3A_236 = arith.constant 0 : i32
      %dma_wait3A_237 = arith.constant 0 : i32
      %dma_wait3A_238 = tpu.memref_slice %arg3[%dma_wait3A_236, %dma_wait3A_237] : memref<50000x64xf32, #tpu.memory_space<hbm>> -> memref<128x64xf32, #tpu.memory_space<hbm>>
      %dma_wait3A_239 = tpu.memref_slice %arg13[%dma_wait3A_231] : memref<8x!tpu.dma_semaphore, #tpu.memory_space<semaphore_mem>> -> memref<1x!tpu.dma_semaphore, #tpu.memory_space<semaphore_mem>>
      %dma_wait3A_240 = tpu.memref_squeeze %dma_wait3A_239 : memref<1x!tpu.dma_semaphore, #tpu.memory_space<semaphore_mem>> -> memref<!tpu.dma_semaphore, #tpu.memory_space<semaphore_mem>>
      %dma_wait3A_241 = arith.constant 0 : i32
      %dma_wait3A_242 = arith.constant 0 : i32
      %dma_wait3A_243 = tpu.memref_slice %arg11[%dma_wait3A, %dma_wait3A_241, %dma_wait3A_242] : memref<8x128x64xf32, #tpu.memory_space<vmem>> -> memref<1x128x64xf32, #tpu.memory_space<vmem>>
      %dma_wait3A_244 = tpu.memref_squeeze %dma_wait3A_243 : memref<1x128x64xf32, #tpu.memory_space<vmem>> -> memref<128x64xf32, #tpu.memory_space<vmem>>
      %dma_wait3A_245 = arith.constant 0 : i32
      %dma_wait3A_246 = arith.constant 0 : i32
      %dma_wait3A_247 = tpu.memref_slice %arg3[%dma_wait3A_245, %dma_wait3A_246] : memref<50000x64xf32, #tpu.memory_space<hbm>> -> memref<128x64xf32, #tpu.memory_space<hbm>>
      tpu.wait_dma2 semaphore(%dma_wait3A_240 : memref<!tpu.dma_semaphore, #tpu.memory_space<semaphore_mem>>) src(%dma_wait3A_247 : memref<128x64xf32, #tpu.memory_space<hbm>>) dst(%dma_wait3A_244 : memref<128x64xf32, #tpu.memory_space<vmem>>)
    } else {
    }
    %gt3A_206 = arith.constant 3 : i32
    %gt3A_207 = arith.cmpi sgt, %add3A_112, %gt3A_206 : i32
    %convert_element_type3A_208 = arith.extui %gt3A_207 : i1 to i32
    %cond3A_209 = arith.constant 0 : i32
    %cond3A_210 = arith.cmpi ne, %convert_element_type3A_208, %cond3A_209 : i32
    scf.if %cond3A_210 {
      %dma_wait3A = arith.constant 0 : i32
      %dma_wait3A_231 = arith.constant 3 : i32
      %dma_wait3A_232 = arith.constant 0 : i32
      %dma_wait3A_233 = arith.constant 0 : i32
      %dma_wait3A_234 = tpu.memref_slice %arg11[%dma_wait3A, %dma_wait3A_232, %dma_wait3A_233] : memref<8x128x64xf32, #tpu.memory_space<vmem>> -> memref<1x128x64xf32, #tpu.memory_space<vmem>>
      %dma_wait3A_235 = tpu.memref_squeeze %dma_wait3A_234 : memref<1x128x64xf32, #tpu.memory_space<vmem>> -> memref<128x64xf32, #tpu.memory_space<vmem>>
      %dma_wait3A_236 = arith.constant 0 : i32
      %dma_wait3A_237 = arith.constant 0 : i32
      %dma_wait3A_238 = tpu.memref_slice %arg3[%dma_wait3A_236, %dma_wait3A_237] : memref<50000x64xf32, #tpu.memory_space<hbm>> -> memref<128x64xf32, #tpu.memory_space<hbm>>
      %dma_wait3A_239 = tpu.memref_slice %arg13[%dma_wait3A_231] : memref<8x!tpu.dma_semaphore, #tpu.memory_space<semaphore_mem>> -> memref<1x!tpu.dma_semaphore, #tpu.memory_space<semaphore_mem>>
      %dma_wait3A_240 = tpu.memref_squeeze %dma_wait3A_239 : memref<1x!tpu.dma_semaphore, #tpu.memory_space<semaphore_mem>> -> memref<!tpu.dma_semaphore, #tpu.memory_space<semaphore_mem>>
      %dma_wait3A_241 = arith.constant 0 : i32
      %dma_wait3A_242 = arith.constant 0 : i32
      %dma_wait3A_243 = tpu.memref_slice %arg11[%dma_wait3A, %dma_wait3A_241, %dma_wait3A_242] : memref<8x128x64xf32, #tpu.memory_space<vmem>> -> memref<1x128x64xf32, #tpu.memory_space<vmem>>
      %dma_wait3A_244 = tpu.memref_squeeze %dma_wait3A_243 : memref<1x128x64xf32, #tpu.memory_space<vmem>> -> memref<128x64xf32, #tpu.memory_space<vmem>>
      %dma_wait3A_245 = arith.constant 0 : i32
      %dma_wait3A_246 = arith.constant 0 : i32
      %dma_wait3A_247 = tpu.memref_slice %arg3[%dma_wait3A_245, %dma_wait3A_246] : memref<50000x64xf32, #tpu.memory_space<hbm>> -> memref<128x64xf32, #tpu.memory_space<hbm>>
      tpu.wait_dma2 semaphore(%dma_wait3A_240 : memref<!tpu.dma_semaphore, #tpu.memory_space<semaphore_mem>>) src(%dma_wait3A_247 : memref<128x64xf32, #tpu.memory_space<hbm>>) dst(%dma_wait3A_244 : memref<128x64xf32, #tpu.memory_space<vmem>>)
    } else {
    }
    %gt3A_211 = arith.constant 4 : i32
    %gt3A_212 = arith.cmpi sgt, %add3A_112, %gt3A_211 : i32
    %convert_element_type3A_213 = arith.extui %gt3A_212 : i1 to i32
    %cond3A_214 = arith.constant 0 : i32
    %cond3A_215 = arith.cmpi ne, %convert_element_type3A_213, %cond3A_214 : i32
    scf.if %cond3A_215 {
      %dma_wait3A = arith.constant 0 : i32
      %dma_wait3A_231 = arith.constant 4 : i32
      %dma_wait3A_232 = arith.constant 0 : i32
      %dma_wait3A_233 = arith.constant 0 : i32
      %dma_wait3A_234 = tpu.memref_slice %arg11[%dma_wait3A, %dma_wait3A_232, %dma_wait3A_233] : memref<8x128x64xf32, #tpu.memory_space<vmem>> -> memref<1x128x64xf32, #tpu.memory_space<vmem>>
      %dma_wait3A_235 = tpu.memref_squeeze %dma_wait3A_234 : memref<1x128x64xf32, #tpu.memory_space<vmem>> -> memref<128x64xf32, #tpu.memory_space<vmem>>
      %dma_wait3A_236 = arith.constant 0 : i32
      %dma_wait3A_237 = arith.constant 0 : i32
      %dma_wait3A_238 = tpu.memref_slice %arg3[%dma_wait3A_236, %dma_wait3A_237] : memref<50000x64xf32, #tpu.memory_space<hbm>> -> memref<128x64xf32, #tpu.memory_space<hbm>>
      %dma_wait3A_239 = tpu.memref_slice %arg13[%dma_wait3A_231] : memref<8x!tpu.dma_semaphore, #tpu.memory_space<semaphore_mem>> -> memref<1x!tpu.dma_semaphore, #tpu.memory_space<semaphore_mem>>
      %dma_wait3A_240 = tpu.memref_squeeze %dma_wait3A_239 : memref<1x!tpu.dma_semaphore, #tpu.memory_space<semaphore_mem>> -> memref<!tpu.dma_semaphore, #tpu.memory_space<semaphore_mem>>
      %dma_wait3A_241 = arith.constant 0 : i32
      %dma_wait3A_242 = arith.constant 0 : i32
      %dma_wait3A_243 = tpu.memref_slice %arg11[%dma_wait3A, %dma_wait3A_241, %dma_wait3A_242] : memref<8x128x64xf32, #tpu.memory_space<vmem>> -> memref<1x128x64xf32, #tpu.memory_space<vmem>>
      %dma_wait3A_244 = tpu.memref_squeeze %dma_wait3A_243 : memref<1x128x64xf32, #tpu.memory_space<vmem>> -> memref<128x64xf32, #tpu.memory_space<vmem>>
      %dma_wait3A_245 = arith.constant 0 : i32
      %dma_wait3A_246 = arith.constant 0 : i32
      %dma_wait3A_247 = tpu.memref_slice %arg3[%dma_wait3A_245, %dma_wait3A_246] : memref<50000x64xf32, #tpu.memory_space<hbm>> -> memref<128x64xf32, #tpu.memory_space<hbm>>
      tpu.wait_dma2 semaphore(%dma_wait3A_240 : memref<!tpu.dma_semaphore, #tpu.memory_space<semaphore_mem>>) src(%dma_wait3A_247 : memref<128x64xf32, #tpu.memory_space<hbm>>) dst(%dma_wait3A_244 : memref<128x64xf32, #tpu.memory_space<vmem>>)
    } else {
    }
    %gt3A_216 = arith.constant 5 : i32
    %gt3A_217 = arith.cmpi sgt, %add3A_112, %gt3A_216 : i32
    %convert_element_type3A_218 = arith.extui %gt3A_217 : i1 to i32
    %cond3A_219 = arith.constant 0 : i32
    %cond3A_220 = arith.cmpi ne, %convert_element_type3A_218, %cond3A_219 : i32
    scf.if %cond3A_220 {
      %dma_wait3A = arith.constant 0 : i32
      %dma_wait3A_231 = arith.constant 5 : i32
      %dma_wait3A_232 = arith.constant 0 : i32
      %dma_wait3A_233 = arith.constant 0 : i32
      %dma_wait3A_234 = tpu.memref_slice %arg11[%dma_wait3A, %dma_wait3A_232, %dma_wait3A_233] : memref<8x128x64xf32, #tpu.memory_space<vmem>> -> memref<1x128x64xf32, #tpu.memory_space<vmem>>
      %dma_wait3A_235 = tpu.memref_squeeze %dma_wait3A_234 : memref<1x128x64xf32, #tpu.memory_space<vmem>> -> memref<128x64xf32, #tpu.memory_space<vmem>>
      %dma_wait3A_236 = arith.constant 0 : i32
      %dma_wait3A_237 = arith.constant 0 : i32
      %dma_wait3A_238 = tpu.memref_slice %arg3[%dma_wait3A_236, %dma_wait3A_237] : memref<50000x64xf32, #tpu.memory_space<hbm>> -> memref<128x64xf32, #tpu.memory_space<hbm>>
      %dma_wait3A_239 = tpu.memref_slice %arg13[%dma_wait3A_231] : memref<8x!tpu.dma_semaphore, #tpu.memory_space<semaphore_mem>> -> memref<1x!tpu.dma_semaphore, #tpu.memory_space<semaphore_mem>>
      %dma_wait3A_240 = tpu.memref_squeeze %dma_wait3A_239 : memref<1x!tpu.dma_semaphore, #tpu.memory_space<semaphore_mem>> -> memref<!tpu.dma_semaphore, #tpu.memory_space<semaphore_mem>>
      %dma_wait3A_241 = arith.constant 0 : i32
      %dma_wait3A_242 = arith.constant 0 : i32
      %dma_wait3A_243 = tpu.memref_slice %arg11[%dma_wait3A, %dma_wait3A_241, %dma_wait3A_242] : memref<8x128x64xf32, #tpu.memory_space<vmem>> -> memref<1x128x64xf32, #tpu.memory_space<vmem>>
      %dma_wait3A_244 = tpu.memref_squeeze %dma_wait3A_243 : memref<1x128x64xf32, #tpu.memory_space<vmem>> -> memref<128x64xf32, #tpu.memory_space<vmem>>
      %dma_wait3A_245 = arith.constant 0 : i32
      %dma_wait3A_246 = arith.constant 0 : i32
      %dma_wait3A_247 = tpu.memref_slice %arg3[%dma_wait3A_245, %dma_wait3A_246] : memref<50000x64xf32, #tpu.memory_space<hbm>> -> memref<128x64xf32, #tpu.memory_space<hbm>>
      tpu.wait_dma2 semaphore(%dma_wait3A_240 : memref<!tpu.dma_semaphore, #tpu.memory_space<semaphore_mem>>) src(%dma_wait3A_247 : memref<128x64xf32, #tpu.memory_space<hbm>>) dst(%dma_wait3A_244 : memref<128x64xf32, #tpu.memory_space<vmem>>)
    } else {
    }
    %gt3A_221 = arith.constant 6 : i32
    %gt3A_222 = arith.cmpi sgt, %add3A_112, %gt3A_221 : i32
    %convert_element_type3A_223 = arith.extui %gt3A_222 : i1 to i32
    %cond3A_224 = arith.constant 0 : i32
    %cond3A_225 = arith.cmpi ne, %convert_element_type3A_223, %cond3A_224 : i32
    scf.if %cond3A_225 {
      %dma_wait3A = arith.constant 0 : i32
      %dma_wait3A_231 = arith.constant 6 : i32
      %dma_wait3A_232 = arith.constant 0 : i32
      %dma_wait3A_233 = arith.constant 0 : i32
      %dma_wait3A_234 = tpu.memref_slice %arg11[%dma_wait3A, %dma_wait3A_232, %dma_wait3A_233] : memref<8x128x64xf32, #tpu.memory_space<vmem>> -> memref<1x128x64xf32, #tpu.memory_space<vmem>>
      %dma_wait3A_235 = tpu.memref_squeeze %dma_wait3A_234 : memref<1x128x64xf32, #tpu.memory_space<vmem>> -> memref<128x64xf32, #tpu.memory_space<vmem>>
      %dma_wait3A_236 = arith.constant 0 : i32
      %dma_wait3A_237 = arith.constant 0 : i32
      %dma_wait3A_238 = tpu.memref_slice %arg3[%dma_wait3A_236, %dma_wait3A_237] : memref<50000x64xf32, #tpu.memory_space<hbm>> -> memref<128x64xf32, #tpu.memory_space<hbm>>
      %dma_wait3A_239 = tpu.memref_slice %arg13[%dma_wait3A_231] : memref<8x!tpu.dma_semaphore, #tpu.memory_space<semaphore_mem>> -> memref<1x!tpu.dma_semaphore, #tpu.memory_space<semaphore_mem>>
      %dma_wait3A_240 = tpu.memref_squeeze %dma_wait3A_239 : memref<1x!tpu.dma_semaphore, #tpu.memory_space<semaphore_mem>> -> memref<!tpu.dma_semaphore, #tpu.memory_space<semaphore_mem>>
      %dma_wait3A_241 = arith.constant 0 : i32
      %dma_wait3A_242 = arith.constant 0 : i32
      %dma_wait3A_243 = tpu.memref_slice %arg11[%dma_wait3A, %dma_wait3A_241, %dma_wait3A_242] : memref<8x128x64xf32, #tpu.memory_space<vmem>> -> memref<1x128x64xf32, #tpu.memory_space<vmem>>
      %dma_wait3A_244 = tpu.memref_squeeze %dma_wait3A_243 : memref<1x128x64xf32, #tpu.memory_space<vmem>> -> memref<128x64xf32, #tpu.memory_space<vmem>>
      %dma_wait3A_245 = arith.constant 0 : i32
      %dma_wait3A_246 = arith.constant 0 : i32
      %dma_wait3A_247 = tpu.memref_slice %arg3[%dma_wait3A_245, %dma_wait3A_246] : memref<50000x64xf32, #tpu.memory_space<hbm>> -> memref<128x64xf32, #tpu.memory_space<hbm>>
      tpu.wait_dma2 semaphore(%dma_wait3A_240 : memref<!tpu.dma_semaphore, #tpu.memory_space<semaphore_mem>>) src(%dma_wait3A_247 : memref<128x64xf32, #tpu.memory_space<hbm>>) dst(%dma_wait3A_244 : memref<128x64xf32, #tpu.memory_space<vmem>>)
    } else {
    }
    %gt3A_226 = arith.constant 7 : i32
    %gt3A_227 = arith.cmpi sgt, %add3A_112, %gt3A_226 : i32
    %convert_element_type3A_228 = arith.extui %gt3A_227 : i1 to i32
    %cond3A_229 = arith.constant 0 : i32
    %cond3A_230 = arith.cmpi ne, %convert_element_type3A_228, %cond3A_229 : i32
    scf.if %cond3A_230 {
      %dma_wait3A = arith.constant 0 : i32
      %dma_wait3A_231 = arith.constant 7 : i32
      %dma_wait3A_232 = arith.constant 0 : i32
      %dma_wait3A_233 = arith.constant 0 : i32
      %dma_wait3A_234 = tpu.memref_slice %arg11[%dma_wait3A, %dma_wait3A_232, %dma_wait3A_233] : memref<8x128x64xf32, #tpu.memory_space<vmem>> -> memref<1x128x64xf32, #tpu.memory_space<vmem>>
      %dma_wait3A_235 = tpu.memref_squeeze %dma_wait3A_234 : memref<1x128x64xf32, #tpu.memory_space<vmem>> -> memref<128x64xf32, #tpu.memory_space<vmem>>
      %dma_wait3A_236 = arith.constant 0 : i32
      %dma_wait3A_237 = arith.constant 0 : i32
      %dma_wait3A_238 = tpu.memref_slice %arg3[%dma_wait3A_236, %dma_wait3A_237] : memref<50000x64xf32, #tpu.memory_space<hbm>> -> memref<128x64xf32, #tpu.memory_space<hbm>>
      %dma_wait3A_239 = tpu.memref_slice %arg13[%dma_wait3A_231] : memref<8x!tpu.dma_semaphore, #tpu.memory_space<semaphore_mem>> -> memref<1x!tpu.dma_semaphore, #tpu.memory_space<semaphore_mem>>
      %dma_wait3A_240 = tpu.memref_squeeze %dma_wait3A_239 : memref<1x!tpu.dma_semaphore, #tpu.memory_space<semaphore_mem>> -> memref<!tpu.dma_semaphore, #tpu.memory_space<semaphore_mem>>
      %dma_wait3A_241 = arith.constant 0 : i32
      %dma_wait3A_242 = arith.constant 0 : i32
      %dma_wait3A_243 = tpu.memref_slice %arg11[%dma_wait3A, %dma_wait3A_241, %dma_wait3A_242] : memref<8x128x64xf32, #tpu.memory_space<vmem>> -> memref<1x128x64xf32, #tpu.memory_space<vmem>>
      %dma_wait3A_244 = tpu.memref_squeeze %dma_wait3A_243 : memref<1x128x64xf32, #tpu.memory_space<vmem>> -> memref<128x64xf32, #tpu.memory_space<vmem>>
      %dma_wait3A_245 = arith.constant 0 : i32
      %dma_wait3A_246 = arith.constant 0 : i32
      %dma_wait3A_247 = tpu.memref_slice %arg3[%dma_wait3A_245, %dma_wait3A_246] : memref<50000x64xf32, #tpu.memory_space<hbm>> -> memref<128x64xf32, #tpu.memory_space<hbm>>
      tpu.wait_dma2 semaphore(%dma_wait3A_240 : memref<!tpu.dma_semaphore, #tpu.memory_space<semaphore_mem>>) src(%dma_wait3A_247 : memref<128x64xf32, #tpu.memory_space<hbm>>) dst(%dma_wait3A_244 : memref<128x64xf32, #tpu.memory_space<vmem>>)
    } else {
    }
    return
  }
}

</mosaic_0001>

<sc_bundles>
// kernel: _lookup.3.cloned.1.call-start
scs
__scs_entry_jumppad:
0x0: {  	(pc) =	sbr.rel $0x88, $3  }
0x1: {  	(tag) =	ssettag $0x0;
	lr =	simm.s32 $0x1  }
0x2: {  	[smem:$0x3F9E] =	sst lr;
	_ =	strace $0xD0000000  }
0x3: {  	_ = 	snop  }
0x4: {  	_ = 	snop  }
0x5: {  	_ = 	snop  }
0x6: {  	_ = 	snop  }
0x7: {  	_ = 	snop  }
__scs_overlays_trampoline_lowered:
0x8: {  	[smem:$0x3FAD] =	sst s0  }
0x9: {  	[smem:$0x3FAE] =	sst s1  }
0xa: {  	[smem:$0x3FAF] =	sst s2  }
0xb: {  	[smem:$0x3FB0] =	sst s3  }
0xc: {  	[smem:$0x3FB1] =	sst s4  }
0xd: {  	[smem:$0x3FB2] =	sst s5  }
0xe: {  	[smem:$0x3FB3] =	sst s6  }
0xf: {  	[smem:$0x3FB4] =	sst s7  }
0x10: {  	[smem:$0x3FB5] =	sst s8  }
0x11: {  	[smem:$0x3FB6] =	sst s9;
	s0 =	simm.s32 @!p0 $0x0  }
0x12: {  	s1 =	sld [smem:$0x3F9C];
	s0 =	simm.s32 @p0 $0x1  }
0x13: {  	[smem:$0x3FB7] =	sst s0;
	s0 =	simm.s32 @!p1 $0x0  }
0x14: {  	s2 =	sld [smem:$0x3F9B];
	s0 =	simm.s32 @p1 $0x1  }
0x15: {  	[smem:$0x3FB8] =	sst s0;
	s0 =	simm.s32 @!p2 $0x0  }
0x16: {  	s3 =	sld [smem:$0x3FDB];
	s0 =	simm.s32 @p2 $0x1  }
0x17: {  	s4 =	simm.s32 $0x1BF5;
	[smem:$0x3FBA] =	sst s0  }
0x18: {  	s0 =	sld [smem:$0x3F9D];
	_ =	swait.ge [sflag:s4], $0x0  }
0x19: {  	s7 =	sld [smem:$0x3F9E]  }
0x1a: {  	s8 =	sadd.s32 $0xFFFFE003, lr  }
0x1b: {  	s9 =	sadd.s32 $0xFFFFFEF7, lr;
	s5 =	simm.s32 $0xFFFFFFFF;
	p2 =	slt.u32 s8, $0xFFFFF086  }
0x1c: {  	p1 =	slt.u32 s9, $0xF7A;
	s5 =	simm.s32 @!p2 $0x0  }
0x1d: {  	s5 =	simm.s32 @p1 $0x1;
	p0 =	seq.s32 s7, s2  }
0x1e: {  	s7 =	smul.u32 @!p0 $0xF7A, s2;
	p2 =	seq.s32 @!p0 s5, $0x0  }
0x1f: {  	s9 =	smul.u32 $0xF7A, s1;
	s8 =	simm.s32 @!p0 $0x1BF5;
	p2 =	por !p2, p0  }
0x20: {  	[sflag:s8] =	ssyncset.s32 @!p0 $0xFFFFF086;
	s6 =	sadd.s32 @!p0 s3, s7;
	s7 =	simm.s32 @!p0 $0x108  }
0x21: {  	s3 =	sadd.s32 s3, s9;
	s6 =	sadd.s32 @!p0 $0x88, s6;
	s7 =	simm.s32 @p2 $0x1082  }
0x22: {  	[simem:s7], [sflag:s8] =	dma.local @!p0 [hbm:s6], $0xF7A  }
0x23: {  	s9 =	sor.u32 $0xD0000000, s2;
	s6 =	simm.s32 $0x108;
	_ =	swait.ge @!p0 [sflag:s8], $0x0  }
0x24: {  	s3 =	sadd.s32 $0x88, s3;
	s6 =	simm.s32 @!p1 $0x1082;
	[sflag:s4] =	ssyncset.s32 $0xFFFFF086  }
0x25: {  	[simem:s6], [sflag:s4] =	dma.local [hbm:s3], $0xF7A  }
0x26: {  	[smem:$0x3F9E] =	sst s1;
	(tag) =	ssettag s2;
	_ =	strace s9  }
0x27: {  	s1 =	sld [smem:$0x3FAE]  }
0x28: {  	s2 =	sld [smem:$0x3FAF]  }
0x29: {  	s4 =	sld [smem:$0x3FB1]  }
0x2a: {  	p0 =	seq.s32 s5, $0x0;
	s5 =	sld [smem:$0x3FB2]  }
0x2b: {  	s6 =	sld [smem:$0x3FB3]  }
0x2c: {  	s7 =	sld [smem:$0x3FB4]  }
0x2d: {  	s3 =	simm.s32 $0x108;
	s8 =	sld [smem:$0x3FB5]  }
0x2e: {  	s3 =	simm.s32 @!p0 $0x1082;
	s9 =	sld [smem:$0x3FB6]  }
0x2f: {  	lr =	sadd.s32 s0, s3;
	s0 =	sld [smem:$0x3FAD]  }
0x30: {  	s3 =	sld [smem:$0x3FB0]  }
0x31: {  	[smem:$0x3FB9] =	sst s10  }
0x32: {  	s10 =	sld [smem:$0x3FB7];
	_ =	sdelay $0x3  }
0x33: {  	p0 =	seq.s32 s10, $0x1;
	s10 =	sld [smem:$0x3FB9];
	_ =	sdelay $0x3  }
0x34: {  	[smem:$0x3FB9] =	sst s10  }
0x35: {  	s10 =	sld [smem:$0x3FB8];
	_ =	sdelay $0x3  }
0x36: {  	p1 =	seq.s32 s10, $0x1;
	s10 =	sld [smem:$0x3FB9];
	_ =	sdelay $0x3  }
0x37: {  	[smem:$0x3FB9] =	sst s10  }
0x38: {  	s10 =	sld [smem:$0x3FBA]  }
0x39: {  	_ = 	snop;
	(pc) =	sbr.ind lr, $3  }
0x3a: {  	_ = 	snop  }
0x3b: {  	_ = 	snop  }
0x3c: {  	p2 =	seq.s32 s10, $0x1;
	s10 =	sld [smem:$0x3FB9]  }
0x3d: {  	_ =	shalt  }
0x3e: {  	_ =	shalt  }
0x3f: {  	_ =	shalt  }
0x40: {  	_ =	shalt  }
0x41: {  	_ =	shalt  }
0x42: {  	_ =	shalt  }
0x43: {  	_ =	shalt  }
0x44: {  	_ =	shalt  }
0x45: {  	_ =	shalt  }
0x46: {  	_ =	shalt  }
0x47: {  	_ =	shalt  }
0x48: {  	_ =	shalt  }
0x49: {  	_ =	shalt  }
0x4a: {  	_ =	shalt  }
0x4b: {  	_ =	shalt  }
0x4c: {  	_ =	shalt  }
0x4d: {  	_ =	shalt  }
0x4e: {  	_ =	shalt  }
0x4f: {  	_ =	shalt  }
0x50: {  	_ =	shalt  }
0x51: {  	_ =	shalt  }
0x52: {  	_ =	shalt  }
0x53: {  	_ =	shalt  }
0x54: {  	_ =	shalt  }
0x55: {  	_ =	shalt  }
0x56: {  	_ =	shalt  }
0x57: {  	_ =	shalt  }
0x58: {  	_ =	shalt  }
0x59: {  	_ =	shalt  }
0x5a: {  	_ =	shalt  }
0x5b: {  	_ =	shalt  }
0x5c: {  	_ =	shalt  }
0x5d: {  	_ =	shalt  }
0x5e: {  	_ =	shalt  }
0x5f: {  	_ =	shalt  }
0x60: {  	_ =	shalt  }
0x61: {  	_ =	shalt  }
0x62: {  	_ =	shalt  }
0x63: {  	_ =	shalt  }
0x64: {  	_ =	shalt  }
0x65: {  	_ =	shalt  }
0x66: {  	_ =	shalt  }
0x67: {  	_ =	shalt  }
0x68: {  	_ =	shalt  }
0x69: {  	_ =	shalt  }
0x6a: {  	_ =	shalt  }
0x6b: {  	_ =	shalt  }
0x6c: {  	_ =	shalt  }
0x6d: {  	_ =	shalt  }
0x6e: {  	_ =	shalt  }
0x6f: {  	_ =	shalt  }
0x70: {  	_ =	shalt  }
0x71: {  	_ =	shalt  }
0x72: {  	_ =	shalt  }
0x73: {  	_ =	shalt  }
0x74: {  	_ =	shalt  }
0x75: {  	_ =	shalt  }
0x76: {  	_ =	shalt  }
0x77: {  	_ =	shalt  }
0x78: {  	_ =	shalt  }
0x79: {  	_ =	shalt  }
0x7a: {  	_ =	shalt  }
0x7b: {  	_ =	shalt  }
0x7c: {  	_ =	shalt  }
0x7d: {  	_ =	shalt  }
0x7e: {  	_ =	shalt  }
0x7f: {  	_ =	shalt  }
0x80: {  	_ =	shalt  }
0x81: {  	_ =	shalt  }
0x82: {  	_ =	shalt  }
0x83: {  	_ =	shalt  }
0x84: {  	_ =	shalt  }
0x85: {  	_ =	shalt  }
0x86: {  	_ =	shalt  }
0x87: {  	_ =	shalt  }
.Lfunc_end0:
.L_simem_size_0:
called_computation.1_lowered:
.L_overlay_start_0:
0x88: {  	s2 =	sld [smem:$0x3FD9]  }
0x89: {  	s3 =	sld [smem:$0x3FFE];
	_ =	sdelay $0x1  }
0x8a: {  	s1 =	srdreg.scid  }
0x8b: {  	s0 =	sand.u32 $0x1, s1  }
0x8c: {  	s17 =	sshll.u32 s0, $0xA;
	s2 =	sadd.s32 s3, s2  }
0x8d: {  	s2 =	sadd.s32 s2, s17  }
0x8e: {  	[smem:$0x3FC5] =	sst s2  }
0x8f: {  	_ = 	snop  }
0x90: {  	s2 =	sld [smem:$0x3FC9]  }
0x91: {  	s18 =	sld [smem:$0x3FD0];
	(tm) =	ssettm $0x1  }
0x92: {  	s4 =	sld [smem:$0x3FFB];
	_ =	sdelay $0x3  }
0x93: {  	_ =	strace s4  }
0x94: {  	s4 =	sld [smem:$0x3FFC];
	_ =	sdelay $0x3  }
0x95: {  	_ =	strace s4  }
0x96: {  	s4 =	sld [smem:$0x3FFD];
	_ =	sdelay $0x3  }
0x97: {  	_ =	strace s4  }
0x98: {  	_ =	strace $0x8FFFFFFF  }
0x99: {  	s19 =	sld [smem:$0x3FDB];
	_ =	sdelay $0x1  }
0x9a: {  	s5 =	simm.s32 $_scs_section_size  }
0x9b: {  	s6 =	simm.s32 $_size__tile_overlayer_lowered;
	s7 =	simm.s32 $_tile_overlayer_lowered  }
0x9c: {  	s22 =	simm.s32 $0x1BFF;
	s21 =	sshll.u32 s7, $0x1;
	s4 =	sadd.s32 s5, s19  }
0x9d: {  	s8 =	simm.s32 $0x0;
	s20 =	sshll.u32 s6, $0x1;
	s6 =	sadd.s32 s21, s4  }
0x9e: {  	[timem:s8], [sflag:s22] =	dma.local [hbm:s6], s20  }
0x9f: {  	_ =	swait.ge [sflag:s22], s20  }
0xa0: {  	s5 =	ssub.s32 $0x0, s20;
	[sflag:s22] =	ssyncset.done $0x0  }
0xa1: {  	[sflag:s22] =	ssyncadd.s32 s5;
	_ =	sdelay $0x1  }
0xa2: {  	s23 =	simm.s32 $0x1B8B  }
0xa3: {  	_ =	swait.ge [sflag:s23], $0x1  }
0xa4: {  	[sflag:s23] =	ssyncset.done $0x0  }
0xa5: {  	s25 =	simm.s32 $0x1B8E;
	s24 =	sld [smem:$0x3FFE];
	[sflag:s23] =	ssyncadd.s32 $0xFFFFFFFF  }
0xa6: {  	s26 =	simm.s32 $execute0_lowered;
	[smem:$0x3FD2] =	sst s25  }
0xa7: {  	s6 =	sshll.u32 s26, $0x1;
	_ =	strace $0x80000046;
	[dreg:$0x1] =	wrdreg $0xFFFFFFFF  }
0xa8: {  	s28 =	simm.s32 $_size_execute0_lowered;
	s4 =	sadd.s32 s4, s6;
	[dreg:$0x0] =	wrdreg $0x0  }
0xa9: {  	s6 =	sshll.u32 s28, $0x1;
	[dreg:$0x2] =	wrdreg s4  }
0xaa: {  	[dreg:$0x3] =	wrdreg s6  }
0xab: {  	[dreg:$0x4] =	wrdreg $0xC0  }
0xac: {  	_ =	task [dreg:s8], $0x5FFFF  }
0xad: {  	[dreg:$0x1] =	wrdreg $0xFFFFFFFF  }
0xae: {  	[dreg:$0x0] =	wrdreg $0x60  }
0xaf: {  	[dreg:$0x2] =	wrdreg s2  }
0xb0: {  	[dreg:$0x3] =	wrdreg s24  }
0xb1: {  	[dreg:$0x4] =	wrdreg s18  }
0xb2: {  	[dreg:$0x5] =	wrdreg $0x9  }
0xb3: {  	_ =	task.clear_ibuf [dreg:s8], $0x6FFFF;
	_ =	strace $0x90000046  }
0xb4: {  	s29 =	simm.s32 $0x9;
	_ =	strace $0x80000048  }
0xb5: {  	_ =	swait.ge [sflag:s29], $0x1  }
0xb6: {  	[sflag:s29] =	ssyncadd.s32 $0xFFFFFFFF  }
0xb7: {  	_ =	strace $0x90000048  }
0xb8: {  	_ =	sfence  }
0xb9: {  	s30 =	sld [smem:$0x0];
	_ =	sdelay $0x2  }
0xba: {  	s31 =	sshll.u32 s1, $0xD;
	s1 =	sshrl.u32 s1, $0x2  }
0xbb: {  	s3 =	sand.u32 $0x4000, s31;
	s1 =	sadd.s32 s1, s30  }
0xbc: {  	s0 =	sor.u32 s3, s0;
	s1 =	sshll.u32 s1, $0x11  }
0xbd: {  	s0 =	sor.u32 s1, s0  }
0xbe: {  	s0 =	sadd.s32 $0x8F2B, s0  }
0xbf: {  	[sflag:s0] =	ssyncadd.remote.s32 $0x1  }
0xc0: {  	_ =	sfence.sel $0xFFFF  }
0xc1: {  	[dreg:$0x0] =	wrdreg $0xFFFFFFFF;
	(pc) =	sbr.abs _section_cstart, $3  }
0xc2: {  	[dreg:$0x1] =	wrdreg $0xFFFFFFFF  }
0xc3: {  	_ =	task.clear_ibuf [dreg:s8], $0x2FFFF;
	_ =	strace $0x9FFFFFFF  }
0xc4: {  	(tm) =	ssettm $0x7FFFFFFF  }
0xc5: {  	_ =	shalt  }
tec
execute0_lowered:
.L_overlay_start_1:
0x0: {  	(tag) =	ssettag $0x1  }
0x1: {  	s0 =	rddreg [dreg:$0x0]  }
0x2: {  	s1 =	rddreg [dreg:$0x1]  }
0x3: {  	s31 =	rddreg [dreg:$0x2]  }
0x4: {  	s4 =	srdreg.scid;
	s2 =	stileid.u32  }
0x5: {  	s3 =	simm.s32 $0x0;
	s11 =	simm.s32 $0x6580;
	s12 =	simm.s32 $0x80  }
0x6: {  	s5 =	sand.u32 $0x1, s4;
	s28 =	sshll.u32 s2, $0x1;
	s8 =	smul.u32 $0x3200, s2  }
0x7: {  	s13 =	simm.s32 $0x0;
	s4 =	sor.u32 s5, s28;
	s10 =	smul.u32 $0x1900, s5  }
0x8: {  	[smem:$0x7FF] =	sst s3;
	s7 =	ssub.s32 $0x2, s5;
	s6 =	smul.u32 $0x1900, s4  }
.Ltmp0:
0x9: {  	_ =	strace $0x80000047;
	s9 =	sshrl.u32 s7, $0x1;
	(pc) =	sbr.rel .LBB2_1-.Ltmp0, $4  }
0xa: {  	s5 =	sadd.s32 $0x62400, s1;
	s29 =	ssub.s32 s7, s9;
	s2 =	sadd.s32 s10, s8  }
0xb: {  	s6 =	sshrl.u32 s6, $0x3;
	s30 =	smax.u32 s29, $0x1;
	[dreg:$0x8] =	wrdreg s2  }
0xc: {  	s4 =	sadd.s32 $0x800, s1;
	s0 =	sadd.s32 s0, s6;
	[dreg:$0x7] =	wrdreg s30  }
0xd: {  	v0 =	vimm.s32 $0x0;
	v1 =	vlaneseq.u32;
	s8 =	simm.s32 $0x4C00;
	s10 =	simm.s32 $0x1980;
	[dreg:$0x6] =	wrdreg s0  }
.LBB2_52:
0xe: {  	s13 =	sadd.s32 $0x1, s13;
	s0 =	rddreg [dreg:$0x7]  }
0xf: {  	p0 =	sne.s32 s13, s0  }
.Ltmp1:
0x10: {  	_ = 	snop;
	(pc) =	sbr.rel @!p0 .LBB2_53-.Ltmp1, $1  }
0x11: {  	_ =	sdelay $0x3  }
.LBB2_1:
0x12: {  	s0 =	rddreg [dreg:$0x6];
	s1 =	simm.s32 $0x3300;
	s24 =	simm.s32 $0x11  }
0x13: {  	[tilespmem:s1], [sflag:$0x11] =	stream.linear.gather [hbm4b:s0+s3], $0x1900, $0x38;
	[tilespmem:$0x17F00] =	vst v63  }
0x14: {  	_ =	swait.ge [sflag:s24], $0x1900  }
0x15: {  	[sflag:s24] =	ssyncset.done $0x0  }
0x16: {  	s25 =	simm.s32 $0x3310;
	[sflag:s24] =	ssyncadd.s32 $0xFFFFE700  }
0x17: {  	v2 =	vld [tilespmem:s25+$0xFFFFFFF0]  }
0x18: {  	s26 =	sadd.s32 $0x10, s2  }
0x19: {  	s6 =	sadd.s32 $0xFFFFFFF0, s26  }
0x1a: {  	v3 =	vmov s6  }
0x1b: {  	v3 =	vbroadcast v3, $0x0  }
0x1c: {  	vm0 =	vlt.s32 v2, $0xC350  }
0x1d: {  	v4 =	vor.u32 v1, v3;
	v5 =	vsel vm0, $0x1, v0  }
0x1e: {  	v6 =	vmulhi.u32 $0x51EB851F, v4;
	(xrf0) =	vadd.scan.msk.s32 $0xffff, v5;
	_ =	sdelay $0x1  }
0x1f: {  	v5 =	vshrl.u32 v6, $0x4;
	v6 =	vmov s3  }
0x20: {  	v7 =	vmul.u32 $0xFFFFFFCE, v5;
	v6 =	vadd.s32 $0xFFFFFFFF, v6  }
0x21: {  	v8 =	vsub.s32 $0x0, v4  }
0x22: {  	vm1 =	veq.s32 v3, v1;
	v3 =	vbroadcast v6, $0x0;
	vm2 =	vne.s32 v7, v8  }
0x23: {  	vm1 =	vmand vm1, vm2;
	v6, _, _ =	vpop (xrf0)  }
0x24: {  	s28 =	simm.s32 $0x0;
	v7 =	vsel vm1, $0xFFFFFFFF, v0;
	v3 =	vadd.s32 v6, v3  }
0x25: {  	v5 =	vadd.s32 v7, v5;
	v61 =	vsub.s32 s28, v6;
	v3 =	vnsel vm0, $0x197F, v3  }
0x26: {  	v62 =	vmul.u32 $0xFFFCE, v5;
	v7 =	vadd.s32 v1, v61  }
0x27: {  	(v2sf) =	vpush v6, $0xF;
	v7 =	vsel vm0, $0x197F, v7  }
0x28: {  	v4 =	vadd.s32 v4, v62  }
0x29: {  	v4 =	vshll.u32 v4, $0xC  }
0x2a: {  	v4 =	vadd.s32 v5, v4;
	[tilespmem:v3+s3+$0x0] =	vst.idx.msk $0xffff, v2  }
0x2b: {  	v2 =	vadd.s32 $0xFFFF3CB0, v2;
	[tilespmem:v3+s8+$0x0] =	vst.idx.msk $0xffff, v4  }
0x2c: {  	[tilespmem:v7+s10+$0x0] =	vst.idx.msk $0xffff, v2  }
0x2d: {  	[tilespmem:v7+s11+$0x0] =	vst.idx.msk $0xffff, v4  }
0x2e: {  	v2 =	vld [tilespmem:s25+$0x0];
	_ =	sdelay $0x4  }
0x2f: {  	vm15 =	vlt.s32 v2, $0xC350  }
0x30: {  	v3 =	vsel vm15, $0x1, v0  }
0x31: {  	(xrf0) =	vadd.scan.msk.s32 $0xffff, v3  }
0x32: {  	s29 =	spop (v2sf)  }
0x33: {  	s9 =	sadd.s32 $0x0, s29  }
0x34: {  	v3 =	vmov s9  }
0x35: {  	v3 =	vadd.s32 $0xFFFFFFFF, v3  }
0x36: {  	v4 =	vor.u32 s26, v1;
	v3 =	vbroadcast v3, $0x0  }
0x37: {  	v5 =	vmulhi.u32 $0x51EB851F, v4;
	v6, _, _ =	vpop (xrf0)  }
0x38: {  	s0 =	ssub.s32 $0x10, s9;
	v3 =	vadd.s32 v6, v3;
	(v2sf) =	vpush v6, $0xF  }
0x39: {  	v5 =	vshrl.u32 v5, $0x4;
	v7 =	vsub.s32 s0, v6;
	v3 =	vnsel vm15, $0x197F, v3  }
0x3a: {  	v63 =	vmul.u32 $0xFFFCE, v5;
	v7 =	vadd.s32 v1, v7  }
0x3b: {  	v7 =	vsel vm15, $0x197F, v7  }
0x3c: {  	v4 =	vadd.s32 v4, v63  }
0x3d: {  	v4 =	vshll.u32 v4, $0xC  }
0x3e: {  	v4 =	vadd.s32 v5, v4;
	[tilespmem:v3+s3+$0x0] =	vst.idx.msk $0xffff, v2  }
0x3f: {  	v5 =	vadd.s32 $0xFFFF3CB0, v2;
	[tilespmem:v3+s8+$0x0] =	vst.idx.msk $0xffff, v4  }
0x40: {  	[tilespmem:v7+s10+$0x0] =	vst.idx.msk $0xffff, v5  }
0x41: {  	s30 =	sadd.s32 $0x30, s2;
	s1 =	simm.s32 $0x3330;
	[tilespmem:v7+s11+$0x0] =	vst.idx.msk $0xffff, v4  }
0x42: {  	v2 =	vor.u32 s30, v1;
	v4 =	vld [tilespmem:s1+$0xFFFFFFF0]  }
0x43: {  	s0 =	sadd.s32 $0xFFFFFFF0, s30;
	v3 =	vmulhi.u32 $0x51EB851F, v2  }
0x44: {  	v5 =	vmov s0  }
0x45: {  	s6 =	simm.s32 $0x50;
	s0 =	simm.s32 $0x30;
	v5 =	vbroadcast v5, $0x0;
	v3 =	vshrl.u32 v3, $0x4  }
.LBB2_2:
0x46: {  	p0 =	sne.s32 s6, $0x830  }
0x47: {  	vm0 =	vlt.s32 v4, $0xC350;
	v6 =	vor.u32 v1, v5;
	s15 =	spop (v2sf);
	s7 =	smov.u32 s6;
	s6 =	sadd.s32 $0x20, s6  }
0x48: {  	v7 =	vsel vm0, $0x1, v0;
	v8 =	vmulhi.u32 $0x51EB851F, v6;
	s9 =	sadd.s32 s9, s15  }
0x49: {  	v9 =	vmov s9;
	(xrf0) =	vadd.scan.msk.s32 $0xffff, v7  }
0x4a: {  	v7 =	vshrl.u32 v8, $0x4  }
0x4b: {  	v8 =	vmul.u32 $0xFFFFFFCE, v7  }
0x4c: {  	v10 =	vsub.s32 $0x0, v6;
	v9 =	vadd.s32 $0xFFFFFFFF, v9  }
0x4d: {  	vm1 =	veq.s32 v5, v1;
	s15 =	ssub.s32 s0, s9;
	v5 =	vbroadcast v9, $0x0;
	vm2 =	vne.s32 v8, v10  }
0x4e: {  	s15 =	sadd.s32 $0xFFFFFFF0, s15;
	vm1 =	vmand vm1, vm2  }
0x4f: {  	v8, _, _ =	vpop (xrf0)  }
0x50: {  	v9 =	vsel vm1, $0xFFFFFFFF, v0;
	v5 =	vadd.s32 v8, v5;
	v10 =	vsub.s32 s15, v8  }
0x51: {  	v7 =	vadd.s32 v9, v7;
	v5 =	vnsel vm0, $0x197F, v5;
	v9 =	vadd.s32 v1, v10  }
0x52: {  	v10 =	vmul.u32 $0xFFFCE, v7;
	v9 =	vsel vm0, $0x197F, v9;
	(v2sf) =	vpush v8, $0xF;
	_ =	sdelay $0x1  }
0x53: {  	v6 =	vadd.s32 v6, v10  }
0x54: {  	v6 =	vshll.u32 v6, $0xC  }
0x55: {  	v6 =	vadd.s32 v7, v6;
	[tilespmem:v5+s3+$0x0] =	vst.idx.msk $0xffff, v4;
	v4 =	vadd.s32 $0xFFFF3CB0, v4  }
0x56: {  	[tilespmem:v5+s8+$0x0] =	vst.idx.msk $0xffff, v6  }
0x57: {  	[tilespmem:v9+s10+$0x0] =	vst.idx.msk $0xffff, v4  }
0x58: {  	[tilespmem:v9+s11+$0x0] =	vst.idx.msk $0xffff, v6  }
0x59: {  	v4 =	vld [tilespmem:s1+$0x0];
	_ =	sdelay $0x4  }
0x5a: {  	vm0 =	vlt.s32 v4, $0xC350  }
0x5b: {  	v5 =	vsel vm0, $0x1, v0  }
0x5c: {  	s15 =	spop (v2sf);
	(xrf0) =	vadd.scan.msk.s32 $0xffff, v5  }
0x5d: {  	s9 =	sadd.s32 s9, s15  }
0x5e: {  	v5 =	vmov s9  }
0x5f: {  	v5 =	vadd.s32 $0xFFFFFFFF, v5  }
0x60: {  	v5 =	vbroadcast v5, $0x0;
	_ =	sdelay $0x1  }
0x61: {  	s15 =	ssub.s32 s0, s9;
	s0 =	smov.u32 s7;
	v6, _, _ =	vpop (xrf0)  }
0x62: {  	v5 =	vadd.s32 v6, v5;
	v7 =	vsub.s32 s15, v6;
	(v2sf) =	vpush v6, $0xF  }
0x63: {  	v6 =	vmul.u32 $0xFFFCE, v3;
	v5 =	vnsel vm0, $0x197F, v5;
	v7 =	vadd.s32 v1, v7  }
0x64: {  	v7 =	vsel vm0, $0x197F, v7  }
0x65: {  	v2 =	vadd.s32 v2, v6  }
0x66: {  	v2 =	vshll.u32 v2, $0xC  }
0x67: {  	v2 =	vadd.s32 v3, v2  }
0x68: {  	v3 =	vadd.s32 $0xFFFF3CB0, v4;
	[tilespmem:v5+s3+$0x0] =	vst.idx.msk $0xffff, v4  }
0x69: {  	[tilespmem:v5+s8+$0x0] =	vst.idx.msk $0xffff, v2  }
0x6a: {  	s1 =	sadd.s32 $0x20, s1;
	[tilespmem:v7+s10+$0x0] =	vst.idx.msk $0xffff, v3  }
0x6b: {  	[tilespmem:v7+s11+$0x0] =	vst.idx.msk $0xffff, v2  }
.Ltmp2:
0x6c: {  	s7 =	sadd.s32 s0, s2;
	v4 =	vld [tilespmem:s1+$0xFFFFFFF0];
	(pc) =	sbr.rel @p0 .LBB2_2-.Ltmp2, $4  }
0x6d: {  	s15 =	sadd.s32 $0xFFFFFFF0, s7;
	v2 =	vor.u32 s7, v1  }
0x6e: {  	v3 =	vmov s15;
	v6 =	vmulhi.u32 $0x51EB851F, v2  }
0x6f: {  	v5 =	vbroadcast v3, $0x0  }
0x70: {  	v3 =	vshrl.u32 v6, $0x4  }
0x71: {  	vm0 =	vlt.s32 v4, $0xC350  }
0x72: {  	v6 =	vor.u32 v1, v5;
	v7 =	vsel vm0, $0x1, v0  }
0x73: {  	v8 =	vmulhi.u32 $0x51EB851F, v6;
	(xrf0) =	vadd.scan.msk.s32 $0xffff, v7  }
0x74: {  	s6 =	spop (v2sf)  }
0x75: {  	s6 =	sadd.s32 s9, s6;
	v52 =	vshrl.u32 v8, $0x4  }
0x76: {  	v53 =	vmov s6;
	v9 =	vmul.u32 $0xFFFFFFCE, v52  }
0x77: {  	v10 =	vsub.s32 $0x0, v6;
	v8 =	vadd.s32 $0xFFFFFFFF, v53  }
0x78: {  	vm1 =	veq.s32 v5, v1;
	v54 =	vbroadcast v8, $0x0;
	vm2 =	vne.s32 v9, v10  }
0x79: {  	s7 =	ssub.s32 s0, s6;
	vm1 =	vmand vm1, vm2;
	v55, _, _ =	vpop (xrf0)  }
0x7a: {  	s7 =	sadd.s32 $0xFFFFFFF0, s7;
	v56 =	vsel vm1, $0xFFFFFFFF, v0;
	v5 =	vadd.s32 v55, v54  }
0x7b: {  	v57 =	vsub.s32 s7, v55;
	v7 =	vadd.s32 v56, v52;
	v5 =	vnsel vm0, $0x197F, v5  }
0x7c: {  	v58 =	vadd.s32 v1, v57;
	v59 =	vmul.u32 $0xFFFCE, v7  }
0x7d: {  	v9 =	vsel vm0, $0x197F, v58  }
0x7e: {  	v6 =	vadd.s32 v6, v59  }
0x7f: {  	v6 =	vshll.u32 v6, $0xC  }
0x80: {  	v6 =	vadd.s32 v7, v6;
	[tilespmem:v5+s3+$0x0] =	vst.idx.msk $0xffff, v4  }
0x81: {  	v60 =	vadd.s32 $0xFFFF3CB0, v4;
	[tilespmem:v5+s8+$0x0] =	vst.idx.msk $0xffff, v6  }
0x82: {  	[tilespmem:v9+s10+$0x0] =	vst.idx.msk $0xffff, v60  }
0x83: {  	[tilespmem:v9+s11+$0x0] =	vst.idx.msk $0xffff, v6  }
0x84: {  	v4 =	vld [tilespmem:s1+$0x0];
	_ =	sdelay $0x2  }
0x85: {  	(v2sf) =	vpush v55, $0xF;
	_ =	sdelay $0x1  }
0x86: {  	vm15 =	vlt.s32 v4, $0xC350  }
0x87: {  	v61 =	vsel vm15, $0x1, v0  }
0x88: {  	(xrf0) =	vadd.scan.msk.s32 $0xffff, v61;
	_ =	sdelay $0x5  }
0x89: {  	v5, _, _ =	vpop (xrf0)  }
0x8a: {  	(v2sf) =	vpush v5, $0xF;
	_ =	sdelay $0x3  }
0x8b: {  	s28 =	spop (v2sf)  }
0x8c: {  	s1 =	sadd.s32 s6, s28  }
0x8d: {  	v62 =	vmov s1  }
0x8e: {  	v6 =	vadd.s32 $0xFFFFFFFF, v62  }
0x8f: {  	v6 =	vbroadcast v6, $0x0;
	_ =	sdelay $0x1  }
0x90: {  	s29 =	ssub.s32 s0, s1;
	v6 =	vadd.s32 v5, v6  }
0x91: {  	v5 =	vsub.s32 s29, v5;
	v6 =	vnsel vm15, $0x197F, v6  }
0x92: {  	v63 =	vmul.u32 $0xFFFCE, v3;
	v5 =	vadd.s32 v1, v5  }
0x93: {  	v5 =	vsel vm15, $0x197F, v5  }
0x94: {  	v2 =	vadd.s32 v2, v63  }
0x95: {  	v2 =	vshll.u32 v2, $0xC;
	s30 =	spop (v2sf)  }
0x96: {  	v2 =	vadd.s32 v3, v2;
	[tilespmem:v6+s3+$0x0] =	vst.idx.msk $0xffff, v4;
	s0 =	sadd.s32 s1, s30  }
0x97: {  	v3 =	vadd.s32 $0xFFFF3CB0, v4;
	[tilespmem:v6+s8+$0x0] =	vst.idx.msk $0xffff, v2;
	p0 =	slt.s32 s0, $0x80  }
0x98: {  	[tilespmem:v5+s10+$0x0] =	vst.idx.msk $0xffff, v3;
	s1 =	simm.s32 @!p0 $0x80  }
0x99: {  	[tilespmem:v5+s11+$0x0] =	vst.idx.msk $0xffff, v2;
	s6 =	simm.s32 @!p0 $0x0;
	s7 =	simm.s32 @!p0 $0x7F00;
	p1 =	slt.u32 @!p0 s0, $0x100  }
0x9a: {  	[tilespmem:s7], [sflag:$0x1] =	stream.indirect.gather @!p0 [hbm4b:s4+s1], $0x40, s6, s1, $0xb8;
	[tilespmem:$0x17F00] =	vst v63  }
0x9b: {  	p0 =	por p0, p1  }
0x9c: {  	s1 =	simm.s32 @!p0 $0x80;
	s6 =	simm.s32 @!p0 $0x9F00;
	p1 =	slt.u32 @!p0 s0, $0x180  }
0x9d: {  	[tilespmem:s6], [sflag:$0x2] =	stream.indirect.gather @!p0 [hbm4b:s4+s1], $0x40, s1, s1, $0xb8;
	[tilespmem:$0x17F00] =	vst v63  }
0x9e: {  	p0 =	por p0, p1  }
.Ltmp3:
0x9f: {  	_ = 	snop;
	(pc) =	sbr.rel @p0 .LBB2_5-.Ltmp3, $1  }
0xa0: {  	_ =	sdelay $0x3  }
0xa1: {  	s1 =	simm.s32 $0x100;
	s6 =	simm.s32 $0xBF00;
	p0 =	slt.u32 s0, $0x200  }
0xa2: {  	[tilespmem:s6], [sflag:$0x3] =	stream.indirect.gather [hbm4b:s4+s12], $0x40, s1, s12, $0xb8;
	[tilespmem:$0x17F00] =	vst v63  }
0xa3: {  	s1 =	simm.s32 @!p0 $0x80;
	p1 =	slt.u32 @!p0 s0, $0x280  }
0xa4: {  	s6 =	simm.s32 @!p0 $0x180;
	s7 =	simm.s32 @!p0 $0xDF00;
	p2 =	por p1, p0  }
0xa5: {  	[tilespmem:s7], [sflag:$0x4] =	stream.indirect.gather @!p0 [hbm4b:s4+s1], $0x40, s6, s1, $0xb8;
	[tilespmem:$0x17F00] =	vst v63  }
0xa6: {  	s1 =	simm.s32 @!p2 $0x80;
	p3 =	slt.u32 @!p2 s0, $0x300  }
0xa7: {  	s6 =	simm.s32 @!p2 $0x200;
	s7 =	simm.s32 @!p2 $0xFF00;
	p4 =	por @!p0 p3, p1  }
0xa8: {  	[tilespmem:s7], [sflag:$0x5] =	stream.indirect.gather @!p2 [hbm4b:s4+s1], $0x40, s6, s1, $0xb8;
	[tilespmem:$0x17F00] =	vst v63  }
0xa9: {  	p4 =	por p4, p0  }
0xaa: {  	s1 =	simm.s32 @!p4 $0x80  }
0xab: {  	s6 =	simm.s32 @!p4 $0x280;
	s7 =	simm.s32 @!p4 $0x11F00;
	p5 =	slt.u32 @!p4 s0, $0x380  }
0xac: {  	[tilespmem:s7], [sflag:$0x6] =	stream.indirect.gather @!p4 [hbm4b:s4+s1], $0x40, s6, s1, $0xb8;
	[tilespmem:$0x17F00] =	vst v63  }
0xad: {  	p6 =	por @!p2 p5, p3  }
0xae: {  	p6 =	por @!p0 p6, p1  }
0xaf: {  	p6 =	por p6, p0  }
0xb0: {  	s1 =	simm.s32 @!p6 $0x80;
	s6 =	simm.s32 @!p6 $0x300;
	s7 =	simm.s32 @!p6 $0x13F00  }
0xb1: {  	[tilespmem:s7], [sflag:$0x7] =	stream.indirect.gather @!p6 [hbm4b:s4+s1], $0x40, s6, s1, $0xb8;
	[tilespmem:$0x17F00] =	vst v63  }
0xb2: {  	p6 =	slt.u32 @!p6 s0, $0x400  }
0xb3: {  	p4 =	por @!p4 p6, p5  }
0xb4: {  	p2 =	por @!p2 p4, p3  }
0xb5: {  	p1 =	por @!p0 p2, p1  }
0xb6: {  	p0 =	por p1, p0  }
0xb7: {  	s1 =	simm.s32 @!p0 $0x80;
	s6 =	simm.s32 @!p0 $0x380;
	s7 =	simm.s32 @!p0 $0x15F00  }
0xb8: {  	[tilespmem:s7], [sflag:$0x8] =	stream.indirect.gather @!p0 [hbm4b:s4+s1], $0x40, s6, s1, $0xb8;
	[tilespmem:$0x17F00] =	vst v63  }
.LBB2_5:
0xb9: {  	s1 =	simm.s32 $0x3B50  }
0xba: {  	v2 =	vld [tilespmem:s1+$0xFFFFFFF0];
	_ =	sdelay $0x4  }
0xbb: {  	vm0 =	vlt.s32 v2, $0xC350  }
0xbc: {  	v3 =	vsel vm0, $0x1, v0  }
0xbd: {  	(xrf0) =	vadd.scan.msk.s32 $0xffff, v3;
	_ =	sdelay $0x2  }
0xbe: {  	s6 =	sadd.s32 $0x850, s2;
	v3 =	vmov s0  }
0xbf: {  	s7 =	sadd.s32 $0xFFFFFFF0, s6;
	v3 =	vadd.s32 $0xFFFFFFFF, v3  }
0xc0: {  	v4 =	vor.u32 s7, v1;
	v3 =	vbroadcast v3, $0x0  }
0xc1: {  	s29 =	ssub.s32 $0x850, s0;
	v5 =	vmulhi.u32 $0x51EB851F, v4;
	v6, _, _ =	vpop (xrf0)  }
0xc2: {  	s7 =	sadd.s32 $0xFFFFFFF0, s29;
	v3 =	vadd.s32 v6, v3  }
0xc3: {  	v5 =	vshrl.u32 v5, $0x4;
	v7 =	vsub.s32 s7, v6;
	v3 =	vnsel vm0, $0x197F, v3  }
0xc4: {  	v8 =	vmul.u32 $0xFFFCE, v5;
	v7 =	vadd.s32 v1, v7  }
0xc5: {  	(v2sf) =	vpush v6, $0xF;
	v59 =	vsel vm0, $0x197F, v7  }
0xc6: {  	v4 =	vadd.s32 v4, v8  }
0xc7: {  	v4 =	vshll.u32 v4, $0xC  }
0xc8: {  	v4 =	vadd.s32 v5, v4;
	[tilespmem:v3+s3+$0x0] =	vst.idx.msk $0xffff, v2  }
0xc9: {  	v2 =	vadd.s32 $0xFFFF3CB0, v2;
	[tilespmem:v3+s8+$0x0] =	vst.idx.msk $0xffff, v4  }
0xca: {  	[tilespmem:v59+s10+$0x0] =	vst.idx.msk $0xffff, v2  }
0xcb: {  	[tilespmem:v59+s11+$0x0] =	vst.idx.msk $0xffff, v4  }
0xcc: {  	v2 =	vld [tilespmem:s1+$0x0];
	_ =	sdelay $0x4  }
0xcd: {  	vm0 =	vlt.s32 v2, $0xC350  }
0xce: {  	v3 =	vsel vm0, $0x1, v0  }
0xcf: {  	(xrf0) =	vadd.scan.msk.s32 $0xffff, v3  }
0xd0: {  	s30 =	spop (v2sf)  }
0xd1: {  	s7 =	sadd.s32 s0, s30  }
0xd2: {  	v3 =	vmov s7  }
0xd3: {  	v3 =	vadd.s32 $0xFFFFFFFF, v3  }
0xd4: {  	v60 =	vor.u32 s6, v1;
	v3 =	vbroadcast v3, $0x0  }
0xd5: {  	v61 =	vmulhi.u32 $0x51EB851F, v60;
	v62, _, _ =	vpop (xrf0)  }
0xd6: {  	s1 =	ssub.s32 $0x850, s7;
	v3 =	vadd.s32 v62, v3;
	(v2sf) =	vpush v62, $0xF  }
0xd7: {  	v5 =	vshrl.u32 v61, $0x4;
	v6 =	vsub.s32 s1, v62;
	v3 =	vnsel vm0, $0x197F, v3  }
0xd8: {  	v63 =	vmul.u32 $0xFFFCE, v5;
	v6 =	vadd.s32 v1, v6  }
0xd9: {  	v6 =	vsel vm0, $0x197F, v6  }
0xda: {  	v4 =	vadd.s32 v60, v63  }
0xdb: {  	v4 =	vshll.u32 v4, $0xC  }
0xdc: {  	v4 =	vadd.s32 v5, v4;
	[tilespmem:v3+s3+$0x0] =	vst.idx.msk $0xffff, v2  }
0xdd: {  	v2 =	vadd.s32 $0xFFFF3CB0, v2;
	[tilespmem:v3+s8+$0x0] =	vst.idx.msk $0xffff, v4  }
0xde: {  	[tilespmem:v6+s10+$0x0] =	vst.idx.msk $0xffff, v2  }
0xdf: {  	s6 =	simm.s32 $0x3B70;
	[tilespmem:v6+s11+$0x0] =	vst.idx.msk $0xffff, v4  }
0xe0: {  	v2 =	vld [tilespmem:s6+$0xFFFFFFF0];
	_ =	sdelay $0x4  }
0xe1: {  	s9 =	simm.s32 $0x890;
	s1 =	simm.s32 $0x870;
	vm0 =	vlt.s32 v2, $0xC350;
	s15 =	spop (v2sf)  }
.LBB2_6:
0xe2: {  	p0 =	sne.s32 s9, $0x18F0  }
0xe3: {  	v3 =	vsel vm0, $0x1, v0;
	s7 =	sadd.s32 s7, s15;
	s15 =	smov.u32 s9;
	s9 =	sadd.s32 $0x20, s9  }
0xe4: {  	v4 =	vmov s7;
	s16 =	ssub.s32 s1, s7;
	(xrf0) =	vadd.scan.msk.s32 $0xffff, v3  }
0xe5: {  	v3 =	vadd.s32 $0xFFFFFFFF, v4;
	_ =	sdelay $0x1  }
0xe6: {  	s17 =	sadd.s32 s1, s2  }
0xe7: {  	s18 =	sadd.s32 $0xFFFFFFF0, s17;
	v4 =	vor.u32 s17, v1  }
0xe8: {  	v5 =	vor.u32 s18, v1;
	v3 =	vbroadcast v3, $0x0;
	v6 =	vmulhi.u32 $0x51EB851F, v4  }
0xe9: {  	s16 =	sadd.s32 $0xFFFFFFF0, s16;
	v7 =	vmulhi.u32 $0x51EB851F, v5;
	v8, _, _ =	vpop (xrf0)  }
0xea: {  	v3 =	vadd.s32 v8, v3;
	v9 =	vsub.s32 s16, v8;
	(v2sf) =	vpush v8, $0xF  }
0xeb: {  	v7 =	vshrl.u32 v7, $0x4;
	v3 =	vnsel vm0, $0x197F, v3;
	v8 =	vadd.s32 v1, v9  }
0xec: {  	v6 =	vshrl.u32 v6, $0x4;
	v9 =	vmul.u32 $0xFFFCE, v7  }
0xed: {  	v10 =	vmul.u32 $0xFFFCE, v6;
	v8 =	vsel vm0, $0x197F, v8  }
0xee: {  	v5 =	vadd.s32 v5, v9  }
0xef: {  	v4 =	vadd.s32 v4, v10;
	v5 =	vshll.u32 v5, $0xC  }
0xf0: {  	v4 =	vshll.u32 v4, $0xC;
	v5 =	vadd.s32 v7, v5;
	[tilespmem:v3+s3+$0x0] =	vst.idx.msk $0xffff, v2  }
0xf1: {  	v2 =	vadd.s32 $0xFFFF3CB0, v2;
	[tilespmem:v3+s8+$0x0] =	vst.idx.msk $0xffff, v5  }
0xf2: {  	[tilespmem:v8+s10+$0x0] =	vst.idx.msk $0xffff, v2  }
0xf3: {  	[tilespmem:v8+s11+$0x0] =	vst.idx.msk $0xffff, v5  }
0xf4: {  	v2 =	vld [tilespmem:s6+$0x0];
	_ =	sdelay $0x4  }
0xf5: {  	vm0 =	vlt.s32 v2, $0xC350;
	s16 =	spop (v2sf)  }
0xf6: {  	v3 =	vsel vm0, $0x1, v0  }
0xf7: {  	(xrf0) =	vadd.scan.msk.s32 $0xffff, v3;
	_ =	sdelay $0x1  }
0xf8: {  	s7 =	sadd.s32 s7, s16  }
0xf9: {  	v3 =	vmov s7  }
0xfa: {  	v3 =	vadd.s32 $0xFFFFFFFF, v3  }
0xfb: {  	v3 =	vbroadcast v3, $0x0  }
0xfc: {  	s16 =	ssub.s32 s1, s7;
	s1 =	smov.u32 s15;
	v5, _, _ =	vpop (xrf0)  }
0xfd: {  	v3 =	vadd.s32 v5, v3;
	v7 =	vsub.s32 s16, v5;
	(v2sf) =	vpush v5, $0xF  }
0xfe: {  	v3 =	vnsel vm0, $0x197F, v3;
	v5 =	vadd.s32 v1, v7;
	_ =	sdelay $0x1  }
0xff: {  	v5 =	vsel vm0, $0x197F, v5;
	_ =	sdelay $0x2  }
0x100: {  	v4 =	vadd.s32 v6, v4;
	[tilespmem:v3+s3+$0x0] =	vst.idx.msk $0xffff, v2  }
0x101: {  	v2 =	vadd.s32 $0xFFFF3CB0, v2;
	[tilespmem:v3+s8+$0x0] =	vst.idx.msk $0xffff, v4  }
0x102: {  	[tilespmem:v5+s10+$0x0] =	vst.idx.msk $0xffff, v2  }
0x103: {  	s6 =	sadd.s32 $0x20, s6;
	[tilespmem:v5+s11+$0x0] =	vst.idx.msk $0xffff, v4  }
0x104: {  	v2 =	vld [tilespmem:s6+$0xFFFFFFF0]  }
.Ltmp4:
0x105: {  	(pc) =	sbr.rel @p0 .LBB2_6-.Ltmp4, $2  }
0x106: {  	_ =	sdelay $0x2  }
0x107: {  	vm0 =	vlt.s32 v2, $0xC350;
	s15 =	spop (v2sf)  }
0x108: {  	v3 =	vsel vm0, $0x1, v0  }
0x109: {  	(xrf0) =	vadd.scan.msk.s32 $0xffff, v3;
	_ =	sdelay $0x1  }
0x10a: {  	s7 =	sadd.s32 s7, s15  }
0x10b: {  	s9 =	sadd.s32 s1, s2;
	v3 =	vmov s7  }
0x10c: {  	s18 =	sadd.s32 $0xFFFFFFF0, s9;
	v3 =	vadd.s32 $0xFFFFFFFF, v3  }
0x10d: {  	v4 =	vor.u32 s18, v1;
	v3 =	vbroadcast v3, $0x0  }
0x10e: {  	s19 =	ssub.s32 s1, s7;
	v5 =	vmulhi.u32 $0x51EB851F, v4;
	v6, _, _ =	vpop (xrf0)  }
0x10f: {  	s15 =	sadd.s32 $0xFFFFFFF0, s19;
	v3 =	vadd.s32 v6, v3  }
0x110: {  	v5 =	vshrl.u32 v5, $0x4;
	v7 =	vsub.s32 s15, v6;
	v3 =	vnsel vm0, $0x197F, v3  }
0x111: {  	v8 =	vmul.u32 $0xFFFCE, v5;
	v7 =	vadd.s32 v1, v7  }
0x112: {  	v7 =	vsel vm0, $0x197F, v7  }
0x113: {  	v4 =	vadd.s32 v4, v8  }
0x114: {  	v4 =	vshll.u32 v4, $0xC  }
0x115: {  	v4 =	vadd.s32 v5, v4;
	[tilespmem:v3+s3+$0x0] =	vst.idx.msk $0xffff, v2  }
0x116: {  	v2 =	vadd.s32 $0xFFFF3CB0, v2;
	[tilespmem:v3+s8+$0x0] =	vst.idx.msk $0xffff, v4  }
0x117: {  	[tilespmem:v7+s10+$0x0] =	vst.idx.msk $0xffff, v2  }
0x118: {  	[tilespmem:v7+s11+$0x0] =	vst.idx.msk $0xffff, v4  }
0x119: {  	v2 =	vld [tilespmem:s6+$0x0];
	_ =	sdelay $0x4  }
0x11a: {  	vm15 =	vlt.s32 v2, $0xC350  }
0x11b: {  	v3 =	vsel vm15, $0x1, v0  }
0x11c: {  	(v2sf) =	vpush v6, $0xF;
	(xrf0) =	vadd.scan.msk.s32 $0xffff, v3;
	_ =	sdelay $0x5  }
0x11d: {  	v3, _, _ =	vpop (xrf0)  }
0x11e: {  	(v2sf) =	vpush v3, $0xF;
	_ =	sdelay $0x7  }
0x11f: {  	s20 =	spop (v2sf)  }
0x120: {  	s6 =	sadd.s32 s7, s20  }
0x121: {  	v60 =	vmov s6  }
0x122: {  	v4 =	vadd.s32 $0xFFFFFFFF, v60  }
0x123: {  	v61 =	vor.u32 s9, v1;
	v4 =	vbroadcast v4, $0x0  }
0x124: {  	v62 =	vmulhi.u32 $0x51EB851F, v61  }
0x125: {  	s21 =	ssub.s32 s1, s6;
	v4 =	vadd.s32 v3, v4  }
0x126: {  	v6 =	vshrl.u32 v62, $0x4;
	v3 =	vsub.s32 s21, v3;
	v4 =	vnsel vm15, $0x197F, v4;
	s22 =	spop (v2sf)  }
0x127: {  	v63 =	vmul.u32 $0xFFFCE, v6;
	v3 =	vadd.s32 v1, v3;
	s1 =	sadd.s32 s6, s22  }
0x128: {  	v3 =	vsel vm15, $0x197F, v3;
	p1 =	slt.s32 s1, $0x1  }
0x129: {  	v5 =	vadd.s32 v61, v63;
	s6 =	sadd.s32 @!p1 $0xFFFFFFFF, s1  }
0x12a: {  	v5 =	vshll.u32 v5, $0xC;
	v7 =	vmov @!p1 s6  }
0x12b: {  	v5 =	vadd.s32 v6, v5;
	[tilespmem:v4+s3+$0x0] =	vst.idx.msk $0xffff, v2  }
0x12c: {  	v2 =	vadd.s32 $0xFFFF3CB0, v2;
	[tilespmem:v4+s8+$0x0] =	vst.idx.msk $0xffff, v5  }
0x12d: {  	[tilespmem:v3+s10+$0x0] =	vst.idx.msk $0xffff, v2  }
0x12e: {  	[tilespmem:v3+s11+$0x0] =	vst.idx.msk $0xffff, v5;
	s6 =	simm.s32 @!p1 $0x0  }
0x12f: {  	v2 =	vld.idx.msk @!p1 [tilespmem:v7+s6+$0x0], $0xffff;
	s6 =	simm.s32 @!p1 $0x4C00  }
0x130: {  	v3 =	vld.idx.msk @!p1 [tilespmem:v7+s6+$0x0], $0xffff;
	_ =	sdelay $0x3  }
0x131: {  	[tilespmem:s1+$0x0] =	vst @!p1 v2  }
0x132: {  	s6 =	sand.u32 @!p1 $0x7FFFFFFF, s1;
	[tilespmem:s1+$0x4C00] =	vst @!p1 v3  }
0x133: {  	[tilespmem:s6+$0x10] =	vst @!p1 v2  }
0x134: {  	[tilespmem:s6+$0x4C10] =	vst @!p1 v3  }
0x135: {  	[tilespmem:s6+$0x20] =	vst @!p1 v2  }
0x136: {  	[tilespmem:s6+$0x4C20] =	vst @!p1 v3  }
0x137: {  	[tilespmem:s6+$0x30] =	vst @!p1 v2  }
0x138: {  	[tilespmem:s6+$0x4C30] =	vst @!p1 v3  }
0x139: {  	s7 =	ssub.s32 $0x1900, s1;
	[tilespmem:s6+$0x40] =	vst @!p1 v2  }
0x13a: {  	p0 =	slt.s32 s7, $0x1;
	[tilespmem:s6+$0x4C40] =	vst @!p1 v3  }
0x13b: {  	s9 =	ssub.s32 @!p0 $0x18FF, s1;
	[tilespmem:s6+$0x50] =	vst @!p1 v2  }
0x13c: {  	v4 =	vmov @!p0 s9;
	[tilespmem:s6+$0x4C50] =	vst @!p1 v3  }
0x13d: {  	[tilespmem:s6+$0x60] =	vst @!p1 v2  }
0x13e: {  	[tilespmem:s6+$0x4C60] =	vst @!p1 v3  }
0x13f: {  	[tilespmem:s6+$0x70] =	vst @!p1 v2  }
0x140: {  	[tilespmem:s6+$0x4C70] =	vst @!p1 v3;
	s6 =	simm.s32 @!p0 $0x1980  }
0x141: {  	v2 =	vld.idx.msk @!p0 [tilespmem:v4+s6+$0x0], $0xffff;
	s6 =	simm.s32 @!p0 $0x6580  }
0x142: {  	v3 =	vld.idx.msk @!p0 [tilespmem:v4+s6+$0x0], $0xffff;
	_ =	sdelay $0x3  }
0x143: {  	[tilespmem:s7+$0x1980] =	vst @!p0 v2  }
0x144: {  	s6 =	ssub.s32 @!p0 $0x3290, s1;
	[tilespmem:s7+$0x6580] =	vst @!p0 v3  }
0x145: {  	s9 =	ssub.s32 @!p0 $0x7E90, s1;
	[tilespmem:s6+$0x0] =	vst @!p0 v2  }
0x146: {  	s18 =	simm.s32 $0x1;
	s23 =	sadd.s32 $0x7F, s1;
	s7 =	ssub.s32 @!p0 $0x32A0, s1;
	[tilespmem:s9+$0x0] =	vst @!p0 v3  }
0x147: {  	s24 =	ssub.s32 $0x197F, s1;
	s17 =	sand.u32 $0x7F, s23;
	s16 =	ssub.s32 @!p0 $0x7EA0, s1;
	[tilespmem:s7+$0x0] =	vst @!p0 v2  }
0x148: {  	p4 =	slt.s32 s23, $0x1;
	s25 =	sshra.s32 s24, $0x1F;
	s6 =	ssub.s32 @!p0 $0x32B0, s1;
	[tilespmem:s16+$0x0] =	vst @!p0 v3  }
0x149: {  	s19 =	sand.u32 $0x7F, s24;
	p2 =	sne.s32 s17, $0x0;
	s9 =	ssub.s32 @!p0 $0x7EB0, s1;
	[tilespmem:s6+$0x0] =	vst @!p0 v2  }
0x14a: {  	s17 =	ssub.s32 @!p0 $0x32C0, s1;
	p1 =	por !p4, !p2;
	p2 =	sne.s32 s1, $0x197F;
	[tilespmem:s9+$0x0] =	vst @!p0 v3  }
0x14b: {  	p6 =	sne.s32 s19, $0x0;
	s18 =	simm.s32 @!p2 $0x0;
	s9 =	ssub.s32 @!p0 $0x7EC0, s1;
	[tilespmem:s17+$0x0] =	vst @!p0 v2  }
0x14c: {  	p1 =	por !p1, !p1;
	s18 =	sor.u32 s18, s25;
	[tilespmem:s9+$0x0] =	vst @!p0 v3;
	s9 =	ssub.s32 @!p0 $0x32D0, s1  }
0x14d: {  	p5 =	sne.s32 s18, $0x1;
	s18 =	ssub.s32 @!p0 $0x7ED0, s1;
	s6 =	simm.s32 $0x1;
	[tilespmem:s9+$0x0] =	vst @!p0 v2  }
0x14e: {  	s6 =	simm.s32 @!p1 $0x0;
	p1 =	por !p6, !p5;
	s9 =	ssub.s32 @!p0 $0x32E0, s1;
	[tilespmem:s18+$0x0] =	vst @!p0 v3  }
0x14f: {  	p1 =	por !p1, !p1;
	[tilespmem:s9+$0x0] =	vst @!p0 v2;
	s9 =	simm.s32 $0x1  }
0x150: {  	s26 =	sshra.s32 s23, $0x1F;
	s9 =	simm.s32 @!p1 $0x0;
	p1 =	sgt.s32 s0, $0x7F  }
.Ltmp5:
0x151: {  	s16 =	sshrl.u32 s25, $0x19;
	s17 =	sshrl.u32 s26, $0x19;
	(pc) =	sbr.rel @p1 .LBB2_25-.Ltmp5, $4  }
0x152: {  	s7 =	sadd.s32 s16, s24;
	s15 =	sadd.s32 s17, s23;
	s17 =	ssub.s32 @!p0 $0x7EE0, s1  }
0x153: {  	s7 =	sshra.s32 s7, $0x7;
	s15 =	sshra.s32 s15, $0x7;
	s18 =	ssub.s32 @!p0 $0x32F0, s1;
	[tilespmem:s17+$0x0] =	vst @!p0 v3  }
0x154: {  	s1 =	ssub.s32 @!p0 $0x7EF0, s1;
	s29 =	ssub.s32 s15, s6;
	[tilespmem:s18+$0x0] =	vst @!p0 v2;
	s30 =	ssub.s32 s7, s9  }
0x155: {  	[tilespmem:s1+$0x0] =	vst @!p0 v3;
	s28 =	sadd.s32 s29, s30  }
0x156: {  	p0 =	slt.s32 s29, $0x1  }
.Ltmp6:
0x157: {  	_ = 	snop;
	(pc) =	sbr.rel @p0 .LBB2_10-.Ltmp6, $1  }
0x158: {  	_ =	sdelay $0x3  }
.Ltmp7:
0x159: {  	(pc) =	sbr.rel .LBB2_26-.Ltmp7, $3  }
0x15a: {  	_ =	sdelay $0x1  }
0x15b: {  	s0 =	simm.s32 $0x7F00  }
0x15c: {  	[tilespmem:s0], [sflag:$0x1] =	stream.indirect.gather [hbm4b:s4+s12], $0x40, s3, s12, $0xb8;
	[tilespmem:$0x17F00] =	vst v63  }
.LBB2_25:
0x15d: {  	p0 =	sgt.u32 s0, $0xFF  }
.Ltmp8:
0x15e: {  	_ = 	snop;
	(pc) =	sbr.rel @p0 .LBB2_28-.Ltmp8, $1  }
0x15f: {  	_ =	sdelay $0x3  }
.LBB2_26:
0x160: {  	p0 =	slt.s32 s29, $0x2  }
.Ltmp9:
0x161: {  	_ = 	snop;
	(pc) =	sbr.rel @p0 .LBB2_12-.Ltmp9, $1  }
0x162: {  	_ =	sdelay $0x3  }
.Ltmp10:
0x163: {  	(pc) =	sbr.rel .LBB2_29-.Ltmp10, $3  }
0x164: {  	_ =	sdelay $0x1  }
0x165: {  	s0 =	simm.s32 $0x9F00  }
0x166: {  	[tilespmem:s0], [sflag:$0x2] =	stream.indirect.gather [hbm4b:s4+s12], $0x40, s12, s12, $0xb8;
	[tilespmem:$0x17F00] =	vst v63  }
.LBB2_28:
0x167: {  	p0 =	sgt.u32 s0, $0x17F  }
.Ltmp11:
0x168: {  	_ = 	snop;
	(pc) =	sbr.rel @p0 .LBB2_31-.Ltmp11, $1  }
0x169: {  	_ =	sdelay $0x3  }
.LBB2_29:
0x16a: {  	p0 =	slt.s32 s29, $0x3  }
.Ltmp12:
0x16b: {  	_ = 	snop;
	(pc) =	sbr.rel @p0 .LBB2_14-.Ltmp12, $1  }
0x16c: {  	_ =	sdelay $0x3  }
.Ltmp13:
0x16d: {  	(pc) =	sbr.rel .LBB2_32-.Ltmp13, $3  }
0x16e: {  	_ =	sdelay $0x1  }
0x16f: {  	s0 =	simm.s32 $0x100;
	s1 =	simm.s32 $0xBF00  }
0x170: {  	[tilespmem:s1], [sflag:$0x3] =	stream.indirect.gather [hbm4b:s4+s12], $0x40, s0, s12, $0xb8;
	[tilespmem:$0x17F00] =	vst v63  }
.LBB2_10:
0x171: {  	p0 =	slt.s32 s28, $0x1  }
.Ltmp14:
0x172: {  	_ = 	snop;
	(pc) =	sbr.rel @p0 .LBB2_46-.Ltmp14, $1  }
0x173: {  	_ =	sdelay $0x3  }
0x174: {  	s0 =	sshll.u32 s29, $0x9  }
0x175: {  	s0 =	ssub.s32 $0x0, s0  }
0x176: {  	s0 =	sshra.s32 s0, $0x2  }
0x177: {  	s1 =	simm.s32 $0x7F00;
	s0 =	sadd.s32 $0x1980, s0  }
0x178: {  	[tilespmem:s1], [sflag:$0x1] =	stream.indirect.gather [hbm4b:s5+s12], $0x40, s0, s12, $0xb8;
	[tilespmem:$0x17F00] =	vst v63  }
.LBB2_12:
0x179: {  	p0 =	slt.s32 s28, $0x2  }
.Ltmp15:
0x17a: {  	_ = 	snop;
	(pc) =	sbr.rel @p0 .LBB2_46-.Ltmp15, $1  }
0x17b: {  	_ =	sdelay $0x3  }
0x17c: {  	s0 =	sshll.u32 s29, $0x7  }
0x17d: {  	s1 =	simm.s32 $0x9F00;
	s0 =	ssub.s32 $0x1A00, s0  }
0x17e: {  	[tilespmem:s1], [sflag:$0x2] =	stream.indirect.gather [hbm4b:s5+s12], $0x40, s0, s12, $0xb8;
	[tilespmem:$0x17F00] =	vst v63  }
.LBB2_14:
0x17f: {  	p0 =	slt.s32 s28, $0x3  }
.Ltmp16:
0x180: {  	_ = 	snop;
	(pc) =	sbr.rel @p0 .LBB2_46-.Ltmp16, $1  }
0x181: {  	_ =	sdelay $0x3  }
.Ltmp17:
0x182: {  	(pc) =	sbr.rel .LBB2_16-.Ltmp17, $4  }
0x183: {  	_ = 	snop  }
0x184: {  	s0 =	sshll.u32 s29, $0x7  }
0x185: {  	s1 =	simm.s32 $0xBF00;
	s0 =	ssub.s32 $0x1A80, s0  }
0x186: {  	[tilespmem:s1], [sflag:$0x3] =	stream.indirect.gather [hbm4b:s5+s12], $0x40, s0, s12, $0xb8;
	[tilespmem:$0x17F00] =	vst v63  }
.LBB2_31:
0x187: {  	p0 =	sgt.u32 s0, $0x1FF  }
.Ltmp18:
0x188: {  	_ = 	snop;
	(pc) =	sbr.rel @p0 .LBB2_34-.Ltmp18, $1  }
0x189: {  	_ =	sdelay $0x3  }
.LBB2_32:
0x18a: {  	p0 =	slt.s32 s29, $0x4  }
.Ltmp19:
0x18b: {  	_ = 	snop;
	(pc) =	sbr.rel @p0 .LBB2_16-.Ltmp19, $1  }
0x18c: {  	_ =	sdelay $0x3  }
0x18d: {  	s0 =	simm.s32 $0x180;
	s1 =	simm.s32 $0xDF00  }
0x18e: {  	[tilespmem:s1], [sflag:$0x4] =	stream.indirect.gather [hbm4b:s4+s12], $0x40, s0, s12, $0xb8;
	[tilespmem:$0x17F00] =	vst v63  }
.LBB2_35:
0x18f: {  	p0 =	slt.s32 s29, $0x5  }
.Ltmp20:
0x190: {  	_ = 	snop;
	(pc) =	sbr.rel @p0 .LBB2_18-.Ltmp20, $1  }
0x191: {  	_ =	sdelay $0x3  }
0x192: {  	s0 =	simm.s32 $0x200;
	s1 =	simm.s32 $0xFF00  }
0x193: {  	[tilespmem:s1], [sflag:$0x5] =	stream.indirect.gather [hbm4b:s4+s12], $0x40, s0, s12, $0xb8;
	[tilespmem:$0x17F00] =	vst v63  }
.LBB2_38:
0x194: {  	p0 =	slt.s32 s29, $0x6  }
.Ltmp21:
0x195: {  	_ = 	snop;
	(pc) =	sbr.rel @p0 .LBB2_20-.Ltmp21, $1  }
0x196: {  	_ =	sdelay $0x3  }
0x197: {  	s0 =	simm.s32 $0x280;
	s1 =	simm.s32 $0x11F00  }
0x198: {  	[tilespmem:s1], [sflag:$0x6] =	stream.indirect.gather [hbm4b:s4+s12], $0x40, s0, s12, $0xb8;
	[tilespmem:$0x17F00] =	vst v63  }
.LBB2_41:
0x199: {  	p0 =	slt.s32 s29, $0x7  }
.Ltmp22:
0x19a: {  	_ = 	snop;
	(pc) =	sbr.rel @p0 .LBB2_22-.Ltmp22, $1  }
0x19b: {  	_ =	sdelay $0x3  }
0x19c: {  	s0 =	simm.s32 $0x300;
	s1 =	simm.s32 $0x13F00  }
0x19d: {  	[tilespmem:s1], [sflag:$0x7] =	stream.indirect.gather [hbm4b:s4+s12], $0x40, s0, s12, $0xb8;
	[tilespmem:$0x17F00] =	vst v63  }
.LBB2_44:
0x19e: {  	p0 =	slt.s32 s29, $0x8  }
.Ltmp23:
0x19f: {  	_ = 	snop;
	(pc) =	sbr.rel @p0 .LBB2_24-.Ltmp23, $1  }
0x1a0: {  	_ =	sdelay $0x3  }
.Ltmp24:
0x1a1: {  	(pc) =	sbr.rel .LBB2_46-.Ltmp24, $3  }
0x1a2: {  	_ =	sdelay $0x1  }
0x1a3: {  	s0 =	simm.s32 $0x380;
	s1 =	simm.s32 $0x15F00  }
0x1a4: {  	[tilespmem:s1], [sflag:$0x8] =	stream.indirect.gather [hbm4b:s4+s12], $0x40, s0, s12, $0xb8;
	[tilespmem:$0x17F00] =	vst v63  }
.LBB2_16:
0x1a5: {  	p0 =	slt.s32 s28, $0x4  }
.Ltmp25:
0x1a6: {  	_ = 	snop;
	(pc) =	sbr.rel @p0 .LBB2_46-.Ltmp25, $1  }
0x1a7: {  	_ =	sdelay $0x3  }
0x1a8: {  	s0 =	sshll.u32 s29, $0x7  }
0x1a9: {  	s1 =	simm.s32 $0xDF00;
	s0 =	ssub.s32 $0x1B00, s0  }
0x1aa: {  	[tilespmem:s1], [sflag:$0x4] =	stream.indirect.gather [hbm4b:s5+s12], $0x40, s0, s12, $0xb8;
	[tilespmem:$0x17F00] =	vst v63  }
.LBB2_18:
0x1ab: {  	p0 =	slt.s32 s28, $0x5  }
.Ltmp26:
0x1ac: {  	_ = 	snop;
	(pc) =	sbr.rel @p0 .LBB2_46-.Ltmp26, $1  }
0x1ad: {  	_ =	sdelay $0x3  }
0x1ae: {  	s0 =	sshll.u32 s29, $0x7  }
0x1af: {  	s1 =	simm.s32 $0xFF00;
	s0 =	ssub.s32 $0x1B80, s0  }
0x1b0: {  	[tilespmem:s1], [sflag:$0x5] =	stream.indirect.gather [hbm4b:s5+s12], $0x40, s0, s12, $0xb8;
	[tilespmem:$0x17F00] =	vst v63  }
.LBB2_20:
0x1b1: {  	p0 =	slt.s32 s28, $0x6  }
.Ltmp27:
0x1b2: {  	_ = 	snop;
	(pc) =	sbr.rel @p0 .LBB2_46-.Ltmp27, $1  }
0x1b3: {  	_ =	sdelay $0x3  }
0x1b4: {  	s0 =	sshll.u32 s29, $0x7  }
0x1b5: {  	s1 =	simm.s32 $0x11F00;
	s0 =	ssub.s32 $0x1C00, s0  }
0x1b6: {  	[tilespmem:s1], [sflag:$0x6] =	stream.indirect.gather [hbm4b:s5+s12], $0x40, s0, s12, $0xb8;
	[tilespmem:$0x17F00] =	vst v63  }
.LBB2_22:
0x1b7: {  	p0 =	slt.s32 s28, $0x7  }
.Ltmp28:
0x1b8: {  	_ = 	snop;
	(pc) =	sbr.rel @p0 .LBB2_46-.Ltmp28, $1  }
0x1b9: {  	_ =	sdelay $0x3  }
0x1ba: {  	s0 =	sshll.u32 s29, $0x7  }
0x1bb: {  	s1 =	simm.s32 $0x13F00;
	s0 =	ssub.s32 $0x1C80, s0  }
0x1bc: {  	[tilespmem:s1], [sflag:$0x7] =	stream.indirect.gather [hbm4b:s5+s12], $0x40, s0, s12, $0xb8;
	[tilespmem:$0x17F00] =	vst v63  }
.LBB2_24:
0x1bd: {  	p0 =	slt.s32 s28, $0x8  }
0x1be: {  	s0 =	sshll.u32 @!p0 s29, $0x7  }
0x1bf: {  	s1 =	simm.s32 @!p0 $0x80;
	s6 =	simm.s32 @!p0 $0x15F00;
	s0 =	ssub.s32 @!p0 $0x1D00, s0  }
0x1c0: {  	[tilespmem:s6], [sflag:$0x8] =	stream.indirect.gather @!p0 [hbm4b:s5+s1], $0x40, s0, s1, $0xb8;
	[tilespmem:$0x17F00] =	vst v63  }
.LBB2_46:
0x1c1: {  	s0 =	sadd.s32 $0x7, s28  }
0x1c2: {  	s1 =	sand.u32 $0x7, s0  }
0x1c3: {  	p0 =	slt.s32 s28, $0xFFFFFFFA;
	p1 =	sne.s32 s1, $0x0  }
0x1c4: {  	s30 =	sshrl.u32 s0, $0x1D;
	p0 =	por !p0, !p1  }
0x1c5: {  	s0 =	sadd.s32 s30, s0;
	s1 =	simm.s32 $0x1;
	p0 =	por !p0, !p0  }
0x1c6: {  	s0 =	sshra.s32 s0, $0x3;
	s1 =	simm.s32 @!p0 $0x0  }
0x1c7: {  	s1 =	ssub.s32 s0, s1  }
0x1c8: {  	p0 =	slt.s32 s1, $0x1  }
.Ltmp29:
0x1c9: {  	_ = 	snop;
	(pc) =	sbr.rel @p0 .LBB2_50-.Ltmp29, $1  }
0x1ca: {  	_ =	sdelay $0x3  }
0x1cb: {  	[dreg:$0x9] =	wrdreg s13;
	s0 =	sshll.u32 s29, $0x9;
	p0 =	sle.s32 s28, $0x0  }
0x1cc: {  	p1 =	sgt.s32 s29, $0x0;
	p3 =	sle.s32 s29, $0x0;
	s23 =	simm.s32 $0x0  }
0x1cd: {  	s0 =	ssub.s32 $0x0, s0;
	s6 =	simm.s32 @!p0 $0x1;
	p2 =	sle.s32 @!p1 s28, $0x0  }
0x1ce: {  	s7 =	simm.s32 @!p3 $0x80;
	s9 =	simm.s32 @!p3 $0x7F00;
	_ =	swait.ge @!p0 [sflag:s6], $0x2000  }
0x1cf: {  	s0 =	sshra.s32 s0, $0x2;
	p1 =	por p2, p1;
	[sflag:s6] =	ssyncset.done @!p0 $0x0  }
0x1d0: {  	s21 =	sadd.s32 $0x6580, s0;
	[sflag:s6] =	ssyncadd.s32 @!p0 $0xFFFFE000;
	s6 =	simm.s32 @!p3 $0x4C00  }
0x1d1: {  	[hbm4b:s31+s7] =	stream.indirect.scatter @!p3 [tilespmem:s9], [sflag:$0x9], $0x40, s6, s7, $0xb8;
	[tilespmem:$0x17F00] =	vst v63  }
0x1d2: {  	s6 =	simm.s32 @!p1 $0x80;
	s7 =	simm.s32 @!p1 $0x7F00;
	s9 =	sadd.s32 @!p1 $0x0, s21  }
0x1d3: {  	[hbm4b:s31+s6] =	stream.indirect.scatter @!p1 [tilespmem:s7], [sflag:$0x9], $0x40, s9, s6, $0xb8;
	[tilespmem:$0x17F00] =	vst v63  }
0x1d4: {  	s2 =	sadd.s32 $0x1980, s0;
	p0 =	sle.s32 s28, $0x1;
	p1 =	sgt.s32 s29, $0x1  }
0x1d5: {  	p3 =	sle.s32 s29, $0x1;
	s6 =	simm.s32 @!p0 $0x2;
	p2 =	sle.s32 @!p1 s28, $0x1  }
0x1d6: {  	s15 =	simm.s32 @!p3 $0x80;
	_ =	swait.ge @!p0 [sflag:s6], $0x2000;
	p1 =	por p2, p1  }
0x1d7: {  	s16 =	simm.s32 @!p3 $0x4C80;
	[sflag:s6] =	ssyncset.done @!p0 $0x0;
	s7 =	simm.s32 @!p1 $0x9F00  }
0x1d8: {  	[sflag:s6] =	ssyncadd.s32 @!p0 $0xFFFFE000;
	s6 =	simm.s32 @!p3 $0x9F00;
	s9 =	sadd.s32 @!p1 $0x0, s21  }
0x1d9: {  	[hbm4b:s31+s15] =	stream.indirect.scatter @!p3 [tilespmem:s6], [sflag:$0xA], $0x40, s16, s15, $0xb8;
	[tilespmem:$0x17F00] =	vst v63  }
0x1da: {  	p0 =	sle.s32 s28, $0x2;
	s6 =	sadd.s32 @!p1 $0x80, s9;
	s9 =	simm.s32 @!p1 $0x80  }
0x1db: {  	[hbm4b:s31+s9] =	stream.indirect.scatter @!p1 [tilespmem:s7], [sflag:$0xA], $0x40, s6, s9, $0xb8;
	[tilespmem:$0x17F00] =	vst v63  }
0x1dc: {  	s0 =	simm.s32 @!p0 $0x3;
	p3 =	sle.s32 s29, $0x2;
	p1 =	sgt.s32 s29, $0x2  }
0x1dd: {  	s15 =	simm.s32 @!p3 $0x4D00;
	p2 =	sle.s32 @!p1 s28, $0x2;
	_ =	swait.ge @!p0 [sflag:s0], $0x2000  }
0x1de: {  	s9 =	simm.s32 @!p3 $0x80;
	p1 =	por p2, p1;
	[sflag:s0] =	ssyncset.done @!p0 $0x0  }
0x1df: {  	[sflag:s0] =	ssyncadd.s32 @!p0 $0xFFFFE000;
	s0 =	simm.s32 @!p3 $0xBF00;
	s7 =	sadd.s32 @!p1 $0x0, s21  }
0x1e0: {  	[hbm4b:s31+s9] =	stream.indirect.scatter @!p3 [tilespmem:s0], [sflag:$0xB], $0x40, s15, s9, $0xb8;
	[tilespmem:$0x17F00] =	vst v63  }
0x1e1: {  	s6 =	simm.s32 @!p1 $0xBF00;
	s0 =	sadd.s32 @!p1 $0x100, s7;
	s7 =	simm.s32 @!p1 $0x80  }
0x1e2: {  	[hbm4b:s31+s7] =	stream.indirect.scatter @!p1 [tilespmem:s6], [sflag:$0xB], $0x40, s0, s7, $0xb8;
	[tilespmem:$0x17F00] =	vst v63  }
0x1e3: {  	s3 =	sadd.s32 $0xFFFFFFFF, s1;
	p0 =	sle.s32 s28, $0x3;
	p1 =	sgt.s32 s29, $0x3  }
0x1e4: {  	p3 =	sle.s32 s29, $0x3;
	s6 =	simm.s32 @!p0 $0x4;
	p2 =	sle.s32 @!p1 s28, $0x3  }
0x1e5: {  	s9 =	simm.s32 @!p3 $0x80;
	_ =	swait.ge @!p0 [sflag:s6], $0x2000;
	p1 =	por p2, p1  }
0x1e6: {  	s15 =	simm.s32 @!p3 $0x4D80;
	[sflag:s6] =	ssyncset.done @!p0 $0x0;
	s1 =	simm.s32 @!p1 $0xDF00  }
0x1e7: {  	[sflag:s6] =	ssyncadd.s32 @!p0 $0xFFFFE000;
	s6 =	simm.s32 @!p3 $0xDF00;
	s7 =	sadd.s32 @!p1 $0x0, s21  }
0x1e8: {  	[hbm4b:s31+s9] =	stream.indirect.scatter @!p3 [tilespmem:s6], [sflag:$0xC], $0x40, s15, s9, $0xb8;
	[tilespmem:$0x17F00] =	vst v63  }
0x1e9: {  	p0 =	sne.s32 s3, $0x0;
	s6 =	sadd.s32 @!p1 $0x180, s7;
	s7 =	simm.s32 @!p1 $0x80  }
0x1ea: {  	[hbm4b:s31+s7] =	stream.indirect.scatter @!p1 [tilespmem:s1], [sflag:$0xC], $0x40, s6, s7, $0xb8;
	[tilespmem:$0x17F00] =	vst v63  }
0x1eb: {  	p5 =	sle.s32 s29, $0x4;
	s0 =	simm.s32 $0x7;
	s1 =	simm.s32 @!p0 $0x0  }
0x1ec: {  	p2 =	sle.s32 s28, $0x7;
	p3 =	sle.s32 s28, $0x4;
	s1 =	simm.s32 @p0 $0x1  }
0x1ed: {  	p1 =	sgt.s32 s29, $0x4;
	[smem:$0x7FD] =	sst s1;
	s1 =	simm.s32 @!p3 $0x5  }
0x1ee: {  	s9 =	simm.s32 @!p5 $0xFF00;
	p4 =	sle.s32 @!p1 s28, $0x4;
	_ =	swait.ge @!p3 [sflag:s1], $0x2000  }
0x1ef: {  	s6 =	simm.s32 @!p5 $0x80;
	p4 =	por p4, p1;
	[sflag:s1] =	ssyncset.done @!p3 $0x0  }
0x1f0: {  	s7 =	simm.s32 @!p5 $0x4E00;
	[sflag:s1] =	ssyncadd.s32 @!p3 $0xFFFFE000;
	s1 =	sadd.s32 @!p4 $0x0, s21  }
0x1f1: {  	[hbm4b:s31+s6] =	stream.indirect.scatter @!p5 [tilespmem:s9], [sflag:$0xD], $0x40, s7, s6, $0xb8;
	[tilespmem:$0x17F00] =	vst v63  }
0x1f2: {  	p3 =	sgt.s32 s29, $0x5;
	s6 =	simm.s32 @!p4 $0xFF00;
	s7 =	simm.s32 @!p4 $0x80  }
0x1f3: {  	s1 =	sadd.s32 @!p4 $0x200, s1;
	p5 =	sle.s32 s28, $0x5;
	p6 =	sle.s32 @!p3 s28, $0x5  }
0x1f4: {  	s9 =	simm.s32 @!p5 $0x6;
	p3 =	por p6, p3;
	p6 =	sle.s32 s29, $0x5  }
0x1f5: {  	[hbm4b:s31+s7] =	stream.indirect.scatter @!p4 [tilespmem:s6], [sflag:$0xD], $0x40, s1, s7, $0xb8;
	[tilespmem:$0x17F00] =	vst v63  }
0x1f6: {  	s1 =	simm.s32 @!p6 $0x4E80;
	s6 =	simm.s32 @!p6 $0x80;
	_ =	swait.ge @!p5 [sflag:s9], $0x2000  }
0x1f7: {  	s7 =	simm.s32 @!p3 $0x80;
	s15 =	sadd.s32 @!p3 $0x0, s21;
	[sflag:s9] =	ssyncset.done @!p5 $0x0  }
0x1f8: {  	p4 =	sgt.s32 s29, $0x6;
	s16 =	simm.s32 @!p6 $0x11F00;
	[sflag:s9] =	ssyncadd.s32 @!p5 $0xFFFFE000  }
0x1f9: {  	[hbm4b:s31+s6] =	stream.indirect.scatter @!p6 [tilespmem:s16], [sflag:$0xE], $0x40, s1, s6, $0xb8;
	[tilespmem:$0x17F00] =	vst v63  }
0x1fa: {  	p5 =	sle.s32 s28, $0x6;
	p6 =	sle.s32 @!p4 s28, $0x6;
	s1 =	sadd.s32 @!p3 $0x280, s15  }
0x1fb: {  	s6 =	simm.s32 @!p3 $0x11F00;
	s9 =	simm.s32 @!p5 $0x7;
	p4 =	por p6, p4  }
0x1fc: {  	[hbm4b:s31+s7] =	stream.indirect.scatter @!p3 [tilespmem:s6], [sflag:$0xE], $0x40, s1, s7, $0xb8;
	[tilespmem:$0x17F00] =	vst v63  }
0x1fd: {  	p6 =	sle.s32 s29, $0x6;
	s1 =	sadd.s32 @!p4 $0x0, s21;
	p3 =	sgt.s32 s29, $0xC  }
0x1fe: {  	s6 =	simm.s32 @!p4 $0x80;
	s7 =	simm.s32 @!p6 $0x4F00;
	_ =	swait.ge @!p5 [sflag:s9], $0x2000  }
0x1ff: {  	s15 =	simm.s32 @!p6 $0x13F00;
	s1 =	sadd.s32 @!p4 $0x300, s1;
	[sflag:s9] =	ssyncset.done @!p5 $0x0  }
0x200: {  	[sflag:s9] =	ssyncadd.s32 @!p5 $0xFFFFE000;
	p5 =	sle.s32 s29, $0x7;
	s9 =	simm.s32 @!p6 $0x80  }
0x201: {  	[hbm4b:s31+s9] =	stream.indirect.scatter @!p6 [tilespmem:s15], [sflag:$0xF], $0x40, s7, s9, $0xb8;
	[tilespmem:$0x17F00] =	vst v63  }
0x202: {  	p6 =	sgt.s32 s29, $0x7;
	s7 =	simm.s32 @!p4 $0x13F00;
	s9 =	simm.s32 @!p2 $0x8  }
0x203: {  	[hbm4b:s31+s6] =	stream.indirect.scatter @!p4 [tilespmem:s7], [sflag:$0xF], $0x40, s1, s6, $0xb8;
	[tilespmem:$0x17F00] =	vst v63  }
0x204: {  	s1 =	simm.s32 @!p5 $0x15F00;
	p4 =	sle.s32 @!p6 s28, $0x7;
	_ =	swait.ge @!p2 [sflag:s9], $0x2000  }
0x205: {  	s6 =	simm.s32 @!p5 $0x4F80;
	s7 =	simm.s32 @!p5 $0x80;
	[sflag:s9] =	ssyncset.done @!p2 $0x0  }
0x206: {  	p6 =	por p4, p6;
	p4 =	sgt.s32 s29, $0x8;
	[sflag:s9] =	ssyncadd.s32 @!p2 $0xFFFFE000  }
0x207: {  	[hbm4b:s31+s7] =	stream.indirect.scatter @!p5 [tilespmem:s1], [sflag:$0x10], $0x40, s6, s7, $0xb8;
	[tilespmem:$0x17F00] =	vst v63  }
0x208: {  	p2 =	sle.s32 s28, $0x9;
	s9 =	simm.s32 @!p6 $0x80;
	p5 =	sle.s32 @!p4 s28, $0x8  }
0x209: {  	s1 =	sadd.s32 @!p6 $0x0, s21;
	p4 =	por p5, p4;
	p5 =	sle.s32 s28, $0x8  }
0x20a: {  	s6 =	simm.s32 @!p6 $0x15F00;
	s1 =	sadd.s32 @!p6 $0x380, s1;
	s7 =	simm.s32 @!p5 $0x9  }
0x20b: {  	[hbm4b:s31+s9] =	stream.indirect.scatter @!p6 [tilespmem:s6], [sflag:$0x10], $0x40, s1, s9, $0xb8;
	[tilespmem:$0x17F00] =	vst v63  }
0x20c: {  	p6 =	sle.s32 s29, $0x8;
	s1 =	simm.s32 @!p2 $0xA;
	_ =	swait.ge @!p5 [sflag:s7], $0x2000  }
0x20d: {  	s15 =	sadd.s32 @!p4 $0x0, s2;
	s6 =	simm.s32 @!p6 $0x7F00;
	[sflag:s7] =	ssyncset.done @!p5 $0x0  }
0x20e: {  	s9 =	simm.s32 @!p6 $0x400;
	[sflag:s7] =	ssyncadd.s32 @!p5 $0xFFFFE000;
	s7 =	simm.s32 @!p6 $0x80  }
0x20f: {  	[tilespmem:s6], [sflag:$0x1] =	stream.indirect.gather @!p6 [hbm4b:s4+s7], $0x40, s9, s7, $0xb8;
	[tilespmem:$0x17F00] =	vst v63  }
0x210: {  	p5 =	sle.s32 @!p3 s28, $0xC;
	s6 =	simm.s32 @!p4 $0x80;
	s7 =	sadd.s32 @!p4 $0x400, s15  }
0x211: {  	s9 =	simm.s32 @!p4 $0x7F00;
	p0 =	por p5, p3;
	p5 =	sgt.s32 s29, $0x9  }
0x212: {  	[tilespmem:s9], [sflag:$0x1] =	stream.indirect.gather @!p4 [hbm4b:s5+s6], $0x40, s7, s6, $0xb8;
	[tilespmem:$0x17F00] =	vst v63  }
0x213: {  	p1 =	sle.s32 s29, $0xA;
	p6 =	sle.s32 @!p5 s28, $0x9;
	_ =	swait.ge @!p2 [sflag:s1], $0x2000  }
0x214: {  	p5 =	por p6, p5;
	p6 =	por p0, p0;
	[sflag:s1] =	ssyncset.done @!p2 $0x0  }
0x215: {  	p0 =	sle.s32 s28, $0xC;
	[sflag:s1] =	ssyncadd.s32 @!p2 $0xFFFFE000;
	p2 =	sle.s32 s29, $0x9  }
0x216: {  	s1 =	simm.s32 @!p2 $0x480;
	s6 =	simm.s32 @!p2 $0x9F00;
	s7 =	simm.s32 @!p2 $0x80  }
0x217: {  	[tilespmem:s6], [sflag:$0x2] =	stream.indirect.gather @!p2 [hbm4b:s4+s7], $0x40, s1, s7, $0xb8;
	[tilespmem:$0x17F00] =	vst v63  }
0x218: {  	p3 =	sle.s32 s28, $0xA;
	s15 =	simm.s32 $0xC;
	s6 =	simm.s32 @!p0 $0x0  }
0x219: {  	s19 =	simm.s32 @!p3 $0xB;
	p4 =	sgt.s32 s29, $0xA;
	s6 =	simm.s32 @p0 $0x1  }
0x21a: {  	s9 =	simm.s32 @!p5 $0x9F00;
	[smem:$0x7FC] =	sst s6;
	s6 =	sadd.s32 @!p5 $0x0, s2  }
0x21b: {  	[dreg:$0x4] =	wrdreg s2;
	s7 =	simm.s32 @!p5 $0x80;
	s6 =	sadd.s32 @!p5 $0x480, s6  }
0x21c: {  	[tilespmem:s9], [sflag:$0x2] =	stream.indirect.gather @!p5 [hbm4b:s5+s7], $0x40, s6, s7, $0xb8;
	[tilespmem:$0x17F00] =	vst v63  }
0x21d: {  	s17 =	simm.s32 @!p0 $0xD;
	p2 =	sle.s32 @!p4 s28, $0xA;
	_ =	swait.ge @!p3 [sflag:s19], $0x2000  }
0x21e: {  	s18 =	simm.s32 @!p6 $0xFF00;
	p2 =	por p2, p4;
	s30 =	sld [smem:$0x7FD]  }
0x21f: {  	s16 =	simm.s32 @!p6 $0x0;
	s1 =	simm.s32 @!p1 $0x500;
	s7 =	sadd.s32 @!p2 $0x0, s2  }
0x220: {  	s20 =	simm.s32 @!p2 $0x80;
	s6 =	simm.s32 @!p1 $0x80;
	s9 =	sadd.s32 @!p2 $0x500, s7  }
0x221: {  	s7 =	simm.s32 @!p1 $0xBF00;
	[sflag:s19] =	ssyncset.done @!p3 $0x0;
	p0 =	seq.s32 s30, $0x1  }
.Ltmp30:
0x222: {  	[sflag:s19] =	ssyncadd.s32 @!p3 $0xFFFFE000;
	p3 =	sgt.s32 s29, $0xB;
	(pc) =	sbr.rel @!p0 .LBB2_49-.Ltmp30, $4  }
0x223: {  	[tilespmem:s7], [sflag:$0x3] =	stream.indirect.gather @!p1 [hbm4b:s4+s6], $0x40, s1, s6, $0xb8;
	[tilespmem:$0x17F00] =	vst v63  }
0x224: {  	s22 =	simm.s32 @!p2 $0xBF00;
	p1 =	sle.s32 s28, $0xB;
	p4 =	sle.s32 @!p3 s28, $0xB  }
0x225: {  	s1 =	simm.s32 $0x0;
	p3 =	por p4, p3;
	p4 =	sle.s32 s29, $0xB  }
0x226: {  	s19 =	simm.s32 @!p1 $0xC;
	s7 =	simm.s32 @!p4 $0x0;
	s6 =	simm.s32 @!p4 $0x80  }
.LBB2_48:
0x227: {  	[tilespmem:s22], [sflag:$0x3] =	stream.indirect.gather @!p2 [hbm4b:s5+s20], $0x40, s9, s20, $0xb8;
	[tilespmem:$0x17F00] =	vst v63  }
0x228: {  	s3 =	sadd.s32 $0xFFFFFFFF, s3;
	s24 =	simm.s32 @!p4 $0xDF00;
	_ =	swait.ge @!p1 [sflag:s19], $0x2000  }
0x229: {  	s30 =	sshra.s32 @!p3 s23, $0x2;
	s26 =	rddreg [dreg:$0x4];
	[sflag:s19] =	ssyncset.done @!p1 $0x0  }
0x22a: {  	s7 =	sadd.s32 @!p4 $0x580, s7;
	s9 =	sadd.s32 @!p3 s30, s26;
	[sflag:s19] =	ssyncadd.s32 @!p1 $0xFFFFE000  }
0x22b: {  	[tilespmem:s24], [sflag:$0x4] =	stream.indirect.gather @!p4 [hbm4b:s4+s6], $0x40, s7, s6, $0xb8;
	[tilespmem:$0x17F00] =	vst v63  }
0x22c: {  	s20 =	simm.s32 @!p3 $0x80;
	s9 =	sadd.s32 @!p3 $0x580, s9;
	s6 =	simm.s32 @!p3 $0xDF00  }
0x22d: {  	[tilespmem:s6], [sflag:$0x4] =	stream.indirect.gather @!p3 [hbm4b:s5+s20], $0x40, s9, s20, $0xb8;
	[tilespmem:$0x17F00] =	vst v63  }
0x22e: {  	p1 =	sne.s32 s3, $0x0;
	s6 =	sld [smem:$0x7FC]  }
0x22f: {  	p0 =	sge.s32 s15, s29;
	s15 =	sadd.s32 $0x6, s0;
	s2 =	simm.s32 @!p1 $0x0  }
0x230: {  	p2 =	sge.s32 s15, s28;
	s2 =	simm.s32 @p1 $0x1  }
0x231: {  	s7 =	simm.s32 @!p0 $0x80;
	[smem:$0x7FB] =	sst s2;
	p1 =	seq.s32 s6, $0x1  }
0x232: {  	s24 =	smov.u32 s3;
	s9 =	sadd.s32 @!p6 s16, s26;
	_ =	swait.ge @!p1 [sflag:s17], $0x2000  }
0x233: {  	s16 =	simm.s32 @!p0 $0xFF00;
	s6 =	sshra.s32 @!p0 s23, $0x2;
	[sflag:s17] =	ssyncset.done @!p1 $0x0  }
0x234: {  	s9 =	sadd.s32 @!p6 $0x600, s9;
	s6 =	sadd.s32 @!p0 $0x600, s6;
	[sflag:s17] =	ssyncadd.s32 @!p1 $0xFFFFE000  }
0x235: {  	[tilespmem:s16], [sflag:$0x5] =	stream.indirect.gather @!p0 [hbm4b:s4+s7], $0x40, s6, s7, $0xb8;
	[tilespmem:$0x17F00] =	vst v63  }
0x236: {  	p1 =	sge.s32 s15, s29;
	s6 =	simm.s32 @!p6 $0x80;
	p0 =	slt.s32 s15, s29  }
0x237: {  	s16 =	simm.s32 @!p1 $0x80;
	p3 =	sge.s32 @!p0 s15, s28;
	s15 =	sshra.s32 @!p1 s23, $0x2  }
0x238: {  	[tilespmem:s18], [sflag:$0x5] =	stream.indirect.gather @!p6 [hbm4b:s5+s6], $0x40, s9, s6, $0xb8;
	[tilespmem:$0x17F00] =	vst v63  }
0x239: {  	s6 =	simm.s32 @!p2 $0xE;
	p0 =	por p3, p0;
	s15 =	sadd.s32 @!p1 $0x680, s15  }
0x23a: {  	s18 =	sadd.s32 $0x7, s0;
	s0 =	sadd.s32 $0x8, s0;
	_ =	swait.ge @!p2 [sflag:s6], $0x2000  }
0x23b: {  	s7 =	sshra.s32 @!p0 s23, $0x2;
	s9 =	simm.s32 @!p0 $0x11F00;
	s17 =	simm.s32 @!p0 $0x80  }
0x23c: {  	p3 =	slt.s32 s18, s29;
	s23 =	sadd.s32 $0x1000, s23;
	s14 =	sadd.s32 $0xFFFFFFFC, s0  }
0x23d: {  	s30 =	sadd.s32 $0x2, s0;
	s3 =	sadd.s32 $0xFFFFFFFE, s0;
	[sflag:s6] =	ssyncset.done @!p2 $0x0  }
0x23e: {  	s7 =	sadd.s32 @!p0 s7, s26;
	p4 =	sge.s32 s3, s28;
	p6 =	sge.s32 s3, s29  }
0x23f: {  	[sflag:s6] =	ssyncadd.s32 @!p2 $0xFFFFE000;
	s6 =	simm.s32 @!p1 $0x11F00;
	s7 =	sadd.s32 @!p0 $0x680, s7  }
0x240: {  	[tilespmem:s6], [sflag:$0x6] =	stream.indirect.gather @!p1 [hbm4b:s4+s16], $0x40, s15, s16, $0xb8;
	[tilespmem:$0x17F00] =	vst v63  }
0x241: {  	p2 =	sge.s32 s18, s28;
	s11 =	simm.s32 @!p6 $0x80;
	p1 =	sge.s32 s18, s29  }
0x242: {  	s6 =	simm.s32 @!p2 $0xF;
	s15 =	sshra.s32 @!p1 s1, $0x2;
	s16 =	simm.s32 @!p1 $0x80  }
0x243: {  	[tilespmem:s9], [sflag:$0x6] =	stream.indirect.gather @!p0 [hbm4b:s5+s17], $0x40, s7, s17, $0xb8;
	[tilespmem:$0x17F00] =	vst v63  }
0x244: {  	p0 =	sge.s32 @!p3 s18, s28;
	s15 =	sadd.s32 @!p1 $0x700, s15;
	s18 =	sadd.s32 $0xFFFFFFFB, s0  }
0x245: {  	_ =	swait.ge @!p2 [sflag:s6], $0x2000;
	p0 =	por p0, p3;
	p3 =	sge.s32 s0, s29  }
0x246: {  	[sflag:s6] =	ssyncset.done @!p2 $0x0;
	s7 =	sshra.s32 @!p0 s1, $0x2;
	s9 =	simm.s32 @!p0 $0x13F00  }
0x247: {  	s17 =	simm.s32 @!p0 $0x80;
	s8 =	simm.s32 @!p3 $0x80;
	[sflag:s6] =	ssyncadd.s32 @!p2 $0xFFFFE000  }
0x248: {  	s6 =	simm.s32 @!p1 $0x13F00;
	s7 =	sadd.s32 @!p0 s7, s26;
	p2 =	sge.s32 s0, s28  }
0x249: {  	[tilespmem:s6], [sflag:$0x7] =	stream.indirect.gather @!p1 [hbm4b:s4+s16], $0x40, s15, s16, $0xb8;
	[tilespmem:$0x17F00] =	vst v63  }
0x24a: {  	s22 =	simm.s32 @!p3 $0x80;
	s7 =	sadd.s32 @!p0 $0x700, s7;
	s2 =	simm.s32 @!p2 $0x0  }
0x24b: {  	p1 =	slt.s32 s0, s29;
	s6 =	simm.s32 @!p2 $0x10;
	s2 =	simm.s32 @p2 $0x1  }
0x24c: {  	[tilespmem:s9], [sflag:$0x7] =	stream.indirect.gather @!p0 [hbm4b:s5+s17], $0x40, s7, s17, $0xb8;
	[tilespmem:$0x17F00] =	vst v63  }
0x24d: {  	[smem:$0x7F1] =	sst s2;
	p0 =	sge.s32 @!p1 s0, s28;
	s2 =	simm.s32 @!p3 $0x0  }
0x24e: {  	s9 =	sadd.s32 $0xFFFFFFFA, s0;
	_ =	swait.ge @!p2 [sflag:s6], $0x2000;
	p0 =	por p0, p1  }
0x24f: {  	s2 =	simm.s32 @p3 $0x1;
	[sflag:s6] =	ssyncset.done @!p2 $0x0;
	s7 =	sshra.s32 @!p0 s1, $0x2  }
0x250: {  	s19 =	simm.s32 @!p0 $0x15F00;
	[smem:$0x7F5] =	sst s2;
	s2 =	simm.s32 @!p3 $0x15F00  }
0x251: {  	s1 =	sshra.s32 @!p3 s1, $0x2;
	s20 =	simm.s32 @!p0 $0x80;
	[sflag:s6] =	ssyncadd.s32 @!p2 $0xFFFFE000  }
0x252: {  	s6 =	sadd.s32 @!p0 s7, s26;
	s7 =	sadd.s32 @!p3 $0x780, s1;
	s1 =	simm.s32 @!p0 $0x0  }
0x253: {  	[tilespmem:s2], [sflag:$0x8] =	stream.indirect.gather @!p3 [hbm4b:s4+s8], $0x40, s7, s8, $0xb8;
	[tilespmem:$0x17F00] =	vst v63  }
0x254: {  	s6 =	sadd.s32 @!p0 $0x780, s6;
	s1 =	simm.s32 @p0 $0x1;
	s7 =	sadd.s32 $0xFFFFFFF9, s0  }
0x255: {  	s2 =	simm.s32 @!p3 $0x15F00;
	[smem:$0x7F2] =	sst s1;
	p1 =	sge.s32 s7, s28  }
0x256: {  	[tilespmem:s19], [sflag:$0x8] =	stream.indirect.gather @!p0 [hbm4b:s5+s20], $0x40, s6, s20, $0xb8;
	[tilespmem:$0x17F00] =	vst v63  }
0x257: {  	[dreg:$0x5] =	wrdreg s2;
	p3 =	sge.s32 s7, s29;
	s6 =	simm.s32 @!p1 $0x1  }
0x258: {  	p0 =	slt.s32 s7, s29;
	s15 =	simm.s32 @!p3 $0x80;
	_ =	swait.ge @!p1 [sflag:s6], $0x2000  }
0x259: {  	p2 =	sge.s32 @!p0 s7, s28;
	s7 =	sshra.s32 @!p3 s23, $0x2;
	[sflag:s6] =	ssyncset.done @!p1 $0x0  }
0x25a: {  	p0 =	por p2, p0;
	p2 =	sge.s32 s9, s28;
	[sflag:s6] =	ssyncadd.s32 @!p1 $0xFFFFE000  }
0x25b: {  	s6 =	sadd.s32 @!p3 $0x4C00, s7;
	s7 =	simm.s32 @!p3 $0x7F00;
	p1 =	sge.s32 s9, s29  }
0x25c: {  	[hbm4b:s31+s15] =	stream.indirect.scatter @!p3 [tilespmem:s7], [sflag:$0x9], $0x40, s6, s15, $0xb8;
	[tilespmem:$0x17F00] =	vst v63  }
0x25d: {  	s6 =	sshra.s32 @!p0 s23, $0x2;
	s7 =	simm.s32 @!p0 $0x80;
	s15 =	simm.s32 @!p0 $0x7F00  }
0x25e: {  	p3 =	slt.s32 s9, s29;
	s16 =	simm.s32 @!p1 $0x80;
	s6 =	sadd.s32 @!p0 s6, s21  }
0x25f: {  	[hbm4b:s31+s7] =	stream.indirect.scatter @!p0 [tilespmem:s15], [sflag:$0x9], $0x40, s6, s7, $0xb8;
	[tilespmem:$0x17F00] =	vst v63  }
0x260: {  	s6 =	simm.s32 @!p2 $0x2;
	p0 =	sge.s32 @!p3 s9, s28;
	s15 =	sshra.s32 @!p1 s23, $0x2  }
0x261: {  	_ =	swait.ge @!p2 [sflag:s6], $0x2000;
	p0 =	por p0, p3;
	s15 =	sadd.s32 @!p1 $0x4C80, s15  }
0x262: {  	p3 =	slt.s32 s18, s29;
	[sflag:s6] =	ssyncset.done @!p2 $0x0;
	s7 =	sshra.s32 @!p0 s23, $0x2  }
0x263: {  	s9 =	simm.s32 @!p0 $0x9F00;
	s17 =	simm.s32 @!p0 $0x80;
	[sflag:s6] =	ssyncadd.s32 @!p2 $0xFFFFE000  }
0x264: {  	s6 =	simm.s32 @!p1 $0x9F00;
	s7 =	sadd.s32 @!p0 s7, s21;
	p2 =	sge.s32 s18, s28  }
0x265: {  	[hbm4b:s31+s16] =	stream.indirect.scatter @!p1 [tilespmem:s6], [sflag:$0xA], $0x40, s15, s16, $0xb8;
	[tilespmem:$0x17F00] =	vst v63  }
0x266: {  	s7 =	sadd.s32 @!p0 $0x80, s7;
	s6 =	simm.s32 @!p2 $0x3;
	p1 =	sge.s32 s18, s29  }
0x267: {  	[hbm4b:s31+s17] =	stream.indirect.scatter @!p0 [tilespmem:s9], [sflag:$0xA], $0x40, s7, s17, $0xb8;
	[tilespmem:$0x17F00] =	vst v63  }
0x268: {  	s16 =	sshra.s32 @!p1 s23, $0x2;
	p0 =	sge.s32 @!p3 s18, s28;
	s9 =	sadd.s32 $0x1, s0  }
0x269: {  	s17 =	simm.s32 @!p1 $0x80;
	_ =	swait.ge @!p2 [sflag:s6], $0x2000;
	p0 =	por p0, p3  }
0x26a: {  	s16 =	sadd.s32 @!p1 $0x4D00, s16;
	[sflag:s6] =	ssyncset.done @!p2 $0x0;
	s7 =	sshra.s32 @!p0 s23, $0x2  }
0x26b: {  	s15 =	simm.s32 @!p0 $0xBF00;
	[sflag:s6] =	ssyncadd.s32 @!p2 $0xFFFFE000;
	s6 =	simm.s32 @!p1 $0xBF00  }
0x26c: {  	[hbm4b:s31+s17] =	stream.indirect.scatter @!p1 [tilespmem:s6], [sflag:$0xB], $0x40, s16, s17, $0xb8;
	[tilespmem:$0x17F00] =	vst v63  }
0x26d: {  	s18 =	simm.s32 @!p0 $0x80;
	s7 =	sadd.s32 @!p0 s7, s21;
	p1 =	slt.s32 s14, s29  }
0x26e: {  	p2 =	sge.s32 s14, s28;
	s7 =	sadd.s32 @!p0 $0x100, s7;
	p3 =	sge.s32 @!p1 s14, s28  }
0x26f: {  	[hbm4b:s31+s18] =	stream.indirect.scatter @!p0 [tilespmem:s15], [sflag:$0xB], $0x40, s7, s18, $0xb8;
	[tilespmem:$0x17F00] =	vst v63  }
0x270: {  	s6 =	simm.s32 @!p2 $0x4;
	p0 =	sge.s32 s14, s29;
	p1 =	por p3, p1  }
0x271: {  	s18 =	sadd.s32 $0xFFFFFFFD, s0;
	_ =	swait.ge @!p2 [sflag:s6], $0x2000;
	s7 =	sshra.s32 @!p1 s23, $0x2  }
0x272: {  	s14 =	simm.s32 @!p1 $0xDF00;
	s15 =	sshra.s32 @!p0 s23, $0x2;
	s16 =	simm.s32 @!p0 $0x80  }
0x273: {  	s17 =	simm.s32 @!p1 $0x80;
	[sflag:s6] =	ssyncset.done @!p2 $0x0;
	s7 =	sadd.s32 @!p1 s7, s21  }
0x274: {  	s15 =	sadd.s32 @!p0 $0x4D80, s15;
	[sflag:s6] =	ssyncadd.s32 @!p2 $0xFFFFE000;
	s6 =	simm.s32 @!p0 $0xDF00  }
0x275: {  	[hbm4b:s31+s16] =	stream.indirect.scatter @!p0 [tilespmem:s6], [sflag:$0xC], $0x40, s15, s16, $0xb8;
	[tilespmem:$0x17F00] =	vst v63  }
0x276: {  	p3 =	sge.s32 s18, s28;
	s7 =	sadd.s32 @!p1 $0x180, s7;
	p0 =	sge.s32 s18, s29  }
0x277: {  	p2 =	slt.s32 s18, s29;
	s6 =	simm.s32 @!p3 $0x5;
	s16 =	simm.s32 @!p0 $0x80  }
0x278: {  	[hbm4b:s31+s17] =	stream.indirect.scatter @!p1 [tilespmem:s14], [sflag:$0xC], $0x40, s7, s17, $0xb8;
	[tilespmem:$0x17F00] =	vst v63  }
0x279: {  	p1 =	sge.s32 @!p2 s18, s28;
	s7 =	sadd.s32 $0x3, s0;
	s17 =	simm.s32 @!p0 $0xFF00  }
0x27a: {  	_ =	swait.ge @!p3 [sflag:s6], $0x2000;
	p2 =	por p1, p2;
	p1 =	sge.s32 s7, s29  }
0x27b: {  	[sflag:s6] =	ssyncset.done @!p3 $0x0;
	s14 =	sshra.s32 @!p2 s23, $0x2;
	s2 =	simm.s32 @!p1 $0x0  }
0x27c: {  	s15 =	sshra.s32 @!p1 s23, $0x2;
	s2 =	simm.s32 @p1 $0x1;
	[sflag:s6] =	ssyncadd.s32 @!p3 $0xFFFFE000  }
0x27d: {  	s6 =	sadd.s32 @!p2 s14, s21;
	p3 =	sge.s32 s7, s28;
	s14 =	sshra.s32 @!p0 s23, $0x2  }
0x27e: {  	[smem:$0x7FA] =	sst s2;
	s2 =	simm.s32 @!p3 $0x0;
	s14 =	sadd.s32 @!p0 $0x4E00, s14  }
0x27f: {  	[hbm4b:s31+s16] =	stream.indirect.scatter @!p0 [tilespmem:s17], [sflag:$0xD], $0x40, s14, s16, $0xb8;
	[tilespmem:$0x17F00] =	vst v63  }
0x280: {  	s18 =	simm.s32 @!p2 $0xFF00;
	s2 =	simm.s32 @p3 $0x1;
	p3 =	slt.s32 s7, s29  }
0x281: {  	s10 =	simm.s32 @!p2 $0x80;
	p0 =	slt.s32 s3, s29;
	p5 =	sge.s32 @!p3 s7, s28  }
0x282: {  	[smem:$0x7F9] =	sst s2;
	s2 =	sadd.s32 @!p2 $0x200, s6;
	s7 =	simm.s32 @!p5 $0x0  }
0x283: {  	[hbm4b:s31+s10] =	stream.indirect.scatter @!p2 [tilespmem:s18], [sflag:$0xD], $0x40, s2, s10, $0xb8;
	[tilespmem:$0x17F00] =	vst v63  }
0x284: {  	s6 =	sadd.s32 @!p1 $0x500, s15;
	s8 =	simm.s32 @!p3 $0x0;
	s7 =	simm.s32 @p5 $0x1  }
0x285: {  	p1 =	sge.s32 @!p0 s3, s28;
	[smem:$0x7F7] =	sst s7;
	s7 =	sadd.s32 $0xFFFFFFFF, s0  }
0x286: {  	s8 =	simm.s32 @p3 $0x1;
	p5 =	por p1, p0;
	p0 =	sge.s32 s7, s29  }
0x287: {  	s15 =	sadd.s32 $0x5, s0;
	[smem:$0x7F8] =	sst s8;
	s8 =	simm.s32 @!p0 $0x0  }
0x288: {  	s14 =	simm.s32 @!p4 $0x6;
	s8 =	simm.s32 @p0 $0x1;
	p0 =	sge.s32 s15, s28  }
0x289: {  	s16 =	sshra.s32 @!p6 s23, $0x2;
	p3 =	slt.s32 s15, s29;
	s13 =	simm.s32 @!p0 $0x0  }
0x28a: {  	s17 =	simm.s32 @!p0 $0xD;
	s13 =	simm.s32 @p0 $0x1;
	p0 =	sge.s32 @!p3 s15, s28  }
0x28b: {  	s10 =	simm.s32 @!p6 $0x11F00;
	[smem:$0x7FC] =	sst s13;
	s13 =	simm.s32 @!p0 $0x0  }
0x28c: {  	s3 =	sshra.s32 @!p5 s23, $0x2;
	[smem:$0x7F0] =	sst s8;
	s13 =	simm.s32 @p0 $0x1  }
0x28d: {  	s12 =	simm.s32 @!p5 $0x80;
	p2 =	slt.s32 s7, s29;
	[smem:$0x7EF] =	sst s13  }
0x28e: {  	s3 =	sadd.s32 @!p5 s3, s21;
	p1 =	sge.s32 @!p2 s7, s28;
	_ =	swait.ge @!p4 [sflag:s14], $0x2000  }
0x28f: {  	p0 =	sge.s32 s7, s28;
	[sflag:s14] =	ssyncset.done @!p4 $0x0;
	s7 =	sld [smem:$0x7EF]  }
0x290: {  	s3 =	sadd.s32 @!p5 $0x280, s3;
	s8 =	sadd.s32 @!p6 $0x4E80, s16;
	[sflag:s14] =	ssyncadd.s32 @!p4 $0xFFFFE000  }
0x291: {  	[hbm4b:s31+s11] =	stream.indirect.scatter @!p6 [tilespmem:s10], [sflag:$0xE], $0x40, s8, s11, $0xb8;
	[tilespmem:$0x17F00] =	vst v63  }
0x292: {  	s13 =	sld [smem:$0x7F0];
	s14 =	simm.s32 @!p5 $0x11F00;
	p4 =	seq.s32 s7, $0x1  }
0x293: {  	p6 =	sge.s32 s9, s29;
	p3 =	por p4, p3;
	p4 =	por p1, p2  }
0x294: {  	[hbm4b:s31+s12] =	stream.indirect.scatter @!p5 [tilespmem:s14], [sflag:$0xE], $0x40, s3, s12, $0xb8;
	[tilespmem:$0x17F00] =	vst v63  }
0x295: {  	p1 =	slt.s32 s30, s29;
	s14 =	sld [smem:$0x7F5];
	s2 =	simm.s32 @!p3 $0x0  }
0x296: {  	p5 =	sge.s32 s30, s28;
	s18 =	simm.s32 @!p3 $0xFF00;
	s2 =	simm.s32 @p3 $0x1  }
0x297: {  	s7 =	sshra.s32 @!p4 s23, $0x2;
	[smem:$0x7F6] =	sst s2;
	s2 =	simm.s32 @!p1 $0x0  }
0x298: {  	p2 =	sge.s32 @!p1 s30, s28;
	s16 =	sshra.s32 @!p3 s23, $0x2;
	s2 =	simm.s32 @p1 $0x1  }
0x299: {  	s11 =	simm.s32 @!p4 $0x80;
	[smem:$0x7F4] =	sst s2;
	s2 =	simm.s32 @!p2 $0x0  }
0x29a: {  	s12 =	simm.s32 @!p4 $0x13F00;
	s7 =	sadd.s32 @!p4 s7, s21;
	s2 =	simm.s32 @p2 $0x1  }
0x29b: {  	p3 =	seq.s32 s13, $0x1;
	[smem:$0x7F3] =	sst s2;
	s2 =	simm.s32 @!p0 $0x7  }
0x29c: {  	s8 =	sshra.s32 @!p3 s23, $0x2;
	s10 =	sadd.s32 @!p4 $0x300, s7;
	_ =	swait.ge @!p0 [sflag:s2], $0x2000  }
0x29d: {  	s8 =	sadd.s32 @!p3 $0x4F00, s8;
	p1 =	seq.s32 s14, $0x1;
	s25 =	sld [smem:$0x7FA]  }
0x29e: {  	s14 =	simm.s32 @!p3 $0x80;
	s3 =	sshra.s32 @!p1 s23, $0x2;
	s13 =	sld [smem:$0x7F1]  }
0x29f: {  	s3 =	sadd.s32 @!p1 $0x4F80, s3;
	p1 =	sge.s32 s9, s28;
	[sflag:s2] =	ssyncset.done @!p0 $0x0  }
0x2a0: {  	[sflag:s2] =	ssyncadd.s32 @!p0 $0xFFFFE000;
	p0 =	por p3, p3;
	s2 =	sld [smem:$0x7F2]  }
0x2a1: {  	p2 =	seq.s32 s25, $0x1;
	s25 =	simm.s32 @!p3 $0x13F00;
	p3 =	seq.s32 s13, $0x1  }
0x2a2: {  	[hbm4b:s31+s14] =	stream.indirect.scatter @!p0 [tilespmem:s25], [sflag:$0xF], $0x40, s8, s14, $0xb8;
	[tilespmem:$0x17F00] =	vst v63  }
0x2a3: {  	s7 =	simm.s32 @!p2 $0x80;
	s13 =	simm.s32 @!p3 $0x8;
	p2 =	seq.s32 s2, $0x1  }
0x2a4: {  	[hbm4b:s31+s11] =	stream.indirect.scatter @!p4 [tilespmem:s12], [sflag:$0xF], $0x40, s10, s11, $0xb8;
	[tilespmem:$0x17F00] =	vst v63  }
0x2a5: {  	p0 =	slt.s32 s9, s29;
	p4 =	por p3, p3;
	_ =	swait.ge @!p3 [sflag:s13], $0x2000  }
0x2a6: {  	s8 =	simm.s32 @!p5 $0xA;
	[sflag:s13] =	ssyncset.done @!p4 $0x0;
	s25 =	sld [smem:$0x7F3]  }
0x2a7: {  	s2 =	sshra.s32 @!p2 s23, $0x2;
	[sflag:s13] =	ssyncadd.s32 @!p4 $0xFFFFE000;
	s13 =	sld [smem:$0x7F4]  }
0x2a8: {  	s2 =	sadd.s32 @!p2 s2, s21;
	s10 =	simm.s32 @!p6 $0x7F00;
	s14 =	sld [smem:$0x7F5]  }
0x2a9: {  	p3 =	sge.s32 @!p0 s9, s28;
	s2 =	sadd.s32 @!p2 $0x380, s2;
	s9 =	simm.s32 @!p1 $0x9  }
0x2aa: {  	p4 =	por p3, p0;
	p0 =	seq.s32 s25, $0x1;
	p3 =	seq.s32 s13, $0x1  }
0x2ab: {  	s12 =	rddreg [dreg:$0x5];
	p0 =	por p0, p3;
	p3 =	seq.s32 s14, $0x1  }
0x2ac: {  	[hbm4b:s31+s22] =	stream.indirect.scatter @!p3 [tilespmem:s12], [sflag:$0x10], $0x40, s3, s22, $0xb8;
	[tilespmem:$0x17F00] =	vst v63  }
0x2ad: {  	s11 =	simm.s32 @!p4 $0x80;
	s3 =	sshra.s32 @!p6 s23, $0x2;
	s12 =	sshra.s32 @!p4 s23, $0x2  }
0x2ae: {  	[hbm4b:s31+s20] =	stream.indirect.scatter @!p2 [tilespmem:s19], [sflag:$0x10], $0x40, s2, s20, $0xb8;
	[tilespmem:$0x17F00] =	vst v63  }
0x2af: {  	s14 =	simm.s32 @!p0 $0x80;
	s12 =	sadd.s32 @!p4 s12, s26;
	_ =	swait.ge @!p1 [sflag:s9], $0x2000  }
0x2b0: {  	s2 =	sadd.s32 @!p6 $0x400, s3;
	s3 =	sshra.s32 @!p0 s23, $0x2;
	s19 =	sld [smem:$0x7F6]  }
0x2b1: {  	s12 =	sadd.s32 @!p4 $0x400, s12;
	[sflag:s9] =	ssyncset.done @!p1 $0x0;
	s20 =	sld [smem:$0x7F7]  }
0x2b2: {  	[sflag:s9] =	ssyncadd.s32 @!p1 $0xFFFFE000;
	s9 =	simm.s32 @!p6 $0x80;
	p1 =	sge.s32 s30, s29  }
0x2b3: {  	[tilespmem:s10], [sflag:$0x1] =	stream.indirect.gather @!p6 [hbm4b:s4+s9], $0x40, s2, s9, $0xb8;
	[tilespmem:$0x17F00] =	vst v63  }
0x2b4: {  	s22 =	sld [smem:$0x7F8];
	s13 =	sshra.s32 @!p1 s23, $0x2;
	s2 =	simm.s32 @!p4 $0x7F00  }
0x2b5: {  	[tilespmem:s2], [sflag:$0x1] =	stream.indirect.gather @!p4 [hbm4b:s5+s11], $0x40, s12, s11, $0xb8;
	[tilespmem:$0x17F00] =	vst v63  }
0x2b6: {  	s9 =	sadd.s32 @!p1 $0x480, s13;
	p2 =	seq.s32 s20, $0x1;
	_ =	swait.ge @!p5 [sflag:s8], $0x2000  }
0x2b7: {  	p3 =	seq.s32 s22, $0x1;
	[sflag:s8] =	ssyncset.done @!p5 $0x0;
	s25 =	sld [smem:$0x7F9]  }
0x2b8: {  	s2 =	simm.s32 @!p1 $0x9F00;
	s11 =	simm.s32 @!p1 $0x80;
	[sflag:s8] =	ssyncadd.s32 @!p5 $0xFFFFE000  }
0x2b9: {  	[tilespmem:s2], [sflag:$0x2] =	stream.indirect.gather @!p1 [hbm4b:s4+s11], $0x40, s9, s11, $0xb8;
	[tilespmem:$0x17F00] =	vst v63  }
0x2ba: {  	s3 =	sadd.s32 @!p0 s3, s26;
	p2 =	por p2, p3;
	p3 =	seq.s32 s25, $0x1  }
0x2bb: {  	s8 =	simm.s32 @!p0 $0x9F00;
	s2 =	sadd.s32 @!p0 $0x480, s3;
	s12 =	simm.s32 @!p3 $0xB  }
0x2bc: {  	[tilespmem:s8], [sflag:$0x2] =	stream.indirect.gather @!p0 [hbm4b:s5+s14], $0x40, s2, s14, $0xb8;
	[tilespmem:$0x17F00] =	vst v63  }
0x2bd: {  	s10 =	sshra.s32 @!p2 s23, $0x2;
	_ =	swait.ge @!p3 [sflag:s12], $0x2000  }
0x2be: {  	s10 =	sadd.s32 @!p2 s10, s26;
	s26 =	sld [smem:$0x7FA];
	_ =	sdelay $0x1  }
0x2bf: {  	s3 =	sadd.s32 $0x4, s0;
	p0 =	por p3, p3  }
0x2c0: {  	[sflag:s12] =	ssyncset.done @!p3 $0x0;
	s30 =	sld [smem:$0x7FB];
	p3 =	seq.s32 s26, $0x1  }
0x2c1: {  	[sflag:s12] =	ssyncadd.s32 @!p0 $0xFFFFE000;
	p0 =	slt.s32 s3, s29;
	s2 =	simm.s32 @!p3 $0xBF00  }
0x2c2: {  	[tilespmem:s2], [sflag:$0x3] =	stream.indirect.gather @!p3 [hbm4b:s4+s7], $0x40, s6, s7, $0xb8;
	[tilespmem:$0x17F00] =	vst v63  }
0x2c3: {  	p3 =	sge.s32 @!p0 s3, s28  }
0x2c4: {  	p3 =	por p3, p0;
	p0 =	seq.s32 s30, $0x1  }
.Ltmp31:
0x2c5: {  	_ = 	snop;
	(pc) =	sbr.rel @p0 .LBB2_48-.Ltmp31, $4  }
0x2c6: {  	s1 =	smov.u32 s23;
	p6 =	seq.s32 s19, $0x1  }
0x2c7: {  	s20 =	simm.s32 @!p2 $0x80;
	s22 =	simm.s32 @!p2 $0xBF00;
	p1 =	sge.s32 s3, s28  }
0x2c8: {  	s9 =	sadd.s32 @!p2 $0x500, s10;
	p4 =	sge.s32 s3, s29;
	s19 =	simm.s32 @!p1 $0xC  }
0x2c9: {  	s3 =	smov.u32 s24;
	s7 =	sshra.s32 @!p4 s23, $0x2;
	s6 =	simm.s32 @!p4 $0x80  }
.LBB2_49:
0x2ca: {  	[tilespmem:s22], [sflag:$0x3] =	stream.indirect.gather @!p2 [hbm4b:s5+s20], $0x40, s9, s20, $0xb8;
	[tilespmem:$0x17F00] =	vst v63  }
0x2cb: {  	s2 =	simm.s32 @!p4 $0xDF00  }
0x2cc: {  	s3 =	sshra.s32 @!p3 s23, $0x2;
	s7 =	sadd.s32 @!p4 $0x580, s7;
	_ =	swait.ge @!p1 [sflag:s19], $0x2000  }
0x2cd: {  	p0 =	sge.s32 s15, s29;
	s9 =	sadd.s32 $0x7, s0;
	s10 =	rddreg [dreg:$0x4]  }
0x2ce: {  	[sflag:s19] =	ssyncset.done @!p1 $0x0;
	s30 =	sld [smem:$0x7FC];
	s3 =	sadd.s32 @!p3 s3, s10  }
0x2cf: {  	s8 =	simm.s32 @!p0 $0xFF00;
	[sflag:s19] =	ssyncadd.s32 @!p1 $0xFFFFE000;
	s3 =	sadd.s32 @!p3 $0x580, s3  }
0x2d0: {  	[tilespmem:s2], [sflag:$0x4] =	stream.indirect.gather @!p4 [hbm4b:s4+s6], $0x40, s7, s6, $0xb8;
	[tilespmem:$0x17F00] =	vst v63  }
0x2d1: {  	s2 =	simm.s32 @!p3 $0x80;
	s6 =	simm.s32 @!p3 $0xDF00;
	p1 =	seq.s32 s30, $0x1  }
0x2d2: {  	[tilespmem:s6], [sflag:$0x4] =	stream.indirect.gather @!p3 [hbm4b:s5+s2], $0x40, s3, s2, $0xb8;
	[tilespmem:$0x17F00] =	vst v63  }
0x2d3: {  	s7 =	simm.s32 @!p0 $0x80;
	s2 =	sshra.s32 @!p0 s23, $0x2;
	_ =	swait.ge @!p1 [sflag:s17], $0x2000  }
0x2d4: {  	s3 =	sadd.s32 @!p6 s16, s10;
	s6 =	sadd.s32 $0x6, s0;
	[sflag:s17] =	ssyncset.done @!p1 $0x0  }
0x2d5: {  	s2 =	sadd.s32 @!p0 $0x600, s2;
	s3 =	sadd.s32 @!p6 $0x600, s3;
	[sflag:s17] =	ssyncadd.s32 @!p1 $0xFFFFE000  }
0x2d6: {  	[tilespmem:s8], [sflag:$0x5] =	stream.indirect.gather @!p0 [hbm4b:s4+s7], $0x40, s2, s7, $0xb8;
	[tilespmem:$0x17F00] =	vst v63  }
0x2d7: {  	p1 =	sge.s32 s6, s28;
	s2 =	simm.s32 @!p6 $0x80;
	p0 =	slt.s32 s6, s29  }
0x2d8: {  	[tilespmem:s18], [sflag:$0x5] =	stream.indirect.gather @!p6 [hbm4b:s5+s2], $0x40, s3, s2, $0xb8;
	[tilespmem:$0x17F00] =	vst v63  }
0x2d9: {  	s11 =	simm.s32 $0x6580;
	p2 =	sge.s32 @!p0 s6, s28;
	s2 =	simm.s32 @!p1 $0xE  }
0x2da: {  	p0 =	por p2, p0;
	p2 =	sge.s32 s6, s29;
	_ =	swait.ge @!p1 [sflag:s2], $0x2000  }
0x2db: {  	s3 =	sshra.s32 @!p0 s23, $0x2;
	s6 =	simm.s32 @!p0 $0x11F00;
	s7 =	sshra.s32 @!p2 s23, $0x2  }
0x2dc: {  	s8 =	simm.s32 @!p2 $0x80;
	[sflag:s2] =	ssyncset.done @!p1 $0x0;
	s3 =	sadd.s32 @!p0 s3, s10  }
0x2dd: {  	s7 =	sadd.s32 @!p2 $0x680, s7;
	[sflag:s2] =	ssyncadd.s32 @!p1 $0xFFFFE000;
	s2 =	simm.s32 @!p2 $0x11F00  }
0x2de: {  	[tilespmem:s2], [sflag:$0x6] =	stream.indirect.gather @!p2 [hbm4b:s4+s8], $0x40, s7, s8, $0xb8;
	[tilespmem:$0x17F00] =	vst v63  }
0x2df: {  	s3 =	sadd.s32 @!p0 $0x680, s3;
	p1 =	sge.s32 s9, s28;
	s2 =	simm.s32 @!p0 $0x80  }
0x2e0: {  	[tilespmem:s6], [sflag:$0x6] =	stream.indirect.gather @!p0 [hbm4b:s5+s2], $0x40, s3, s2, $0xb8;
	[tilespmem:$0x17F00] =	vst v63  }
0x2e1: {  	s12 =	simm.s32 $0x80;
	p2 =	slt.s32 s9, s29;
	s2 =	simm.s32 @!p1 $0xF  }
0x2e2: {  	s0 =	sadd.s32 $0x8, s0;
	p0 =	sge.s32 @!p2 s9, s28;
	_ =	swait.ge @!p1 [sflag:s2], $0x2000  }
0x2e3: {  	p0 =	por p0, p2;
	p2 =	sge.s32 s9, s29;
	[sflag:s2] =	ssyncset.done @!p1 $0x0  }
0x2e4: {  	s3 =	sshra.s32 @!p0 s1, $0x2;
	s6 =	simm.s32 @!p0 $0x13F00;
	s7 =	sshra.s32 @!p2 s1, $0x2  }
0x2e5: {  	s8 =	simm.s32 @!p2 $0x80;
	[sflag:s2] =	ssyncadd.s32 @!p1 $0xFFFFE000;
	s2 =	simm.s32 @!p2 $0x13F00  }
0x2e6: {  	s3 =	sadd.s32 @!p0 s3, s10;
	s7 =	sadd.s32 @!p2 $0x700, s7;
	p1 =	sge.s32 s0, s28  }
0x2e7: {  	[tilespmem:s2], [sflag:$0x7] =	stream.indirect.gather @!p2 [hbm4b:s4+s8], $0x40, s7, s8, $0xb8;
	[tilespmem:$0x17F00] =	vst v63  }
0x2e8: {  	s3 =	sadd.s32 @!p0 $0x700, s3;
	s2 =	simm.s32 @!p0 $0x80;
	p2 =	slt.s32 s0, s29  }
0x2e9: {  	[tilespmem:s6], [sflag:$0x7] =	stream.indirect.gather @!p0 [hbm4b:s5+s2], $0x40, s3, s2, $0xb8;
	[tilespmem:$0x17F00] =	vst v63  }
0x2ea: {  	s8 =	simm.s32 $0x4C00;
	s2 =	simm.s32 @!p1 $0x10;
	p0 =	sge.s32 @!p2 s0, s28  }
0x2eb: {  	_ =	swait.ge @!p1 [sflag:s2], $0x2000;
	p0 =	por p0, p2;
	p2 =	sge.s32 s0, s29  }
0x2ec: {  	[sflag:s2] =	ssyncset.done @!p1 $0x0;
	s0 =	sshra.s32 @!p0 s1, $0x2;
	s1 =	sshra.s32 @!p2 s1, $0x2  }
0x2ed: {  	s3 =	simm.s32 @!p2 $0x80;
	s13 =	rddreg [dreg:$0x9];
	[sflag:s2] =	ssyncadd.s32 @!p1 $0xFFFFE000  }
0x2ee: {  	s2 =	simm.s32 @!p2 $0x15F00;
	s0 =	sadd.s32 @!p0 s0, s10;
	s1 =	sadd.s32 @!p2 $0x780, s1  }
0x2ef: {  	[tilespmem:s2], [sflag:$0x8] =	stream.indirect.gather @!p2 [hbm4b:s4+s3], $0x40, s1, s3, $0xb8;
	[tilespmem:$0x17F00] =	vst v63  }
0x2f0: {  	s1 =	simm.s32 @!p0 $0x15F00;
	s0 =	sadd.s32 @!p0 $0x780, s0;
	s2 =	simm.s32 @!p0 $0x80  }
0x2f1: {  	[tilespmem:s1], [sflag:$0x8] =	stream.indirect.gather @!p0 [hbm4b:s5+s2], $0x40, s0, s2, $0xb8;
	[tilespmem:$0x17F00] =	vst v63  }
0x2f2: {  	s10 =	simm.s32 $0x1980;
	s3 =	simm.s32 $0x0;
	s2 =	rddreg [dreg:$0x8]  }
.LBB2_50:
0x2f3: {  	p0 =	slt.s32 s28, $0x1  }
0x2f4: {  	s0 =	simm.s32 @!p0 $0x9  }
0x2f5: {  	p1 =	seq.s32 @!p0 s28, $0x1;
	_ =	swait.ge @!p0 [sflag:s0], $0x2000  }
0x2f6: {  	p1 =	por p0, p1;
	[sflag:s0] =	ssyncset.done @!p0 $0x0  }
0x2f7: {  	[sflag:s0] =	ssyncadd.s32 @!p0 $0xFFFFE000;
	p0 =	slt.u32 @!p1 s28, $0x3  }
0x2f8: {  	p0 =	por p1, p0  }
.Ltmp32:
0x2f9: {  	_ = 	snop;
	(pc) =	sbr.rel @p0 .LBB2_52-.Ltmp32, $4  }
0x2fa: {  	s0 =	simm.s32 @!p1 $0xA  }
0x2fb: {  	_ =	swait.ge @!p1 [sflag:s0], $0x2000  }
0x2fc: {  	[sflag:s0] =	ssyncset.done @!p1 $0x0  }
0x2fd: {  	[sflag:s0] =	ssyncadd.s32 @!p1 $0xFFFFE000  }
0x2fe: {  	p0 =	seq.s32 s28, $0x3  }
0x2ff: {  	p1 =	slt.u32 @!p0 s28, $0x5  }
0x300: {  	s0 =	simm.s32 $0xB;
	p2 =	por p1, p0  }
0x301: {  	_ =	swait.ge [sflag:s0], $0x2000;
	p3 =	seq.s32 @!p2 s28, $0x5  }
0x302: {  	[sflag:s0] =	ssyncset.done $0x0;
	s1 =	simm.s32 @!p3 $0x0;
	p4 =	por @!p0 p3, p1  }
0x303: {  	[sflag:s0] =	ssyncadd.s32 $0xFFFFE000;
	s1 =	simm.s32 @p3 $0x1;
	p4 =	por p4, p0  }
0x304: {  	s0 =	simm.s32 @!p0 $0xC;
	[smem:$0x7EE] =	sst s1;
	p5 =	slt.u32 @!p4 s28, $0x7  }
0x305: {  	_ =	swait.ge @!p0 [sflag:s0], $0x2000;
	s1 =	simm.s32 @!p5 $0x0  }
0x306: {  	[sflag:s0] =	ssyncset.done @!p0 $0x0;
	s1 =	simm.s32 @p5 $0x1  }
0x307: {  	[sflag:s0] =	ssyncadd.s32 @!p0 $0xFFFFE000;
	s0 =	simm.s32 @!p2 $0xD;
	[smem:$0x7ED] =	sst s1  }
0x308: {  	_ =	swait.ge @!p2 [sflag:s0], $0x2000  }
0x309: {  	[sflag:s0] =	ssyncset.done @!p2 $0x0  }
0x30a: {  	[sflag:s0] =	ssyncadd.s32 @!p2 $0xFFFFE000;
	s0 =	simm.s32 @!p4 $0xE  }
0x30b: {  	_ =	swait.ge @!p4 [sflag:s0], $0x2000  }
0x30c: {  	p6 =	por @!p2 p5, p3;
	s29 =	sld [smem:$0x7ED]  }
0x30d: {  	p6 =	por @!p0 p6, p1;
	s30 =	sld [smem:$0x7EE]  }
0x30e: {  	p6 =	por p6, p0  }
0x30f: {  	p5 =	seq.s32 @!p6 s28, $0x7;
	p3 =	seq.s32 s29, $0x1  }
0x310: {  	[sflag:s0] =	ssyncset.done @!p4 $0x0;
	p5 =	por @!p4 p5, p3;
	p3 =	seq.s32 s30, $0x1  }
0x311: {  	[sflag:s0] =	ssyncadd.s32 @!p4 $0xFFFFE000;
	s0 =	simm.s32 @!p6 $0xF;
	p2 =	por @!p2 p5, p3  }
0x312: {  	_ =	swait.ge @!p6 [sflag:s0], $0x2000;
	p1 =	por @!p0 p2, p1  }
.Ltmp33:
0x313: {  	[sflag:s0] =	ssyncset.done @!p6 $0x0;
	p0 =	por p1, p0;
	(pc) =	sbr.rel .LBB2_52-.Ltmp33, $4  }
0x314: {  	[sflag:s0] =	ssyncadd.s32 @!p6 $0xFFFFE000;
	s0 =	simm.s32 @!p0 $0x10  }
0x315: {  	_ =	swait.ge @!p0 [sflag:s0], $0x2000  }
0x316: {  	[sflag:s0] =	ssyncset.done @!p0 $0x0  }
0x317: {  	[sflag:s0] =	ssyncadd.s32 @!p0 $0xFFFFE000  }
.LBB2_34:
0x318: {  	p0 =	sgt.u32 s0, $0x27F  }
.Ltmp34:
0x319: {  	_ = 	snop;
	(pc) =	sbr.rel @!p0 .LBB2_35-.Ltmp34, $1  }
0x31a: {  	_ =	sdelay $0x3  }
0x31b: {  	p0 =	sgt.u32 s0, $0x2FF  }
.Ltmp35:
0x31c: {  	_ = 	snop;
	(pc) =	sbr.rel @!p0 .LBB2_38-.Ltmp35, $1  }
0x31d: {  	_ =	sdelay $0x3  }
0x31e: {  	p0 =	sgt.u32 s0, $0x37F  }
.Ltmp36:
0x31f: {  	_ = 	snop;
	(pc) =	sbr.rel @!p0 .LBB2_41-.Ltmp36, $1  }
0x320: {  	_ =	sdelay $0x3  }
0x321: {  	p0 =	sgt.u32 s0, $0x3FF  }
.Ltmp37:
0x322: {  	_ = 	snop;
	(pc) =	sbr.rel @p0 .LBB2_46-.Ltmp37, $4  }
.Ltmp38:
0x323: {  	_ = 	snop;
	(pc) =	sbr.rel @!p0 .LBB2_44-.Ltmp38, $4  }
0x324: {  	_ = 	snop  }
0x325: {  	_ = 	snop  }
0x326: {  	_ = 	snop  }
0x327: {  	_ = 	snop  }
.LBB2_53:
0x328: {  	_ =	sfence.sel $0x180000  }
0x329: {  	[bflag:$0x0] =	sbarrier.arrive $0xFFFF  }
0x32a: {  	_ =	strace $0x90000047  }
0x32b: {  	s0 =	stileid.u32;
	[bflag:$0x2] =	sbarrier.arrive $0xFFFF  }
0x32c: {  	p0 =	sne.s32 s0, $0x0;
	s0 =	rddreg [dreg:$0x3]  }
0x32d: {  	s0 =	sadd.s32 @!p0 $0x100000, s0  }
0x32e: {  	[sflag:s0] =	ssyncadd.tile.s32 @!p0 $0x1;
	_ =	shalt  }
.Lfunc_end2:
_tile_overlayer_lowered:
.L_overlay_start_2:
0x32f: {  	(tag) =	ssettag $0x2  }
0x330: {  	s0 =	rddreg [dreg:$0x0];
	s2 =	stileid.u32  }
0x331: {  	s1 =	rddreg [dreg:$0x1];
	p0 =	sne.s32 s2, $0x0  }
0x332: {  	s3 =	rddreg [dreg:$0x2];
	[bflag:$0x3] =	sbarrier.arrive $0xFFFF;
	s2 =	simm.s32 @!p0 $0x1C11  }
0x333: {  	[timem:s3], [sflag:s2] =	dma.local @!p0 [hbm:s0], s1  }
0x334: {  	s0 =	simm.s32 @!p0 $0x11  }
0x335: {  	_ =	swait.ge @!p0 [sflag:s0], s1  }
0x336: {  	s1 =	ssub.s32 @!p0 $0x0, s1;
	[sflag:s0] =	ssyncset.done @!p0 $0x0  }
0x337: {  	[sflag:s0] =	ssyncadd.s32 @!p0 s1  }
0x338: {  	[bflag:$0x3] =	sbarrier.arrive $0xFFFF  }
0x339: {  	_ =	shalt  }

// kernel: sparse-core-data-format-call.cloned.1.call-start
scs
called_computation_lowered:
.L_overlay_start_0:
0x0: {  	s2 =	sld [smem:$0x3FD9]  }
0x1: {  	s3 =	sld [smem:$0x3FFE];
	_ =	sdelay $0x1  }
0x2: {  	s1 =	srdreg.scid  }
0x3: {  	s0 =	sand.u32 $0x1, s1  }
0x4: {  	s18 =	sshll.u32 s0, $0xA;
	s2 =	sadd.s32 s3, s2  }
0x5: {  	s2 =	sadd.s32 s2, s18  }
0x6: {  	[smem:$0x3FC5] =	sst s2  }
0x7: {  	_ = 	snop  }
0x8: {  	s2 =	sld [smem:$0x3FD0];
	(tm) =	ssettm $0x1  }
0x9: {  	s19 =	sld [smem:$0x3FFB];
	_ =	sdelay $0x3  }
0xa: {  	_ =	strace s19  }
0xb: {  	s3 =	sld [smem:$0x3FFC];
	_ =	sdelay $0x3  }
0xc: {  	_ =	strace s3  }
0xd: {  	s3 =	sld [smem:$0x3FFD];
	_ =	sdelay $0x3  }
0xe: {  	_ =	strace s3  }
0xf: {  	_ =	strace $0x8FFFFFFF  }
0x10: {  	s20 =	sld [smem:$0x3FDB];
	_ =	sdelay $0x1  }
0x11: {  	s4 =	simm.s32 $_scs_section_size  }
0x12: {  	s5 =	simm.s32 $_size__tile_overlayer_lowered;
	s6 =	simm.s32 $_tile_overlayer_lowered  }
0x13: {  	s23 =	simm.s32 $0x1BFF;
	s22 =	sshll.u32 s6, $0x1;
	s3 =	sadd.s32 s4, s20  }
0x14: {  	s7 =	simm.s32 $0x0;
	s21 =	sshll.u32 s5, $0x1;
	s5 =	sadd.s32 s22, s3  }
0x15: {  	[timem:s7], [sflag:s23] =	dma.local [hbm:s5], s21  }
0x16: {  	_ =	swait.ge [sflag:s23], s21  }
0x17: {  	s4 =	ssub.s32 $0x0, s21;
	[sflag:s23] =	ssyncset.done $0x0  }
0x18: {  	[sflag:s23] =	ssyncadd.s32 s4;
	_ =	sdelay $0x1  }
0x19: {  	s24 =	simm.s32 $0x1B8B  }
0x1a: {  	_ =	swait.ge [sflag:s24], $0x1  }
0x1b: {  	[sflag:s24] =	ssyncset.done $0x0  }
0x1c: {  	s26 =	simm.s32 $0x1B8E;
	s25 =	sld [smem:$0x3FFE];
	[sflag:s24] =	ssyncadd.s32 $0xFFFFFFFF  }
0x1d: {  	s27 =	simm.s32 $execute0_lowered;
	[smem:$0x3FD2] =	sst s26  }
0x1e: {  	s5 =	sshll.u32 s27, $0x1;
	_ =	strace $0x80000049;
	[dreg:$0x1] =	wrdreg $0xFFFFFFFF  }
0x1f: {  	s28 =	simm.s32 $_size_execute0_lowered;
	s3 =	sadd.s32 s3, s5;
	[dreg:$0x0] =	wrdreg $0x0  }
0x20: {  	s5 =	sshll.u32 s28, $0x1;
	[dreg:$0x2] =	wrdreg s3  }
0x21: {  	[dreg:$0x3] =	wrdreg s5  }
0x22: {  	[dreg:$0x4] =	wrdreg $0xC0  }
0x23: {  	_ =	task [dreg:s7], $0x5FFFF  }
0x24: {  	[dreg:$0x1] =	wrdreg $0xFFFFFFFF  }
0x25: {  	[dreg:$0x0] =	wrdreg $0x60  }
0x26: {  	[dreg:$0x2] =	wrdreg s25  }
0x27: {  	[dreg:$0x3] =	wrdreg s2  }
0x28: {  	[dreg:$0x4] =	wrdreg $0x9  }
0x29: {  	_ =	task.clear_ibuf [dreg:s7], $0x5FFFF;
	_ =	strace $0x90000049  }
0x2a: {  	s29 =	simm.s32 $0x9;
	_ =	strace $0x8000004B  }
0x2b: {  	_ =	swait.ge [sflag:s29], $0x1  }
0x2c: {  	[sflag:s29] =	ssyncadd.s32 $0xFFFFFFFF  }
0x2d: {  	_ =	strace $0x9000004B  }
0x2e: {  	_ =	sfence  }
0x2f: {  	s30 =	sld [smem:$0x0];
	_ =	sdelay $0x2  }
0x30: {  	s31 =	sshll.u32 s1, $0xD;
	s1 =	sshrl.u32 s1, $0x2  }
0x31: {  	s3 =	sand.u32 $0x4000, s31;
	s1 =	sadd.s32 s1, s30  }
0x32: {  	s0 =	sor.u32 s3, s0;
	s1 =	sshll.u32 s1, $0x11  }
0x33: {  	s0 =	sor.u32 s1, s0  }
0x34: {  	s0 =	sadd.s32 $0x8F2B, s0  }
0x35: {  	[sflag:s0] =	ssyncadd.remote.s32 $0x1  }
0x36: {  	_ =	sfence.sel $0xFFFF  }
0x37: {  	[dreg:$0x0] =	wrdreg $0xFFFFFFFF;
	(pc) =	sbr.abs _section_cstart, $3  }
0x38: {  	[dreg:$0x1] =	wrdreg $0xFFFFFFFF  }
0x39: {  	_ =	task.clear_ibuf [dreg:s7], $0x2FFFF;
	_ =	strace $0x9FFFFFFF  }
0x3a: {  	(tm) =	ssettm $0x7FFFFFFF  }
0x3b: {  	_ =	shalt  }
tec
execute0_lowered:
.L_overlay_start_1:
0x0: {  	(tag) =	ssettag $0x1  }
0x1: {  	s0 =	srdreg.scid  }
0x2: {  	s1 =	sshll.u32 s0, $0x4  }
0x3: {  	s4 =	rddreg [dreg:$0x0];
	s0 =	stileid.u32;
	s1 =	sand.u32 $0x10, s1  }
0x4: {  	s2 =	rddreg [dreg:$0x1];
	s7 =	simm.s32 $0x1;
	s1 =	sor.u32 s0, s1  }
0x5: {  	s8 =	simm.s32 $0x2;
	s11 =	simm.s32 $0x0;
	s3 =	sshll.u32 s1, $0x7  }
0x6: {  	s10 =	simm.s32 $0x0;
	s4 =	sadd.s32 $0x800, s4;
	s6 =	ssub.s32 $0x32000, s3  }
.Ltmp0:
0x7: {  	s1 =	rddreg [dreg:$0x2];
	s5 =	sand.u32 $0xF80, s6;
	(pc) =	sbr.rel .LBB1_1-.Ltmp0, $4  }
0x8: {  	_ =	strace $0x8000004A;
	s9 =	smov.u32 s3;
	p0 =	sne.s32 s5, $0x0  }
0x9: {  	s6 =	sshrl.u32 s6, $0xC;
	s5 =	simm.s32 $0x1;
	s7 =	simm.s32 @!p0 $0x0  }
0xa: {  	[sflag:s5] =	ssyncpa.u1 $0x0;
	p0 =	por $0x0, $0x0;
	s6 =	sadd.s32 s7, s6  }
0xb: {  	[sflag:s8] =	ssyncpa.u1 $0x0;
	s8 =	simm.s32 $0x190000;
	s7 =	sadd.s32 $0x1, s6  }
.LBB1_4:
0xc: {  	s14 =	sshll.u32 s11, $0x3  }
0xd: {  	s30 =	sand.u32 $0x7F, s11;
	s15 =	sand.u32 $0xFFFFFC00, s14  }
0xe: {  	s11 =	sor.u32 s30, s15  }
0xf: {  	s15 =	smulhi.u32 $0x51EB851F, s11  }
0x10: {  	s14 =	smulhi.u32 $0x51EB851F, s14  }
0x11: {  	s15 =	sshrl.u32 s15, $0x10  }
0x12: {  	s14 =	sshrl.u32 s14, $0x10;
	s15 =	smul.u32 $0x32000, s15  }
0x13: {  	s14 =	sand.u32 $0x3F, s14  }
0x14: {  	s14 =	smul.u32 $0x6400, s14;
	s11 =	ssub.s32 s11, s15  }
0x15: {  	[tilespmem:s13+$0x810 ss:$0x81] =	vst.msk $0xffff, v2;
	s15 =	sand.u32 $0x7, s11  }
0x16: {  	[tilespmem:s13+$0x1020 ss:$0x81] =	vst.msk $0xffff, v0;
	s14 =	sadd.s32 s2, s14;
	s11 =	sshrl.u32 s11, $0x3;
	s15 =	sshll.u32 s15, $0x12  }
0x17: {  	[tilespmem:s13+$0x0 ss:$0x81] =	vst.msk $0xffff, v1;
	s11 =	sadd.s32 s11, s14;
	s31 =	sor.u32 $0x400, s15  }
0x18: {  	[hbm4b:s11+s31] =	stream.strided.scatter [tilespmem:s12], [sflag:$0x2], $0x2000, s8, s31, $0x20;
	[tilespmem:$0x8080] =	vst v63  }
.LBB1_5:
0x19: {  	s13 =	sadd.s32 $0x1000, s9  }
0x1a: {  	p2 =	sgt.s32 s13, $0x31FFF  }
0x1b: {  	s13 =	smov.u32 @p2 s3;
	p2 =	sne.s32 s10, s7  }
.Ltmp1:
0x1c: {  	p1 =	slt.u32 s10, $0x2;
	(pc) =	sbr.rel @!p2 .LBB1_6-.Ltmp1, $4  }
0x1d: {  	s12 =	simm.s32 @!p1 $0x2  }
0x1e: {  	s14 =	sadd.s32 $0x1, s10;
	_ =	swait.ge @!p1 [sflag:s12], $0x2000  }
0x1f: {  	s11 =	smov.u32 s9;
	p0 =	por !p0, !p0;
	[sflag:s12] =	ssyncset.done @!p1 $0x0  }
0x20: {  	s10 =	smov.u32 s14;
	s9 =	smov.u32 s13;
	[sflag:s12] =	ssyncadd.s32 @!p1 $0xFFFFE000  }
.LBB1_1:
0x21: {  	p1 =	sge.u32 s10, s6  }
0x22: {  	s12 =	sand.u32 @!p1 $0x1FFFFFF, s9  }
0x23: {  	s13 =	smulhi.u32 @!p1 $0x147AE15, s12;
	_ =	sdelay $0x1  }
0x24: {  	s13 =	sshrl.u32 @!p1 s13, $0xA  }
0x25: {  	s13 =	smul.u32 @!p1 $0x32000, s13;
	_ =	sdelay $0x1  }
0x26: {  	s31 =	sadd.s32 $0xFFFFFFFF, s10;
	s14 =	sxor.u32 @!p1 $0xFFFFFFFF, s10;
	s12 =	ssub.s32 @!p1 s12, s13  }
0x27: {  	s15 =	simm.s32 @!p1 $0x80;
	s14 =	sshll.u32 @!p1 s14, $0xD;
	s12 =	sshll.u32 @!p1 s12, $0x4  }
0x28: {  	s13 =	sand.u32 @!p1 $0x2000, s14;
	s14 =	simm.s32 @!p1 $0x40;
	s12 =	sadd.s32 @!p1 s4, s12  }
0x29: {  	[tilespmem:s13], [sflag:$0x1] =	stream.strided.gather @!p1 [hbm4b:s12+s14], $0x2000, s15, s14, $0x38;
	[tilespmem:$0x8080] =	vst v63  }
0x2a: {  	p1 =	sge.u32 s31, s6  }
.Ltmp2:
0x2b: {  	_ = 	snop;
	(pc) =	sbr.rel @p1 .LBB1_5-.Ltmp2, $1  }
0x2c: {  	_ =	sdelay $0x3  }
0x2d: {  	s12 =	simm.s32 $0x1  }
0x2e: {  	_ =	swait.ge [sflag:s5], $0x2000;
	s12 =	simm.s32 @!p0 $0x0  }
0x2f: {  	[sflag:s5] =	ssyncset.done $0x0;
	s13 =	sshll.u32 s12, $0xD  }
0x30: {  	[sflag:s5] =	ssyncadd.s32 $0xFFFFE000;
	s16 =	sor.u32 $0x20, s13  }
0x31: {  	s12 =	smul.u32 $0x8100, s12;
	v3 =	vld [tilespmem:s16+$0x10]  }
0x32: {  	s30 =	sand.u32 $0x1, s10;
	v2 =	vld [tilespmem:s16+$0xFFFFFFF0]  }
0x33: {  	s13 =	smul.u32 $0x8100, s30;
	s12 =	sshrl.u32 s12, $0x2;
	v0 =	vld [tilespmem:s16+$0x0]  }
0x34: {  	v1 =	vld [tilespmem:s16+$0xFFFFFFE0];
	s14 =	sor.u32 $0x4000, s12  }
0x35: {  	s31 =	sshrl.u32 s13, $0x2;
	s13 =	sadd.s32 $0x0, s14  }
0x36: {  	s15 =	simm.s32 $0x4;
	s16 =	sadd.s32 $0x40, s16;
	s12 =	sor.u32 $0x4000, s31;
	[tilespmem:s13+$0x1830 ss:$0x81] =	vst.msk $0xffff, v3  }
.LBB1_3:
0x37: {  	v3 =	vld [tilespmem:s16+$0x10];
	p1 =	sne.s32 s15, $0x1FC;
	[tilespmem:s13+$0x810 ss:$0x81] =	vst.msk $0xffff, v2;
	s17 =	smov.u32 s15;
	s15 =	sadd.s32 $0x4, s15  }
.Ltmp3:
0x38: {  	v2 =	vld [tilespmem:s16+$0xFFFFFFF0];
	[tilespmem:s13+$0x1020 ss:$0x81] =	vst.msk $0xffff, v0;
	(pc) =	sbr.rel @p1 .LBB1_3-.Ltmp3, $4  }
0x39: {  	v0 =	vld [tilespmem:s16+$0x0];
	[tilespmem:s13+$0x0 ss:$0x81] =	vst.msk $0xffff, v1  }
0x3a: {  	s13 =	sshra.s32 s17, $0x2;
	v1 =	vld [tilespmem:s16+$0xFFFFFFE0]  }
0x3b: {  	s13 =	sadd.s32 s13, s14  }
0x3c: {  	s16 =	sadd.s32 $0x40, s16;
	[tilespmem:s13+$0x1830 ss:$0x81] =	vst.msk $0xffff, v3  }
.Ltmp4:
0x3d: {  	_ = 	snop;
	(pc) =	sbr.rel .LBB1_4-.Ltmp4, $1  }
0x3e: {  	_ =	sdelay $0x3  }
.LBB1_6:
0x3f: {  	_ =	sfence.sel $0x180000  }
0x40: {  	s2 =	simm.s32 $0x1;
	[bflag:$0x0] =	sbarrier.arrive $0xFFFF  }
0x41: {  	s31 =	simm.s32 $0x2;
	[sflag:s2] =	ssyncpa.u1 $0x1  }
0x42: {  	[sflag:s31] =	ssyncpa.u1 $0x1  }
0x43: {  	p0 =	sne.s32 s0, $0x0;
	_ =	strace $0x9000004A  }
0x44: {  	s0 =	sadd.s32 @!p0 $0x100000, s1;
	[bflag:$0x2] =	sbarrier.arrive $0xFFFF  }
0x45: {  	[sflag:s0] =	ssyncadd.tile.s32 @!p0 $0x1;
	_ =	shalt  }
.Lfunc_end1:
_tile_overlayer_lowered:
.L_overlay_start_2:
0x46: {  	(tag) =	ssettag $0x2  }
0x47: {  	s0 =	rddreg [dreg:$0x0];
	s2 =	stileid.u32  }
0x48: {  	s1 =	rddreg [dreg:$0x1];
	p0 =	sne.s32 s2, $0x0  }
0x49: {  	s3 =	rddreg [dreg:$0x2];
	[bflag:$0x3] =	sbarrier.arrive $0xFFFF;
	s2 =	simm.s32 @!p0 $0x1C01  }
0x4a: {  	[timem:s3], [sflag:s2] =	dma.local @!p0 [hbm:s0], s1  }
0x4b: {  	s0 =	simm.s32 @!p0 $0x1  }
0x4c: {  	_ =	swait.ge @!p0 [sflag:s0], s1  }
0x4d: {  	s1 =	ssub.s32 @!p0 $0x0, s1;
	[sflag:s0] =	ssyncset.done @!p0 $0x0  }
0x4e: {  	[sflag:s0] =	ssyncadd.s32 @!p0 s1  }
0x4f: {  	[bflag:$0x3] =	sbarrier.arrive $0xFFFF  }
0x50: {  	_ =	shalt  }

</sc_bundles>
